<compile_context>
chip_gen: v7x
topology: tpu7x:2x2x1
jax: 0.10.2.dev20260603
libtpu: 0.0.44.dev20260713+nightly
codegen_flags: <defaults>
</compile_context>

<pallas_src>
import functools

import jax
import jax.numpy as jnp
from jax import lax
from jax.experimental import pallas as pl
from jax.experimental.pallas import tpu as pltpu
from jax.experimental.pallas import tpu_sc as plsc

NDIM = 1
NC = 64
NSTEP = 8
NTHETA = 64
NPOINTS = 100000

CHUNK = 10000
NCHUNK = NPOINTS // CHUNK
NWORKERS = 32
T_PER_W = NTHETA // NWORKERS
UNROLL = 5


def _expm_taylor_2x2(A):
    n = A.shape[-1]
    I = jnp.broadcast_to(jnp.eye(n, dtype=A.dtype), A.shape)
    out = I
    term = I
    for k in range(1, 13):
        term = jnp.matmul(term, A) / k
        out = out + term
    return out


def _build_tables(theta, basis):
    n_theta = theta.shape[0]
    Avees = jnp.matmul(basis, theta.T)
    As = Avees.T.reshape(n_theta * NC, 1, NDIM + 1)
    zero_row = jnp.zeros((n_theta * NC, 1, NDIM + 1), dtype=theta.dtype)
    AsSquare = jnp.concatenate([As, zero_row], axis=1)
    Trels = _expm_taylor_2x2(AsSquare * (1.0 / NSTEP))
    return Trels[:, 0, 0], Trels[:, 0, 1]


def _sc_body(points_hbm, ctab_hbm, dtab_hbm, out_hbm,
             c0_v, c1_v, d0_v, d1_v, p0_v, p1_v,
             ob00, ob01, ob10, ob11, sin0, sin1, sout0, sout1):
    wid = lax.axis_index("s") * 2 + lax.axis_index("c")
    t0 = wid * T_PER_W
    pltpu.sync_copy(ctab_hbm.at[pl.ds(t0 * NC, NC)], c0_v)
    pltpu.sync_copy(ctab_hbm.at[pl.ds((t0 + 1) * NC, NC)], c1_v)
    pltpu.sync_copy(dtab_hbm.at[pl.ds(t0 * NC, NC)], d0_v)
    pltpu.sync_copy(dtab_hbm.at[pl.ds((t0 + 1) * NC, NC)], d1_v)
    inv_nc = 1.0 / NC
    pts = (p0_v, p1_v)
    obufs = ((ob00, ob01), (ob10, ob11))
    sins = (sin0, sin1)
    souts = (sout0, sout1)

    def in_copy(chunk, p):
        return pltpu.make_async_copy(
            points_hbm.at[pl.ds(chunk * CHUNK, CHUNK)], pts[p], sins[p])

    def out_copy(chunk, p, tt):
        return pltpu.make_async_copy(
            obufs[tt][p],
            out_hbm.at[pl.ds((t0 + tt) * NPOINTS + chunk * CHUNK, CHUNK)],
            souts[p])

    in_copy(0, 0).start()
    in_copy(1, 1).start()

    def chunk_body(j, carry):
        for p in range(2):
            chunk = 2 * j + p
            in_copy(chunk, p).wait()

            @pl.when(j > 0)
            def _():
                out_copy(chunk, p, 0).wait()
                out_copy(chunk, p, 1).wait()

            pv = pts[p]
            ob0 = obufs[0][p]
            ob1 = obufs[1][p]

            @plsc.parallel_loop(0, CHUNK // 16, 1, unroll=UNROLL)
            def _(i):
                base = i * 16
                x = pv[pl.ds(base, 16)]
                ii = jnp.clip(x, 0.0, float(NC - 1)).astype(jnp.int32)
                x0 = plsc.load_gather(c0_v, [ii]) * x + plsc.load_gather(d0_v, [ii])
                x1 = plsc.load_gather(c1_v, [ii]) * x + plsc.load_gather(d1_v, [ii])
                for _step in range(NSTEP - 1):
                    i0 = jnp.clip(x0, 0.0, float(NC - 1)).astype(jnp.int32)
                    i1 = jnp.clip(x1, 0.0, float(NC - 1)).astype(jnp.int32)
                    cv0 = plsc.load_gather(c0_v, [i0])
                    dv0 = plsc.load_gather(d0_v, [i0])
                    cv1 = plsc.load_gather(c1_v, [i1])
                    dv1 = plsc.load_gather(d1_v, [i1])
                    x0 = cv0 * x0 + dv0
                    x1 = cv1 * x1 + dv1
                ob0[pl.ds(base, 16)] = x0 * inv_nc
                ob1[pl.ds(base, 16)] = x1 * inv_nc

            out_copy(chunk, p, 0).start()
            out_copy(chunk, p, 1).start()

            @pl.when(j < NCHUNK // 2 - 1)
            def _():
                in_copy(chunk + 2, p).start()
        return carry

    lax.fori_loop(0, NCHUNK // 2, chunk_body, 0)
    for p in range(2):
        out_copy(NCHUNK - 2 + p, p, 0).wait()
        out_copy(NCHUNK - 2 + p, p, 1).wait()


@functools.partial(
    pl.kernel,
    out_type=jax.ShapeDtypeStruct((NTHETA * NPOINTS,), jnp.float32),
    mesh=plsc.VectorSubcoreMesh(core_axis_name="c", subcore_axis_name="s"),
    compiler_params=pltpu.CompilerParams(needs_layout_passes=False),
    scratch_types=[
        pltpu.VMEM((NC,), jnp.float32),
        pltpu.VMEM((NC,), jnp.float32),
        pltpu.VMEM((NC,), jnp.float32),
        pltpu.VMEM((NC,), jnp.float32),
        pltpu.VMEM((CHUNK,), jnp.float32),
        pltpu.VMEM((CHUNK,), jnp.float32),
        pltpu.VMEM((CHUNK,), jnp.float32),
        pltpu.VMEM((CHUNK,), jnp.float32),
        pltpu.VMEM((CHUNK,), jnp.float32),
        pltpu.VMEM((CHUNK,), jnp.float32),
        pltpu.SemaphoreType.DMA,
        pltpu.SemaphoreType.DMA,
        pltpu.SemaphoreType.DMA,
        pltpu.SemaphoreType.DMA,
    ],
)
def _sc_transform(points_hbm, ctab_hbm, dtab_hbm, out_hbm,
                  c0_v, c1_v, d0_v, d1_v, p0_v, p1_v,
                  ob00, ob01, ob10, ob11, sin0, sin1, sout0, sout1):
    _sc_body(points_hbm, ctab_hbm, dtab_hbm, out_hbm,
             c0_v, c1_v, d0_v, d1_v, p0_v, p1_v,
             ob00, ob01, ob10, ob11, sin0, sin1, sout0, sout1)


def kernel(points, theta, basis):
    ctab, dtab = _build_tables(theta, basis)
    out = _sc_transform(points.reshape(NPOINTS) * float(NC),
                        ctab, dtab * float(NC))
    return out.reshape(NTHETA, NDIM, NPOINTS)

# --- scband reference (transcript-rebuilt; emitter-appended) ---
"""Pipeline reference for scband-cpab-transformer-81080392613942 (READ-ONLY COPY).

The authoritative reference and input builder live on the scoring server;
editing this copy changes nothing except your own understanding.
"""

import jax, jax.numpy as jnp
import numpy as np

NDIM = 1
NC = 64
NSTEP = 8
DTHETA = 58
NTHETA = 64
NPOINTS = 100000


def expm_taylor(A):
    # Differentiable matrix exponential via truncated Taylor series.
    # Entries of A are small (|dT*A| ~ 0.1), so order-12 Taylor is machine precision.
    n = A.shape[-1]
    I = jnp.broadcast_to(jnp.eye(n, dtype=A.dtype), A.shape)
    out = I
    term = I
    for k in range(1, 13):
        term = jnp.matmul(term, A) / k
        out = out + term
    return out


def findcellidx(x, nc):
    # 1D tessellation of [0,1] into nc cells, clamped at the boundaries.
    return jnp.clip(jnp.floor(x * nc).astype(jnp.int32), 0, nc - 1)


def setup_inputs(seed: int = 0) -> dict:
    key = jax.random.key(seed)
    k1, k2, k3 = jax.random.split(key, 3)
    points = jax.random.uniform(k1, (NDIM, NPOINTS), dtype=jnp.float32)
    theta = jax.random.normal(k2, (NTHETA, DTHETA), dtype=jnp.float32)
    # learned CPAB basis (params.basis): maps theta -> per-cell affine velocity params
    basis = jax.random.normal(k3, (2 * NC, DTHETA), dtype=jnp.float32) * 0.1
    return {"points": points, "theta": theta, "basis": basis}


def reference(points, theta, basis):
    n_points = points.shape[1]
    n_theta = theta.shape[0]
    # repeat points per theta and append homogeneous coordinate
    newpoints = jnp.broadcast_to(points[None, :, :], (n_theta, NDIM, n_points))
    ones = jnp.ones((n_theta, 1, n_points), dtype=points.dtype)
    newpoints = jnp.concatenate([newpoints, ones], axis=1)  # [T, 2, P]
    newpoints = jnp.transpose(newpoints, (0, 2, 1)).reshape(-1, NDIM + 1)  # [T*P, 2]
    newpoints = newpoints[:, :, None]  # [T*P, 2, 1]
    # per-cell affine matrices from basis
    Avees = jnp.matmul(basis, theta.T)  # [2*NC, T]
    As = Avees.T.reshape(n_theta * NC, 1, NDIM + 1)  # [T*NC, 1, 2]
    zero_row = jnp.zeros((n_theta * NC, 1, NDIM + 1), dtype=points.dtype)
    AsSquare = jnp.concatenate([As, zero_row], axis=1)  # [T*NC, 2, 2]
    dT = 1.0 / NSTEP
    Trels = expm_taylor(dT * AsSquare)  # [T*NC, 2, 2]
    # offset of each theta's block of cells in the flattened Trels table
    batch_idx = NC * jnp.repeat(jnp.arange(n_theta, dtype=jnp.int32), n_points)  # [T*P]
    for _ in range(NSTEP):
        x = newpoints[:, 0, 0]
        idx = findcellidx(x, NC) + batch_idx
        Tidx = jnp.take(Trels, idx, axis=0)  # memory-bound gather [T*P, 2, 2]
        newpoints = jnp.matmul(Tidx, newpoints)
    out = newpoints[:, :, 0][:, :NDIM].T  # [NDIM, T*P]
    out = out.reshape(NDIM, n_theta, n_points)
    out = jnp.transpose(out, (1, 0, 2))  # [T, NDIM, P]
    return out

if __name__ == "__main__":
    import jax
    _d = setup_inputs()
    print(jax.jit(kernel)(*tuple(_d.values())))

</pallas_src>

<mosaic_0001>
#map = affine_map<(d0, d1) -> (0)>
module attributes {stable_mosaic.version = 14 : i64} {
  func.func @_sc_transform(%arg0: i32, %arg1: i32, %arg2: memref<100000xf32, #tpu.memory_space<hbm>>, %arg3: memref<4096xf32, #tpu.memory_space<hbm>>, %arg4: memref<4096xf32, #tpu.memory_space<hbm>>, %arg5: memref<6400000xf32, #tpu.memory_space<hbm>>, %arg6: memref<64xf32, #tpu.memory_space<vmem>>, %arg7: memref<64xf32, #tpu.memory_space<vmem>>, %arg8: memref<64xf32, #tpu.memory_space<vmem>>, %arg9: memref<64xf32, #tpu.memory_space<vmem>>, %arg10: memref<10000xf32, #tpu.memory_space<vmem>>, %arg11: memref<10000xf32, #tpu.memory_space<vmem>>, %arg12: memref<10000xf32, #tpu.memory_space<vmem>>, %arg13: memref<10000xf32, #tpu.memory_space<vmem>>, %arg14: memref<10000xf32, #tpu.memory_space<vmem>>, %arg15: memref<10000xf32, #tpu.memory_space<vmem>>, %arg16: memref<!tpu.dma_semaphore, #tpu.memory_space<semaphore_mem>>, %arg17: memref<!tpu.dma_semaphore, #tpu.memory_space<semaphore_mem>>, %arg18: memref<!tpu.dma_semaphore, #tpu.memory_space<semaphore_mem>>, %arg19: memref<!tpu.dma_semaphore, #tpu.memory_space<semaphore_mem>>) attributes {dimension_semantics = [#tpu.dimension_semantics<core_parallel>, #tpu.dimension_semantics<subcore_parallel>], iteration_bounds = array<i64: 2, 16>, scalar_prefetch = 0 : i64, scratch_operands = 14 : i64, tpu.core_type = #tpu.core_type<sc_vector_subcore>, window_params = [{transform_indices = #map}, {transform_indices = #map}, {transform_indices = #map}, {transform_indices = #map}]} {
    %mul3A = arith.constant 2 : i32
    %mul3A_0 = arith.muli %arg1, %mul3A : i32
    %add3A = arith.addi %mul3A_0, %arg0 : i32
    %mul3A_1 = arith.constant 2 : i32
    %mul3A_2 = arith.muli %add3A, %mul3A_1 : i32
    %mul3A_3 = arith.constant 64 : i32
    %mul3A_4 = arith.muli %mul3A_2, %mul3A_3 : i32
    "tpu.region"() ({
      %run_scoped3A = tpu.sem_alloc : memref<!tpu.dma_semaphore, #tpu.memory_space<semaphore_mem>>
      %dma_start3A_58 = tpu.memref_slice %arg3[%mul3A_4] : memref<4096xf32, #tpu.memory_space<hbm>> -> memref<64xf32, #tpu.memory_space<hbm>>
      %dma_start3A_59 = tpu.memref_slice %arg3[%mul3A_4] : memref<4096xf32, #tpu.memory_space<hbm>> -> memref<64xf32, #tpu.memory_space<hbm>>
      tpu.enqueue_dma source(%dma_start3A_59 : memref<64xf32, #tpu.memory_space<hbm>>) target(%arg6 : memref<64xf32, #tpu.memory_space<vmem>>) target_semaphore(%run_scoped3A : memref<!tpu.dma_semaphore, #tpu.memory_space<semaphore_mem>>)
      %dma_wait3A_60 = tpu.memref_slice %arg3[%mul3A_4] : memref<4096xf32, #tpu.memory_space<hbm>> -> memref<64xf32, #tpu.memory_space<hbm>>
      %dma_wait3A_61 = tpu.memref_slice %arg3[%mul3A_4] : memref<4096xf32, #tpu.memory_space<hbm>> -> memref<64xf32, #tpu.memory_space<hbm>>
      tpu.wait_dma2 semaphore(%run_scoped3A : memref<!tpu.dma_semaphore, #tpu.memory_space<semaphore_mem>>) src(%dma_wait3A_61 : memref<64xf32, #tpu.memory_space<hbm>>) dst(%arg6 : memref<64xf32, #tpu.memory_space<vmem>>)
      tpu.yield
    }) : () -> ()
    %add3A_5 = arith.constant 1 : i32
    %add3A_6 = arith.addi %mul3A_2, %add3A_5 : i32
    %mul3A_7 = arith.constant 64 : i32
    %mul3A_8 = arith.muli %add3A_6, %mul3A_7 : i32
    "tpu.region"() ({
      %run_scoped3A = tpu.sem_alloc : memref<!tpu.dma_semaphore, #tpu.memory_space<semaphore_mem>>
      %dma_start3A_58 = tpu.memref_slice %arg3[%mul3A_8] : memref<4096xf32, #tpu.memory_space<hbm>> -> memref<64xf32, #tpu.memory_space<hbm>>
      %dma_start3A_59 = tpu.memref_slice %arg3[%mul3A_8] : memref<4096xf32, #tpu.memory_space<hbm>> -> memref<64xf32, #tpu.memory_space<hbm>>
      tpu.enqueue_dma source(%dma_start3A_59 : memref<64xf32, #tpu.memory_space<hbm>>) target(%arg7 : memref<64xf32, #tpu.memory_space<vmem>>) target_semaphore(%run_scoped3A : memref<!tpu.dma_semaphore, #tpu.memory_space<semaphore_mem>>)
      %dma_wait3A_60 = tpu.memref_slice %arg3[%mul3A_8] : memref<4096xf32, #tpu.memory_space<hbm>> -> memref<64xf32, #tpu.memory_space<hbm>>
      %dma_wait3A_61 = tpu.memref_slice %arg3[%mul3A_8] : memref<4096xf32, #tpu.memory_space<hbm>> -> memref<64xf32, #tpu.memory_space<hbm>>
      tpu.wait_dma2 semaphore(%run_scoped3A : memref<!tpu.dma_semaphore, #tpu.memory_space<semaphore_mem>>) src(%dma_wait3A_61 : memref<64xf32, #tpu.memory_space<hbm>>) dst(%arg7 : memref<64xf32, #tpu.memory_space<vmem>>)
      tpu.yield
    }) : () -> ()
    %mul3A_9 = arith.constant 64 : i32
    %mul3A_10 = arith.muli %mul3A_2, %mul3A_9 : i32
    "tpu.region"() ({
      %run_scoped3A = tpu.sem_alloc : memref<!tpu.dma_semaphore, #tpu.memory_space<semaphore_mem>>
      %dma_start3A_58 = tpu.memref_slice %arg4[%mul3A_10] : memref<4096xf32, #tpu.memory_space<hbm>> -> memref<64xf32, #tpu.memory_space<hbm>>
      %dma_start3A_59 = tpu.memref_slice %arg4[%mul3A_10] : memref<4096xf32, #tpu.memory_space<hbm>> -> memref<64xf32, #tpu.memory_space<hbm>>
      tpu.enqueue_dma source(%dma_start3A_59 : memref<64xf32, #tpu.memory_space<hbm>>) target(%arg8 : memref<64xf32, #tpu.memory_space<vmem>>) target_semaphore(%run_scoped3A : memref<!tpu.dma_semaphore, #tpu.memory_space<semaphore_mem>>)
      %dma_wait3A_60 = tpu.memref_slice %arg4[%mul3A_10] : memref<4096xf32, #tpu.memory_space<hbm>> -> memref<64xf32, #tpu.memory_space<hbm>>
      %dma_wait3A_61 = tpu.memref_slice %arg4[%mul3A_10] : memref<4096xf32, #tpu.memory_space<hbm>> -> memref<64xf32, #tpu.memory_space<hbm>>
      tpu.wait_dma2 semaphore(%run_scoped3A : memref<!tpu.dma_semaphore, #tpu.memory_space<semaphore_mem>>) src(%dma_wait3A_61 : memref<64xf32, #tpu.memory_space<hbm>>) dst(%arg8 : memref<64xf32, #tpu.memory_space<vmem>>)
      tpu.yield
    }) : () -> ()
    %add3A_11 = arith.constant 1 : i32
    %add3A_12 = arith.addi %mul3A_2, %add3A_11 : i32
    %mul3A_13 = arith.constant 64 : i32
    %mul3A_14 = arith.muli %add3A_12, %mul3A_13 : i32
    "tpu.region"() ({
      %run_scoped3A = tpu.sem_alloc : memref<!tpu.dma_semaphore, #tpu.memory_space<semaphore_mem>>
      %dma_start3A_58 = tpu.memref_slice %arg4[%mul3A_14] : memref<4096xf32, #tpu.memory_space<hbm>> -> memref<64xf32, #tpu.memory_space<hbm>>
      %dma_start3A_59 = tpu.memref_slice %arg4[%mul3A_14] : memref<4096xf32, #tpu.memory_space<hbm>> -> memref<64xf32, #tpu.memory_space<hbm>>
      tpu.enqueue_dma source(%dma_start3A_59 : memref<64xf32, #tpu.memory_space<hbm>>) target(%arg9 : memref<64xf32, #tpu.memory_space<vmem>>) target_semaphore(%run_scoped3A : memref<!tpu.dma_semaphore, #tpu.memory_space<semaphore_mem>>)
      %dma_wait3A_60 = tpu.memref_slice %arg4[%mul3A_14] : memref<4096xf32, #tpu.memory_space<hbm>> -> memref<64xf32, #tpu.memory_space<hbm>>
      %dma_wait3A_61 = tpu.memref_slice %arg4[%mul3A_14] : memref<4096xf32, #tpu.memory_space<hbm>> -> memref<64xf32, #tpu.memory_space<hbm>>
      tpu.wait_dma2 semaphore(%run_scoped3A : memref<!tpu.dma_semaphore, #tpu.memory_space<semaphore_mem>>) src(%dma_wait3A_61 : memref<64xf32, #tpu.memory_space<hbm>>) dst(%arg9 : memref<64xf32, #tpu.memory_space<vmem>>)
      tpu.yield
    }) : () -> ()
    %dma_start3A = arith.constant 0 : i32
    %dma_start3A_15 = tpu.memref_slice %arg2[%dma_start3A] : memref<100000xf32, #tpu.memory_space<hbm>> -> memref<10000xf32, #tpu.memory_space<hbm>>
    %dma_start3A_16 = arith.constant 0 : i32
    %dma_start3A_17 = tpu.memref_slice %arg2[%dma_start3A_16] : memref<100000xf32, #tpu.memory_space<hbm>> -> memref<10000xf32, #tpu.memory_space<hbm>>
    tpu.enqueue_dma source(%dma_start3A_17 : memref<10000xf32, #tpu.memory_space<hbm>>) target(%arg10 : memref<10000xf32, #tpu.memory_space<vmem>>) target_semaphore(%arg16 : memref<!tpu.dma_semaphore, #tpu.memory_space<semaphore_mem>>)
    %dma_start3A_18 = arith.constant 10000 : i32
    %dma_start3A_19 = tpu.memref_slice %arg2[%dma_start3A_18] : memref<100000xf32, #tpu.memory_space<hbm>> -> memref<10000xf32, #tpu.memory_space<hbm>>
    %dma_start3A_20 = arith.constant 10000 : i32
    %dma_start3A_21 = tpu.memref_slice %arg2[%dma_start3A_20] : memref<100000xf32, #tpu.memory_space<hbm>> -> memref<10000xf32, #tpu.memory_space<hbm>>
    tpu.enqueue_dma source(%dma_start3A_21 : memref<10000xf32, #tpu.memory_space<hbm>>) target(%arg11 : memref<10000xf32, #tpu.memory_space<vmem>>) target_semaphore(%arg17 : memref<!tpu.dma_semaphore, #tpu.memory_space<semaphore_mem>>)
    %scan3A = arith.constant 0 : i32
    %scan3A_22 = arith.constant 0 : i32
    %scan3A_23 = arith.constant 5 : i32
    %scan3A_24 = arith.addi %scan3A_22, %scan3A_23 : i32
    %scan3A_25 = arith.constant 1 : i32
    scf.for %scan3A_58 = %scan3A_22 to %scan3A_24 step %scan3A_25  : i32 {
      %mul3A_59 = arith.constant 2 : i32
      %mul3A_60 = arith.muli %mul3A_59, %scan3A_58 : i32
      %add3A_61 = arith.constant 0 : i32
      %add3A_62 = arith.addi %mul3A_60, %add3A_61 : i32
      %mul3A_63 = arith.constant 10000 : i32
      %mul3A_64 = arith.muli %add3A_62, %mul3A_63 : i32
      %dma_wait3A_65 = tpu.memref_slice %arg2[%mul3A_64] : memref<100000xf32, #tpu.memory_space<hbm>> -> memref<10000xf32, #tpu.memory_space<hbm>>
      %dma_wait3A_66 = tpu.memref_slice %arg2[%mul3A_64] : memref<100000xf32, #tpu.memory_space<hbm>> -> memref<10000xf32, #tpu.memory_space<hbm>>
      tpu.wait_dma2 semaphore(%arg16 : memref<!tpu.dma_semaphore, #tpu.memory_space<semaphore_mem>>) src(%dma_wait3A_66 : memref<10000xf32, #tpu.memory_space<hbm>>) dst(%arg10 : memref<10000xf32, #tpu.memory_space<vmem>>)
      %gt3A = arith.constant 0 : i32
      %gt3A_67 = arith.cmpi sgt, %scan3A_58, %gt3A : i32
      %convert_element_type3A = arith.extui %gt3A_67 : i1 to i32
      %cond3A = arith.constant 0 : i32
      %cond3A_68 = arith.cmpi ne, %convert_element_type3A, %cond3A : i32
      scf.if %cond3A_68 {
        %add3A_132 = arith.constant 0 : i32
        %add3A_133 = arith.addi %mul3A_2, %add3A_132 : i32
        %mul3A_134 = arith.constant 100000 : i32
        %mul3A_135 = arith.muli %add3A_133, %mul3A_134 : i32
        %mul3A_136 = arith.constant 10000 : i32
        %mul3A_137 = arith.muli %add3A_62, %mul3A_136 : i32
        %add3A_138 = arith.addi %mul3A_135, %mul3A_137 : i32
        %dma_wait3A_139 = tpu.memref_slice %arg5[%add3A_138] : memref<6400000xf32, #tpu.memory_space<hbm>> -> memref<10000xf32, #tpu.memory_space<hbm>>
        %dma_wait3A_140 = tpu.memref_slice %arg5[%add3A_138] : memref<6400000xf32, #tpu.memory_space<hbm>> -> memref<10000xf32, #tpu.memory_space<hbm>>
        tpu.wait_dma2 semaphore(%arg18 : memref<!tpu.dma_semaphore, #tpu.memory_space<semaphore_mem>>) src(%arg12 : memref<10000xf32, #tpu.memory_space<vmem>>) dst(%dma_wait3A_140 : memref<10000xf32, #tpu.memory_space<hbm>>)
        %add3A_141 = arith.constant 1 : i32
        %add3A_142 = arith.addi %mul3A_2, %add3A_141 : i32
        %mul3A_143 = arith.constant 100000 : i32
        %mul3A_144 = arith.muli %add3A_142, %mul3A_143 : i32
        %mul3A_145 = arith.constant 10000 : i32
        %mul3A_146 = arith.muli %add3A_62, %mul3A_145 : i32
        %add3A_147 = arith.addi %mul3A_144, %mul3A_146 : i32
        %dma_wait3A_148 = tpu.memref_slice %arg5[%add3A_147] : memref<6400000xf32, #tpu.memory_space<hbm>> -> memref<10000xf32, #tpu.memory_space<hbm>>
        %dma_wait3A_149 = tpu.memref_slice %arg5[%add3A_147] : memref<6400000xf32, #tpu.memory_space<hbm>> -> memref<10000xf32, #tpu.memory_space<hbm>>
        tpu.wait_dma2 semaphore(%arg18 : memref<!tpu.dma_semaphore, #tpu.memory_space<semaphore_mem>>) src(%arg14 : memref<10000xf32, #tpu.memory_space<vmem>>) dst(%dma_wait3A_149 : memref<10000xf32, #tpu.memory_space<hbm>>)
      } else {
      }
      %parallel_loop3A = arith.constant 0 : i32
      %parallel_loop3A_69 = arith.constant 625 : i32
      %parallel_loop3A_70 = arith.constant 1 : i32
      scf.for %parallel_loop3A_132 = %parallel_loop3A to %parallel_loop3A_69 step %parallel_loop3A_70  : i32 {
        %parallel_loop3A_133 = arith.constant 16 : i32
        %parallel_loop3A_134 = arith.muli %parallel_loop3A_132, %parallel_loop3A_133 : i32
        %parallel_loop3A_135 = arith.index_cast %parallel_loop3A_134 : i32 to index
        %parallel_loop3A_136 = tpu.vector_load %arg10[%parallel_loop3A_135] {strides = array<i32>} : memref<10000xf32, #tpu.memory_space<vmem>>, vector<16xf32>,
        %parallel_loop3A_137 = arith.constant 0.000000e+00 : f32
        %parallel_loop3A_138 = arith.constant 6.300000e+01 : f32
        %parallel_loop3A_139 = vector.broadcast %parallel_loop3A_137 : f32 to vector<16xf32>
        %parallel_loop3A_140 = arith.maximumf %parallel_loop3A_139, %parallel_loop3A_136 : vector<16xf32>
        %parallel_loop3A_141 = vector.broadcast %parallel_loop3A_138 : f32 to vector<16xf32>
        %parallel_loop3A_142 = arith.minimumf %parallel_loop3A_141, %parallel_loop3A_140 : vector<16xf32>
        %parallel_loop3A_143 = arith.fptosi %parallel_loop3A_142 : vector<16xf32> to vector<16xi32>
        %parallel_loop3A_144 = tpu.vector_load_idx %arg6[%parallel_loop3A_143] : memref<64xf32, #tpu.memory_space<vmem>>[vector<16xi32>], vector<16xf32>,
        %parallel_loop3A_145 = arith.mulf %parallel_loop3A_144, %parallel_loop3A_136 : vector<16xf32>
        %parallel_loop3A_146 = tpu.vector_load_idx %arg8[%parallel_loop3A_143] : memref<64xf32, #tpu.memory_space<vmem>>[vector<16xi32>], vector<16xf32>,
        %parallel_loop3A_147 = arith.addf %parallel_loop3A_145, %parallel_loop3A_146 : vector<16xf32>
        %parallel_loop3A_148 = tpu.vector_load_idx %arg7[%parallel_loop3A_143] : memref<64xf32, #tpu.memory_space<vmem>>[vector<16xi32>], vector<16xf32>,
        %parallel_loop3A_149 = arith.mulf %parallel_loop3A_148, %parallel_loop3A_136 : vector<16xf32>
        %parallel_loop3A_150 = tpu.vector_load_idx %arg9[%parallel_loop3A_143] : memref<64xf32, #tpu.memory_space<vmem>>[vector<16xi32>], vector<16xf32>,
        %parallel_loop3A_151 = arith.addf %parallel_loop3A_149, %parallel_loop3A_150 : vector<16xf32>
        %parallel_loop3A_152 = arith.constant 0.000000e+00 : f32
        %parallel_loop3A_153 = arith.constant 6.300000e+01 : f32
        %parallel_loop3A_154 = vector.broadcast %parallel_loop3A_152 : f32 to vector<16xf32>
        %parallel_loop3A_155 = arith.maximumf %parallel_loop3A_154, %parallel_loop3A_147 : vector<16xf32>
        %parallel_loop3A_156 = vector.broadcast %parallel_loop3A_153 : f32 to vector<16xf32>
        %parallel_loop3A_157 = arith.minimumf %parallel_loop3A_156, %parallel_loop3A_155 : vector<16xf32>
        %parallel_loop3A_158 = arith.fptosi %parallel_loop3A_157 : vector<16xf32> to vector<16xi32>
        %parallel_loop3A_159 = arith.constant 0.000000e+00 : f32
        %parallel_loop3A_160 = arith.constant 6.300000e+01 : f32
        %parallel_loop3A_161 = vector.broadcast %parallel_loop3A_159 : f32 to vector<16xf32>
        %parallel_loop3A_162 = arith.maximumf %parallel_loop3A_161, %parallel_loop3A_151 : vector<16xf32>
        %parallel_loop3A_163 = vector.broadcast %parallel_loop3A_160 : f32 to vector<16xf32>
        %parallel_loop3A_164 = arith.minimumf %parallel_loop3A_163, %parallel_loop3A_162 : vector<16xf32>
        %parallel_loop3A_165 = arith.fptosi %parallel_loop3A_164 : vector<16xf32> to vector<16xi32>
        %parallel_loop3A_166 = tpu.vector_load_idx %arg6[%parallel_loop3A_158] : memref<64xf32, #tpu.memory_space<vmem>>[vector<16xi32>], vector<16xf32>,
        %parallel_loop3A_167 = tpu.vector_load_idx %arg8[%parallel_loop3A_158] : memref<64xf32, #tpu.memory_space<vmem>>[vector<16xi32>], vector<16xf32>,
        %parallel_loop3A_168 = tpu.vector_load_idx %arg7[%parallel_loop3A_165] : memref<64xf32, #tpu.memory_space<vmem>>[vector<16xi32>], vector<16xf32>,
        %parallel_loop3A_169 = tpu.vector_load_idx %arg9[%parallel_loop3A_165] : memref<64xf32, #tpu.memory_space<vmem>>[vector<16xi32>], vector<16xf32>,
        %parallel_loop3A_170 = arith.mulf %parallel_loop3A_166, %parallel_loop3A_147 : vector<16xf32>
        %parallel_loop3A_171 = arith.addf %parallel_loop3A_170, %parallel_loop3A_167 : vector<16xf32>
        %parallel_loop3A_172 = arith.mulf %parallel_loop3A_168, %parallel_loop3A_151 : vector<16xf32>
        %parallel_loop3A_173 = arith.addf %parallel_loop3A_172, %parallel_loop3A_169 : vector<16xf32>
        %parallel_loop3A_174 = arith.constant 0.000000e+00 : f32
        %parallel_loop3A_175 = arith.constant 6.300000e+01 : f32
        %parallel_loop3A_176 = vector.broadcast %parallel_loop3A_174 : f32 to vector<16xf32>
        %parallel_loop3A_177 = arith.maximumf %parallel_loop3A_176, %parallel_loop3A_171 : vector<16xf32>
        %parallel_loop3A_178 = vector.broadcast %parallel_loop3A_175 : f32 to vector<16xf32>
        %parallel_loop3A_179 = arith.minimumf %parallel_loop3A_178, %parallel_loop3A_177 : vector<16xf32>
        %parallel_loop3A_180 = arith.fptosi %parallel_loop3A_179 : vector<16xf32> to vector<16xi32>
        %parallel_loop3A_181 = arith.constant 0.000000e+00 : f32
        %parallel_loop3A_182 = arith.constant 6.300000e+01 : f32
        %parallel_loop3A_183 = vector.broadcast %parallel_loop3A_181 : f32 to vector<16xf32>
        %parallel_loop3A_184 = arith.maximumf %parallel_loop3A_183, %parallel_loop3A_173 : vector<16xf32>
        %parallel_loop3A_185 = vector.broadcast %parallel_loop3A_182 : f32 to vector<16xf32>
        %parallel_loop3A_186 = arith.minimumf %parallel_loop3A_185, %parallel_loop3A_184 : vector<16xf32>
        %parallel_loop3A_187 = arith.fptosi %parallel_loop3A_186 : vector<16xf32> to vector<16xi32>
        %parallel_loop3A_188 = tpu.vector_load_idx %arg6[%parallel_loop3A_180] : memref<64xf32, #tpu.memory_space<vmem>>[vector<16xi32>], vector<16xf32>,
        %parallel_loop3A_189 = tpu.vector_load_idx %arg8[%parallel_loop3A_180] : memref<64xf32, #tpu.memory_space<vmem>>[vector<16xi32>], vector<16xf32>,
        %parallel_loop3A_190 = tpu.vector_load_idx %arg7[%parallel_loop3A_187] : memref<64xf32, #tpu.memory_space<vmem>>[vector<16xi32>], vector<16xf32>,
        %parallel_loop3A_191 = tpu.vector_load_idx %arg9[%parallel_loop3A_187] : memref<64xf32, #tpu.memory_space<vmem>>[vector<16xi32>], vector<16xf32>,
        %parallel_loop3A_192 = arith.mulf %parallel_loop3A_188, %parallel_loop3A_171 : vector<16xf32>
        %parallel_loop3A_193 = arith.addf %parallel_loop3A_192, %parallel_loop3A_189 : vector<16xf32>
        %parallel_loop3A_194 = arith.mulf %parallel_loop3A_190, %parallel_loop3A_173 : vector<16xf32>
        %parallel_loop3A_195 = arith.addf %parallel_loop3A_194, %parallel_loop3A_191 : vector<16xf32>
        %parallel_loop3A_196 = arith.constant 0.000000e+00 : f32
        %parallel_loop3A_197 = arith.constant 6.300000e+01 : f32
        %parallel_loop3A_198 = vector.broadcast %parallel_loop3A_196 : f32 to vector<16xf32>
        %parallel_loop3A_199 = arith.maximumf %parallel_loop3A_198, %parallel_loop3A_193 : vector<16xf32>
        %parallel_loop3A_200 = vector.broadcast %parallel_loop3A_197 : f32 to vector<16xf32>
        %parallel_loop3A_201 = arith.minimumf %parallel_loop3A_200, %parallel_loop3A_199 : vector<16xf32>
        %parallel_loop3A_202 = arith.fptosi %parallel_loop3A_201 : vector<16xf32> to vector<16xi32>
        %parallel_loop3A_203 = arith.constant 0.000000e+00 : f32
        %parallel_loop3A_204 = arith.constant 6.300000e+01 : f32
        %parallel_loop3A_205 = vector.broadcast %parallel_loop3A_203 : f32 to vector<16xf32>
        %parallel_loop3A_206 = arith.maximumf %parallel_loop3A_205, %parallel_loop3A_195 : vector<16xf32>
        %parallel_loop3A_207 = vector.broadcast %parallel_loop3A_204 : f32 to vector<16xf32>
        %parallel_loop3A_208 = arith.minimumf %parallel_loop3A_207, %parallel_loop3A_206 : vector<16xf32>
        %parallel_loop3A_209 = arith.fptosi %parallel_loop3A_208 : vector<16xf32> to vector<16xi32>
        %parallel_loop3A_210 = tpu.vector_load_idx %arg6[%parallel_loop3A_202] : memref<64xf32, #tpu.memory_space<vmem>>[vector<16xi32>], vector<16xf32>,
        %parallel_loop3A_211 = tpu.vector_load_idx %arg8[%parallel_loop3A_202] : memref<64xf32, #tpu.memory_space<vmem>>[vector<16xi32>], vector<16xf32>,
        %parallel_loop3A_212 = tpu.vector_load_idx %arg7[%parallel_loop3A_209] : memref<64xf32, #tpu.memory_space<vmem>>[vector<16xi32>], vector<16xf32>,
        %parallel_loop3A_213 = tpu.vector_load_idx %arg9[%parallel_loop3A_209] : memref<64xf32, #tpu.memory_space<vmem>>[vector<16xi32>], vector<16xf32>,
        %parallel_loop3A_214 = arith.mulf %parallel_loop3A_210, %parallel_loop3A_193 : vector<16xf32>
        %parallel_loop3A_215 = arith.addf %parallel_loop3A_214, %parallel_loop3A_211 : vector<16xf32>
        %parallel_loop3A_216 = arith.mulf %parallel_loop3A_212, %parallel_loop3A_195 : vector<16xf32>
        %parallel_loop3A_217 = arith.addf %parallel_loop3A_216, %parallel_loop3A_213 : vector<16xf32>
        %parallel_loop3A_218 = arith.constant 0.000000e+00 : f32
        %parallel_loop3A_219 = arith.constant 6.300000e+01 : f32
        %parallel_loop3A_220 = vector.broadcast %parallel_loop3A_218 : f32 to vector<16xf32>
        %parallel_loop3A_221 = arith.maximumf %parallel_loop3A_220, %parallel_loop3A_215 : vector<16xf32>
        %parallel_loop3A_222 = vector.broadcast %parallel_loop3A_219 : f32 to vector<16xf32>
        %parallel_loop3A_223 = arith.minimumf %parallel_loop3A_222, %parallel_loop3A_221 : vector<16xf32>
        %parallel_loop3A_224 = arith.fptosi %parallel_loop3A_223 : vector<16xf32> to vector<16xi32>
        %parallel_loop3A_225 = arith.constant 0.000000e+00 : f32
        %parallel_loop3A_226 = arith.constant 6.300000e+01 : f32
        %parallel_loop3A_227 = vector.broadcast %parallel_loop3A_225 : f32 to vector<16xf32>
        %parallel_loop3A_228 = arith.maximumf %parallel_loop3A_227, %parallel_loop3A_217 : vector<16xf32>
        %parallel_loop3A_229 = vector.broadcast %parallel_loop3A_226 : f32 to vector<16xf32>
        %parallel_loop3A_230 = arith.minimumf %parallel_loop3A_229, %parallel_loop3A_228 : vector<16xf32>
        %parallel_loop3A_231 = arith.fptosi %parallel_loop3A_230 : vector<16xf32> to vector<16xi32>
        %parallel_loop3A_232 = tpu.vector_load_idx %arg6[%parallel_loop3A_224] : memref<64xf32, #tpu.memory_space<vmem>>[vector<16xi32>], vector<16xf32>,
        %parallel_loop3A_233 = tpu.vector_load_idx %arg8[%parallel_loop3A_224] : memref<64xf32, #tpu.memory_space<vmem>>[vector<16xi32>], vector<16xf32>,
        %parallel_loop3A_234 = tpu.vector_load_idx %arg7[%parallel_loop3A_231] : memref<64xf32, #tpu.memory_space<vmem>>[vector<16xi32>], vector<16xf32>,
        %parallel_loop3A_235 = tpu.vector_load_idx %arg9[%parallel_loop3A_231] : memref<64xf32, #tpu.memory_space<vmem>>[vector<16xi32>], vector<16xf32>,
        %parallel_loop3A_236 = arith.mulf %parallel_loop3A_232, %parallel_loop3A_215 : vector<16xf32>
        %parallel_loop3A_237 = arith.addf %parallel_loop3A_236, %parallel_loop3A_233 : vector<16xf32>
        %parallel_loop3A_238 = arith.mulf %parallel_loop3A_234, %parallel_loop3A_217 : vector<16xf32>
        %parallel_loop3A_239 = arith.addf %parallel_loop3A_238, %parallel_loop3A_235 : vector<16xf32>
        %parallel_loop3A_240 = arith.constant 0.000000e+00 : f32
        %parallel_loop3A_241 = arith.constant 6.300000e+01 : f32
        %parallel_loop3A_242 = vector.broadcast %parallel_loop3A_240 : f32 to vector<16xf32>
        %parallel_loop3A_243 = arith.maximumf %parallel_loop3A_242, %parallel_loop3A_237 : vector<16xf32>
        %parallel_loop3A_244 = vector.broadcast %parallel_loop3A_241 : f32 to vector<16xf32>
        %parallel_loop3A_245 = arith.minimumf %parallel_loop3A_244, %parallel_loop3A_243 : vector<16xf32>
        %parallel_loop3A_246 = arith.fptosi %parallel_loop3A_245 : vector<16xf32> to vector<16xi32>
        %parallel_loop3A_247 = arith.constant 0.000000e+00 : f32
        %parallel_loop3A_248 = arith.constant 6.300000e+01 : f32
        %parallel_loop3A_249 = vector.broadcast %parallel_loop3A_247 : f32 to vector<16xf32>
        %parallel_loop3A_250 = arith.maximumf %parallel_loop3A_249, %parallel_loop3A_239 : vector<16xf32>
        %parallel_loop3A_251 = vector.broadcast %parallel_loop3A_248 : f32 to vector<16xf32>
        %parallel_loop3A_252 = arith.minimumf %parallel_loop3A_251, %parallel_loop3A_250 : vector<16xf32>
        %parallel_loop3A_253 = arith.fptosi %parallel_loop3A_252 : vector<16xf32> to vector<16xi32>
        %parallel_loop3A_254 = tpu.vector_load_idx %arg6[%parallel_loop3A_246] : memref<64xf32, #tpu.memory_space<vmem>>[vector<16xi32>], vector<16xf32>,
        %parallel_loop3A_255 = tpu.vector_load_idx %arg8[%parallel_loop3A_246] : memref<64xf32, #tpu.memory_space<vmem>>[vector<16xi32>], vector<16xf32>,
        %parallel_loop3A_256 = tpu.vector_load_idx %arg7[%parallel_loop3A_253] : memref<64xf32, #tpu.memory_space<vmem>>[vector<16xi32>], vector<16xf32>,
        %parallel_loop3A_257 = tpu.vector_load_idx %arg9[%parallel_loop3A_253] : memref<64xf32, #tpu.memory_space<vmem>>[vector<16xi32>], vector<16xf32>,
        %parallel_loop3A_258 = arith.mulf %parallel_loop3A_254, %parallel_loop3A_237 : vector<16xf32>
        %parallel_loop3A_259 = arith.addf %parallel_loop3A_258, %parallel_loop3A_255 : vector<16xf32>
        %parallel_loop3A_260 = arith.mulf %parallel_loop3A_256, %parallel_loop3A_239 : vector<16xf32>
        %parallel_loop3A_261 = arith.addf %parallel_loop3A_260, %parallel_loop3A_257 : vector<16xf32>
        %parallel_loop3A_262 = arith.constant 0.000000e+00 : f32
        %parallel_loop3A_263 = arith.constant 6.300000e+01 : f32
        %parallel_loop3A_264 = vector.broadcast %parallel_loop3A_262 : f32 to vector<16xf32>
        %parallel_loop3A_265 = arith.maximumf %parallel_loop3A_264, %parallel_loop3A_259 : vector<16xf32>
        %parallel_loop3A_266 = vector.broadcast %parallel_loop3A_263 : f32 to vector<16xf32>
        %parallel_loop3A_267 = arith.minimumf %parallel_loop3A_266, %parallel_loop3A_265 : vector<16xf32>
        %parallel_loop3A_268 = arith.fptosi %parallel_loop3A_267 : vector<16xf32> to vector<16xi32>
        %parallel_loop3A_269 = arith.constant 0.000000e+00 : f32
        %parallel_loop3A_270 = arith.constant 6.300000e+01 : f32
        %parallel_loop3A_271 = vector.broadcast %parallel_loop3A_269 : f32 to vector<16xf32>
        %parallel_loop3A_272 = arith.maximumf %parallel_loop3A_271, %parallel_loop3A_261 : vector<16xf32>
        %parallel_loop3A_273 = vector.broadcast %parallel_loop3A_270 : f32 to vector<16xf32>
        %parallel_loop3A_274 = arith.minimumf %parallel_loop3A_273, %parallel_loop3A_272 : vector<16xf32>
        %parallel_loop3A_275 = arith.fptosi %parallel_loop3A_274 : vector<16xf32> to vector<16xi32>
        %parallel_loop3A_276 = tpu.vector_load_idx %arg6[%parallel_loop3A_268] : memref<64xf32, #tpu.memory_space<vmem>>[vector<16xi32>], vector<16xf32>,
        %parallel_loop3A_277 = tpu.vector_load_idx %arg8[%parallel_loop3A_268] : memref<64xf32, #tpu.memory_space<vmem>>[vector<16xi32>], vector<16xf32>,
        %parallel_loop3A_278 = tpu.vector_load_idx %arg7[%parallel_loop3A_275] : memref<64xf32, #tpu.memory_space<vmem>>[vector<16xi32>], vector<16xf32>,
        %parallel_loop3A_279 = tpu.vector_load_idx %arg9[%parallel_loop3A_275] : memref<64xf32, #tpu.memory_space<vmem>>[vector<16xi32>], vector<16xf32>,
        %parallel_loop3A_280 = arith.mulf %parallel_loop3A_276, %parallel_loop3A_259 : vector<16xf32>
        %parallel_loop3A_281 = arith.addf %parallel_loop3A_280, %parallel_loop3A_277 : vector<16xf32>
        %parallel_loop3A_282 = arith.mulf %parallel_loop3A_278, %parallel_loop3A_261 : vector<16xf32>
        %parallel_loop3A_283 = arith.addf %parallel_loop3A_282, %parallel_loop3A_279 : vector<16xf32>
        %parallel_loop3A_284 = arith.constant 0.000000e+00 : f32
        %parallel_loop3A_285 = arith.constant 6.300000e+01 : f32
        %parallel_loop3A_286 = vector.broadcast %parallel_loop3A_284 : f32 to vector<16xf32>
        %parallel_loop3A_287 = arith.maximumf %parallel_loop3A_286, %parallel_loop3A_281 : vector<16xf32>
        %parallel_loop3A_288 = vector.broadcast %parallel_loop3A_285 : f32 to vector<16xf32>
        %parallel_loop3A_289 = arith.minimumf %parallel_loop3A_288, %parallel_loop3A_287 : vector<16xf32>
        %parallel_loop3A_290 = arith.fptosi %parallel_loop3A_289 : vector<16xf32> to vector<16xi32>
        %parallel_loop3A_291 = arith.constant 0.000000e+00 : f32
        %parallel_loop3A_292 = arith.constant 6.300000e+01 : f32
        %parallel_loop3A_293 = vector.broadcast %parallel_loop3A_291 : f32 to vector<16xf32>
        %parallel_loop3A_294 = arith.maximumf %parallel_loop3A_293, %parallel_loop3A_283 : vector<16xf32>
        %parallel_loop3A_295 = vector.broadcast %parallel_loop3A_292 : f32 to vector<16xf32>
        %parallel_loop3A_296 = arith.minimumf %parallel_loop3A_295, %parallel_loop3A_294 : vector<16xf32>
        %parallel_loop3A_297 = arith.fptosi %parallel_loop3A_296 : vector<16xf32> to vector<16xi32>
        %parallel_loop3A_298 = tpu.vector_load_idx %arg6[%parallel_loop3A_290] : memref<64xf32, #tpu.memory_space<vmem>>[vector<16xi32>], vector<16xf32>,
        %parallel_loop3A_299 = tpu.vector_load_idx %arg8[%parallel_loop3A_290] : memref<64xf32, #tpu.memory_space<vmem>>[vector<16xi32>], vector<16xf32>,
        %parallel_loop3A_300 = tpu.vector_load_idx %arg7[%parallel_loop3A_297] : memref<64xf32, #tpu.memory_space<vmem>>[vector<16xi32>], vector<16xf32>,
        %parallel_loop3A_301 = tpu.vector_load_idx %arg9[%parallel_loop3A_297] : memref<64xf32, #tpu.memory_space<vmem>>[vector<16xi32>], vector<16xf32>,
        %parallel_loop3A_302 = arith.mulf %parallel_loop3A_298, %parallel_loop3A_281 : vector<16xf32>
        %parallel_loop3A_303 = arith.addf %parallel_loop3A_302, %parallel_loop3A_299 : vector<16xf32>
        %parallel_loop3A_304 = arith.mulf %parallel_loop3A_300, %parallel_loop3A_283 : vector<16xf32>
        %parallel_loop3A_305 = arith.addf %parallel_loop3A_304, %parallel_loop3A_301 : vector<16xf32>
        %parallel_loop3A_306 = arith.constant 1.562500e-02 : f32
        %parallel_loop3A_307 = vector.broadcast %parallel_loop3A_306 : f32 to vector<16xf32>
        %parallel_loop3A_308 = arith.mulf %parallel_loop3A_303, %parallel_loop3A_307 : vector<16xf32>
        %parallel_loop3A_309 = arith.index_cast %parallel_loop3A_134 : i32 to index
        %parallel_loop3A_310 = tpu.vector_load %arg12[%parallel_loop3A_309] {strides = array<i32>} : memref<10000xf32, #tpu.memory_space<vmem>>, vector<16xf32>,
        tpu.vector_store %arg12[%parallel_loop3A_309], %parallel_loop3A_308 {strides = array<i32>} : memref<10000xf32, #tpu.memory_space<vmem>>, vector<16xf32>,
        %parallel_loop3A_311 = arith.constant 1.562500e-02 : f32
        %parallel_loop3A_312 = vector.broadcast %parallel_loop3A_311 : f32 to vector<16xf32>
        %parallel_loop3A_313 = arith.mulf %parallel_loop3A_305, %parallel_loop3A_312 : vector<16xf32>
        %parallel_loop3A_314 = arith.index_cast %parallel_loop3A_134 : i32 to index
        %parallel_loop3A_315 = tpu.vector_load %arg14[%parallel_loop3A_314] {strides = array<i32>} : memref<10000xf32, #tpu.memory_space<vmem>>, vector<16xf32>,
        tpu.vector_store %arg14[%parallel_loop3A_314], %parallel_loop3A_313 {strides = array<i32>} : memref<10000xf32, #tpu.memory_space<vmem>>, vector<16xf32>,
      } {sc.loop_unroll_factor = 5 : i64, sc.parallel_access}
      %add3A_71 = arith.constant 0 : i32
      %add3A_72 = arith.addi %mul3A_2, %add3A_71 : i32
      %mul3A_73 = arith.constant 100000 : i32
      %mul3A_74 = arith.muli %add3A_72, %mul3A_73 : i32
      %mul3A_75 = arith.constant 10000 : i32
      %mul3A_76 = arith.muli %add3A_62, %mul3A_75 : i32
      %add3A_77 = arith.addi %mul3A_74, %mul3A_76 : i32
      %dma_start3A_78 = tpu.memref_slice %arg5[%add3A_77] : memref<6400000xf32, #tpu.memory_space<hbm>> -> memref<10000xf32, #tpu.memory_space<hbm>>
      %dma_start3A_79 = tpu.memref_slice %arg5[%add3A_77] : memref<6400000xf32, #tpu.memory_space<hbm>> -> memref<10000xf32, #tpu.memory_space<hbm>>
      tpu.enqueue_dma source(%arg12 : memref<10000xf32, #tpu.memory_space<vmem>>) target(%dma_start3A_79 : memref<10000xf32, #tpu.memory_space<hbm>>) target_semaphore(%arg18 : memref<!tpu.dma_semaphore, #tpu.memory_space<semaphore_mem>>)
      %add3A_80 = arith.constant 1 : i32
      %add3A_81 = arith.addi %mul3A_2, %add3A_80 : i32
      %mul3A_82 = arith.constant 100000 : i32
      %mul3A_83 = arith.muli %add3A_81, %mul3A_82 : i32
      %mul3A_84 = arith.constant 10000 : i32
      %mul3A_85 = arith.muli %add3A_62, %mul3A_84 : i32
      %add3A_86 = arith.addi %mul3A_83, %mul3A_85 : i32
      %dma_start3A_87 = tpu.memref_slice %arg5[%add3A_86] : memref<6400000xf32, #tpu.memory_space<hbm>> -> memref<10000xf32, #tpu.memory_space<hbm>>
      %dma_start3A_88 = tpu.memref_slice %arg5[%add3A_86] : memref<6400000xf32, #tpu.memory_space<hbm>> -> memref<10000xf32, #tpu.memory_space<hbm>>
      tpu.enqueue_dma source(%arg14 : memref<10000xf32, #tpu.memory_space<vmem>>) target(%dma_start3A_88 : memref<10000xf32, #tpu.memory_space<hbm>>) target_semaphore(%arg18 : memref<!tpu.dma_semaphore, #tpu.memory_space<semaphore_mem>>)
      %lt3A = arith.constant 4 : i32
      %lt3A_89 = arith.cmpi slt, %scan3A_58, %lt3A : i32
      %convert_element_type3A_90 = arith.extui %lt3A_89 : i1 to i32
      %cond3A_91 = arith.constant 0 : i32
      %cond3A_92 = arith.cmpi ne, %convert_element_type3A_90, %cond3A_91 : i32
      scf.if %cond3A_92 {
        %add3A_132 = arith.constant 2 : i32
        %add3A_133 = arith.addi %add3A_62, %add3A_132 : i32
        %mul3A_134 = arith.constant 10000 : i32
        %mul3A_135 = arith.muli %add3A_133, %mul3A_134 : i32
        %dma_start3A_136 = tpu.memref_slice %arg2[%mul3A_135] : memref<100000xf32, #tpu.memory_space<hbm>> -> memref<10000xf32, #tpu.memory_space<hbm>>
        %dma_start3A_137 = tpu.memref_slice %arg2[%mul3A_135] : memref<100000xf32, #tpu.memory_space<hbm>> -> memref<10000xf32, #tpu.memory_space<hbm>>
        tpu.enqueue_dma source(%dma_start3A_137 : memref<10000xf32, #tpu.memory_space<hbm>>) target(%arg10 : memref<10000xf32, #tpu.memory_space<vmem>>) target_semaphore(%arg16 : memref<!tpu.dma_semaphore, #tpu.memory_space<semaphore_mem>>)
      } else {
      }
      %mul3A_93 = arith.constant 2 : i32
      %mul3A_94 = arith.muli %mul3A_93, %scan3A_58 : i32
      %add3A_95 = arith.constant 1 : i32
      %add3A_96 = arith.addi %mul3A_94, %add3A_95 : i32
      %mul3A_97 = arith.constant 10000 : i32
      %mul3A_98 = arith.muli %add3A_96, %mul3A_97 : i32
      %dma_wait3A_99 = tpu.memref_slice %arg2[%mul3A_98] : memref<100000xf32, #tpu.memory_space<hbm>> -> memref<10000xf32, #tpu.memory_space<hbm>>
      %dma_wait3A_100 = tpu.memref_slice %arg2[%mul3A_98] : memref<100000xf32, #tpu.memory_space<hbm>> -> memref<10000xf32, #tpu.memory_space<hbm>>
      tpu.wait_dma2 semaphore(%arg17 : memref<!tpu.dma_semaphore, #tpu.memory_space<semaphore_mem>>) src(%dma_wait3A_100 : memref<10000xf32, #tpu.memory_space<hbm>>) dst(%arg11 : memref<10000xf32, #tpu.memory_space<vmem>>)
      %gt3A_101 = arith.constant 0 : i32
      %gt3A_102 = arith.cmpi sgt, %scan3A_58, %gt3A_101 : i32
      %convert_element_type3A_103 = arith.extui %gt3A_102 : i1 to i32
      %cond3A_104 = arith.constant 0 : i32
      %cond3A_105 = arith.cmpi ne, %convert_element_type3A_103, %cond3A_104 : i32
      scf.if %cond3A_105 {
        %add3A_132 = arith.constant 0 : i32
        %add3A_133 = arith.addi %mul3A_2, %add3A_132 : i32
        %mul3A_134 = arith.constant 100000 : i32
        %mul3A_135 = arith.muli %add3A_133, %mul3A_134 : i32
        %mul3A_136 = arith.constant 10000 : i32
        %mul3A_137 = arith.muli %add3A_96, %mul3A_136 : i32
        %add3A_138 = arith.addi %mul3A_135, %mul3A_137 : i32
        %dma_wait3A_139 = tpu.memref_slice %arg5[%add3A_138] : memref<6400000xf32, #tpu.memory_space<hbm>> -> memref<10000xf32, #tpu.memory_space<hbm>>
        %dma_wait3A_140 = tpu.memref_slice %arg5[%add3A_138] : memref<6400000xf32, #tpu.memory_space<hbm>> -> memref<10000xf32, #tpu.memory_space<hbm>>
        tpu.wait_dma2 semaphore(%arg19 : memref<!tpu.dma_semaphore, #tpu.memory_space<semaphore_mem>>) src(%arg13 : memref<10000xf32, #tpu.memory_space<vmem>>) dst(%dma_wait3A_140 : memref<10000xf32, #tpu.memory_space<hbm>>)
        %add3A_141 = arith.constant 1 : i32
        %add3A_142 = arith.addi %mul3A_2, %add3A_141 : i32
        %mul3A_143 = arith.constant 100000 : i32
        %mul3A_144 = arith.muli %add3A_142, %mul3A_143 : i32
        %mul3A_145 = arith.constant 10000 : i32
        %mul3A_146 = arith.muli %add3A_96, %mul3A_145 : i32
        %add3A_147 = arith.addi %mul3A_144, %mul3A_146 : i32
        %dma_wait3A_148 = tpu.memref_slice %arg5[%add3A_147] : memref<6400000xf32, #tpu.memory_space<hbm>> -> memref<10000xf32, #tpu.memory_space<hbm>>
        %dma_wait3A_149 = tpu.memref_slice %arg5[%add3A_147] : memref<6400000xf32, #tpu.memory_space<hbm>> -> memref<10000xf32, #tpu.memory_space<hbm>>
        tpu.wait_dma2 semaphore(%arg19 : memref<!tpu.dma_semaphore, #tpu.memory_space<semaphore_mem>>) src(%arg15 : memref<10000xf32, #tpu.memory_space<vmem>>) dst(%dma_wait3A_149 : memref<10000xf32, #tpu.memory_space<hbm>>)
      } else {
      }
      %parallel_loop3A_106 = arith.constant 0 : i32
      %parallel_loop3A_107 = arith.constant 625 : i32
      %parallel_loop3A_108 = arith.constant 1 : i32
      scf.for %parallel_loop3A_132 = %parallel_loop3A_106 to %parallel_loop3A_107 step %parallel_loop3A_108  : i32 {
        %parallel_loop3A_133 = arith.constant 16 : i32
        %parallel_loop3A_134 = arith.muli %parallel_loop3A_132, %parallel_loop3A_133 : i32
        %parallel_loop3A_135 = arith.index_cast %parallel_loop3A_134 : i32 to index
        %parallel_loop3A_136 = tpu.vector_load %arg11[%parallel_loop3A_135] {strides = array<i32>} : memref<10000xf32, #tpu.memory_space<vmem>>, vector<16xf32>,
        %parallel_loop3A_137 = arith.constant 0.000000e+00 : f32
        %parallel_loop3A_138 = arith.constant 6.300000e+01 : f32
        %parallel_loop3A_139 = vector.broadcast %parallel_loop3A_137 : f32 to vector<16xf32>
        %parallel_loop3A_140 = arith.maximumf %parallel_loop3A_139, %parallel_loop3A_136 : vector<16xf32>
        %parallel_loop3A_141 = vector.broadcast %parallel_loop3A_138 : f32 to vector<16xf32>
        %parallel_loop3A_142 = arith.minimumf %parallel_loop3A_141, %parallel_loop3A_140 : vector<16xf32>
        %parallel_loop3A_143 = arith.fptosi %parallel_loop3A_142 : vector<16xf32> to vector<16xi32>
        %parallel_loop3A_144 = tpu.vector_load_idx %arg6[%parallel_loop3A_143] : memref<64xf32, #tpu.memory_space<vmem>>[vector<16xi32>], vector<16xf32>,
        %parallel_loop3A_145 = arith.mulf %parallel_loop3A_144, %parallel_loop3A_136 : vector<16xf32>
        %parallel_loop3A_146 = tpu.vector_load_idx %arg8[%parallel_loop3A_143] : memref<64xf32, #tpu.memory_space<vmem>>[vector<16xi32>], vector<16xf32>,
        %parallel_loop3A_147 = arith.addf %parallel_loop3A_145, %parallel_loop3A_146 : vector<16xf32>
        %parallel_loop3A_148 = tpu.vector_load_idx %arg7[%parallel_loop3A_143] : memref<64xf32, #tpu.memory_space<vmem>>[vector<16xi32>], vector<16xf32>,
        %parallel_loop3A_149 = arith.mulf %parallel_loop3A_148, %parallel_loop3A_136 : vector<16xf32>
        %parallel_loop3A_150 = tpu.vector_load_idx %arg9[%parallel_loop3A_143] : memref<64xf32, #tpu.memory_space<vmem>>[vector<16xi32>], vector<16xf32>,
        %parallel_loop3A_151 = arith.addf %parallel_loop3A_149, %parallel_loop3A_150 : vector<16xf32>
        %parallel_loop3A_152 = arith.constant 0.000000e+00 : f32
        %parallel_loop3A_153 = arith.constant 6.300000e+01 : f32
        %parallel_loop3A_154 = vector.broadcast %parallel_loop3A_152 : f32 to vector<16xf32>
        %parallel_loop3A_155 = arith.maximumf %parallel_loop3A_154, %parallel_loop3A_147 : vector<16xf32>
        %parallel_loop3A_156 = vector.broadcast %parallel_loop3A_153 : f32 to vector<16xf32>
        %parallel_loop3A_157 = arith.minimumf %parallel_loop3A_156, %parallel_loop3A_155 : vector<16xf32>
        %parallel_loop3A_158 = arith.fptosi %parallel_loop3A_157 : vector<16xf32> to vector<16xi32>
        %parallel_loop3A_159 = arith.constant 0.000000e+00 : f32
        %parallel_loop3A_160 = arith.constant 6.300000e+01 : f32
        %parallel_loop3A_161 = vector.broadcast %parallel_loop3A_159 : f32 to vector<16xf32>
        %parallel_loop3A_162 = arith.maximumf %parallel_loop3A_161, %parallel_loop3A_151 : vector<16xf32>
        %parallel_loop3A_163 = vector.broadcast %parallel_loop3A_160 : f32 to vector<16xf32>
        %parallel_loop3A_164 = arith.minimumf %parallel_loop3A_163, %parallel_loop3A_162 : vector<16xf32>
        %parallel_loop3A_165 = arith.fptosi %parallel_loop3A_164 : vector<16xf32> to vector<16xi32>
        %parallel_loop3A_166 = tpu.vector_load_idx %arg6[%parallel_loop3A_158] : memref<64xf32, #tpu.memory_space<vmem>>[vector<16xi32>], vector<16xf32>,
        %parallel_loop3A_167 = tpu.vector_load_idx %arg8[%parallel_loop3A_158] : memref<64xf32, #tpu.memory_space<vmem>>[vector<16xi32>], vector<16xf32>,
        %parallel_loop3A_168 = tpu.vector_load_idx %arg7[%parallel_loop3A_165] : memref<64xf32, #tpu.memory_space<vmem>>[vector<16xi32>], vector<16xf32>,
        %parallel_loop3A_169 = tpu.vector_load_idx %arg9[%parallel_loop3A_165] : memref<64xf32, #tpu.memory_space<vmem>>[vector<16xi32>], vector<16xf32>,
        %parallel_loop3A_170 = arith.mulf %parallel_loop3A_166, %parallel_loop3A_147 : vector<16xf32>
        %parallel_loop3A_171 = arith.addf %parallel_loop3A_170, %parallel_loop3A_167 : vector<16xf32>
        %parallel_loop3A_172 = arith.mulf %parallel_loop3A_168, %parallel_loop3A_151 : vector<16xf32>
        %parallel_loop3A_173 = arith.addf %parallel_loop3A_172, %parallel_loop3A_169 : vector<16xf32>
        %parallel_loop3A_174 = arith.constant 0.000000e+00 : f32
        %parallel_loop3A_175 = arith.constant 6.300000e+01 : f32
        %parallel_loop3A_176 = vector.broadcast %parallel_loop3A_174 : f32 to vector<16xf32>
        %parallel_loop3A_177 = arith.maximumf %parallel_loop3A_176, %parallel_loop3A_171 : vector<16xf32>
        %parallel_loop3A_178 = vector.broadcast %parallel_loop3A_175 : f32 to vector<16xf32>
        %parallel_loop3A_179 = arith.minimumf %parallel_loop3A_178, %parallel_loop3A_177 : vector<16xf32>
        %parallel_loop3A_180 = arith.fptosi %parallel_loop3A_179 : vector<16xf32> to vector<16xi32>
        %parallel_loop3A_181 = arith.constant 0.000000e+00 : f32
        %parallel_loop3A_182 = arith.constant 6.300000e+01 : f32
        %parallel_loop3A_183 = vector.broadcast %parallel_loop3A_181 : f32 to vector<16xf32>
        %parallel_loop3A_184 = arith.maximumf %parallel_loop3A_183, %parallel_loop3A_173 : vector<16xf32>
        %parallel_loop3A_185 = vector.broadcast %parallel_loop3A_182 : f32 to vector<16xf32>
        %parallel_loop3A_186 = arith.minimumf %parallel_loop3A_185, %parallel_loop3A_184 : vector<16xf32>
        %parallel_loop3A_187 = arith.fptosi %parallel_loop3A_186 : vector<16xf32> to vector<16xi32>
        %parallel_loop3A_188 = tpu.vector_load_idx %arg6[%parallel_loop3A_180] : memref<64xf32, #tpu.memory_space<vmem>>[vector<16xi32>], vector<16xf32>,
        %parallel_loop3A_189 = tpu.vector_load_idx %arg8[%parallel_loop3A_180] : memref<64xf32, #tpu.memory_space<vmem>>[vector<16xi32>], vector<16xf32>,
        %parallel_loop3A_190 = tpu.vector_load_idx %arg7[%parallel_loop3A_187] : memref<64xf32, #tpu.memory_space<vmem>>[vector<16xi32>], vector<16xf32>,
        %parallel_loop3A_191 = tpu.vector_load_idx %arg9[%parallel_loop3A_187] : memref<64xf32, #tpu.memory_space<vmem>>[vector<16xi32>], vector<16xf32>,
        %parallel_loop3A_192 = arith.mulf %parallel_loop3A_188, %parallel_loop3A_171 : vector<16xf32>
        %parallel_loop3A_193 = arith.addf %parallel_loop3A_192, %parallel_loop3A_189 : vector<16xf32>
        %parallel_loop3A_194 = arith.mulf %parallel_loop3A_190, %parallel_loop3A_173 : vector<16xf32>
        %parallel_loop3A_195 = arith.addf %parallel_loop3A_194, %parallel_loop3A_191 : vector<16xf32>
        %parallel_loop3A_196 = arith.constant 0.000000e+00 : f32
        %parallel_loop3A_197 = arith.constant 6.300000e+01 : f32
        %parallel_loop3A_198 = vector.broadcast %parallel_loop3A_196 : f32 to vector<16xf32>
        %parallel_loop3A_199 = arith.maximumf %parallel_loop3A_198, %parallel_loop3A_193 : vector<16xf32>
        %parallel_loop3A_200 = vector.broadcast %parallel_loop3A_197 : f32 to vector<16xf32>
        %parallel_loop3A_201 = arith.minimumf %parallel_loop3A_200, %parallel_loop3A_199 : vector<16xf32>
        %parallel_loop3A_202 = arith.fptosi %parallel_loop3A_201 : vector<16xf32> to vector<16xi32>
        %parallel_loop3A_203 = arith.constant 0.000000e+00 : f32
        %parallel_loop3A_204 = arith.constant 6.300000e+01 : f32
        %parallel_loop3A_205 = vector.broadcast %parallel_loop3A_203 : f32 to vector<16xf32>
        %parallel_loop3A_206 = arith.maximumf %parallel_loop3A_205, %parallel_loop3A_195 : vector<16xf32>
        %parallel_loop3A_207 = vector.broadcast %parallel_loop3A_204 : f32 to vector<16xf32>
        %parallel_loop3A_208 = arith.minimumf %parallel_loop3A_207, %parallel_loop3A_206 : vector<16xf32>
        %parallel_loop3A_209 = arith.fptosi %parallel_loop3A_208 : vector<16xf32> to vector<16xi32>
        %parallel_loop3A_210 = tpu.vector_load_idx %arg6[%parallel_loop3A_202] : memref<64xf32, #tpu.memory_space<vmem>>[vector<16xi32>], vector<16xf32>,
        %parallel_loop3A_211 = tpu.vector_load_idx %arg8[%parallel_loop3A_202] : memref<64xf32, #tpu.memory_space<vmem>>[vector<16xi32>], vector<16xf32>,
        %parallel_loop3A_212 = tpu.vector_load_idx %arg7[%parallel_loop3A_209] : memref<64xf32, #tpu.memory_space<vmem>>[vector<16xi32>], vector<16xf32>,
        %parallel_loop3A_213 = tpu.vector_load_idx %arg9[%parallel_loop3A_209] : memref<64xf32, #tpu.memory_space<vmem>>[vector<16xi32>], vector<16xf32>,
        %parallel_loop3A_214 = arith.mulf %parallel_loop3A_210, %parallel_loop3A_193 : vector<16xf32>
        %parallel_loop3A_215 = arith.addf %parallel_loop3A_214, %parallel_loop3A_211 : vector<16xf32>
        %parallel_loop3A_216 = arith.mulf %parallel_loop3A_212, %parallel_loop3A_195 : vector<16xf32>
        %parallel_loop3A_217 = arith.addf %parallel_loop3A_216, %parallel_loop3A_213 : vector<16xf32>
        %parallel_loop3A_218 = arith.constant 0.000000e+00 : f32
        %parallel_loop3A_219 = arith.constant 6.300000e+01 : f32
        %parallel_loop3A_220 = vector.broadcast %parallel_loop3A_218 : f32 to vector<16xf32>
        %parallel_loop3A_221 = arith.maximumf %parallel_loop3A_220, %parallel_loop3A_215 : vector<16xf32>
        %parallel_loop3A_222 = vector.broadcast %parallel_loop3A_219 : f32 to vector<16xf32>
        %parallel_loop3A_223 = arith.minimumf %parallel_loop3A_222, %parallel_loop3A_221 : vector<16xf32>
        %parallel_loop3A_224 = arith.fptosi %parallel_loop3A_223 : vector<16xf32> to vector<16xi32>
        %parallel_loop3A_225 = arith.constant 0.000000e+00 : f32
        %parallel_loop3A_226 = arith.constant 6.300000e+01 : f32
        %parallel_loop3A_227 = vector.broadcast %parallel_loop3A_225 : f32 to vector<16xf32>
        %parallel_loop3A_228 = arith.maximumf %parallel_loop3A_227, %parallel_loop3A_217 : vector<16xf32>
        %parallel_loop3A_229 = vector.broadcast %parallel_loop3A_226 : f32 to vector<16xf32>
        %parallel_loop3A_230 = arith.minimumf %parallel_loop3A_229, %parallel_loop3A_228 : vector<16xf32>
        %parallel_loop3A_231 = arith.fptosi %parallel_loop3A_230 : vector<16xf32> to vector<16xi32>
        %parallel_loop3A_232 = tpu.vector_load_idx %arg6[%parallel_loop3A_224] : memref<64xf32, #tpu.memory_space<vmem>>[vector<16xi32>], vector<16xf32>,
        %parallel_loop3A_233 = tpu.vector_load_idx %arg8[%parallel_loop3A_224] : memref<64xf32, #tpu.memory_space<vmem>>[vector<16xi32>], vector<16xf32>,
        %parallel_loop3A_234 = tpu.vector_load_idx %arg7[%parallel_loop3A_231] : memref<64xf32, #tpu.memory_space<vmem>>[vector<16xi32>], vector<16xf32>,
        %parallel_loop3A_235 = tpu.vector_load_idx %arg9[%parallel_loop3A_231] : memref<64xf32, #tpu.memory_space<vmem>>[vector<16xi32>], vector<16xf32>,
        %parallel_loop3A_236 = arith.mulf %parallel_loop3A_232, %parallel_loop3A_215 : vector<16xf32>
        %parallel_loop3A_237 = arith.addf %parallel_loop3A_236, %parallel_loop3A_233 : vector<16xf32>
        %parallel_loop3A_238 = arith.mulf %parallel_loop3A_234, %parallel_loop3A_217 : vector<16xf32>
        %parallel_loop3A_239 = arith.addf %parallel_loop3A_238, %parallel_loop3A_235 : vector<16xf32>
        %parallel_loop3A_240 = arith.constant 0.000000e+00 : f32
        %parallel_loop3A_241 = arith.constant 6.300000e+01 : f32
        %parallel_loop3A_242 = vector.broadcast %parallel_loop3A_240 : f32 to vector<16xf32>
        %parallel_loop3A_243 = arith.maximumf %parallel_loop3A_242, %parallel_loop3A_237 : vector<16xf32>
        %parallel_loop3A_244 = vector.broadcast %parallel_loop3A_241 : f32 to vector<16xf32>
        %parallel_loop3A_245 = arith.minimumf %parallel_loop3A_244, %parallel_loop3A_243 : vector<16xf32>
        %parallel_loop3A_246 = arith.fptosi %parallel_loop3A_245 : vector<16xf32> to vector<16xi32>
        %parallel_loop3A_247 = arith.constant 0.000000e+00 : f32
        %parallel_loop3A_248 = arith.constant 6.300000e+01 : f32
        %parallel_loop3A_249 = vector.broadcast %parallel_loop3A_247 : f32 to vector<16xf32>
        %parallel_loop3A_250 = arith.maximumf %parallel_loop3A_249, %parallel_loop3A_239 : vector<16xf32>
        %parallel_loop3A_251 = vector.broadcast %parallel_loop3A_248 : f32 to vector<16xf32>
        %parallel_loop3A_252 = arith.minimumf %parallel_loop3A_251, %parallel_loop3A_250 : vector<16xf32>
        %parallel_loop3A_253 = arith.fptosi %parallel_loop3A_252 : vector<16xf32> to vector<16xi32>
        %parallel_loop3A_254 = tpu.vector_load_idx %arg6[%parallel_loop3A_246] : memref<64xf32, #tpu.memory_space<vmem>>[vector<16xi32>], vector<16xf32>,
        %parallel_loop3A_255 = tpu.vector_load_idx %arg8[%parallel_loop3A_246] : memref<64xf32, #tpu.memory_space<vmem>>[vector<16xi32>], vector<16xf32>,
        %parallel_loop3A_256 = tpu.vector_load_idx %arg7[%parallel_loop3A_253] : memref<64xf32, #tpu.memory_space<vmem>>[vector<16xi32>], vector<16xf32>,
        %parallel_loop3A_257 = tpu.vector_load_idx %arg9[%parallel_loop3A_253] : memref<64xf32, #tpu.memory_space<vmem>>[vector<16xi32>], vector<16xf32>,
        %parallel_loop3A_258 = arith.mulf %parallel_loop3A_254, %parallel_loop3A_237 : vector<16xf32>
        %parallel_loop3A_259 = arith.addf %parallel_loop3A_258, %parallel_loop3A_255 : vector<16xf32>
        %parallel_loop3A_260 = arith.mulf %parallel_loop3A_256, %parallel_loop3A_239 : vector<16xf32>
        %parallel_loop3A_261 = arith.addf %parallel_loop3A_260, %parallel_loop3A_257 : vector<16xf32>
        %parallel_loop3A_262 = arith.constant 0.000000e+00 : f32
        %parallel_loop3A_263 = arith.constant 6.300000e+01 : f32
        %parallel_loop3A_264 = vector.broadcast %parallel_loop3A_262 : f32 to vector<16xf32>
        %parallel_loop3A_265 = arith.maximumf %parallel_loop3A_264, %parallel_loop3A_259 : vector<16xf32>
        %parallel_loop3A_266 = vector.broadcast %parallel_loop3A_263 : f32 to vector<16xf32>
        %parallel_loop3A_267 = arith.minimumf %parallel_loop3A_266, %parallel_loop3A_265 : vector<16xf32>
        %parallel_loop3A_268 = arith.fptosi %parallel_loop3A_267 : vector<16xf32> to vector<16xi32>
        %parallel_loop3A_269 = arith.constant 0.000000e+00 : f32
        %parallel_loop3A_270 = arith.constant 6.300000e+01 : f32
        %parallel_loop3A_271 = vector.broadcast %parallel_loop3A_269 : f32 to vector<16xf32>
        %parallel_loop3A_272 = arith.maximumf %parallel_loop3A_271, %parallel_loop3A_261 : vector<16xf32>
        %parallel_loop3A_273 = vector.broadcast %parallel_loop3A_270 : f32 to vector<16xf32>
        %parallel_loop3A_274 = arith.minimumf %parallel_loop3A_273, %parallel_loop3A_272 : vector<16xf32>
        %parallel_loop3A_275 = arith.fptosi %parallel_loop3A_274 : vector<16xf32> to vector<16xi32>
        %parallel_loop3A_276 = tpu.vector_load_idx %arg6[%parallel_loop3A_268] : memref<64xf32, #tpu.memory_space<vmem>>[vector<16xi32>], vector<16xf32>,
        %parallel_loop3A_277 = tpu.vector_load_idx %arg8[%parallel_loop3A_268] : memref<64xf32, #tpu.memory_space<vmem>>[vector<16xi32>], vector<16xf32>,
        %parallel_loop3A_278 = tpu.vector_load_idx %arg7[%parallel_loop3A_275] : memref<64xf32, #tpu.memory_space<vmem>>[vector<16xi32>], vector<16xf32>,
        %parallel_loop3A_279 = tpu.vector_load_idx %arg9[%parallel_loop3A_275] : memref<64xf32, #tpu.memory_space<vmem>>[vector<16xi32>], vector<16xf32>,
        %parallel_loop3A_280 = arith.mulf %parallel_loop3A_276, %parallel_loop3A_259 : vector<16xf32>
        %parallel_loop3A_281 = arith.addf %parallel_loop3A_280, %parallel_loop3A_277 : vector<16xf32>
        %parallel_loop3A_282 = arith.mulf %parallel_loop3A_278, %parallel_loop3A_261 : vector<16xf32>
        %parallel_loop3A_283 = arith.addf %parallel_loop3A_282, %parallel_loop3A_279 : vector<16xf32>
        %parallel_loop3A_284 = arith.constant 0.000000e+00 : f32
        %parallel_loop3A_285 = arith.constant 6.300000e+01 : f32
        %parallel_loop3A_286 = vector.broadcast %parallel_loop3A_284 : f32 to vector<16xf32>
        %parallel_loop3A_287 = arith.maximumf %parallel_loop3A_286, %parallel_loop3A_281 : vector<16xf32>
        %parallel_loop3A_288 = vector.broadcast %parallel_loop3A_285 : f32 to vector<16xf32>
        %parallel_loop3A_289 = arith.minimumf %parallel_loop3A_288, %parallel_loop3A_287 : vector<16xf32>
        %parallel_loop3A_290 = arith.fptosi %parallel_loop3A_289 : vector<16xf32> to vector<16xi32>
        %parallel_loop3A_291 = arith.constant 0.000000e+00 : f32
        %parallel_loop3A_292 = arith.constant 6.300000e+01 : f32
        %parallel_loop3A_293 = vector.broadcast %parallel_loop3A_291 : f32 to vector<16xf32>
        %parallel_loop3A_294 = arith.maximumf %parallel_loop3A_293, %parallel_loop3A_283 : vector<16xf32>
        %parallel_loop3A_295 = vector.broadcast %parallel_loop3A_292 : f32 to vector<16xf32>
        %parallel_loop3A_296 = arith.minimumf %parallel_loop3A_295, %parallel_loop3A_294 : vector<16xf32>
        %parallel_loop3A_297 = arith.fptosi %parallel_loop3A_296 : vector<16xf32> to vector<16xi32>
        %parallel_loop3A_298 = tpu.vector_load_idx %arg6[%parallel_loop3A_290] : memref<64xf32, #tpu.memory_space<vmem>>[vector<16xi32>], vector<16xf32>,
        %parallel_loop3A_299 = tpu.vector_load_idx %arg8[%parallel_loop3A_290] : memref<64xf32, #tpu.memory_space<vmem>>[vector<16xi32>], vector<16xf32>,
        %parallel_loop3A_300 = tpu.vector_load_idx %arg7[%parallel_loop3A_297] : memref<64xf32, #tpu.memory_space<vmem>>[vector<16xi32>], vector<16xf32>,
        %parallel_loop3A_301 = tpu.vector_load_idx %arg9[%parallel_loop3A_297] : memref<64xf32, #tpu.memory_space<vmem>>[vector<16xi32>], vector<16xf32>,
        %parallel_loop3A_302 = arith.mulf %parallel_loop3A_298, %parallel_loop3A_281 : vector<16xf32>
        %parallel_loop3A_303 = arith.addf %parallel_loop3A_302, %parallel_loop3A_299 : vector<16xf32>
        %parallel_loop3A_304 = arith.mulf %parallel_loop3A_300, %parallel_loop3A_283 : vector<16xf32>
        %parallel_loop3A_305 = arith.addf %parallel_loop3A_304, %parallel_loop3A_301 : vector<16xf32>
        %parallel_loop3A_306 = arith.constant 1.562500e-02 : f32
        %parallel_loop3A_307 = vector.broadcast %parallel_loop3A_306 : f32 to vector<16xf32>
        %parallel_loop3A_308 = arith.mulf %parallel_loop3A_303, %parallel_loop3A_307 : vector<16xf32>
        %parallel_loop3A_309 = arith.index_cast %parallel_loop3A_134 : i32 to index
        %parallel_loop3A_310 = tpu.vector_load %arg13[%parallel_loop3A_309] {strides = array<i32>} : memref<10000xf32, #tpu.memory_space<vmem>>, vector<16xf32>,
        tpu.vector_store %arg13[%parallel_loop3A_309], %parallel_loop3A_308 {strides = array<i32>} : memref<10000xf32, #tpu.memory_space<vmem>>, vector<16xf32>,
        %parallel_loop3A_311 = arith.constant 1.562500e-02 : f32
        %parallel_loop3A_312 = vector.broadcast %parallel_loop3A_311 : f32 to vector<16xf32>
        %parallel_loop3A_313 = arith.mulf %parallel_loop3A_305, %parallel_loop3A_312 : vector<16xf32>
        %parallel_loop3A_314 = arith.index_cast %parallel_loop3A_134 : i32 to index
        %parallel_loop3A_315 = tpu.vector_load %arg15[%parallel_loop3A_314] {strides = array<i32>} : memref<10000xf32, #tpu.memory_space<vmem>>, vector<16xf32>,
        tpu.vector_store %arg15[%parallel_loop3A_314], %parallel_loop3A_313 {strides = array<i32>} : memref<10000xf32, #tpu.memory_space<vmem>>, vector<16xf32>,
      } {sc.loop_unroll_factor = 5 : i64, sc.parallel_access}
      %add3A_109 = arith.constant 0 : i32
      %add3A_110 = arith.addi %mul3A_2, %add3A_109 : i32
      %mul3A_111 = arith.constant 100000 : i32
      %mul3A_112 = arith.muli %add3A_110, %mul3A_111 : i32
      %mul3A_113 = arith.constant 10000 : i32
      %mul3A_114 = arith.muli %add3A_96, %mul3A_113 : i32
      %add3A_115 = arith.addi %mul3A_112, %mul3A_114 : i32
      %dma_start3A_116 = tpu.memref_slice %arg5[%add3A_115] : memref<6400000xf32, #tpu.memory_space<hbm>> -> memref<10000xf32, #tpu.memory_space<hbm>>
      %dma_start3A_117 = tpu.memref_slice %arg5[%add3A_115] : memref<6400000xf32, #tpu.memory_space<hbm>> -> memref<10000xf32, #tpu.memory_space<hbm>>
      tpu.enqueue_dma source(%arg13 : memref<10000xf32, #tpu.memory_space<vmem>>) target(%dma_start3A_117 : memref<10000xf32, #tpu.memory_space<hbm>>) target_semaphore(%arg19 : memref<!tpu.dma_semaphore, #tpu.memory_space<semaphore_mem>>)
      %add3A_118 = arith.constant 1 : i32
      %add3A_119 = arith.addi %mul3A_2, %add3A_118 : i32
      %mul3A_120 = arith.constant 100000 : i32
      %mul3A_121 = arith.muli %add3A_119, %mul3A_120 : i32
      %mul3A_122 = arith.constant 10000 : i32
      %mul3A_123 = arith.muli %add3A_96, %mul3A_122 : i32
      %add3A_124 = arith.addi %mul3A_121, %mul3A_123 : i32
      %dma_start3A_125 = tpu.memref_slice %arg5[%add3A_124] : memref<6400000xf32, #tpu.memory_space<hbm>> -> memref<10000xf32, #tpu.memory_space<hbm>>
      %dma_start3A_126 = tpu.memref_slice %arg5[%add3A_124] : memref<6400000xf32, #tpu.memory_space<hbm>> -> memref<10000xf32, #tpu.memory_space<hbm>>
      tpu.enqueue_dma source(%arg15 : memref<10000xf32, #tpu.memory_space<vmem>>) target(%dma_start3A_126 : memref<10000xf32, #tpu.memory_space<hbm>>) target_semaphore(%arg19 : memref<!tpu.dma_semaphore, #tpu.memory_space<semaphore_mem>>)
      %lt3A_127 = arith.constant 4 : i32
      %lt3A_128 = arith.cmpi slt, %scan3A_58, %lt3A_127 : i32
      %convert_element_type3A_129 = arith.extui %lt3A_128 : i1 to i32
      %cond3A_130 = arith.constant 0 : i32
      %cond3A_131 = arith.cmpi ne, %convert_element_type3A_129, %cond3A_130 : i32
      scf.if %cond3A_131 {
        %add3A_132 = arith.constant 2 : i32
        %add3A_133 = arith.addi %add3A_96, %add3A_132 : i32
        %mul3A_134 = arith.constant 10000 : i32
        %mul3A_135 = arith.muli %add3A_133, %mul3A_134 : i32
        %dma_start3A_136 = tpu.memref_slice %arg2[%mul3A_135] : memref<100000xf32, #tpu.memory_space<hbm>> -> memref<10000xf32, #tpu.memory_space<hbm>>
        %dma_start3A_137 = tpu.memref_slice %arg2[%mul3A_135] : memref<100000xf32, #tpu.memory_space<hbm>> -> memref<10000xf32, #tpu.memory_space<hbm>>
        tpu.enqueue_dma source(%dma_start3A_137 : memref<10000xf32, #tpu.memory_space<hbm>>) target(%arg11 : memref<10000xf32, #tpu.memory_space<vmem>>) target_semaphore(%arg17 : memref<!tpu.dma_semaphore, #tpu.memory_space<semaphore_mem>>)
      } else {
      }
    }
    %scan3A_26 = arith.constant 5 : i32
    %add3A_27 = arith.constant 0 : i32
    %add3A_28 = arith.addi %mul3A_2, %add3A_27 : i32
    %mul3A_29 = arith.constant 100000 : i32
    %mul3A_30 = arith.muli %add3A_28, %mul3A_29 : i32
    %add3A_31 = arith.constant 80000 : i32
    %add3A_32 = arith.addi %mul3A_30, %add3A_31 : i32
    %dma_wait3A = tpu.memref_slice %arg5[%add3A_32] : memref<6400000xf32, #tpu.memory_space<hbm>> -> memref<10000xf32, #tpu.memory_space<hbm>>
    %dma_wait3A_33 = tpu.memref_slice %arg5[%add3A_32] : memref<6400000xf32, #tpu.memory_space<hbm>> -> memref<10000xf32, #tpu.memory_space<hbm>>
    tpu.wait_dma2 semaphore(%arg18 : memref<!tpu.dma_semaphore, #tpu.memory_space<semaphore_mem>>) src(%arg12 : memref<10000xf32, #tpu.memory_space<vmem>>) dst(%dma_wait3A_33 : memref<10000xf32, #tpu.memory_space<hbm>>)
    %add3A_34 = arith.constant 1 : i32
    %add3A_35 = arith.addi %mul3A_2, %add3A_34 : i32
    %mul3A_36 = arith.constant 100000 : i32
    %mul3A_37 = arith.muli %add3A_35, %mul3A_36 : i32
    %add3A_38 = arith.constant 80000 : i32
    %add3A_39 = arith.addi %mul3A_37, %add3A_38 : i32
    %dma_wait3A_40 = tpu.memref_slice %arg5[%add3A_39] : memref<6400000xf32, #tpu.memory_space<hbm>> -> memref<10000xf32, #tpu.memory_space<hbm>>
    %dma_wait3A_41 = tpu.memref_slice %arg5[%add3A_39] : memref<6400000xf32, #tpu.memory_space<hbm>> -> memref<10000xf32, #tpu.memory_space<hbm>>
    tpu.wait_dma2 semaphore(%arg18 : memref<!tpu.dma_semaphore, #tpu.memory_space<semaphore_mem>>) src(%arg14 : memref<10000xf32, #tpu.memory_space<vmem>>) dst(%dma_wait3A_41 : memref<10000xf32, #tpu.memory_space<hbm>>)
    %add3A_42 = arith.constant 0 : i32
    %add3A_43 = arith.addi %mul3A_2, %add3A_42 : i32
    %mul3A_44 = arith.constant 100000 : i32
    %mul3A_45 = arith.muli %add3A_43, %mul3A_44 : i32
    %add3A_46 = arith.constant 90000 : i32
    %add3A_47 = arith.addi %mul3A_45, %add3A_46 : i32
    %dma_wait3A_48 = tpu.memref_slice %arg5[%add3A_47] : memref<6400000xf32, #tpu.memory_space<hbm>> -> memref<10000xf32, #tpu.memory_space<hbm>>
    %dma_wait3A_49 = tpu.memref_slice %arg5[%add3A_47] : memref<6400000xf32, #tpu.memory_space<hbm>> -> memref<10000xf32, #tpu.memory_space<hbm>>
    tpu.wait_dma2 semaphore(%arg19 : memref<!tpu.dma_semaphore, #tpu.memory_space<semaphore_mem>>) src(%arg13 : memref<10000xf32, #tpu.memory_space<vmem>>) dst(%dma_wait3A_49 : memref<10000xf32, #tpu.memory_space<hbm>>)
    %add3A_50 = arith.constant 1 : i32
    %add3A_51 = arith.addi %mul3A_2, %add3A_50 : i32
    %mul3A_52 = arith.constant 100000 : i32
    %mul3A_53 = arith.muli %add3A_51, %mul3A_52 : i32
    %add3A_54 = arith.constant 90000 : i32
    %add3A_55 = arith.addi %mul3A_53, %add3A_54 : i32
    %dma_wait3A_56 = tpu.memref_slice %arg5[%add3A_55] : memref<6400000xf32, #tpu.memory_space<hbm>> -> memref<10000xf32, #tpu.memory_space<hbm>>
    %dma_wait3A_57 = tpu.memref_slice %arg5[%add3A_55] : memref<6400000xf32, #tpu.memory_space<hbm>> -> memref<10000xf32, #tpu.memory_space<hbm>>
    tpu.wait_dma2 semaphore(%arg19 : memref<!tpu.dma_semaphore, #tpu.memory_space<semaphore_mem>>) src(%arg15 : memref<10000xf32, #tpu.memory_space<vmem>>) dst(%dma_wait3A_57 : memref<10000xf32, #tpu.memory_space<hbm>>)
    return
  }
}

</mosaic_0001>

<sc_bundles>
// kernel: kernel.3.cloned.1.call-start
scs
__scs_entry_jumppad:
0x0: {  	(pc) =	sbr.rel $0x88, $3  }
0x1: {  	(tag) =	ssettag $0x0;
	lr =	simm.s32 $0x1  }
0x2: {  	[smem:$0x3F9E] =	sst lr;
	_ =	strace $0xD0000000  }
0x3: {  	_ = 	snop  }
0x4: {  	_ = 	snop  }
0x5: {  	_ = 	snop  }
0x6: {  	_ = 	snop  }
0x7: {  	_ = 	snop  }
__scs_overlays_trampoline_lowered:
0x8: {  	[smem:$0x3FAD] =	sst s0  }
0x9: {  	[smem:$0x3FAE] =	sst s1  }
0xa: {  	[smem:$0x3FAF] =	sst s2  }
0xb: {  	[smem:$0x3FB0] =	sst s3  }
0xc: {  	[smem:$0x3FB1] =	sst s4  }
0xd: {  	[smem:$0x3FB2] =	sst s5  }
0xe: {  	[smem:$0x3FB3] =	sst s6  }
0xf: {  	[smem:$0x3FB4] =	sst s7  }
0x10: {  	[smem:$0x3FB5] =	sst s8  }
0x11: {  	[smem:$0x3FB6] =	sst s9;
	s0 =	simm.s32 @!p0 $0x0  }
0x12: {  	s1 =	sld [smem:$0x3F9C];
	s0 =	simm.s32 @p0 $0x1  }
0x13: {  	[smem:$0x3FB7] =	sst s0;
	s0 =	simm.s32 @!p1 $0x0  }
0x14: {  	s2 =	sld [smem:$0x3F9B];
	s0 =	simm.s32 @p1 $0x1  }
0x15: {  	[smem:$0x3FB8] =	sst s0;
	s0 =	simm.s32 @!p2 $0x0  }
0x16: {  	s3 =	sld [smem:$0x3FDB];
	s0 =	simm.s32 @p2 $0x1  }
0x17: {  	s4 =	simm.s32 $0x1BF5;
	[smem:$0x3FBA] =	sst s0  }
0x18: {  	s0 =	sld [smem:$0x3F9D];
	_ =	swait.ge [sflag:s4], $0x0  }
0x19: {  	s7 =	sld [smem:$0x3F9E]  }
0x1a: {  	s8 =	sadd.s32 $0xFFFFE003, lr  }
0x1b: {  	s9 =	sadd.s32 $0xFFFFFEF7, lr;
	s5 =	simm.s32 $0xFFFFFFFF;
	p2 =	slt.u32 s8, $0xFFFFF086  }
0x1c: {  	p1 =	slt.u32 s9, $0xF7A;
	s5 =	simm.s32 @!p2 $0x0  }
0x1d: {  	s5 =	simm.s32 @p1 $0x1;
	p0 =	seq.s32 s7, s2  }
0x1e: {  	s7 =	smul.u32 @!p0 $0xF7A, s2;
	p2 =	seq.s32 @!p0 s5, $0x0  }
0x1f: {  	s9 =	smul.u32 $0xF7A, s1;
	s8 =	simm.s32 @!p0 $0x1BF5;
	p2 =	por !p2, p0  }
0x20: {  	[sflag:s8] =	ssyncset.s32 @!p0 $0xFFFFF086;
	s6 =	sadd.s32 @!p0 s3, s7;
	s7 =	simm.s32 @!p0 $0x108  }
0x21: {  	s3 =	sadd.s32 s3, s9;
	s6 =	sadd.s32 @!p0 $0x88, s6;
	s7 =	simm.s32 @p2 $0x1082  }
0x22: {  	[simem:s7], [sflag:s8] =	dma.local @!p0 [hbm:s6], $0xF7A  }
0x23: {  	s9 =	sor.u32 $0xD0000000, s2;
	s6 =	simm.s32 $0x108;
	_ =	swait.ge @!p0 [sflag:s8], $0x0  }
0x24: {  	s3 =	sadd.s32 $0x88, s3;
	s6 =	simm.s32 @!p1 $0x1082;
	[sflag:s4] =	ssyncset.s32 $0xFFFFF086  }
0x25: {  	[simem:s6], [sflag:s4] =	dma.local [hbm:s3], $0xF7A  }
0x26: {  	[smem:$0x3F9E] =	sst s1;
	(tag) =	ssettag s2;
	_ =	strace s9  }
0x27: {  	s1 =	sld [smem:$0x3FAE]  }
0x28: {  	s2 =	sld [smem:$0x3FAF]  }
0x29: {  	s4 =	sld [smem:$0x3FB1]  }
0x2a: {  	p0 =	seq.s32 s5, $0x0;
	s5 =	sld [smem:$0x3FB2]  }
0x2b: {  	s6 =	sld [smem:$0x3FB3]  }
0x2c: {  	s7 =	sld [smem:$0x3FB4]  }
0x2d: {  	s3 =	simm.s32 $0x108;
	s8 =	sld [smem:$0x3FB5]  }
0x2e: {  	s3 =	simm.s32 @!p0 $0x1082;
	s9 =	sld [smem:$0x3FB6]  }
0x2f: {  	lr =	sadd.s32 s0, s3;
	s0 =	sld [smem:$0x3FAD]  }
0x30: {  	s3 =	sld [smem:$0x3FB0]  }
0x31: {  	[smem:$0x3FB9] =	sst s10  }
0x32: {  	s10 =	sld [smem:$0x3FB7];
	_ =	sdelay $0x3  }
0x33: {  	p0 =	seq.s32 s10, $0x1;
	s10 =	sld [smem:$0x3FB9];
	_ =	sdelay $0x3  }
0x34: {  	[smem:$0x3FB9] =	sst s10  }
0x35: {  	s10 =	sld [smem:$0x3FB8];
	_ =	sdelay $0x3  }
0x36: {  	p1 =	seq.s32 s10, $0x1;
	s10 =	sld [smem:$0x3FB9];
	_ =	sdelay $0x3  }
0x37: {  	[smem:$0x3FB9] =	sst s10  }
0x38: {  	s10 =	sld [smem:$0x3FBA]  }
0x39: {  	_ = 	snop;
	(pc) =	sbr.ind lr, $3  }
0x3a: {  	_ = 	snop  }
0x3b: {  	_ = 	snop  }
0x3c: {  	p2 =	seq.s32 s10, $0x1;
	s10 =	sld [smem:$0x3FB9]  }
0x3d: {  	_ =	shalt  }
0x3e: {  	_ =	shalt  }
0x3f: {  	_ =	shalt  }
0x40: {  	_ =	shalt  }
0x41: {  	_ =	shalt  }
0x42: {  	_ =	shalt  }
0x43: {  	_ =	shalt  }
0x44: {  	_ =	shalt  }
0x45: {  	_ =	shalt  }
0x46: {  	_ =	shalt  }
0x47: {  	_ =	shalt  }
0x48: {  	_ =	shalt  }
0x49: {  	_ =	shalt  }
0x4a: {  	_ =	shalt  }
0x4b: {  	_ =	shalt  }
0x4c: {  	_ =	shalt  }
0x4d: {  	_ =	shalt  }
0x4e: {  	_ =	shalt  }
0x4f: {  	_ =	shalt  }
0x50: {  	_ =	shalt  }
0x51: {  	_ =	shalt  }
0x52: {  	_ =	shalt  }
0x53: {  	_ =	shalt  }
0x54: {  	_ =	shalt  }
0x55: {  	_ =	shalt  }
0x56: {  	_ =	shalt  }
0x57: {  	_ =	shalt  }
0x58: {  	_ =	shalt  }
0x59: {  	_ =	shalt  }
0x5a: {  	_ =	shalt  }
0x5b: {  	_ =	shalt  }
0x5c: {  	_ =	shalt  }
0x5d: {  	_ =	shalt  }
0x5e: {  	_ =	shalt  }
0x5f: {  	_ =	shalt  }
0x60: {  	_ =	shalt  }
0x61: {  	_ =	shalt  }
0x62: {  	_ =	shalt  }
0x63: {  	_ =	shalt  }
0x64: {  	_ =	shalt  }
0x65: {  	_ =	shalt  }
0x66: {  	_ =	shalt  }
0x67: {  	_ =	shalt  }
0x68: {  	_ =	shalt  }
0x69: {  	_ =	shalt  }
0x6a: {  	_ =	shalt  }
0x6b: {  	_ =	shalt  }
0x6c: {  	_ =	shalt  }
0x6d: {  	_ =	shalt  }
0x6e: {  	_ =	shalt  }
0x6f: {  	_ =	shalt  }
0x70: {  	_ =	shalt  }
0x71: {  	_ =	shalt  }
0x72: {  	_ =	shalt  }
0x73: {  	_ =	shalt  }
0x74: {  	_ =	shalt  }
0x75: {  	_ =	shalt  }
0x76: {  	_ =	shalt  }
0x77: {  	_ =	shalt  }
0x78: {  	_ =	shalt  }
0x79: {  	_ =	shalt  }
0x7a: {  	_ =	shalt  }
0x7b: {  	_ =	shalt  }
0x7c: {  	_ =	shalt  }
0x7d: {  	_ =	shalt  }
0x7e: {  	_ =	shalt  }
0x7f: {  	_ =	shalt  }
0x80: {  	_ =	shalt  }
0x81: {  	_ =	shalt  }
0x82: {  	_ =	shalt  }
0x83: {  	_ =	shalt  }
0x84: {  	_ =	shalt  }
0x85: {  	_ =	shalt  }
0x86: {  	_ =	shalt  }
0x87: {  	_ =	shalt  }
.Lfunc_end0:
.L_simem_size_0:
called_computation_lowered:
.L_overlay_start_0:
0x88: {  	s2 =	sld [smem:$0x3FD9]  }
0x89: {  	s3 =	sld [smem:$0x3FFE];
	_ =	sdelay $0x1  }
0x8a: {  	s1 =	srdreg.scid  }
0x8b: {  	s0 =	sand.u32 $0x1, s1  }
0x8c: {  	s17 =	sshll.u32 s0, $0xA;
	s2 =	sadd.s32 s3, s2  }
0x8d: {  	s2 =	sadd.s32 s2, s17  }
0x8e: {  	[smem:$0x3FC5] =	sst s2  }
0x8f: {  	_ = 	snop  }
0x90: {  	s2 =	sld [smem:$0x3FD0];
	(tm) =	ssettm $0x1  }
0x91: {  	s18 =	sld [smem:$0x3FFB];
	_ =	sdelay $0x3  }
0x92: {  	_ =	strace s18  }
0x93: {  	s3 =	sld [smem:$0x3FFC];
	_ =	sdelay $0x3  }
0x94: {  	_ =	strace s3  }
0x95: {  	s3 =	sld [smem:$0x3FFD];
	_ =	sdelay $0x3  }
0x96: {  	_ =	strace s3  }
0x97: {  	_ =	strace $0x8FFFFFFF  }
0x98: {  	s19 =	sld [smem:$0x3FDB];
	_ =	sdelay $0x1  }
0x99: {  	s4 =	simm.s32 $_scs_section_size  }
0x9a: {  	s5 =	simm.s32 $_size__tile_overlayer_lowered;
	s6 =	simm.s32 $_tile_overlayer_lowered  }
0x9b: {  	s22 =	simm.s32 $0x1BFF;
	s21 =	sshll.u32 s6, $0x1;
	s3 =	sadd.s32 s4, s19  }
0x9c: {  	s7 =	simm.s32 $0x0;
	s20 =	sshll.u32 s5, $0x1;
	s5 =	sadd.s32 s21, s3  }
0x9d: {  	[timem:s7], [sflag:s22] =	dma.local [hbm:s5], s20  }
0x9e: {  	_ =	swait.ge [sflag:s22], s20  }
0x9f: {  	s4 =	ssub.s32 $0x0, s20;
	[sflag:s22] =	ssyncset.done $0x0  }
0xa0: {  	[sflag:s22] =	ssyncadd.s32 s4;
	_ =	sdelay $0x1  }
0xa1: {  	s23 =	simm.s32 $0x1B8B  }
0xa2: {  	_ =	swait.ge [sflag:s23], $0x1  }
0xa3: {  	[sflag:s23] =	ssyncset.done $0x0  }
0xa4: {  	s25 =	simm.s32 $0x1B8E;
	s24 =	sld [smem:$0x3FFE];
	[sflag:s23] =	ssyncadd.s32 $0xFFFFFFFF  }
0xa5: {  	s26 =	simm.s32 $execute0_lowered;
	[smem:$0x3FD2] =	sst s25  }
0xa6: {  	s5 =	sshll.u32 s26, $0x1;
	_ =	strace $0x80000046;
	[dreg:$0x1] =	wrdreg $0xFFFFFFFF  }
0xa7: {  	s28 =	simm.s32 $_size_execute0_lowered;
	s3 =	sadd.s32 s3, s5;
	[dreg:$0x0] =	wrdreg $0x0  }
0xa8: {  	s5 =	sshll.u32 s28, $0x1;
	[dreg:$0x2] =	wrdreg s3  }
0xa9: {  	[dreg:$0x3] =	wrdreg s5  }
0xaa: {  	[dreg:$0x4] =	wrdreg $0xC0  }
0xab: {  	_ =	task [dreg:s7], $0x5FFFF  }
0xac: {  	[dreg:$0x1] =	wrdreg $0xFFFFFFFF  }
0xad: {  	[dreg:$0x0] =	wrdreg $0x60  }
0xae: {  	[dreg:$0x2] =	wrdreg s24  }
0xaf: {  	[dreg:$0x3] =	wrdreg s2  }
0xb0: {  	[dreg:$0x4] =	wrdreg $0x9  }
0xb1: {  	_ =	task.clear_ibuf [dreg:s7], $0x5FFFF;
	_ =	strace $0x90000046  }
0xb2: {  	s29 =	simm.s32 $0x9;
	_ =	strace $0x80000048  }
0xb3: {  	_ =	swait.ge [sflag:s29], $0x1  }
0xb4: {  	[sflag:s29] =	ssyncadd.s32 $0xFFFFFFFF  }
0xb5: {  	_ =	strace $0x90000048  }
0xb6: {  	_ =	sfence  }
0xb7: {  	s30 =	sld [smem:$0x0];
	_ =	sdelay $0x2  }
0xb8: {  	s31 =	sshll.u32 s1, $0xD;
	s1 =	sshrl.u32 s1, $0x2  }
0xb9: {  	s3 =	sand.u32 $0x4000, s31;
	s1 =	sadd.s32 s1, s30  }
0xba: {  	s0 =	sor.u32 s3, s0;
	s1 =	sshll.u32 s1, $0x11  }
0xbb: {  	s0 =	sor.u32 s1, s0  }
0xbc: {  	s0 =	sadd.s32 $0x8F2B, s0  }
0xbd: {  	[sflag:s0] =	ssyncadd.remote.s32 $0x1  }
0xbe: {  	_ =	sfence.sel $0xFFFF  }
0xbf: {  	[dreg:$0x0] =	wrdreg $0xFFFFFFFF;
	(pc) =	sbr.abs _section_cstart, $3  }
0xc0: {  	[dreg:$0x1] =	wrdreg $0xFFFFFFFF  }
0xc1: {  	_ =	task.clear_ibuf [dreg:s7], $0x2FFFF;
	_ =	strace $0x9FFFFFFF  }
0xc2: {  	(tm) =	ssettm $0x7FFFFFFF  }
0xc3: {  	_ =	shalt  }
tec
execute0_lowered:
.L_overlay_start_1:
0x0: {  	(tag) =	ssettag $0x1  }
0x1: {  	s0 =	rddreg [dreg:$0x0]  }
0x2: {  	s1 =	rddreg [dreg:$0x1]  }
0x3: {  	s2 =	simm.s32 $0x0;
	s3 =	srdreg.scid;
	s4 =	stileid.u32  }
0x4: {  	s13 =	simm.s32 $0x5;
	s14 =	simm.s32 $0x80;
	s15 =	simm.s32 $0x100  }
0x5: {  	s16 =	simm.s32 $0x180;
	s18 =	simm.s32 $0x2980;
	s19 =	simm.s32 $0x1  }
0x6: {  	s20 =	simm.s32 $0x5100;
	s21 =	simm.s32 $0xA000;
	s22 =	simm.s32 $0x2  }
0x7: {  	s23 =	simm.s32 $0x7880;
	s24 =	simm.s32 $0xC780;
	s25 =	simm.s32 $0x3  }
0x8: {  	s26 =	simm.s32 $0x4;
	s28 =	simm.s32 $0x0;
	[smem:$0x7FF] =	sst s2  }
0x9: {  	s5 =	sand.u32 $0x1, s3;
	s4 =	sshll.u32 s4, $0x1;
	s3 =	sadd.s32 $0x200, s0  }
0xa: {  	s6 =	sadd.s32 $0x3400, s0;
	_ =	strace $0x80000047;
	s7 =	sor.u32 s5, s4  }
0xb: {  	s4 =	sadd.s32 $0x3600, s0;
	s5 =	ssub.s32 $0x2, s5;
	s0 =	sadd.s32 $0x6E2, s0  }
0xc: {  	s8 =	sshllo.u32 s7, $0x1;
	s9 =	sshrl.u32 s5, $0x1;
	s10 =	sshll.u32 s7, $0x4  }
.Ltmp0:
0xd: {  	[dreg:$0x7] =	wrdreg s0;
	s30 =	sadd.s32 s6, s10;
	(pc) =	sbr.rel .LBB2_1-.Ltmp0, $4  }
0xe: {  	s11 =	sshll.u32 s8, $0x3;
	s31 =	sadd.s32 s1, s10;
	[dreg:$0x3] =	wrdreg s30  }
0xf: {  	s5 =	ssub.s32 s5, s9;
	s6 =	sadd.s32 s6, s11;
	[dreg:$0x5] =	wrdreg s31  }
0x10: {  	s9 =	smul.u32 $0x30D40, s7;
	s1 =	sadd.s32 s1, s11;
	[dreg:$0x4] =	wrdreg s6  }
0x11: {  	s11 =	smul.u32 $0x186A0, s8;
	s12 =	smax.u32 s5, $0x1;
	[dreg:$0x6] =	wrdreg s1  }
.LBB2_8:
0x12: {  	_ =	swait.ge [sflag:s25], $0x2710  }
0x13: {  	[sflag:s25] =	ssyncset.done $0x0  }
0x14: {  	[sflag:s25] =	ssyncadd.s32 $0xFFFFD8F0  }
0x15: {  	_ =	swait.ge [sflag:s25], $0x2710  }
0x16: {  	[sflag:s25] =	ssyncset.done $0x0  }
0x17: {  	s28 =	sadd.s32 $0x1, s28;
	[sflag:s25] =	ssyncadd.s32 $0xFFFFD8F0  }
0x18: {  	p0 =	sne.s32 s28, s12;
	_ =	swait.ge [sflag:s26], $0x2710  }
.Ltmp1:
0x19: {  	[sflag:s26] =	ssyncset.done $0x0;
	(pc) =	sbr.rel @!p0 .LBB2_9-.Ltmp1, $4  }
0x1a: {  	[sflag:s26] =	ssyncadd.s32 $0xFFFFD8F0  }
0x1b: {  	_ =	swait.ge [sflag:s26], $0x2710  }
0x1c: {  	[sflag:s26] =	ssyncset.done $0x0  }
0x1d: {  	[sflag:s26] =	ssyncadd.s32 $0xFFFFD8F0  }
.LBB2_1:
0x1e: {  	s0 =	rddreg [dreg:$0x3]  }
0x1f: {  	[tilespmem:s2], [sflag:$0x5] =	stream.linear.gather [hbm4b:s0+s2], $0x40, $0x38;
	[tilespmem:$0xEF00] =	vst v63  }
0x20: {  	_ =	swait.ge [sflag:s13], $0x40  }
0x21: {  	[sflag:s13] =	ssyncset.done $0x0  }
0x22: {  	s8 =	rddreg [dreg:$0x4];
	[sflag:s13] =	ssyncadd.s32 $0xFFFFFFC0  }
0x23: {  	[tilespmem:s14], [sflag:$0x5] =	stream.linear.gather [hbm4b:s8+s2], $0x40, $0x38;
	[tilespmem:$0xEF00] =	vst v63  }
0x24: {  	_ =	swait.ge [sflag:s13], $0x40  }
0x25: {  	[sflag:s13] =	ssyncset.done $0x0  }
0x26: {  	s10 =	rddreg [dreg:$0x5];
	[sflag:s13] =	ssyncadd.s32 $0xFFFFFFC0  }
0x27: {  	[tilespmem:s15], [sflag:$0x5] =	stream.linear.gather [hbm4b:s10+s2], $0x40, $0x38;
	[tilespmem:$0xEF00] =	vst v63  }
0x28: {  	_ =	swait.ge [sflag:s13], $0x40  }
0x29: {  	[sflag:s13] =	ssyncset.done $0x0  }
0x2a: {  	s17 =	rddreg [dreg:$0x6];
	[sflag:s13] =	ssyncadd.s32 $0xFFFFFFC0  }
0x2b: {  	[tilespmem:s16], [sflag:$0x5] =	stream.linear.gather [hbm4b:s17+s2], $0x40, $0x38;
	[tilespmem:$0xEF00] =	vst v63  }
0x2c: {  	_ =	swait.ge [sflag:s13], $0x40  }
0x2d: {  	[sflag:s13] =	ssyncset.done $0x0  }
0x2e: {  	s30 =	simm.s32 $0x200;
	[sflag:s13] =	ssyncadd.s32 $0xFFFFFFC0  }
0x2f: {  	[tilespmem:s30], [sflag:$0x1] =	stream.linear.gather [hbm4b:s3+s2], $0x2710, $0x38;
	[tilespmem:$0xEF00] =	vst v63  }
0x30: {  	s29 =	simm.s32 $0x0;
	s31 =	rddreg [dreg:$0x7]  }
0x31: {  	[tilespmem:s18], [sflag:$0x2] =	stream.linear.gather [hbm4b:s31+s2], $0x2710, $0x38;
	[tilespmem:$0xEF00] =	vst v63  }
.LBB2_2:
0x32: {  	_ =	swait.ge [sflag:s19], $0x2710  }
0x33: {  	p0 =	seq.s32 s29, $0x0;
	[sflag:s19] =	ssyncset.done $0x0  }
0x34: {  	s0 =	simm.s32 @!p0 $0x3;
	[sflag:s19] =	ssyncadd.s32 $0xFFFFD8F0  }
0x35: {  	_ =	swait.ge @!p0 [sflag:s0], $0x2710  }
0x36: {  	[sflag:s0] =	ssyncset.done @!p0 $0x0  }
0x37: {  	[sflag:s0] =	ssyncadd.s32 @!p0 $0xFFFFD8F0  }
0x38: {  	_ =	swait.ge @!p0 [sflag:s0], $0x2710  }
0x39: {  	[sflag:s0] =	ssyncset.done @!p0 $0x0  }
0x3a: {  	s8 =	simm.s32 $0x220;
	[sflag:s0] =	ssyncadd.s32 @!p0 $0xFFFFD8F0  }
0x3b: {  	v0 =	vld [tilespmem:s8+$0x20];
	_ =	sdelay $0x4  }
0x3c: {  	v1 =	vmax.f32 v0, $0.0e+00  }
0x3d: {  	v1 =	vmin.f32 v1, $6.300000000e+01  }
0x3e: {  	v1 =	vtrunc.f32 v1  }
0x3f: {  	v1 =	vcvt.f32.s32 v1;
	_ =	sdelay $0x5  }
0x40: {  	v2 =	vld.idx.msk [tilespmem:v1+s2+$0x0], $0xffff  }
0x41: {  	v3 =	vld.idx.msk [tilespmem:v1+s14+$0x0], $0xffff  }
0x42: {  	v4 =	vld.idx.msk [tilespmem:v1+s15+$0x0], $0xffff  }
0x43: {  	v1 =	vld.idx.msk [tilespmem:v1+s16+$0x0], $0xffff;
	_ =	sdelay $0x1  }
0x44: {  	v2 =	vmul.f32 v2, v0  }
0x45: {  	v0 =	vmul.f32 v3, v0  }
0x46: {  	v2 =	vadd.f32 v4, v2  }
0x47: {  	v0 =	vadd.f32 v1, v0  }
0x48: {  	v1 =	vmax.f32 v2, $0.0e+00  }
0x49: {  	v3 =	vmax.f32 v0, $0.0e+00;
	v1 =	vmin.f32 v1, $6.300000000e+01  }
0x4a: {  	v3 =	vmin.f32 v3, $6.300000000e+01;
	v1 =	vtrunc.f32 v1  }
0x4b: {  	v3 =	vtrunc.f32 v3;
	v1 =	vcvt.f32.s32 v1  }
0x4c: {  	v5 =	vld [tilespmem:s8+$0xFFFFFFF0];
	v3 =	vcvt.f32.s32 v3  }
0x4d: {  	v4 =	vld [tilespmem:s8+$0xFFFFFFE0];
	_ =	sdelay $0x2  }
0x4e: {  	v6 =	vld [tilespmem:s8+$0x0]  }
0x4f: {  	v10 =	vmax.f32 v5, $0.0e+00;
	v7 =	vld.idx.msk [tilespmem:v1+s2+$0x0], $0xffff  }
0x50: {  	v10 =	vmin.f32 v10, $6.300000000e+01;
	v8 =	vmax.f32 v4, $0.0e+00;
	v9 =	vld.idx.msk [tilespmem:v3+s14+$0x0], $0xffff  }
0x51: {  	v10 =	vtrunc.f32 v10;
	v8 =	vmin.f32 v8, $6.300000000e+01;
	v1 =	vld.idx.msk [tilespmem:v1+s15+$0x0], $0xffff  }
0x52: {  	v10 =	vcvt.f32.s32 v10;
	v8 =	vtrunc.f32 v8;
	v3 =	vld.idx.msk [tilespmem:v3+s16+$0x0], $0xffff  }
0x53: {  	v8 =	vcvt.f32.s32 v8  }
0x54: {  	v2 =	vmul.f32 v7, v2  }
0x55: {  	v11 =	vmax.f32 v6, $0.0e+00;
	v0 =	vmul.f32 v9, v0  }
0x56: {  	v7 =	vmin.f32 v11, $6.300000000e+01;
	v1 =	vadd.f32 v1, v2  }
0x57: {  	v7 =	vtrunc.f32 v7;
	v0 =	vadd.f32 v3, v0  }
0x58: {  	v13 =	vld.idx.msk [tilespmem:v10+s2+$0x0], $0xffff;
	v2 =	vcvt.f32.s32 v7;
	v7 =	vmax.f32 v1, $0.0e+00  }
0x59: {  	v12 =	vld.idx.msk [tilespmem:v8+s14+$0x0], $0xffff;
	v11 =	vmax.f32 v0, $0.0e+00;
	v7 =	vmin.f32 v7, $6.300000000e+01  }
0x5a: {  	v9 =	vld.idx.msk [tilespmem:v8+s2+$0x0], $0xffff;
	v11 =	vmin.f32 v11, $6.300000000e+01;
	v7 =	vtrunc.f32 v7  }
0x5b: {  	v14 =	vld.idx.msk [tilespmem:v10+s14+$0x0], $0xffff;
	v11 =	vtrunc.f32 v11;
	v7 =	vcvt.f32.s32 v7  }
0x5c: {  	v3 =	vld [tilespmem:s8+$0x10];
	v11 =	vcvt.f32.s32 v11  }
0x5d: {  	v17 =	vld.idx.msk [tilespmem:v8+s15+$0x0], $0xffff  }
0x5e: {  	v8 =	vld.idx.msk [tilespmem:v8+s16+$0x0], $0xffff  }
0x5f: {  	v9 =	vmul.f32 v9, v4;
	v4 =	vmul.f32 v12, v4;
	v12 =	vld.idx.msk [tilespmem:v10+s15+$0x0], $0xffff  }
0x60: {  	v15 =	vld.idx.msk [tilespmem:v2+s2+$0x0], $0xffff  }
0x61: {  	v18 =	vmax.f32 v3, $0.0e+00;
	v19 =	vld.idx.msk [tilespmem:v7+s2+$0x0], $0xffff  }
0x62: {  	v18 =	vmin.f32 v18, $6.300000000e+01;
	v20 =	vld.idx.msk [tilespmem:v11+s14+$0x0], $0xffff  }
0x63: {  	v18 =	vtrunc.f32 v18;
	v7 =	vld.idx.msk [tilespmem:v7+s15+$0x0], $0xffff  }
0x64: {  	v9 =	vadd.f32 v17, v9;
	v18 =	vcvt.f32.s32 v18;
	v11 =	vld.idx.msk [tilespmem:v11+s16+$0x0], $0xffff  }
0x65: {  	v16 =	vld.idx.msk [tilespmem:v2+s14+$0x0], $0xffff  }
0x66: {  	v4 =	vadd.f32 v8, v4;
	v8 =	vmax.f32 v9, $0.0e+00;
	v1 =	vmul.f32 v19, v1  }
0x67: {  	v13 =	vmul.f32 v13, v5;
	v8 =	vmin.f32 v8, $6.300000000e+01;
	v0 =	vmul.f32 v20, v0  }
0x68: {  	v5 =	vmul.f32 v14, v5;
	v10 =	vld.idx.msk [tilespmem:v10+s16+$0x0], $0xffff;
	v8 =	vtrunc.f32 v8;
	v1 =	vadd.f32 v7, v1  }
0x69: {  	v8 =	vcvt.f32.s32 v8;
	v14 =	vmul.f32 v15, v6;
	v0 =	vadd.f32 v11, v0  }
0x6a: {  	v6 =	vmul.f32 v16, v6;
	v16 =	vld.idx.msk [tilespmem:v18+s2+$0x0], $0xffff;
	v11 =	vadd.f32 v12, v13;
	v12 =	vmax.f32 v1, $0.0e+00  }
0x6b: {  	v17 =	vld.idx.msk [tilespmem:v18+s14+$0x0], $0xffff;
	v13 =	vmax.f32 v0, $0.0e+00;
	v12 =	vmin.f32 v12, $6.300000000e+01  }
0x6c: {  	v7 =	vld.idx.msk [tilespmem:v2+s15+$0x0], $0xffff;
	v13 =	vmin.f32 v13, $6.300000000e+01;
	v12 =	vtrunc.f32 v12  }
0x6d: {  	v5 =	vadd.f32 v10, v5;
	v2 =	vld.idx.msk [tilespmem:v2+s16+$0x0], $0xffff;
	v10 =	vcvt.f32.s32 v12;
	v12 =	vtrunc.f32 v13  }
0x6e: {  	v12 =	vcvt.f32.s32 v12  }
0x6f: {  	v15 =	vmax.f32 v4, $0.0e+00;
	v16 =	vmul.f32 v16, v3  }
0x70: {  	v3 =	vmul.f32 v17, v3;
	v17 =	vld.idx.msk [tilespmem:v8+s2+$0x0], $0xffff;
	v13 =	vmin.f32 v15, $6.300000000e+01;
	v15 =	vmax.f32 v11, $0.0e+00  }
0x71: {  	v8 =	vld.idx.msk [tilespmem:v8+s15+$0x0], $0xffff;
	v7 =	vadd.f32 v7, v14;
	v14 =	vmin.f32 v15, $6.300000000e+01;
	v15 =	vmax.f32 v5, $0.0e+00  }
0x72: {  	v2 =	vadd.f32 v2, v6;
	v6 =	vmin.f32 v15, $6.300000000e+01;
	v15 =	vld.idx.msk [tilespmem:v18+s15+$0x0], $0xffff  }
0x73: {  	v13 =	vtrunc.f32 v13;
	v21 =	vld.idx.msk [tilespmem:v10+s2+$0x0], $0xffff  }
0x74: {  	v13 =	vcvt.f32.s32 v13;
	v22 =	vld.idx.msk [tilespmem:v12+s14+$0x0], $0xffff  }
0x75: {  	v9 =	vmul.f32 v17, v9;
	v19 =	vmax.f32 v7, $0.0e+00;
	v14 =	vtrunc.f32 v14;
	v10 =	vld.idx.msk [tilespmem:v10+s15+$0x0], $0xffff  }
0x76: {  	v20 =	vmax.f32 v2, $0.0e+00;
	v19 =	vmin.f32 v19, $6.300000000e+01;
	v14 =	vcvt.f32.s32 v14;
	v12 =	vld.idx.msk [tilespmem:v12+s16+$0x0], $0xffff  }
0x77: {  	v18 =	vld.idx.msk [tilespmem:v18+s16+$0x0], $0xffff;
	v6 =	vtrunc.f32 v6;
	v20 =	vmin.f32 v20, $6.300000000e+01;
	v19 =	vtrunc.f32 v19  }
0x78: {  	v8 =	vadd.f32 v8, v9;
	v6 =	vcvt.f32.s32 v6;
	v1 =	vmul.f32 v21, v1  }
0x79: {  	v20 =	vtrunc.f32 v20;
	v0 =	vmul.f32 v22, v0  }
0x7a: {  	v20 =	vcvt.f32.s32 v20;
	v9 =	vmax.f32 v8, $0.0e+00;
	v23 =	vld.idx.msk [tilespmem:v13+s14+$0x0], $0xffff;
	v1 =	vadd.f32 v10, v1  }
0x7b: {  	v19 =	vcvt.f32.s32 v19;
	v9 =	vmin.f32 v9, $6.300000000e+01;
	v13 =	vld.idx.msk [tilespmem:v13+s16+$0x0], $0xffff;
	v0 =	vadd.f32 v12, v0  }
0x7c: {  	v15 =	vadd.f32 v15, v16;
	v3 =	vadd.f32 v18, v3;
	v16 =	vld.idx.msk [tilespmem:v14+s2+$0x0], $0xffff;
	v24 =	vmax.f32 v1, $0.0e+00  }
0x7d: {  	v9 =	vtrunc.f32 v9;
	v14 =	vld.idx.msk [tilespmem:v14+s15+$0x0], $0xffff;
	v24 =	vmin.f32 v24, $6.300000000e+01;
	v25 =	vmax.f32 v0, $0.0e+00  }
0x7e: {  	v18 =	vld.idx.msk [tilespmem:v6+s14+$0x0], $0xffff;
	v21 =	vmax.f32 v3, $0.0e+00;
	v24 =	vtrunc.f32 v24;
	v25 =	vmin.f32 v25, $6.300000000e+01  }
0x7f: {  	v6 =	vld.idx.msk [tilespmem:v6+s16+$0x0], $0xffff;
	v10 =	vmax.f32 v15, $0.0e+00;
	v24 =	vcvt.f32.s32 v24;
	v25 =	vtrunc.f32 v25  }
0x80: {  	v4 =	vmul.f32 v23, v4;
	v12 =	vmin.f32 v21, $6.300000000e+01;
	v21 =	vld.idx.msk [tilespmem:v20+s14+$0x0], $0xffff;
	v17 =	vcvt.f32.s32 v25  }
0x81: {  	v9 =	vcvt.f32.s32 v9;
	v22 =	vld.idx.msk [tilespmem:v19+s2+$0x0], $0xffff;
	v10 =	vmin.f32 v10, $6.300000000e+01  }
0x82: {  	v11 =	vmul.f32 v16, v11;
	v16 =	vld.idx.msk [tilespmem:v20+s16+$0x0], $0xffff;
	v10 =	vtrunc.f32 v10;
	v4 =	vadd.f32 v13, v4  }
0x83: {  	v19 =	vld.idx.msk [tilespmem:v19+s15+$0x0], $0xffff;
	v12 =	vtrunc.f32 v12;
	v5 =	vmul.f32 v18, v5  }
0x84: {  	v10 =	vcvt.f32.s32 v10;
	v11 =	vadd.f32 v14, v11;
	v13 =	vmax.f32 v4, $0.0e+00  }
0x85: {  	v5 =	vadd.f32 v6, v5;
	v13 =	vmin.f32 v13, $6.300000000e+01;
	v2 =	vmul.f32 v21, v2;
	v6 =	vld.idx.msk [tilespmem:v24+s2+$0x0], $0xffff  }
0x86: {  	v7 =	vmul.f32 v22, v7;
	v13 =	vtrunc.f32 v13;
	v18 =	vld.idx.msk [tilespmem:v17+s14+$0x0], $0xffff  }
0x87: {  	v14 =	vmax.f32 v11, $0.0e+00;
	v13 =	vcvt.f32.s32 v13;
	v2 =	vadd.f32 v16, v2;
	v16 =	vld.idx.msk [tilespmem:v24+s15+$0x0], $0xffff  }
0x88: {  	v7 =	vadd.f32 v19, v7;
	v14 =	vmin.f32 v14, $6.300000000e+01;
	v19 =	vmax.f32 v5, $0.0e+00;
	v17 =	vld.idx.msk [tilespmem:v17+s16+$0x0], $0xffff  }
0x89: {  	v12 =	vcvt.f32.s32 v12;
	v19 =	vmin.f32 v19, $6.300000000e+01;
	v14 =	vtrunc.f32 v14  }
0x8a: {  	v20 =	vmax.f32 v7, $0.0e+00;
	v19 =	vtrunc.f32 v19;
	v1 =	vmul.f32 v6, v1  }
0x8b: {  	v22 =	vld.idx.msk [tilespmem:v9+s2+$0x0], $0xffff;
	v14 =	vcvt.f32.s32 v14;
	v20 =	vmin.f32 v20, $6.300000000e+01;
	v0 =	vmul.f32 v18, v0  }
0x8c: {  	v9 =	vld.idx.msk [tilespmem:v9+s15+$0x0], $0xffff;
	v19 =	vcvt.f32.s32 v19;
	v21 =	vmax.f32 v2, $0.0e+00;
	v1 =	vadd.f32 v16, v1  }
0x8d: {  	v20 =	vtrunc.f32 v20;
	v23 =	vld.idx.msk [tilespmem:v13+s14+$0x0], $0xffff;
	v6 =	vmin.f32 v21, $6.300000000e+01;
	v0 =	vadd.f32 v17, v0  }
0x8e: {  	v13 =	vld.idx.msk [tilespmem:v13+s16+$0x0], $0xffff;
	v6 =	vtrunc.f32 v6;
	v17 =	vcvt.f32.s32 v20;
	v20 =	vmax.f32 v1, $0.0e+00  }
0x8f: {  	v16 =	vld.idx.msk [tilespmem:v12+s14+$0x0], $0xffff;
	v6 =	vcvt.f32.s32 v6;
	v20 =	vmin.f32 v20, $6.300000000e+01;
	v21 =	vmax.f32 v0, $0.0e+00  }
0x90: {  	v18 =	vld.idx.msk [tilespmem:v10+s2+$0x0], $0xffff;
	v20 =	vtrunc.f32 v20;
	v21 =	vmin.f32 v21, $6.300000000e+01  }
0x91: {  	v12 =	vld.idx.msk [tilespmem:v12+s16+$0x0], $0xffff;
	v20 =	vcvt.f32.s32 v20;
	v21 =	vtrunc.f32 v21  }
0x92: {  	v10 =	vld.idx.msk [tilespmem:v10+s15+$0x0], $0xffff;
	v21 =	vcvt.f32.s32 v21  }
0x93: {  	v24 =	vld.idx.msk [tilespmem:v14+s2+$0x0], $0xffff  }
0x94: {  	v25 =	vld.idx.msk [tilespmem:v19+s14+$0x0], $0xffff;
	v3 =	vmul.f32 v16, v3  }
0x95: {  	v15 =	vmul.f32 v18, v15;
	v18 =	vld.idx.msk [tilespmem:v6+s14+$0x0], $0xffff  }
0x96: {  	v16 =	vld.idx.msk [tilespmem:v17+s2+$0x0], $0xffff;
	v3 =	vadd.f32 v12, v3  }
0x97: {  	v10 =	vadd.f32 v10, v15;
	v12 =	vld.idx.msk [tilespmem:v20+s2+$0x0], $0xffff  }
0x98: {  	v8 =	vmul.f32 v22, v8;
	v4 =	vmul.f32 v23, v4;
	v26 =	vmax.f32 v3, $0.0e+00;
	v27 =	vld.idx.msk [tilespmem:v21+s14+$0x0], $0xffff  }
0x99: {  	v11 =	vmul.f32 v24, v11;
	v15 =	vmax.f32 v10, $0.0e+00;
	v26 =	vmin.f32 v26, $6.300000000e+01;
	v20 =	vld.idx.msk [tilespmem:v20+s15+$0x0], $0xffff  }
0x9a: {  	v5 =	vmul.f32 v25, v5;
	v15 =	vmin.f32 v15, $6.300000000e+01;
	v26 =	vtrunc.f32 v26;
	v21 =	vld.idx.msk [tilespmem:v21+s16+$0x0], $0xffff  }
0x9b: {  	v8 =	vadd.f32 v9, v8;
	v9 =	vld.idx.msk [tilespmem:v17+s15+$0x0], $0xffff;
	v15 =	vtrunc.f32 v15;
	v26 =	vcvt.f32.s32 v26  }
0x9c: {  	v15 =	vcvt.f32.s32 v15;
	v1 =	vmul.f32 v12, v1  }
0x9d: {  	v4 =	vadd.f32 v13, v4;
	v2 =	vmul.f32 v18, v2;
	v12 =	vld.idx.msk [tilespmem:v14+s15+$0x0], $0xffff;
	v0 =	vmul.f32 v27, v0  }
0x9e: {  	v7 =	vmul.f32 v16, v7;
	v16 =	vmax.f32 v8, $0.0e+00;
	v14 =	vld.idx.msk [tilespmem:v19+s16+$0x0], $0xffff;
	v1 =	vadd.f32 v20, v1  }
0x9f: {  	v6 =	vld.idx.msk [tilespmem:v6+s16+$0x0], $0xffff;
	v18 =	vmax.f32 v4, $0.0e+00;
	v16 =	vmin.f32 v16, $6.300000000e+01;
	v0 =	vadd.f32 v21, v0  }
0xa0: {  	v7 =	vadd.f32 v9, v7;
	v16 =	vtrunc.f32 v16;
	v13 =	vmax.f32 v1, $0.0e+00  }
0xa1: {  	v16 =	vcvt.f32.s32 v16;
	v9 =	vld.idx.msk [tilespmem:v26+s14+$0x0], $0xffff;
	v13 =	vmin.f32 v13, $6.300000000e+01;
	v17 =	vmax.f32 v0, $0.0e+00  }
0xa2: {  	v11 =	vadd.f32 v12, v11;
	v12 =	vtrunc.f32 v13;
	v13 =	vmin.f32 v17, $6.300000000e+01;
	v17 =	vld.idx.msk [tilespmem:v15+s2+$0x0], $0xffff  }
0xa3: {  	v5 =	vadd.f32 v14, v5;
	v14 =	vmin.f32 v18, $6.300000000e+01;
	v12 =	vcvt.f32.s32 v12  }
0xa4: {  	v2 =	vadd.f32 v6, v2;
	v14 =	vtrunc.f32 v14;
	v13 =	vtrunc.f32 v13  }
0xa5: {  	v18 =	vmax.f32 v11, $0.0e+00;
	v19 =	vmax.f32 v5, $0.0e+00;
	v14 =	vcvt.f32.s32 v14  }
0xa6: {  	v15 =	vld.idx.msk [tilespmem:v15+s15+$0x0], $0xffff;
	v3 =	vmul.f32 v9, v3;
	v13 =	vcvt.f32.s32 v13;
	v18 =	vmin.f32 v18, $6.300000000e+01  }
0xa7: {  	v20 =	vld.idx.msk [tilespmem:v26+s16+$0x0], $0xffff;
	v18 =	vtrunc.f32 v18;
	v10 =	vmul.f32 v17, v10;
	v17 =	vmax.f32 v2, $0.0e+00  }
0xa8: {  	v19 =	vmin.f32 v19, $6.300000000e+01;
	v18 =	vcvt.f32.s32 v18;
	v9 =	vmin.f32 v17, $6.300000000e+01;
	v17 =	vld.idx.msk [tilespmem:v16+s2+$0x0], $0xffff  }
0xa9: {  	v21 =	vmax.f32 v7, $0.0e+00;
	v19 =	vtrunc.f32 v19;
	v22 =	vld.idx.msk [tilespmem:v12+s2+$0x0], $0xffff  }
0xaa: {  	v21 =	vmin.f32 v21, $6.300000000e+01;
	v19 =	vcvt.f32.s32 v19;
	v12 =	vld.idx.msk [tilespmem:v12+s15+$0x0], $0xffff  }
0xab: {  	v6 =	vtrunc.f32 v21;
	v10 =	vadd.f32 v15, v10;
	v15 =	vld.idx.msk [tilespmem:v14+s14+$0x0], $0xffff  }
0xac: {  	v6 =	vcvt.f32.s32 v6;
	v21 =	vld.idx.msk [tilespmem:v13+s14+$0x0], $0xffff  }
0xad: {  	v9 =	vtrunc.f32 v9;
	v13 =	vld.idx.msk [tilespmem:v13+s16+$0x0], $0xffff  }
0xae: {  	v3 =	vadd.f32 v20, v3;
	v9 =	vcvt.f32.s32 v9;
	v20 =	vld.idx.msk [tilespmem:v18+s2+$0x0], $0xffff  }
0xaf: {  	v8 =	vmul.f32 v17, v8;
	v17 =	vld.idx.msk [tilespmem:v18+s15+$0x0], $0xffff  }
0xb0: {  	v1 =	vmul.f32 v22, v1;
	v22 =	vld.idx.msk [tilespmem:v19+s14+$0x0], $0xffff  }
0xb1: {  	v19 =	vld.idx.msk [tilespmem:v19+s16+$0x0], $0xffff  }
0xb2: {  	v24 =	vmax.f32 v3, $0.0e+00;
	v23 =	vmax.f32 v10, $0.0e+00;
	v0 =	vmul.f32 v21, v0;
	v21 =	vld.idx.msk [tilespmem:v6+s2+$0x0], $0xffff  }
0xb3: {  	v24 =	vmin.f32 v24, $6.300000000e+01;
	v23 =	vmin.f32 v23, $6.300000000e+01;
	v1 =	vadd.f32 v12, v1;
	v12 =	vld.idx.msk [tilespmem:v16+s15+$0x0], $0xffff  }
0xb4: {  	v23 =	vtrunc.f32 v23;
	v16 =	vtrunc.f32 v24;
	v18 =	vld.idx.msk [tilespmem:v9+s14+$0x0], $0xffff;
	v0 =	vadd.f32 v13, v0  }
0xb5: {  	s10 =	simm.s32 $0x270;
	v13 =	vld.idx.msk [tilespmem:v14+s16+$0x0], $0xffff;
	v14 =	vcvt.f32.s32 v16;
	v11 =	vmul.f32 v20, v11;
	v16 =	vmax.f32 v1, $0.0e+00  }
0xb6: {  	v28 =	vld [tilespmem:s10+$0xFFFFFFF0];
	v23 =	vcvt.f32.s32 v23;
	v4 =	vmul.f32 v15, v4;
	v15 =	vmin.f32 v16, $6.300000000e+01  }
0xb7: {  	v6 =	vld.idx.msk [tilespmem:v6+s15+$0x0], $0xffff;
	v16 =	vmax.f32 v0, $0.0e+00;
	v5 =	vmul.f32 v22, v5;
	v11 =	vadd.f32 v17, v11  }
0xb8: {  	v29 =	vld [tilespmem:s10+$0x10];
	v15 =	vtrunc.f32 v15;
	v16 =	vmin.f32 v16, $6.300000000e+01;
	v7 =	vmul.f32 v21, v7  }
0xb9: {  	v30 =	vld [tilespmem:s10+$0xFFFFFFE0];
	v15 =	vcvt.f32.s32 v15;
	v16 =	vtrunc.f32 v16;
	v12 =	vadd.f32 v12, v8  }
0xba: {  	v27 =	vld [tilespmem:s10+$0x20];
	v2 =	vmul.f32 v18, v2;
	v19 =	vadd.f32 v19, v5;
	v5 =	vmax.f32 v11, $0.0e+00  }
0xbb: {  	v9 =	vld.idx.msk [tilespmem:v9+s16+$0x0], $0xffff;
	v8 =	vcvt.f32.s32 v16;
	v13 =	vadd.f32 v13, v4;
	v5 =	vmin.f32 v5, $6.300000000e+01  }
0xbc: {  	v20 =	vld.idx.msk [tilespmem:v23+s15+$0x0], $0xffff;
	v6 =	vadd.f32 v6, v7;
	v4 =	vmax.f32 v12, $0.0e+00;
	v21 =	vmax.f32 v19, $0.0e+00  }
0xbd: {  	v16 =	vld.idx.msk [tilespmem:v23+s2+$0x0], $0xffff;
	v5 =	vtrunc.f32 v5;
	v4 =	vmin.f32 v4, $6.300000000e+01;
	v18 =	vmax.f32 v13, $0.0e+00  }
0xbe: {  	v17 =	vld.idx.msk [tilespmem:v14+s14+$0x0], $0xffff;
	v21 =	vmin.f32 v21, $6.300000000e+01;
	v5 =	vcvt.f32.s32 v5;
	v4 =	vtrunc.f32 v4  }
0xbf: {  	v14 =	vld.idx.msk [tilespmem:v14+s16+$0x0], $0xffff;
	v7 =	vmax.f32 v6, $0.0e+00;
	v21 =	vtrunc.f32 v21;
	v4 =	vcvt.f32.s32 v4  }
0xc0: {  	v18 =	vmin.f32 v18, $6.300000000e+01;
	v7 =	vmin.f32 v7, $6.300000000e+01;
	v21 =	vcvt.f32.s32 v21;
	v22 =	vld.idx.msk [tilespmem:v15+s2+$0x0], $0xffff  }
0xc1: {  	v18 =	vtrunc.f32 v18;
	v7 =	vtrunc.f32 v7;
	v15 =	vld.idx.msk [tilespmem:v15+s15+$0x0], $0xffff  }
0xc2: {  	v2 =	vadd.f32 v9, v2;
	v18 =	vcvt.f32.s32 v18;
	v10 =	vmul.f32 v16, v10;
	v16 =	vld.idx.msk [tilespmem:v8+s14+$0x0], $0xffff  }
0xc3: {  	v25 =	vcvt.f32.s32 v7;
	v3 =	vmul.f32 v17, v3;
	v17 =	vld.idx.msk [tilespmem:v8+s16+$0x0], $0xffff  }
0xc4: {  	v8 =	vmax.f32 v2, $0.0e+00;
	v9 =	vadd.f32 v20, v10;
	v23 =	vld.idx.msk [tilespmem:v5+s2+$0x0], $0xffff  }
0xc5: {  	v8 =	vmin.f32 v8, $6.300000000e+01;
	v3 =	vadd.f32 v14, v3;
	v10 =	vld.idx.msk [tilespmem:v4+s2+$0x0], $0xffff  }
0xc6: {  	v31 =	vmax.f32 v27, $0.0e+00;
	v8 =	vtrunc.f32 v8;
	v20 =	vmax.f32 v9, $0.0e+00;
	v26 =	vld.idx.msk [tilespmem:v21+s14+$0x0], $0xffff  }
0xc7: {  	v20 =	vmin.f32 v20, $6.300000000e+01;
	v24 =	vmax.f32 v3, $0.0e+00;
	v1 =	vmul.f32 v22, v1;
	v35 =	vld.idx.msk [tilespmem:v4+s15+$0x0], $0xffff  }
0xc8: {  	v14 =	vld.idx.msk [tilespmem:v18+s14+$0x0], $0xffff;
	v7 =	vtrunc.f32 v20;
	v20 =	vmin.f32 v24, $6.300000000e+01;
	v24 =	vcvt.f32.s32 v8  }
0xc9: {  	v31 =	vmin.f32 v31, $6.300000000e+01;
	v32 =	vld.idx.msk [tilespmem:v25+s2+$0x0], $0xffff;
	v20 =	vtrunc.f32 v20;
	v8 =	vcvt.f32.s32 v7  }
0xca: {  	v0 =	vmul.f32 v16, v0;
	v1 =	vadd.f32 v15, v1;
	v15 =	vld.idx.msk [tilespmem:v18+s16+$0x0], $0xffff;
	v7 =	vcvt.f32.s32 v20  }
0xcb: {  	v31 =	vtrunc.f32 v31;
	v18 =	vld.idx.msk [tilespmem:v21+s16+$0x0], $0xffff  }
0xcc: {  	v22 =	vcvt.f32.s32 v31;
	v16 =	vmax.f32 v30, $0.0e+00;
	v20 =	vld [tilespmem:s10+$0x0];
	v0 =	vadd.f32 v17, v0  }
0xcd: {  	v4 =	vmin.f32 v16, $6.300000000e+01;
	v17 =	vld.idx.msk [tilespmem:v5+s15+$0x0], $0xffff  }
0xce: {  	v16 =	vmax.f32 v28, $0.0e+00;
	v4 =	vtrunc.f32 v4;
	v0 =	vmul.f32 $1.562500000e-02, v0;
	v33 =	vld.idx.msk [tilespmem:v24+s14+$0x0], $0xffff  }
0xcf: {  	v5 =	vmul.f32 $1.562500000e-02, v1;
	v1 =	vmin.f32 v16, $6.300000000e+01;
	v16 =	vcvt.f32.s32 v4;
	v34 =	vld.idx.msk [tilespmem:v8+s2+$0x0], $0xffff  }
0xd0: {  	v31 =	vld.idx.msk [tilespmem:v7+s14+$0x0], $0xffff;
	[tilespmem:$0x1FFF0] =	vst v0  }
0xd1: {  	v1 =	vtrunc.f32 v1;
	v21 =	vld.idx.msk [tilespmem:v25+s15+$0x0], $0xffff  }
0xd2: {  	v10 =	vmul.f32 v10, v12;
	v12 =	vcvt.f32.s32 v1;
	v1 =	vld.idx.msk [tilespmem:v22+s2+$0x0], $0xffff  }
0xd3: {  	v11 =	vmul.f32 v23, v11;
	v0 =	vmax.f32 v20, $0.0e+00;
	v25 =	vld.idx.msk [tilespmem:v22+s14+$0x0], $0xffff  }
0xd4: {  	v13 =	vmul.f32 v14, v13;
	v14 =	vmax.f32 v29, $0.0e+00;
	v0 =	vmin.f32 v0, $6.300000000e+01;
	v36 =	vld.idx.msk [tilespmem:v22+s15+$0x0], $0xffff  }
0xd5: {  	v19 =	vmul.f32 v26, v19;
	v14 =	vmin.f32 v14, $6.300000000e+01;
	v26 =	vld.idx.msk [tilespmem:v16+s2+$0x0], $0xffff;
	v0 =	vtrunc.f32 v0  }
0xd6: {  	v23 =	vcvt.f32.s32 v0;
	v0 =	vtrunc.f32 v14;
	v14 =	vld.idx.msk [tilespmem:v22+s16+$0x0], $0xffff  }
0xd7: {  	v6 =	vmul.f32 v32, v6;
	v63 =	vld.idx.msk [tilespmem:v16+s14+$0x0], $0xffff;
	v62 =	vmul.f32 v33, v2  }
0xd8: {  	v37 =	vld.idx.msk [tilespmem:v16+s15+$0x0], $0xffff;
	v22 =	vcvt.f32.s32 v0;
	v1 =	vmul.f32 v1, v27  }
0xd9: {  	v16 =	vld.idx.msk [tilespmem:v16+s16+$0x0], $0xffff;
	v2 =	vadd.f32 v35, v10;
	v9 =	vmul.f32 v34, v9;
	v25 =	vmul.f32 v25, v27  }
0xda: {  	v8 =	vld.idx.msk [tilespmem:v8+s15+$0x0], $0xffff;
	v0 =	vadd.f32 v15, v13;
	v27 =	vmul.f32 v31, v3;
	v15 =	vadd.f32 v36, v1  }
0xdb: {  	v50 =	vld.idx.msk [tilespmem:v7+s16+$0x0], $0xffff;
	v3 =	vmax.f32 v2, $0.0e+00;
	v26 =	vmul.f32 v26, v30;
	v14 =	vadd.f32 v14, v25  }
0xdc: {  	v10 =	vld.idx.msk [tilespmem:v12+s2+$0x0], $0xffff;
	v1 =	vadd.f32 v17, v11;
	v17 =	vmin.f32 v3, $6.300000000e+01;
	v40 =	vmax.f32 v15, $0.0e+00  }
0xdd: {  	v38 =	vld.idx.msk [tilespmem:v12+s15+$0x0], $0xffff;
	v3 =	vadd.f32 v18, v19;
	v41 =	vmax.f32 v14, $0.0e+00;
	v19 =	vmin.f32 v40, $6.300000000e+01  }
0xde: {  	v13 =	vld.idx.msk [tilespmem:v12+s14+$0x0], $0xffff;
	v30 =	vmul.f32 v63, v30;
	v34 =	vmin.f32 v41, $6.300000000e+01;
	v19 =	vtrunc.f32 v19  }
0xdf: {  	v6 =	vadd.f32 v21, v6;
	v11 =	vld.idx.msk [tilespmem:v23+s2+$0x0], $0xffff;
	v34 =	vtrunc.f32 v34;
	v19 =	vcvt.f32.s32 v19  }
0xe0: {  	v9 =	vadd.f32 v8, v9;
	v25 =	vmax.f32 v0, $0.0e+00;
	v31 =	vld.idx.msk [tilespmem:v23+s14+$0x0], $0xffff;
	v34 =	vcvt.f32.s32 v34  }
0xe1: {  	v12 =	vld.idx.msk [tilespmem:v12+s16+$0x0], $0xffff;
	v39 =	vmax.f32 v6, $0.0e+00;
	v10 =	vmul.f32 v10, v28;
	v26 =	vadd.f32 v37, v26  }
0xe2: {  	v16 =	vadd.f32 v16, v30;
	v8 =	vadd.f32 v50, v27;
	v59 =	vmax.f32 v9, $0.0e+00;
	v45 =	vld.idx.msk [tilespmem:v23+s15+$0x0], $0xffff  }
0xe3: {  	v25 =	vmin.f32 v25, $6.300000000e+01;
	v17 =	vtrunc.f32 v17;
	v13 =	vmul.f32 v13, v28;
	v23 =	vld.idx.msk [tilespmem:v23+s16+$0x0], $0xffff  }
0xe4: {  	v28 =	vmin.f32 v39, $6.300000000e+01;
	v18 =	vld.idx.msk [tilespmem:v22+s2+$0x0], $0xffff;
	v43 =	vmax.f32 v1, $0.0e+00;
	v25 =	vtrunc.f32 v25  }
0xe5: {  	v44 =	vmax.f32 v3, $0.0e+00;
	v11 =	vmul.f32 v11, v20;
	v20 =	vmul.f32 v31, v20;
	v31 =	vld.idx.msk [tilespmem:v19+s2+$0x0], $0xffff  }
0xe6: {  	v28 =	vtrunc.f32 v28;
	v17 =	vcvt.f32.s32 v17;
	v48 =	vmax.f32 v26, $0.0e+00;
	v46 =	vld.idx.msk [tilespmem:v34+s14+$0x0], $0xffff  }
0xe7: {  	v49 =	vmax.f32 v16, $0.0e+00;
	v21 =	vmin.f32 v43, $6.300000000e+01;
	v25 =	vcvt.f32.s32 v25;
	v19 =	vld.idx.msk [tilespmem:v19+s15+$0x0], $0xffff  }
0xe8: {  	v36 =	vmin.f32 v44, $6.300000000e+01;
	v28 =	vcvt.f32.s32 v28;
	v12 =	vadd.f32 v12, v13;
	v34 =	vld.idx.msk [tilespmem:v34+s16+$0x0], $0xffff  }
0xe9: {  	v42 =	vld.idx.msk [tilespmem:v22+s14+$0x0], $0xffff;
	v13 =	vmin.f32 v49, $6.300000000e+01;
	v21 =	vtrunc.f32 v21;
	v36 =	vtrunc.f32 v36  }
0xea: {  	v47 =	vld.idx.msk [tilespmem:v22+s15+$0x0], $0xffff;
	v10 =	vadd.f32 v38, v10;
	v13 =	vtrunc.f32 v13;
	v15 =	vmul.f32 v31, v15  }
0xeb: {  	v22 =	vld.idx.msk [tilespmem:v22+s16+$0x0], $0xffff;
	v60 =	vmax.f32 v8, $0.0e+00;
	v30 =	vcvt.f32.s32 v36;
	v14 =	vmul.f32 v46, v14  }
0xec: {  	v24 =	vld.idx.msk [tilespmem:v24+s16+$0x0], $0xffff;
	v21 =	vcvt.f32.s32 v21;
	v13 =	vcvt.f32.s32 v13;
	v15 =	vadd.f32 v19, v15  }
0xed: {  	v18 =	vmul.f32 v18, v29;
	v20 =	vadd.f32 v23, v20;
	v23 =	vld.idx.msk [tilespmem:v25+s14+$0x0], $0xffff;
	v14 =	vadd.f32 v34, v14  }
0xee: {  	v29 =	vmul.f32 v42, v29;
	v11 =	vadd.f32 v45, v11;
	v41 =	vld.idx.msk [tilespmem:v28+s2+$0x0], $0xffff;
	v51 =	vmax.f32 v15, $0.0e+00  }
0xef: {  	v18 =	vadd.f32 v47, v18;
	v25 =	vld.idx.msk [tilespmem:v25+s16+$0x0], $0xffff;
	v52 =	vmax.f32 v14, $0.0e+00;
	v36 =	vmin.f32 v51, $6.300000000e+01  }
0xf0: {  	v22 =	vadd.f32 v22, v29;
	v28 =	vld.idx.msk [tilespmem:v28+s15+$0x0], $0xffff;
	v37 =	vmin.f32 v52, $6.300000000e+01;
	v36 =	vtrunc.f32 v36  }
0xf1: {  	v53 =	vmax.f32 v11, $0.0e+00;
	v35 =	vld.idx.msk [tilespmem:v30+s14+$0x0], $0xffff;
	v37 =	vtrunc.f32 v37;
	v36 =	vcvt.f32.s32 v36  }
0xf2: {  	v40 =	vmax.f32 v20, $0.0e+00;
	v39 =	vmin.f32 v53, $6.300000000e+01;
	v61 =	vld.idx.msk [tilespmem:v13+s14+$0x0], $0xffff;
	v37 =	vcvt.f32.s32 v37  }
0xf3: {  	v38 =	vld.idx.msk [tilespmem:v21+s2+$0x0], $0xffff;
	v40 =	vmin.f32 v40, $6.300000000e+01;
	v42 =	vmax.f32 v18, $0.0e+00;
	v39 =	vtrunc.f32 v39  }
0xf4: {  	v21 =	vld.idx.msk [tilespmem:v21+s15+$0x0], $0xffff;
	v29 =	vmin.f32 v42, $6.300000000e+01;
	v40 =	vtrunc.f32 v40;
	v57 =	vcvt.f32.s32 v39  }
0xf5: {  	v30 =	vld.idx.msk [tilespmem:v30+s16+$0x0], $0xffff;
	v58 =	vcvt.f32.s32 v40;
	v40 =	vmin.f32 v59, $6.300000000e+01;
	v23 =	vmul.f32 v23, v0  }
0xf6: {  	v6 =	vmul.f32 v41, v6;
	v31 =	vmin.f32 v48, $6.300000000e+01;
	v3 =	vmul.f32 v35, v3;
	v34 =	vld.idx.msk [tilespmem:v17+s2+$0x0], $0xffff  }
0xf7: {  	v16 =	vmul.f32 v61, v16;
	v31 =	vtrunc.f32 v31;
	v19 =	vmax.f32 v10, $0.0e+00;
	v44 =	vld.idx.msk [tilespmem:v36+s2+$0x0], $0xffff  }
0xf8: {  	v31 =	vcvt.f32.s32 v31;
	v7 =	vmin.f32 v19, $6.300000000e+01;
	v19 =	vmax.f32 v12, $0.0e+00;
	v55 =	vld.idx.msk [tilespmem:v37+s14+$0x0], $0xffff  }
0xf9: {  	v19 =	vmin.f32 v19, $6.300000000e+01;
	v54 =	vtrunc.f32 v7;
	v7 =	vmax.f32 v22, $0.0e+00;
	v36 =	vld.idx.msk [tilespmem:v36+s15+$0x0], $0xffff  }
0xfa: {  	v6 =	vadd.f32 v28, v6;
	v19 =	vtrunc.f32 v19;
	v43 =	vmin.f32 v7, $6.300000000e+01;
	v37 =	vld.idx.msk [tilespmem:v37+s16+$0x0], $0xffff  }
0xfb: {  	v17 =	vld.idx.msk [tilespmem:v17+s15+$0x0], $0xffff;
	v7 =	vadd.f32 v24, v62;
	v24 =	vtrunc.f32 v29;
	v29 =	vcvt.f32.s32 v54  }
0xfc: {  	v13 =	vld.idx.msk [tilespmem:v13+s16+$0x0], $0xffff;
	v3 =	vadd.f32 v30, v3;
	v51 =	vtrunc.f32 v40;
	v15 =	vmul.f32 v44, v15  }
0xfd: {  	v53 =	vld.idx.msk [tilespmem:v57+s2+$0x0], $0xffff;
	v62 =	vmin.f32 v60, $6.300000000e+01;
	v19 =	vcvt.f32.s32 v19;
	v14 =	vmul.f32 v55, v14  }
0xfe: {  	v47 =	vld.idx.msk [tilespmem:v58+s14+$0x0], $0xffff;
	v24 =	vcvt.f32.s32 v24;
	v2 =	vmul.f32 v34, v2;
	v15 =	vadd.f32 v36, v15  }
0xff: {  	v56 =	vtrunc.f32 v43;
	v32 =	vtrunc.f32 v62;
	v45 =	vld.idx.msk [tilespmem:v31+s2+$0x0], $0xffff;
	v14 =	vadd.f32 v37, v14  }
0x100: {  	v42 =	vcvt.f32.s32 v56;
	v0 =	vadd.f32 v17, v2;
	v17 =	vld.idx.msk [tilespmem:v31+s15+$0x0], $0xffff;
	v46 =	vmax.f32 v15, $0.0e+00  }
0x101: {  	v2 =	vmul.f32 v38, v1;
	v63 =	vld.idx.msk [tilespmem:v29+s2+$0x0], $0xffff;
	v48 =	vmax.f32 v14, $0.0e+00;
	v46 =	vmin.f32 v46, $6.300000000e+01  }
0x102: {  	v1 =	vadd.f32 v25, v23;
	v25 =	vld.idx.msk [tilespmem:v29+s15+$0x0], $0xffff;
	v48 =	vmin.f32 v48, $6.300000000e+01;
	v46 =	vtrunc.f32 v46  }
0x103: {  	v13 =	vadd.f32 v13, v16;
	v52 =	vld.idx.msk [tilespmem:v19+s14+$0x0], $0xffff;
	v48 =	vtrunc.f32 v48;
	v46 =	vcvt.f32.s32 v46  }
0x104: {  	v27 =	vmax.f32 v7, $0.0e+00;
	v32 =	vcvt.f32.s32 v32;
	v54 =	vld.idx.msk [tilespmem:v24+s2+$0x0], $0xffff;
	v31 =	vcvt.f32.s32 v48  }
0x105: {  	v27 =	vmin.f32 v27, $6.300000000e+01;
	v11 =	vmul.f32 v53, v11;
	v20 =	vmul.f32 v47, v20;
	v19 =	vld.idx.msk [tilespmem:v19+s16+$0x0], $0xffff  }
0x106: {  	v27 =	vtrunc.f32 v27;
	v23 =	vmax.f32 v0, $0.0e+00;
	v2 =	vadd.f32 v21, v2;
	v24 =	vld.idx.msk [tilespmem:v24+s15+$0x0], $0xffff  }
0x107: {  	v27 =	vcvt.f32.s32 v27;
	v28 =	vmax.f32 v1, $0.0e+00;
	v23 =	vmin.f32 v23, $6.300000000e+01;
	v49 =	vld.idx.msk [tilespmem:v42+s14+$0x0], $0xffff  }
0x108: {  	v21 =	vmul.f32 v45, v26;
	v26 =	vld.idx.msk [tilespmem:v57+s15+$0x0], $0xffff;
	v30 =	vmax.f32 v2, $0.0e+00;
	v16 =	vtrunc.f32 v23  }
0x109: {  	v28 =	vmin.f32 v28, $6.300000000e+01;
	v30 =	vmin.f32 v30, $6.300000000e+01;
	v16 =	vcvt.f32.s32 v16;
	v29 =	vld.idx.msk [tilespmem:v46+s2+$0x0], $0xffff  }
0x10a: {  	v17 =	vadd.f32 v17, v21;
	v30 =	vtrunc.f32 v30;
	v10 =	vmul.f32 v63, v10;
	v55 =	vld.idx.msk [tilespmem:v31+s14+$0x0], $0xffff  }
0x10b: {  	v57 =	vmax.f32 v13, $0.0e+00;
	v30 =	vcvt.f32.s32 v30;
	v12 =	vmul.f32 v52, v12;
	v23 =	vld.idx.msk [tilespmem:v31+s16+$0x0], $0xffff  }
0x10c: {  	v18 =	vmul.f32 v54, v18;
	v56 =	vmax.f32 v17, $0.0e+00;
	v10 =	vadd.f32 v25, v10;
	v31 =	vld.idx.msk [tilespmem:v58+s16+$0x0], $0xffff  }
0x10d: {  	v25 =	vtrunc.f32 v28;
	v28 =	vmin.f32 v56, $6.300000000e+01;
	v36 =	vcvt.f32.s32 v51  }
0x10e: {  	v12 =	vadd.f32 v19, v12;
	v19 =	vmin.f32 v57, $6.300000000e+01;
	v28 =	vtrunc.f32 v28;
	v21 =	vld.idx.msk [tilespmem:v46+s15+$0x0], $0xffff  }
0x10f: {  	v59 =	vld.idx.msk [tilespmem:v27+s14+$0x0], $0xffff;
	v26 =	vadd.f32 v26, v11;
	v19 =	vtrunc.f32 v19;
	v28 =	vcvt.f32.s32 v28  }
0x110: {  	v63 =	vld.idx.msk [tilespmem:v32+s14+$0x0], $0xffff;
	v22 =	vmul.f32 v49, v22;
	v18 =	vadd.f32 v24, v18;
	v19 =	vcvt.f32.s32 v19  }
0x111: {  	v27 =	vld.idx.msk [tilespmem:v27+s16+$0x0], $0xffff;
	v15 =	vmul.f32 v29, v15;
	v20 =	vadd.f32 v31, v20;
	v31 =	vmax.f32 v26, $0.0e+00  }
0x112: {  	v32 =	vld.idx.msk [tilespmem:v32+s16+$0x0], $0xffff;
	v25 =	vcvt.f32.s32 v25;
	v14 =	vmul.f32 v55, v14;
	v31 =	vmin.f32 v31, $6.300000000e+01  }
0x113: {  	v61 =	vld.idx.msk [tilespmem:v36+s2+$0x0], $0xffff;
	v29 =	vmax.f32 v10, $0.0e+00;
	v11 =	vadd.f32 v21, v15;
	v31 =	vtrunc.f32 v31  }
0x114: {  	v36 =	vld.idx.msk [tilespmem:v36+s15+$0x0], $0xffff;
	v15 =	vmin.f32 v29, $6.300000000e+01;
	v14 =	vadd.f32 v23, v14;
	v31 =	vcvt.f32.s32 v31  }
0x115: {  	v7 =	vmul.f32 v59, v7;
	v49 =	vld.idx.msk [tilespmem:v28+s2+$0x0], $0xffff;
	v15 =	vtrunc.f32 v15;
	v23 =	vmax.f32 v11, $0.0e+00  }
0x116: {  	v28 =	vld.idx.msk [tilespmem:v28+s15+$0x0], $0xffff;
	v58 =	vmax.f32 v14, $0.0e+00;
	v15 =	vcvt.f32.s32 v15;
	v23 =	vmin.f32 v23, $6.300000000e+01  }
0x117: {  	v38 =	vmul.f32 v63, v8;
	v51 =	vld.idx.msk [tilespmem:v19+s14+$0x0], $0xffff;
	v24 =	vmin.f32 v58, $6.300000000e+01;
	v23 =	vtrunc.f32 v23  }
0x118: {  	v62 =	vmax.f32 v18, $0.0e+00;
	v19 =	vld.idx.msk [tilespmem:v19+s16+$0x0], $0xffff;
	v24 =	vtrunc.f32 v24;
	v23 =	vcvt.f32.s32 v23  }
0x119: {  	v7 =	vadd.f32 v27, v7;
	v21 =	vmax.f32 v12, $0.0e+00;
	v29 =	vld.idx.msk [tilespmem:v42+s16+$0x0], $0xffff;
	v24 =	vcvt.f32.s32 v24  }
0x11a: {  	v48 =	vmax.f32 v6, $0.0e+00;
	v60 =	vmax.f32 v20, $0.0e+00;
	v21 =	vmin.f32 v21, $6.300000000e+01;
	v52 =	vld.idx.msk [tilespmem:v31+s2+$0x0], $0xffff  }
0x11b: {  	v9 =	vmul.f32 v61, v9;
	v34 =	vmin.f32 v60, $6.300000000e+01;
	v21 =	vtrunc.f32 v21;
	v31 =	vld.idx.msk [tilespmem:v31+s15+$0x0], $0xffff  }
0x11c: {  	v50 =	vmin.f32 v48, $6.300000000e+01;
	v34 =	vtrunc.f32 v34;
	v21 =	vcvt.f32.s32 v21;
	v27 =	vld.idx.msk [tilespmem:v15+s2+$0x0], $0xffff  }
0x11d: {  	v53 =	vmax.f32 v7, $0.0e+00;
	v35 =	vtrunc.f32 v50;
	v34 =	vcvt.f32.s32 v34;
	v15 =	vld.idx.msk [tilespmem:v15+s15+$0x0], $0xffff  }
0x11e: {  	v35 =	vcvt.f32.s32 v35;
	v8 =	vadd.f32 v36, v9;
	v36 =	vmin.f32 v53, $6.300000000e+01;
	v45 =	vld.idx.msk [tilespmem:v23+s2+$0x0], $0xffff  }
0x11f: {  	v46 =	vmax.f32 v3, $0.0e+00;
	v17 =	vmul.f32 v49, v17;
	v36 =	vtrunc.f32 v36;
	v47 =	vld.idx.msk [tilespmem:v24+s14+$0x0], $0xffff  }
0x120: {  	v36 =	vcvt.f32.s32 v36;
	v22 =	vadd.f32 v29, v22;
	v29 =	vmin.f32 v62, $6.300000000e+01;
	v23 =	vld.idx.msk [tilespmem:v23+s15+$0x0], $0xffff  }
0x121: {  	v40 =	vmin.f32 v46, $6.300000000e+01;
	v13 =	vmul.f32 v51, v13;
	v29 =	vtrunc.f32 v29;
	v24 =	vld.idx.msk [tilespmem:v24+s16+$0x0], $0xffff  }
0x122: {  	v40 =	vtrunc.f32 v40;
	v17 =	vadd.f32 v28, v17;
	v29 =	vcvt.f32.s32 v29;
	v9 =	vld.idx.msk [tilespmem:v21+s14+$0x0], $0xffff  }
0x123: {  	v33 =	vcvt.f32.s32 v40;
	v44 =	vmax.f32 v22, $0.0e+00;
	v54 =	vld.idx.msk [tilespmem:v34+s14+$0x0], $0xffff;
	v39 =	vmul.f32 v45, v11  }
0x124: {  	v28 =	vmax.f32 v17, $0.0e+00;
	v37 =	vmin.f32 v44, $6.300000000e+01;
	v21 =	vld.idx.msk [tilespmem:v21+s16+$0x0], $0xffff;
	v14 =	vmul.f32 v47, v14  }
0x125: {  	v28 =	vmin.f32 v28, $6.300000000e+01;
	v37 =	vtrunc.f32 v37;
	v34 =	vld.idx.msk [tilespmem:v34+s16+$0x0], $0xffff;
	v23 =	vadd.f32 v23, v39  }
0x126: {  	v37 =	vcvt.f32.s32 v37;
	v26 =	vmul.f32 v52, v26;
	v52 =	vld.idx.msk [tilespmem:v36+s14+$0x0], $0xffff;
	v14 =	vadd.f32 v24, v14  }
0x127: {  	v13 =	vadd.f32 v19, v13;
	v28 =	vtrunc.f32 v28;
	v36 =	vld.idx.msk [tilespmem:v36+s16+$0x0], $0xffff;
	v56 =	vmax.f32 v23, $0.0e+00  }
0x128: {  	v55 =	vld.idx.msk [tilespmem:v29+s2+$0x0], $0xffff;
	v27 =	vmul.f32 v27, v10;
	v59 =	vmax.f32 v14, $0.0e+00;
	v41 =	vmin.f32 v56, $6.300000000e+01  }
0x129: {  	v29 =	vld.idx.msk [tilespmem:v29+s15+$0x0], $0xffff;
	v12 =	vmul.f32 v9, v12;
	v45 =	vmin.f32 v59, $6.300000000e+01;
	v41 =	vtrunc.f32 v41  }
0x12a: {  	v26 =	vadd.f32 v31, v26;
	v31 =	vld.idx.msk [tilespmem:v25+s14+$0x0], $0xffff;
	v45 =	vtrunc.f32 v45;
	v41 =	vcvt.f32.s32 v41  }
0x12b: {  	v20 =	vmul.f32 v54, v20;
	v25 =	vld.idx.msk [tilespmem:v25+s16+$0x0], $0xffff;
	v15 =	vadd.f32 v15, v27;
	v45 =	vcvt.f32.s32 v45  }
0x12c: {  	v27 =	vmax.f32 v13, $0.0e+00;
	v11 =	vadd.f32 v32, v38;
	v58 =	vld.idx.msk [tilespmem:v37+s14+$0x0], $0xffff;
	v21 =	vadd.f32 v21, v12  }
0x12d: {  	v37 =	vld.idx.msk [tilespmem:v37+s16+$0x0], $0xffff;
	v12 =	vmin.f32 v27, $6.300000000e+01;
	v62 =	vmax.f32 v15, $0.0e+00;
	v24 =	vmax.f32 v8, $0.0e+00  }
0x12e: {  	v27 =	vld.idx.msk [tilespmem:v16+s2+$0x0], $0xffff;
	v57 =	vmax.f32 v11, $0.0e+00;
	v63 =	vmin.f32 v62, $6.300000000e+01;
	v24 =	vmin.f32 v24, $6.300000000e+01  }
0x12f: {  	v38 =	vld.idx.msk [tilespmem:v30+s2+$0x0], $0xffff;
	v43 =	vmin.f32 v57, $6.300000000e+01;
	v32 =	vtrunc.f32 v63;
	v24 =	vtrunc.f32 v24  }
0x130: {  	v43 =	vtrunc.f32 v43;
	v10 =	vcvt.f32.s32 v24;
	v60 =	vld.idx.msk [tilespmem:v41+s2+$0x0], $0xffff  }
0x131: {  	v22 =	vmul.f32 v58, v22;
	v9 =	vcvt.f32.s32 v43;
	v61 =	vld.idx.msk [tilespmem:v45+s14+$0x0], $0xffff  }
0x132: {  	v28 =	vcvt.f32.s32 v28;
	v32 =	vcvt.f32.s32 v32;
	v19 =	vld.idx.msk [tilespmem:v41+s15+$0x0], $0xffff  }
0x133: {  	v20 =	vadd.f32 v34, v20;
	v49 =	vmax.f32 v26, $0.0e+00;
	v22 =	vadd.f32 v37, v22;
	v24 =	vld.idx.msk [tilespmem:v45+s16+$0x0], $0xffff  }
0x134: {  	v16 =	vld.idx.msk [tilespmem:v16+s15+$0x0], $0xffff;
	v12 =	vtrunc.f32 v12;
	v18 =	vmul.f32 v55, v18;
	v47 =	vmax.f32 v21, $0.0e+00  }
0x135: {  	v30 =	vld.idx.msk [tilespmem:v30+s15+$0x0], $0xffff;
	v50 =	vmax.f32 v20, $0.0e+00;
	v59 =	vmax.f32 v22, $0.0e+00;
	v23 =	vmul.f32 v60, v23  }
0x136: {  	v48 =	vmin.f32 v47, $6.300000000e+01;
	v54 =	vld.idx.msk [tilespmem:v10+s2+$0x0], $0xffff;
	v45 =	vmin.f32 v59, $6.300000000e+01;
	v14 =	vmul.f32 v61, v14  }
0x137: {  	v39 =	vmin.f32 v50, $6.300000000e+01;
	v55 =	vld.idx.msk [tilespmem:v9+s14+$0x0], $0xffff;
	v45 =	vtrunc.f32 v45;
	v19 =	vadd.f32 v19, v23  }
0x138: {  	v0 =	vmul.f32 v27, v0;
	v63 =	vcvt.f32.s32 v45;
	v45 =	vld.idx.msk [tilespmem:v32+s2+$0x0], $0xffff;
	v14 =	vadd.f32 v24, v14  }
0x139: {  	v1 =	vmul.f32 v31, v1;
	v32 =	vld.idx.msk [tilespmem:v32+s15+$0x0], $0xffff;
	v60 =	vcvt.f32.s32 v12;
	v51 =	vmax.f32 v19, $0.0e+00  }
0x13a: {  	v12 =	vadd.f32 v16, v0;
	v16 =	vld.idx.msk [tilespmem:v28+s2+$0x0], $0xffff;
	v53 =	vmax.f32 v14, $0.0e+00;
	v40 =	vmin.f32 v51, $6.300000000e+01  }
0x13b: {  	v34 =	vtrunc.f32 v48;
	v28 =	vld.idx.msk [tilespmem:v28+s15+$0x0], $0xffff;
	v42 =	vmin.f32 v53, $6.300000000e+01;
	v40 =	vtrunc.f32 v40  }
0x13c: {  	v18 =	vadd.f32 v29, v18;
	v24 =	vld.idx.msk [tilespmem:v35+s2+$0x0], $0xffff;
	v42 =	vtrunc.f32 v42;
	v40 =	vcvt.f32.s32 v40  }
0x13d: {  	v29 =	vmin.f32 v49, $6.300000000e+01;
	v39 =	vtrunc.f32 v39;
	v23 =	vld.idx.msk [tilespmem:v33+s14+$0x0], $0xffff;
	v57 =	vcvt.f32.s32 v42  }
0x13e: {  	v29 =	vtrunc.f32 v29;
	v34 =	vcvt.f32.s32 v34;
	v33 =	vld.idx.msk [tilespmem:v33+s16+$0x0], $0xffff  }
0x13f: {  	v39 =	vcvt.f32.s32 v39;
	v2 =	vmul.f32 v38, v2;
	v56 =	vmax.f32 v18, $0.0e+00;
	v35 =	vld.idx.msk [tilespmem:v35+s15+$0x0], $0xffff  }
0x140: {  	v29 =	vcvt.f32.s32 v29;
	v58 =	vmin.f32 v56, $6.300000000e+01;
	v11 =	vmul.f32 v55, v11;
	v49 =	vld.idx.msk [tilespmem:v63+s14+$0x0], $0xffff  }
0x141: {  	v44 =	vmax.f32 v12, $0.0e+00;
	v15 =	vmul.f32 v45, v15;
	v0 =	vmul.f32 v24, v6;
	v24 =	vld.idx.msk [tilespmem:v60+s14+$0x0], $0xffff  }
0x142: {  	v48 =	vmin.f32 v44, $6.300000000e+01;
	v16 =	vmul.f32 v16, v17;
	v42 =	vtrunc.f32 v58;
	v61 =	vld.idx.msk [tilespmem:v40+s2+$0x0], $0xffff  }
0x143: {  	v32 =	vadd.f32 v32, v15;
	v3 =	vmul.f32 v23, v3;
	v23 =	vmul.f32 v52, v7;
	v62 =	vld.idx.msk [tilespmem:v57+s14+$0x0], $0xffff  }
0x144: {  	v6 =	vadd.f32 v25, v1;
	v25 =	vmul.f32 v54, v8;
	v8 =	vadd.f32 v30, v2;
	v27 =	vld.idx.msk [tilespmem:v40+s15+$0x0], $0xffff  }
0x145: {  	v28 =	vadd.f32 v28, v16;
	v42 =	vcvt.f32.s32 v42;
	v7 =	vadd.f32 v33, v3;
	v31 =	vld.idx.msk [tilespmem:v57+s16+$0x0], $0xffff  }
0x146: {  	v22 =	vmul.f32 v49, v22;
	v1 =	vadd.f32 v35, v0;
	v0 =	vadd.f32 v36, v23  }
0x147: {  	v50 =	vld.idx.msk [tilespmem:v60+s16+$0x0], $0xffff;
	v23 =	vmax.f32 v6, $0.0e+00;
	v30 =	vmax.f32 v8, $0.0e+00;
	v2 =	vmul.f32 v61, v19  }
0x148: {  	v52 =	vmax.f32 v28, $0.0e+00;
	v23 =	vmin.f32 v23, $6.300000000e+01;
	v14 =	vmul.f32 v62, v14;
	v19 =	vld.idx.msk [tilespmem:v29+s2+$0x0], $0xffff  }
0x149: {  	v33 =	vmax.f32 v7, $0.0e+00;
	v13 =	vmul.f32 v24, v13;
	v2 =	vadd.f32 v27, v2  }
0x14a: {  	v3 =	vld.idx.msk [tilespmem:v34+s14+$0x0], $0xffff;
	v16 =	vmin.f32 v33, $6.300000000e+01;
	v33 =	vmin.f32 v52, $6.300000000e+01;
	v14 =	vadd.f32 v31, v14  }
0x14b: {  	v33 =	vtrunc.f32 v33;
	v16 =	vtrunc.f32 v16;
	v27 =	vld.idx.msk [tilespmem:v39+s14+$0x0], $0xffff;
	v17 =	vmax.f32 v2, $0.0e+00  }
0x14c: {  	v56 =	vld.idx.msk [tilespmem:v63+s16+$0x0], $0xffff;
	v13 =	vadd.f32 v50, v13;
	v24 =	vmax.f32 v14, $0.0e+00;
	v17 =	vmin.f32 v17, $6.300000000e+01  }
0x14d: {  	v31 =	vld.idx.msk [tilespmem:v42+s2+$0x0], $0xffff;
	v24 =	vmin.f32 v24, $6.300000000e+01;
	v19 =	vmul.f32 v19, v26;
	v17 =	vtrunc.f32 v17  }
0x14e: {  	v54 =	vmax.f32 v13, $0.0e+00;
	v26 =	vld.idx.msk [tilespmem:v29+s15+$0x0], $0xffff;
	v24 =	vtrunc.f32 v24;
	v17 =	vcvt.f32.s32 v17  }
0x14f: {  	v3 =	vmul.f32 v3, v21;
	v36 =	vmin.f32 v54, $6.300000000e+01;
	v29 =	vld.idx.msk [tilespmem:v39+s16+$0x0], $0xffff;
	v21 =	vcvt.f32.s32 v24  }
0x150: {  	s17 =	simm.s32 $0x2C0;
	v24 =	vmin.f32 v30, $6.300000000e+01;
	v30 =	vld.idx.msk [tilespmem:v34+s16+$0x0], $0xffff;
	v20 =	vmul.f32 v27, v20;
	v27 =	vtrunc.f32 v48  }
0x151: {  	v46 =	vld [tilespmem:s17+$0x0];
	v35 =	vmax.f32 v1, $0.0e+00;
	v36 =	vtrunc.f32 v36;
	v27 =	vcvt.f32.s32 v27  }
0x152: {  	v51 =	vmax.f32 v0, $0.0e+00;
	v18 =	vmul.f32 v31, v18;
	v31 =	vtrunc.f32 v23;
	v23 =	vld.idx.msk [tilespmem:v42+s15+$0x0], $0xffff  }
0x153: {  	v47 =	vld [tilespmem:s17+$0x10];
	v35 =	vmin.f32 v35, $6.300000000e+01;
	v33 =	vcvt.f32.s32 v33;
	v36 =	vcvt.f32.s32 v36  }
0x154: {  	v34 =	vadd.f32 v56, v22;
	v15 =	vtrunc.f32 v24;
	v19 =	vadd.f32 v26, v19;
	v24 =	vld.idx.msk [tilespmem:v17+s2+$0x0], $0xffff  }
0x155: {  	v20 =	vadd.f32 v29, v20;
	v30 =	vadd.f32 v30, v3;
	v3 =	vmax.f32 v32, $0.0e+00;
	v53 =	vld.idx.msk [tilespmem:v21+s14+$0x0], $0xffff  }
0x156: {  	v29 =	vtrunc.f32 v35;
	v58 =	vmax.f32 v19, $0.0e+00;
	v17 =	vld.idx.msk [tilespmem:v17+s15+$0x0], $0xffff;
	v3 =	vmin.f32 v3, $6.300000000e+01  }
0x157: {  	v40 =	vadd.f32 v23, v18;
	v18 =	vmax.f32 v20, $0.0e+00;
	v3 =	vtrunc.f32 v3;
	v57 =	vld.idx.msk [tilespmem:v27+s2+$0x0], $0xffff  }
0x158: {  	v18 =	vmin.f32 v18, $6.300000000e+01;
	v55 =	vmax.f32 v30, $0.0e+00;
	v39 =	vcvt.f32.s32 v3;
	v3 =	vld.idx.msk [tilespmem:v9+s16+$0x0], $0xffff  }
0x159: {  	v10 =	vld.idx.msk [tilespmem:v10+s15+$0x0], $0xffff;
	v23 =	vmin.f32 v58, $6.300000000e+01;
	v18 =	vtrunc.f32 v18;
	v37 =	vmin.f32 v55, $6.300000000e+01  }
0x15a: {  	v45 =	vld [tilespmem:s17+$0xFFFFFFF0];
	v37 =	vtrunc.f32 v37;
	v2 =	vmul.f32 v24, v2;
	v24 =	vmax.f32 v40, $0.0e+00  }
0x15b: {  	v44 =	vld [tilespmem:s17+$0x20];
	v26 =	vcvt.f32.s32 v37;
	v14 =	vmul.f32 v53, v14;
	v22 =	vmin.f32 v24, $6.300000000e+01  }
0x15c: {  	v59 =	vld.idx.msk [tilespmem:v33+s2+$0x0], $0xffff;
	v12 =	vmul.f32 v57, v12;
	v17 =	vadd.f32 v17, v2;
	v2 =	vtrunc.f32 v23  }
0x15d: {  	v60 =	vld.idx.msk [tilespmem:v36+s14+$0x0], $0xffff;
	v23 =	vmax.f32 v34, $0.0e+00;
	v3 =	vadd.f32 v3, v11;
	v62 =	vcvt.f32.s32 v2  }
0x15e: {  	v21 =	vld.idx.msk [tilespmem:v21+s16+$0x0], $0xffff;
	v2 =	vtrunc.f32 v22;
	v22 =	vmin.f32 v23, $6.300000000e+01;
	v23 =	vcvt.f32.s32 v18  }
0x15f: {  	v48 =	vld [tilespmem:s17+$0xFFFFFFE0];
	v9 =	vmin.f32 v51, $6.300000000e+01;
	v18 =	vtrunc.f32 v22;
	v24 =	vcvt.f32.s32 v2  }
0x160: {  	v27 =	vld.idx.msk [tilespmem:v27+s15+$0x0], $0xffff;
	v2 =	vadd.f32 v10, v25;
	v10 =	vmul.f32 $1.562500000e-02, v17;
	v17 =	vmax.f32 v3, $0.0e+00  }
0x161: {  	v61 =	vld.idx.msk [tilespmem:v39+s2+$0x0], $0xffff;
	v25 =	vcvt.f32.s32 v18;
	v17 =	vmin.f32 v17, $6.300000000e+01;
	v18 =	vmax.f32 v44, $0.0e+00  }
0x162: {  	v11 =	vtrunc.f32 v9;
	v57 =	vld.idx.msk [tilespmem:v39+s15+$0x0], $0xffff;
	v50 =	vtrunc.f32 v17;
	v17 =	vmin.f32 v18, $6.300000000e+01  }
0x163: {  	v14 =	vadd.f32 v21, v14;
	v21 =	vcvt.f32.s32 v15;
	v63 =	vld.idx.msk [tilespmem:v26+s14+$0x0], $0xffff;
	v17 =	vtrunc.f32 v17  }
0x164: {  	v15 =	vcvt.f32.s32 v11;
	v26 =	vld.idx.msk [tilespmem:v26+s16+$0x0], $0xffff;
	v52 =	vcvt.f32.s32 v17  }
0x165: {  	v17 =	vcvt.f32.s32 v16;
	v16 =	vcvt.f32.s32 v29;
	v29 =	vld.idx.msk [tilespmem:v33+s15+$0x0], $0xffff  }
0x166: {  	v12 =	vadd.f32 v27, v12;
	v9 =	vmul.f32 $1.562500000e-02, v14;
	v14 =	vmax.f32 v2, $0.0e+00;
	v33 =	vld.idx.msk [tilespmem:v36+s16+$0x0], $0xffff  }
0x167: {  	v27 =	vmax.f32 v46, $0.0e+00;
	v22 =	vcvt.f32.s32 v31;
	v14 =	vmin.f32 v14, $6.300000000e+01;
	v49 =	vld.idx.msk [tilespmem:v62+s2+$0x0], $0xffff  }
0x168: {  	v27 =	vmin.f32 v27, $6.300000000e+01;
	v18 =	vmax.f32 v48, $0.0e+00;
	v14 =	vtrunc.f32 v14;
	v51 =	vld.idx.msk [tilespmem:v23+s14+$0x0], $0xffff  }
0x169: {  	v27 =	vtrunc.f32 v27;
	v11 =	vcvt.f32.s32 v14;
	v14 =	vmin.f32 v18, $6.300000000e+01;
	v39 =	vld.idx.msk [tilespmem:v62+s15+$0x0], $0xffff  }
0x16a: {  	v27 =	vcvt.f32.s32 v27;
	v18 =	vmax.f32 v45, $0.0e+00;
	v31 =	vld.idx.msk [tilespmem:v24+s2+$0x0], $0xffff;
	v56 =	vtrunc.f32 v14  }
0x16b: {  	v18 =	vmin.f32 v18, $6.300000000e+01;
	v53 =	vld.idx.msk [tilespmem:v25+s14+$0x0], $0xffff;
	v35 =	vcvt.f32.s32 v56  }
0x16c: {  	v18 =	vtrunc.f32 v18;
	v58 =	vld.idx.msk [tilespmem:v52+s2+$0x0], $0xffff  }
0x16d: {  	v28 =	vmul.f32 v59, v28;
	v37 =	vcvt.f32.s32 v18;
	v59 =	vld.idx.msk [tilespmem:v52+s14+$0x0], $0xffff  }
0x16e: {  	v13 =	vmul.f32 v60, v13;
	v32 =	vmul.f32 v61, v32;
	v18 =	vmax.f32 v47, $0.0e+00;
	v61 =	vld.idx.msk [tilespmem:v52+s15+$0x0], $0xffff  }
0x16f: {  	v30 =	vmul.f32 v63, v30;
	v60 =	vmin.f32 v18, $6.300000000e+01;
	v18 =	vmul.f32 $1.562500000e-02, v12;
	v62 =	vld.idx.msk [tilespmem:v52+s16+$0x0], $0xffff  }
0x170: {  	v12 =	vtrunc.f32 v60;
	v49 =	vmul.f32 v49, v19;
	v52 =	vld.idx.msk [tilespmem:v27+s15+$0x0], $0xffff  }
0x171: {  	v43 =	vcvt.f32.s32 v12;
	v12 =	vadd.f32 v29, v28;
	v63 =	vld.idx.msk [tilespmem:v35+s2+$0x0], $0xffff;
	v19 =	vmul.f32 v58, v44  }
0x172: {  	v42 =	vmul.f32 v51, v20;
	v31 =	vmul.f32 v31, v40;
	v54 =	vld.idx.msk [tilespmem:v35+s14+$0x0], $0xffff  }
0x173: {  	v28 =	vmax.f32 v12, $0.0e+00;
	v51 =	vld.idx.msk [tilespmem:v37+s2+$0x0], $0xffff;
	v20 =	vmul.f32 v59, v44;
	v40 =	vadd.f32 v61, v19  }
0x174: {  	v14 =	vcvt.f32.s32 v50;
	v38 =	vld.idx.msk [tilespmem:v37+s14+$0x0], $0xffff;
	v58 =	vmin.f32 v28, $6.300000000e+01  }
0x175: {  	v56 =	vld.idx.msk [tilespmem:v37+s15+$0x0], $0xffff;
	v19 =	vadd.f32 v33, v13;
	v33 =	vadd.f32 v62, v20;
	v29 =	vmax.f32 v40, $0.0e+00  }
0x176: {  	v34 =	vmul.f32 v53, v34;
	v37 =	vld.idx.msk [tilespmem:v37+s16+$0x0], $0xffff;
	v36 =	vtrunc.f32 v58;
	v28 =	vmin.f32 v29, $6.300000000e+01  }
0x177: {  	v13 =	vld.idx.msk [tilespmem:v27+s2+$0x0], $0xffff;
	v20 =	vadd.f32 v57, v32;
	v29 =	vmax.f32 v33, $0.0e+00;
	v60 =	vtrunc.f32 v28  }
0x178: {  	v32 =	vld.idx.msk [tilespmem:v27+s14+$0x0], $0xffff;
	v29 =	vmin.f32 v29, $6.300000000e+01;
	v28 =	vadd.f32 v26, v30;
	v30 =	vcvt.f32.s32 v60  }
0x179: {  	v41 =	vld.idx.msk [tilespmem:v43+s2+$0x0], $0xffff;
	v36 =	vcvt.f32.s32 v36;
	v29 =	vtrunc.f32 v29  }
0x17a: {  	v50 =	vld.idx.msk [tilespmem:v43+s14+$0x0], $0xffff;
	v63 =	vmul.f32 v63, v48;
	v59 =	vmax.f32 v19, $0.0e+00;
	v55 =	vcvt.f32.s32 v29  }
0x17b: {  	v27 =	vld.idx.msk [tilespmem:v27+s16+$0x0], $0xffff;
	v51 =	vmul.f32 v51, v45;
	v38 =	vmul.f32 v38, v45;
	v44 =	vmin.f32 v59, $6.300000000e+01  }
0x17c: {  	v48 =	vmul.f32 v54, v48;
	v61 =	vmax.f32 v20, $0.0e+00;
	v26 =	vld.idx.msk [tilespmem:v35+s15+$0x0], $0xffff;
	v44 =	vtrunc.f32 v44  }
0x17d: {  	v35 =	vld.idx.msk [tilespmem:v35+s16+$0x0], $0xffff;
	v51 =	vadd.f32 v56, v51;
	v37 =	vadd.f32 v37, v38;
	v59 =	vmul.f32 v13, v46  }
0x17e: {  	v32 =	vmul.f32 v32, v46;
	v41 =	vmul.f32 v41, v47;
	v29 =	vmin.f32 v61, $6.300000000e+01;
	v60 =	vld.idx.msk [tilespmem:v30+s2+$0x0], $0xffff  }
0x17f: {  	v62 =	vmax.f32 v28, $0.0e+00;
	v57 =	vtrunc.f32 v29;
	v29 =	vadd.f32 v39, v49;
	v30 =	vld.idx.msk [tilespmem:v30+s15+$0x0], $0xffff  }
0x180: {  	v47 =	vmul.f32 v50, v47;
	v53 =	vmin.f32 v62, $6.300000000e+01;
	v32 =	vadd.f32 v27, v32;
	v61 =	vld.idx.msk [tilespmem:v55+s14+$0x0], $0xffff  }
0x181: {  	v23 =	vld.idx.msk [tilespmem:v23+s16+$0x0], $0xffff;
	v49 =	vtrunc.f32 v53;
	v53 =	vcvt.f32.s32 v57;
	v58 =	vmax.f32 v29, $0.0e+00  }
0x182: {  	v39 =	vadd.f32 v26, v63;
	v26 =	vcvt.f32.s32 v44;
	v35 =	vadd.f32 v35, v48;
	v62 =	vld.idx.msk [tilespmem:v55+s16+$0x0], $0xffff  }
0x183: {  	v63 =	vld.idx.msk [tilespmem:v43+s15+$0x0], $0xffff;
	v48 =	vcvt.f32.s32 v49;
	v44 =	vadd.f32 v52, v59;
	v40 =	vmul.f32 v60, v40  }
0x184: {  	v24 =	vld.idx.msk [tilespmem:v24+s15+$0x0], $0xffff;
	v52 =	vmax.f32 v37, $0.0e+00;
	v13 =	vmin.f32 v58, $6.300000000e+01;
	v58 =	vmax.f32 v51, $0.0e+00  }
0x185: {  	v25 =	vld.idx.msk [tilespmem:v25+s16+$0x0], $0xffff;
	v13 =	vtrunc.f32 v13;
	v33 =	vmul.f32 v61, v33;
	v30 =	vadd.f32 v30, v40  }
0x186: {  	v45 =	vld.idx.msk [tilespmem:v36+s2+$0x0], $0xffff;
	v57 =	vmax.f32 v35, $0.0e+00;
	v13 =	vcvt.f32.s32 v13;
	v55 =	vmax.f32 v39, $0.0e+00  }
0x187: {  	v36 =	vld.idx.msk [tilespmem:v36+s15+$0x0], $0xffff;
	v38 =	vmin.f32 v57, $6.300000000e+01;
	v33 =	vadd.f32 v62, v33;
	v59 =	vmax.f32 v30, $0.0e+00  }
0x188: {  	v43 =	vld.idx.msk [tilespmem:v43+s16+$0x0], $0xffff;
	v49 =	vmin.f32 v55, $6.300000000e+01;
	v41 =	vadd.f32 v63, v41;
	v46 =	vmin.f32 v59, $6.300000000e+01  }
0x189: {  	v56 =	vld.idx.msk [tilespmem:v53+s2+$0x0], $0xffff;
	v63 =	vmax.f32 v32, $0.0e+00;
	v60 =	vmax.f32 v33, $0.0e+00;
	v27 =	vtrunc.f32 v46  }
0x18a: {  	v54 =	vld.idx.msk [tilespmem:v26+s14+$0x0], $0xffff;
	v40 =	vmin.f32 v58, $6.300000000e+01;
	v61 =	vmin.f32 v60, $6.300000000e+01;
	v58 =	vcvt.f32.s32 v27  }
0x18b: {  	v49 =	vtrunc.f32 v49;
	v57 =	vld.idx.msk [tilespmem:v48+s14+$0x0], $0xffff;
	v55 =	vmax.f32 v41, $0.0e+00;
	v27 =	vtrunc.f32 v61  }
0x18c: {  	v48 =	vld.idx.msk [tilespmem:v48+s16+$0x0], $0xffff;
	v62 =	vmax.f32 v44, $0.0e+00;
	v46 =	vmin.f32 v63, $6.300000000e+01;
	v59 =	vcvt.f32.s32 v27  }
0x18d: {  	v60 =	vld.idx.msk [tilespmem:v26+s16+$0x0], $0xffff;
	v26 =	vtrunc.f32 v40;
	v40 =	vadd.f32 v43, v47;
	v47 =	vcvt.f32.s32 v49  }
0x18e: {  	v50 =	vld.idx.msk [tilespmem:v13+s2+$0x0], $0xffff;
	v49 =	vmin.f32 v55, $6.300000000e+01;
	v55 =	vcvt.f32.s32 v26;
	v46 =	vtrunc.f32 v46  }
0x18f: {  	v43 =	vld.idx.msk [tilespmem:v53+s15+$0x0], $0xffff;
	v26 =	vadd.f32 v24, v31;
	v27 =	vmin.f32 v52, $6.300000000e+01;
	v31 =	vcvt.f32.s32 v46  }
0x190: {  	v38 =	vtrunc.f32 v38;
	v52 =	vmin.f32 v62, $6.300000000e+01;
	v27 =	vtrunc.f32 v27;
	v61 =	vld.idx.msk [tilespmem:v58+s2+$0x0], $0xffff  }
0x191: {  	v62 =	vcvt.f32.s32 v27;
	v27 =	vadd.f32 v23, v42;
	v23 =	vtrunc.f32 v49;
	v49 =	vld.idx.msk [tilespmem:v58+s15+$0x0], $0xffff  }
0x192: {  	v38 =	vcvt.f32.s32 v38;
	v53 =	vmax.f32 v40, $0.0e+00;
	v52 =	vtrunc.f32 v52;
	v63 =	vld.idx.msk [tilespmem:v59+s14+$0x0], $0xffff  }
0x193: {  	v53 =	vmin.f32 v53, $6.300000000e+01;
	v42 =	vcvt.f32.s32 v52;
	v52 =	vcvt.f32.s32 v23;
	v24 =	vld.idx.msk [tilespmem:v59+s16+$0x0], $0xffff  }
0x194: {  	v59 =	vtrunc.f32 v53;
	v53 =	vld.idx.msk [tilespmem:v47+s2+$0x0], $0xffff  }
0x195: {  	v12 =	vmul.f32 v45, v12;
	v20 =	vmul.f32 v56, v20;
	v45 =	vld.idx.msk [tilespmem:v31+s14+$0x0], $0xffff  }
0x196: {  	v25 =	vadd.f32 v25, v34;
	v19 =	vmul.f32 v54, v19;
	v28 =	vmul.f32 v57, v28;
	v47 =	vld.idx.msk [tilespmem:v47+s15+$0x0], $0xffff  }
0x197: {  	v29 =	vmul.f32 v50, v29;
	v23 =	vmax.f32 v26, $0.0e+00;
	v46 =	vmax.f32 v27, $0.0e+00;
	v31 =	vld.idx.msk [tilespmem:v31+s16+$0x0], $0xffff  }
0x198: {  	v23 =	vmin.f32 v23, $6.300000000e+01;
	v46 =	vmin.f32 v46, $6.300000000e+01;
	v34 =	vcvt.f32.s32 v59;
	v59 =	vld.idx.msk [tilespmem:v38+s14+$0x0], $0xffff  }
0x199: {  	v23 =	vtrunc.f32 v23;
	v46 =	vtrunc.f32 v46;
	v54 =	vld.idx.msk [tilespmem:v52+s2+$0x0], $0xffff  }
0x19a: {  	v58 =	vmax.f32 v25, $0.0e+00;
	v4 =	vcvt.f32.s32 v23;
	v30 =	vmul.f32 v61, v30;
	v61 =	vld.idx.msk [tilespmem:v55+s2+$0x0], $0xffff  }
0x19b: {  	v58 =	vmin.f32 v58, $6.300000000e+01;
	v46 =	vcvt.f32.s32 v46;
	v55 =	vld.idx.msk [tilespmem:v55+s15+$0x0], $0xffff;
	v33 =	vmul.f32 v63, v33  }
0x19c: {  	v63 =	vld.idx.msk [tilespmem:v62+s14+$0x0], $0xffff;
	v39 =	vmul.f32 v53, v39;
	v32 =	vmul.f32 v45, v32;
	v30 =	vadd.f32 v49, v30  }
0x19d: {  	v58 =	vtrunc.f32 v58;
	v53 =	vld.idx.msk [tilespmem:v62+s16+$0x0], $0xffff;
	v35 =	vmul.f32 v59, v35;
	v33 =	vadd.f32 v24, v33  }
0x19e: {  	v49 =	vld.idx.msk [tilespmem:v42+s2+$0x0], $0xffff;
	v39 =	vadd.f32 v47, v39;
	v32 =	vadd.f32 v31, v32;
	v24 =	vmax.f32 v30, $0.0e+00  }
0x19f: {  	v42 =	vld.idx.msk [tilespmem:v42+s15+$0x0], $0xffff;
	v41 =	vmul.f32 v54, v41;
	v24 =	vmin.f32 v24, $6.300000000e+01;
	v57 =	vmax.f32 v33, $0.0e+00  }
0x1a0: {  	v56 =	vld.idx.msk [tilespmem:v34+s14+$0x0], $0xffff;
	v61 =	vmul.f32 v61, v51;
	v59 =	vmax.f32 v39, $0.0e+00;
	v23 =	vtrunc.f32 v24  }
0x1a1: {  	v50 =	vld.idx.msk [tilespmem:v46+s14+$0x0], $0xffff;
	v57 =	vmin.f32 v57, $6.300000000e+01;
	v24 =	vadd.f32 v36, v12;
	v36 =	vcvt.f32.s32 v23  }
0x1a2: {  	v12 =	vld.idx.msk [tilespmem:v38+s16+$0x0], $0xffff;
	v38 =	vtrunc.f32 v57;
	v57 =	vcvt.f32.s32 v58;
	v23 =	vadd.f32 v60, v19  }
0x1a3: {  	v54 =	vld.idx.msk [tilespmem:v52+s15+$0x0], $0xffff;
	v19 =	vadd.f32 v43, v20;
	v20 =	vadd.f32 v48, v28;
	v38 =	vcvt.f32.s32 v38  }
0x1a4: {  	v52 =	vld.idx.msk [tilespmem:v4+s2+$0x0], $0xffff;
	v28 =	vmul.f32 v63, v37;
	v62 =	vmul.f32 v49, v44;
	v43 =	vadd.f32 v55, v61  }
0x1a5: {  	v49 =	vmin.f32 v59, $6.300000000e+01;
	v60 =	vmax.f32 v24, $0.0e+00;
	v63 =	vmax.f32 v23, $0.0e+00  }
0x1a6: {  	v40 =	vmul.f32 v56, v40;
	v49 =	vtrunc.f32 v49;
	v44 =	vmin.f32 v63, $6.300000000e+01;
	v63 =	vld.idx.msk [tilespmem:v34+s16+$0x0], $0xffff  }
0x1a7: {  	v27 =	vmul.f32 v50, v27;
	v56 =	vmin.f32 v60, $6.300000000e+01;
	v51 =	vadd.f32 v53, v28;
	v58 =	vld.idx.msk [tilespmem:v36+s2+$0x0], $0xffff  }
0x1a8: {  	v61 =	vmax.f32 v43, $0.0e+00;
	v37 =	vadd.f32 v42, v62;
	v41 =	vadd.f32 v54, v41;
	v36 =	vld.idx.msk [tilespmem:v36+s15+$0x0], $0xffff  }
0x1a9: {  	v49 =	vcvt.f32.s32 v49;
	v26 =	vmul.f32 v52, v26;
	v35 =	vadd.f32 v12, v35;
	v12 =	vld.idx.msk [tilespmem:v38+s14+$0x0], $0xffff  }
0x1aa: {  	v48 =	vtrunc.f32 v56;
	v42 =	vmin.f32 v61, $6.300000000e+01;
	v62 =	vmax.f32 v51, $0.0e+00;
	v54 =	vld.idx.msk [tilespmem:v57+s14+$0x0], $0xffff  }
0x1ab: {  	v42 =	vtrunc.f32 v42;
	v31 =	vmin.f32 v62, $6.300000000e+01;
	v60 =	vmax.f32 v35, $0.0e+00;
	v28 =	vld.idx.msk [tilespmem:v38+s16+$0x0], $0xffff  }
0x1ac: {  	v42 =	vcvt.f32.s32 v42;
	v31 =	vtrunc.f32 v31;
	v38 =	vmin.f32 v60, $6.300000000e+01  }
0x1ad: {  	v56 =	vmax.f32 v37, $0.0e+00;
	v38 =	vtrunc.f32 v38;
	v30 =	vmul.f32 v58, v30  }
0x1ae: {  	v13 =	vld.idx.msk [tilespmem:v13+s15+$0x0], $0xffff;
	v38 =	vcvt.f32.s32 v38;
	v58 =	vmax.f32 v32, $0.0e+00;
	v12 =	vmul.f32 v12, v33  }
0x1af: {  	v25 =	vmul.f32 v54, v25;
	v33 =	vadd.f32 v63, v40;
	v36 =	vadd.f32 v36, v30  }
0x1b0: {  	v45 =	vld.idx.msk [tilespmem:v22+s14+$0x0], $0xffff;
	v30 =	vmin.f32 v56, $6.300000000e+01;
	v47 =	vadd.f32 v28, v12;
	v12 =	vmin.f32 v58, $6.300000000e+01  }
0x1b1: {  	v46 =	vld.idx.msk [tilespmem:v46+s16+$0x0], $0xffff;
	v28 =	vmax.f32 v41, $0.0e+00;
	v30 =	vtrunc.f32 v30;
	v59 =	vmax.f32 v36, $0.0e+00  }
0x1b2: {  	v4 =	vld.idx.msk [tilespmem:v4+s15+$0x0], $0xffff;
	v62 =	vmax.f32 v33, $0.0e+00;
	v28 =	vmin.f32 v28, $6.300000000e+01;
	v34 =	vmin.f32 v59, $6.300000000e+01  }
0x1b3: {  	v54 =	vld.idx.msk [tilespmem:v49+s2+$0x0], $0xffff;
	v60 =	vmax.f32 v47, $0.0e+00;
	v58 =	vtrunc.f32 v28;
	v28 =	vadd.f32 v13, v29  }
0x1b4: {  	v49 =	vld.idx.msk [tilespmem:v49+s15+$0x0], $0xffff;
	v34 =	vtrunc.f32 v34;
	v53 =	vmin.f32 v60, $6.300000000e+01;
	v60 =	vcvt.f32.s32 v31  }
0x1b5: {  	v56 =	vld.idx.msk [tilespmem:v21+s2+$0x0], $0xffff;
	v29 =	vmax.f32 v19, $0.0e+00;
	v34 =	vcvt.f32.s32 v34;
	v61 =	vtrunc.f32 v53  }
0x1b6: {  	v55 =	vmin.f32 v62, $6.300000000e+01;
	v59 =	vld.idx.msk [tilespmem:v17+s14+$0x0], $0xffff;
	v29 =	vmin.f32 v29, $6.300000000e+01;
	v40 =	vcvt.f32.s32 v61  }
0x1b7: {  	v13 =	vtrunc.f32 v55;
	v53 =	vld.idx.msk [tilespmem:v57+s16+$0x0], $0xffff;
	v52 =	vtrunc.f32 v29  }
0x1b8: {  	v29 =	vadd.f32 v4, v26;
	v26 =	vld.idx.msk [tilespmem:v38+s14+$0x0], $0xffff;
	v61 =	vcvt.f32.s32 v30;
	v30 =	vmax.f32 v28, $0.0e+00  }
0x1b9: {  	v62 =	vcvt.f32.s32 v13;
	v63 =	vmin.f32 v30, $6.300000000e+01;
	v30 =	vadd.f32 v46, v27;
	v46 =	vld.idx.msk [tilespmem:v42+s2+$0x0], $0xffff  }
0x1ba: {  	v27 =	vtrunc.f32 v63;
	v63 =	vld.idx.msk [tilespmem:v60+s14+$0x0], $0xffff  }
0x1bb: {  	v31 =	vld.idx.msk [tilespmem:v34+s2+$0x0], $0xffff  }
0x1bc: {  	v50 =	vld.idx.msk [tilespmem:v40+s14+$0x0], $0xffff  }
0x1bd: {  	v44 =	vtrunc.f32 v44;
	v57 =	vtrunc.f32 v12;
	v13 =	vld.idx.msk [tilespmem:v34+s15+$0x0], $0xffff  }
0x1be: {  	v55 =	vmax.f32 v20, $0.0e+00;
	v39 =	vmul.f32 v54, v39;
	v57 =	vcvt.f32.s32 v57;
	v40 =	vld.idx.msk [tilespmem:v40+s16+$0x0], $0xffff  }
0x1bf: {  	v4 =	vcvt.f32.s32 v48;
	v48 =	vmax.f32 v29, $0.0e+00;
	v43 =	vmul.f32 v46, v43;
	v46 =	vld.idx.msk [tilespmem:v62+s14+$0x0], $0xffff  }
0x1c0: {  	v58 =	vcvt.f32.s32 v58;
	v12 =	vld.idx.msk [tilespmem:v16+s2+$0x0], $0xffff;
	v48 =	vmin.f32 v48, $6.300000000e+01;
	v36 =	vmul.f32 v31, v36  }
0x1c1: {  	v42 =	vld.idx.msk [tilespmem:v42+s15+$0x0], $0xffff;
	v35 =	vmul.f32 v26, v35;
	v34 =	vmin.f32 v55, $6.300000000e+01;
	v47 =	vmul.f32 v50, v47  }
0x1c2: {  	v38 =	vld.idx.msk [tilespmem:v38+s16+$0x0], $0xffff;
	v31 =	vadd.f32 v53, v25;
	v25 =	vmax.f32 v30, $0.0e+00;
	v36 =	vadd.f32 v13, v36  }
0x1c3: {  	v51 =	vmul.f32 v63, v51;
	v25 =	vmin.f32 v25, $6.300000000e+01;
	v50 =	vld.idx.msk [tilespmem:v61+s2+$0x0], $0xffff;
	v40 =	vadd.f32 v40, v47  }
0x1c4: {  	v33 =	vmul.f32 v46, v33;
	v25 =	vtrunc.f32 v25;
	v47 =	vld.idx.msk [tilespmem:v57+s14+$0x0], $0xffff;
	v26 =	vmax.f32 v36, $0.0e+00  }
0x1c5: {  	v61 =	vld.idx.msk [tilespmem:v61+s15+$0x0], $0xffff;
	v46 =	vcvt.f32.s32 v25;
	v26 =	vmin.f32 v26, $6.300000000e+01;
	v63 =	vmax.f32 v40, $0.0e+00  }
0x1c6: {  	v60 =	vld.idx.msk [tilespmem:v60+s16+$0x0], $0xffff;
	v42 =	vadd.f32 v42, v43;
	v26 =	vtrunc.f32 v26;
	v53 =	vmin.f32 v63, $6.300000000e+01  }
0x1c7: {  	v54 =	vld.idx.msk [tilespmem:v58+s2+$0x0], $0xffff;
	v63 =	vmax.f32 v31, $0.0e+00;
	v55 =	vcvt.f32.s32 v26;
	v26 =	vtrunc.f32 v53  }
0x1c8: {  	v57 =	vld.idx.msk [tilespmem:v57+s16+$0x0], $0xffff;
	v50 =	vmul.f32 v50, v37;
	v37 =	vmin.f32 v63, $6.300000000e+01;
	v53 =	vcvt.f32.s32 v26  }
0x1c9: {  	v35 =	vadd.f32 v38, v35;
	v63 =	vld.idx.msk [tilespmem:v58+s15+$0x0], $0xffff;
	v26 =	vtrunc.f32 v37;
	v32 =	vmul.f32 v47, v32  }
0x1ca: {  	v37 =	vmul.f32 v59, v7;
	v47 =	vadd.f32 v61, v50;
	v59 =	vmax.f32 v42, $0.0e+00;
	v61 =	vld.idx.msk [tilespmem:v62+s16+$0x0], $0xffff  }
0x1cb: {  	v38 =	vmul.f32 v45, v6;
	v45 =	vadd.f32 v60, v51;
	v51 =	vmin.f32 v59, $6.300000000e+01;
	v59 =	vld.idx.msk [tilespmem:v46+s14+$0x0], $0xffff  }
0x1cc: {  	v39 =	vadd.f32 v49, v39;
	v48 =	vtrunc.f32 v48;
	v41 =	vmul.f32 v54, v41;
	v46 =	vld.idx.msk [tilespmem:v46+s16+$0x0], $0xffff  }
0x1cd: {  	v54 =	vcvt.f32.s32 v27;
	v27 =	vcvt.f32.s32 v48;
	v32 =	vadd.f32 v57, v32;
	v57 =	vld.idx.msk [tilespmem:v4+s2+$0x0], $0xffff  }
0x1ce: {  	v44 =	vcvt.f32.s32 v44;
	v34 =	vtrunc.f32 v34;
	v4 =	vld.idx.msk [tilespmem:v4+s15+$0x0], $0xffff  }
0x1cf: {  	v52 =	vcvt.f32.s32 v52;
	v6 =	vmax.f32 v39, $0.0e+00;
	v34 =	vcvt.f32.s32 v34;
	v48 =	vld.idx.msk [tilespmem:v55+s2+$0x0], $0xffff  }
0x1d0: {  	v6 =	vmin.f32 v6, $6.300000000e+01;
	v25 =	vmul.f32 v56, v8;
	v7 =	vmax.f32 v35, $0.0e+00;
	v8 =	vld.idx.msk [tilespmem:v53+s14+$0x0], $0xffff  }
0x1d1: {  	v6 =	vtrunc.f32 v6;
	v26 =	vcvt.f32.s32 v26;
	v7 =	vmin.f32 v7, $6.300000000e+01;
	v43 =	vld.idx.msk [tilespmem:v55+s15+$0x0], $0xffff  }
0x1d2: {  	v62 =	vmax.f32 v47, $0.0e+00;
	v7 =	vtrunc.f32 v7;
	v51 =	vtrunc.f32 v51;
	v50 =	vld.idx.msk [tilespmem:v53+s16+$0x0], $0xffff  }
0x1d3: {  	v56 =	vmin.f32 v62, $6.300000000e+01;
	v62 =	vcvt.f32.s32 v6;
	v33 =	vadd.f32 v61, v33;
	v61 =	vld.idx.msk [tilespmem:v27+s2+$0x0], $0xffff  }
0x1d4: {  	v60 =	vmax.f32 v45, $0.0e+00;
	v51 =	vcvt.f32.s32 v51;
	v36 =	vmul.f32 v48, v36;
	v48 =	vld.idx.msk [tilespmem:v44+s14+$0x0], $0xffff  }
0x1d5: {  	v41 =	vadd.f32 v63, v41;
	v63 =	vmax.f32 v32, $0.0e+00;
	v44 =	vld.idx.msk [tilespmem:v44+s16+$0x0], $0xffff;
	v8 =	vmul.f32 v8, v40  }
0x1d6: {  	v56 =	vtrunc.f32 v56;
	v49 =	vmin.f32 v63, $6.300000000e+01;
	v40 =	vld.idx.msk [tilespmem:v52+s2+$0x0], $0xffff;
	v36 =	vadd.f32 v43, v36  }
0x1d7: {  	v63 =	vcvt.f32.s32 v7;
	v56 =	vcvt.f32.s32 v56;
	v52 =	vld.idx.msk [tilespmem:v52+s15+$0x0], $0xffff;
	v50 =	vadd.f32 v50, v8  }
0x1d8: {  	v53 =	vmin.f32 v60, $6.300000000e+01;
	v58 =	vmax.f32 v41, $0.0e+00;
	v43 =	vld.idx.msk [tilespmem:v34+s14+$0x0], $0xffff;
	v60 =	vmax.f32 v36, $0.0e+00  }
0x1d9: {  	v53 =	vtrunc.f32 v53;
	v8 =	vld.idx.msk [tilespmem:v54+s2+$0x0], $0xffff;
	v55 =	vmin.f32 v60, $6.300000000e+01;
	v60 =	vmax.f32 v50, $0.0e+00  }
0x1da: {  	v34 =	vld.idx.msk [tilespmem:v34+s16+$0x0], $0xffff;
	v23 =	vmul.f32 v48, v23;
	v55 =	vtrunc.f32 v55;
	v60 =	vmin.f32 v60, $6.300000000e+01  }
0x1db: {  	v54 =	vld.idx.msk [tilespmem:v54+s15+$0x0], $0xffff;
	v48 =	vmax.f32 v33, $0.0e+00;
	v55 =	vcvt.f32.s32 v55;
	v60 =	vtrunc.f32 v60  }
0x1dc: {  	v24 =	vmul.f32 v57, v24;
	v57 =	vld.idx.msk [tilespmem:v26+s14+$0x0], $0xffff;
	v48 =	vmin.f32 v48, $6.300000000e+01;
	v60 =	vcvt.f32.s32 v60  }
0x1dd: {  	v7 =	vmul.f32 v40, v19;
	v20 =	vmul.f32 v43, v20;
	v6 =	vadd.f32 v44, v23;
	v23 =	vld.idx.msk [tilespmem:v62+s2+$0x0], $0xffff  }
0x1de: {  	v43 =	vadd.f32 v4, v24;
	v4 =	vmul.f32 v8, v28;
	v28 =	vmul.f32 v59, v30;
	v30 =	vld.idx.msk [tilespmem:v63+s14+$0x0], $0xffff  }
0x1df: {  	v58 =	vmin.f32 v58, $6.300000000e+01;
	v48 =	vtrunc.f32 v48;
	v8 =	vadd.f32 v52, v7;
	v52 =	vld.idx.msk [tilespmem:v56+s2+$0x0], $0xffff  }
0x1e0: {  	v48 =	vcvt.f32.s32 v48;
	v7 =	vadd.f32 v34, v20;
	v20 =	vadd.f32 v54, v4;
	v4 =	vld.idx.msk [tilespmem:v51+s2+$0x0], $0xffff  }
0x1e1: {  	v58 =	vtrunc.f32 v58;
	v53 =	vcvt.f32.s32 v53;
	v19 =	vld.idx.msk [tilespmem:v55+s2+$0x0], $0xffff  }
0x1e2: {  	v40 =	vcvt.f32.s32 v58;
	v58 =	vld.idx.msk [tilespmem:v60+s14+$0x0], $0xffff  }
0x1e3: {  	v49 =	vtrunc.f32 v49;
	v55 =	vld.idx.msk [tilespmem:v55+s15+$0x0], $0xffff  }
0x1e4: {  	v49 =	vcvt.f32.s32 v49;
	v57 =	vmul.f32 v57, v31;
	v34 =	vmax.f32 v6, $0.0e+00;
	v24 =	vld.idx.msk [tilespmem:v60+s16+$0x0], $0xffff  }
0x1e5: {  	v13 =	vld.idx.msk [tilespmem:v15+s14+$0x0], $0xffff;
	v44 =	vmul.f32 v61, v29;
	v29 =	vmax.f32 v43, $0.0e+00;
	v34 =	vmin.f32 v34, $6.300000000e+01  }
0x1e6: {  	v54 =	vmax.f32 v20, $0.0e+00;
	v23 =	vmul.f32 v23, v39;
	v59 =	vld.idx.msk [tilespmem:v48+s14+$0x0], $0xffff;
	v31 =	vmul.f32 v19, v36  }
0x1e7: {  	v30 =	vmul.f32 v30, v35;
	v19 =	vadd.f32 v46, v28;
	v36 =	vld.idx.msk [tilespmem:v53+s14+$0x0], $0xffff;
	v28 =	vmul.f32 v58, v50  }
0x1e8: {  	v47 =	vmul.f32 v52, v47;
	v46 =	vmax.f32 v8, $0.0e+00;
	v58 =	vld.idx.msk [tilespmem:v40+s2+$0x0], $0xffff;
	v50 =	vadd.f32 v55, v31  }
0x1e9: {  	v4 =	vmul.f32 v4, v42;
	v42 =	vld.idx.msk [tilespmem:v62+s15+$0x0], $0xffff;
	v46 =	vmin.f32 v46, $6.300000000e+01;
	v24 =	vadd.f32 v24, v28  }
0x1ea: {  	v31 =	vmax.f32 v7, $0.0e+00;
	v28 =	vmin.f32 v29, $6.300000000e+01;
	v29 =	vld.idx.msk [tilespmem:v49+s14+$0x0], $0xffff;
	v61 =	vmax.f32 v50, $0.0e+00  }
0x1eb: {  	v49 =	vld.idx.msk [tilespmem:v49+s16+$0x0], $0xffff;
	v28 =	vtrunc.f32 v28;
	v60 =	vmin.f32 v61, $6.300000000e+01;
	v61 =	vmax.f32 v24, $0.0e+00  }
0x1ec: {  	v36 =	vmul.f32 v36, v45;
	v35 =	vtrunc.f32 v60;
	v39 =	vmin.f32 v61, $6.300000000e+01;
	v61 =	vld.idx.msk [tilespmem:v56+s15+$0x0], $0xffff  }
0x1ed: {  	v55 =	vmax.f32 v19, $0.0e+00;
	v41 =	vmul.f32 v58, v41;
	v62 =	vtrunc.f32 v39;
	v39 =	vld.idx.msk [tilespmem:v63+s16+$0x0], $0xffff  }
0x1ee: {  	v31 =	vmin.f32 v31, $6.300000000e+01;
	v56 =	vtrunc.f32 v46;
	v60 =	vcvt.f32.s32 v35;
	v35 =	vld.idx.msk [tilespmem:v51+s15+$0x0], $0xffff  }
0x1ef: {  	v27 =	vld.idx.msk [tilespmem:v27+s15+$0x0], $0xffff;
	v58 =	vtrunc.f32 v31;
	v63 =	vmin.f32 v54, $6.300000000e+01;
	v54 =	vmul.f32 v59, v33  }
0x1f0: {  	v26 =	vld.idx.msk [tilespmem:v26+s16+$0x0], $0xffff;
	v33 =	vadd.f32 v42, v23;
	v45 =	vcvt.f32.s32 v62;
	v29 =	vmul.f32 v29, v32  }
0x1f1: {  	v32 =	vld.idx.msk [tilespmem:v53+s16+$0x0], $0xffff;
	v62 =	vmin.f32 v55, $6.300000000e+01;
	v55 =	vtrunc.f32 v34;
	v51 =	vtrunc.f32 v63  }
0x1f2: {  	v23 =	vld.idx.msk [tilespmem:v40+s15+$0x0], $0xffff;
	v53 =	vtrunc.f32 v62;
	v29 =	vadd.f32 v49, v29;
	v31 =	vadd.f32 v61, v47  }
0x1f3: {  	v47 =	vld.idx.msk [tilespmem:v48+s16+$0x0], $0xffff;
	v34 =	vadd.f32 v39, v30;
	v30 =	vmax.f32 v33, $0.0e+00;
	v35 =	vadd.f32 v35, v4  }
0x1f4: {  	v4 =	vcvt.f32.s32 v28;
	v62 =	vmax.f32 v29, $0.0e+00;
	v63 =	vld.idx.msk [tilespmem:v60+s2+$0x0], $0xffff;
	v40 =	vmin.f32 v30, $6.300000000e+01  }
0x1f5: {  	v49 =	vmin.f32 v62, $6.300000000e+01;
	v62 =	vld.idx.msk [tilespmem:v17+s16+$0x0], $0xffff;
	v17 =	vadd.f32 v26, v57;
	v30 =	vmax.f32 v34, $0.0e+00  }
0x1f6: {  	s5 =	simm.s32 $0x5120;
	v36 =	vadd.f32 v32, v36;
	v32 =	vld.idx.msk [tilespmem:v60+s15+$0x0], $0xffff;
	v42 =	vmin.f32 v30, $6.300000000e+01;
	v30 =	vmax.f32 v35, $0.0e+00  }
0x1f7: {  	[tilespmem:s5+$0x20] =	vst v5;
	v28 =	vld.idx.msk [tilespmem:v45+s14+$0x0], $0xffff;
	v40 =	vtrunc.f32 v40;
	v5 =	vmax.f32 v17, $0.0e+00;
	v52 =	vmin.f32 v30, $6.300000000e+01  }
0x1f8: {  	v45 =	vld.idx.msk [tilespmem:v45+s16+$0x0], $0xffff;
	v30 =	vmax.f32 v36, $0.0e+00;
	v42 =	vtrunc.f32 v42;
	v5 =	vmin.f32 v5, $6.300000000e+01  }
0x1f9: {  	v59 =	vmin.f32 v30, $6.300000000e+01;
	v30 =	vadd.f32 v23, v41;
	v23 =	vld.idx.msk [tilespmem:v11+s2+$0x0], $0xffff;
	v46 =	vtrunc.f32 v52  }
0x1fa: {  	v60 =	vmax.f32 v31, $0.0e+00;
	v52 =	vld.idx.msk [tilespmem:v22+s16+$0x0], $0xffff;
	v5 =	vtrunc.f32 v5;
	v39 =	vmul.f32 v63, v50  }
0x1fb: {  	v48 =	vtrunc.f32 v59;
	v59 =	vld.idx.msk [tilespmem:v21+s15+$0x0], $0xffff;
	v21 =	vadd.f32 v27, v44;
	v27 =	vtrunc.f32 v49  }
0x1fc: {  	v61 =	vmin.f32 v60, $6.300000000e+01;
	v22 =	vld.idx.msk [tilespmem:v4+s15+$0x0], $0xffff;
	v44 =	vcvt.f32.s32 v42;
	v46 =	vcvt.f32.s32 v46  }
0x1fd: {  	v42 =	vld.idx.msk [tilespmem:v16+s15+$0x0], $0xffff;
	v5 =	vcvt.f32.s32 v5;
	v63 =	vmax.f32 v30, $0.0e+00;
	v28 =	vmul.f32 v28, v24  }
0x1fe: {  	v24 =	vld.idx.msk [tilespmem:v14+s14+$0x0], $0xffff;
	v48 =	vcvt.f32.s32 v48;
	v50 =	vmin.f32 v63, $6.300000000e+01;
	v39 =	vadd.f32 v32, v39  }
0x1ff: {  	v32 =	vadd.f32 v47, v54;
	v47 =	vcvt.f32.s32 v40;
	v40 =	vld.idx.msk [tilespmem:v11+s15+$0x0], $0xffff;
	v11 =	vcvt.f32.s32 v58  }
0x200: {  	v28 =	vadd.f32 v45, v28;
	v54 =	vmul.f32 $1.562500000e-02, v39;
	v39 =	vtrunc.f32 v61;
	v61 =	vld.idx.msk [tilespmem:v4+s2+$0x0], $0xffff  }
0x201: {  	s1 =	simm.s32 $0x5170;
	v16 =	vmax.f32 v21, $0.0e+00;
	v41 =	vtrunc.f32 v50;
	v45 =	vcvt.f32.s32 v39;
	v39 =	vld.idx.msk [tilespmem:v15+s16+$0x0], $0xffff  }
0x202: {  	v26 =	vcvt.f32.s32 v41;
	v60 =	vmul.f32 $1.562500000e-02, v28;
	v28 =	vmax.f32 v32, $0.0e+00;
	v15 =	vld [tilespmem:$0x1FFF0];
	[tilespmem:s1+$0x20] =	vst v10  }
0x203: {  	s17 =	simm.s32 $0xA070;
	v41 =	vld.idx.msk [tilespmem:v14+s16+$0x0], $0xffff;
	v14 =	vcvt.f32.s32 v56;
	[tilespmem:s5+$0xFFFFFFE0] =	vst v18;
	v10 =	vcvt.f32.s32 v51;
	v4 =	vmin.f32 v28, $6.300000000e+01  }
0x204: {  	s31 =	simm.s32 $0x51C0;
	v18 =	vadd.f32 v52, v38;
	v28 =	vcvt.f32.s32 v27;
	[tilespmem:s17+$0x20] =	vst v9;
	v50 =	vld.idx.msk [tilespmem:v44+s14+$0x0], $0xffff;
	v4 =	vtrunc.f32 v4  }
0x205: {  	s0 =	simm.s32 $0xA0C0;
	[tilespmem:s31+$0x20] =	vst v54;
	v9 =	vcvt.f32.s32 v53;
	v27 =	vcvt.f32.s32 v4;
	v4 =	vmin.f32 v16, $6.300000000e+01;
	v49 =	vld.idx.msk [tilespmem:v47+s2+$0x0], $0xffff  }
0x206: {  	s6 =	simm.s32 $0xA020;
	v25 =	vadd.f32 v59, v25;
	v51 =	vld.idx.msk [tilespmem:v46+s2+$0x0], $0xffff;
	[tilespmem:s0+$0x20] =	vst v60;
	v4 =	vtrunc.f32 v4;
	v16 =	vmul.f32 v61, v43  }
0x207: {  	s30 =	smul.u32 $0x4E20, s29;
	s7 =	simm.s32 $0xA;
	s8 =	simm.s32 $0x310;
	v38 =	vadd.f32 v62, v37;
	v52 =	vld.idx.msk [tilespmem:v48+s14+$0x0], $0xffff;
	[tilespmem:s6+$0x20] =	vst v15;
	v15 =	vcvt.f32.s32 v55;
	v4 =	vcvt.f32.s32 v4  }
.LBB2_3:
0x208: {  	v43 =	vld [tilespmem:s8+$0x20];
	v12 =	vmul.f32 v12, v1;
	v13 =	vmul.f32 v13, v0;
	v1 =	vmovc v20;
	v0 =	vmov v19  }
0x209: {  	s7 =	sadd.s32 $0x5, s7;
	v19 =	vmul.f32 v23, v2;
	v20 =	vmul.f32 v24, v3;
	v2 =	vmovc v21;
	v37 =	vld [tilespmem:s8+$0xFFFFFFF0];
	v16 =	vadd.f32 v22, v16  }
0x20a: {  	v3 =	vmovc v17;
	p1 =	slt.u32 s7, $0x26C;
	v49 =	vmul.f32 v49, v33;
	v24 =	vld [tilespmem:s8+$0x0];
	v42 =	vadd.f32 v42, v12;
	v39 =	vadd.f32 v39, v13  }
0x20b: {  	v13 =	vmul.f32 v50, v34;
	v19 =	vadd.f32 v40, v19;
	v23 =	vadd.f32 v41, v20;
	v33 =	vld [tilespmem:s8+$0x10]  }
0x20c: {  	v17 =	vmul.f32 v51, v35;
	v16 =	vmul.f32 $1.562500000e-02, v16;
	v34 =	vld [tilespmem:s8+$0xFFFFFFE0]  }
0x20d: {  	v18 =	vmul.f32 $1.562500000e-02, v18;
	v20 =	vmul.f32 v52, v36;
	v12 =	vmax.f32 v43, $0.0e+00;
	v21 =	vld.idx.msk [tilespmem:v45+s2+$0x0], $0xffff  }
0x20e: {  	v25 =	vmul.f32 $1.562500000e-02, v25;
	v22 =	vmax.f32 v37, $0.0e+00;
	v12 =	vmin.f32 v12, $6.300000000e+01;
	v35 =	vld.idx.msk [tilespmem:v28+s14+$0x0], $0xffff  }
0x20f: {  	v22 =	vmin.f32 v22, $6.300000000e+01;
	v36 =	vmax.f32 v24, $0.0e+00;
	v12 =	vtrunc.f32 v12;
	v40 =	vld.idx.msk [tilespmem:v26+s2+$0x0], $0xffff;
	[tilespmem:s6+$0xFFFFFFE0] =	vst v18  }
0x210: {  	v18 =	vmin.f32 v36, $6.300000000e+01;
	v36 =	vmax.f32 v33, $0.0e+00;
	v41 =	vcvt.f32.s32 v12;
	v50 =	vld.idx.msk [tilespmem:v27+s14+$0x0], $0xffff;
	[tilespmem:s5+$0xFFFFFFF0] =	vst v25  }
0x211: {  	v22 =	vtrunc.f32 v22;
	v12 =	vmax.f32 v34, $0.0e+00;
	v25 =	vmin.f32 v36, $6.300000000e+01;
	v36 =	vld.idx.msk [tilespmem:v47+s15+$0x0], $0xffff  }
0x212: {  	v18 =	vtrunc.f32 v18;
	v12 =	vmin.f32 v12, $6.300000000e+01;
	v25 =	vtrunc.f32 v25;
	v44 =	vld.idx.msk [tilespmem:v44+s16+$0x0], $0xffff  }
0x213: {  	v47 =	vcvt.f32.s32 v22;
	v12 =	vtrunc.f32 v12;
	v46 =	vld.idx.msk [tilespmem:v46+s15+$0x0], $0xffff  }
0x214: {  	v52 =	vcvt.f32.s32 v18;
	v51 =	vcvt.f32.s32 v12;
	v48 =	vld.idx.msk [tilespmem:v48+s16+$0x0], $0xffff  }
0x215: {  	v31 =	vmul.f32 v21, v31;
	v25 =	vcvt.f32.s32 v25;
	v45 =	vld.idx.msk [tilespmem:v45+s15+$0x0], $0xffff  }
0x216: {  	v22 =	vmul.f32 v35, v29;
	v21 =	vmul.f32 v40, v30;
	v53 =	vld.idx.msk [tilespmem:v41+s2+$0x0], $0xffff  }
0x217: {  	v30 =	vmul.f32 $1.562500000e-02, v38;
	v18 =	vmul.f32 v50, v32;
	v12 =	vadd.f32 v36, v49;
	v29 =	vld.idx.msk [tilespmem:v41+s14+$0x0], $0xffff  }
0x218: {  	v35 =	vmul.f32 $1.562500000e-02, v42;
	v36 =	vmul.f32 $1.562500000e-02, v39;
	v13 =	vadd.f32 v44, v13;
	v32 =	vld.idx.msk [tilespmem:v41+s15+$0x0], $0xffff  }
0x219: {  	v39 =	vmax.f32 v12, $0.0e+00;
	v17 =	vadd.f32 v46, v17;
	v38 =	vld.idx.msk [tilespmem:v41+s16+$0x0], $0xffff;
	[tilespmem:s6+$0xFFFFFFF0] =	vst v30;
	v30 =	vmul.f32 $1.562500000e-02, v19  }
0x21a: {  	v39 =	vmin.f32 v39, $6.300000000e+01;
	v41 =	vmax.f32 v13, $0.0e+00;
	v19 =	vadd.f32 v48, v20;
	v40 =	vld.idx.msk [tilespmem:v51+s2+$0x0], $0xffff;
	[tilespmem:s5+$0x0] =	vst v35  }
0x21b: {  	v41 =	vmin.f32 v41, $6.300000000e+01;
	v42 =	vmax.f32 v17, $0.0e+00;
	v20 =	vadd.f32 v45, v31;
	v35 =	vld.idx.msk [tilespmem:v51+s14+$0x0], $0xffff;
	[tilespmem:s6+$0x0] =	vst v36  }
0x21c: {  	v36 =	vmul.f32 v53, v43;
	v42 =	vmin.f32 v42, $6.300000000e+01;
	v44 =	vmax.f32 v19, $0.0e+00;
	v31 =	vld.idx.msk [tilespmem:v47+s2+$0x0], $0xffff;
	[tilespmem:s5+$0x10] =	vst v30;
	s5 =	smov.u32 s1;
	s1 =	smov.u32 s31  }
0x21d: {  	v29 =	vmul.f32 v29, v43;
	v43 =	vmin.f32 v44, $6.300000000e+01;
	v44 =	vmax.f32 v20, $0.0e+00;
	v30 =	vld.idx.msk [tilespmem:v47+s14+$0x0], $0xffff  }
0x21e: {  	v36 =	vadd.f32 v32, v36;
	v32 =	vtrunc.f32 v39;
	v39 =	vmin.f32 v44, $6.300000000e+01;
	v45 =	vld.idx.msk [tilespmem:v52+s2+$0x0], $0xffff  }
0x21f: {  	v41 =	vtrunc.f32 v41;
	v42 =	vtrunc.f32 v42;
	v38 =	vadd.f32 v38, v29;
	v44 =	vld.idx.msk [tilespmem:v52+s14+$0x0], $0xffff  }
0x220: {  	v43 =	vtrunc.f32 v43;
	v29 =	vmul.f32 v40, v34;
	v46 =	vmax.f32 v36, $0.0e+00;
	v40 =	vld.idx.msk [tilespmem:v25+s2+$0x0], $0xffff  }
0x221: {  	v34 =	vmul.f32 v35, v34;
	v46 =	vmin.f32 v46, $6.300000000e+01;
	v48 =	vmax.f32 v38, $0.0e+00;
	v35 =	vld.idx.msk [tilespmem:v25+s14+$0x0], $0xffff  }
0x222: {  	v31 =	vmul.f32 v31, v37;
	v46 =	vtrunc.f32 v46;
	v48 =	vmin.f32 v48, $6.300000000e+01;
	v49 =	vld.idx.msk [tilespmem:v51+s15+$0x0], $0xffff  }
0x223: {  	v46 =	vcvt.f32.s32 v46;
	v48 =	vtrunc.f32 v48;
	v50 =	vld.idx.msk [tilespmem:v51+s16+$0x0], $0xffff  }
0x224: {  	v37 =	vmul.f32 v30, v37;
	v48 =	vcvt.f32.s32 v48;
	v51 =	vld.idx.msk [tilespmem:v47+s15+$0x0], $0xffff  }
0x225: {  	v45 =	vmul.f32 v45, v24;
	v44 =	vmul.f32 v44, v24;
	v47 =	vld.idx.msk [tilespmem:v47+s16+$0x0], $0xffff  }
0x226: {  	v39 =	vtrunc.f32 v39;
	v40 =	vmul.f32 v40, v33;
	v24 =	vld.idx.msk [tilespmem:v52+s15+$0x0], $0xffff  }
0x227: {  	v53 =	vcvt.f32.s32 v32;
	v35 =	vmul.f32 v35, v33;
	v52 =	vld.idx.msk [tilespmem:v52+s16+$0x0], $0xffff  }
0x228: {  	v41 =	vcvt.f32.s32 v41;
	v42 =	vcvt.f32.s32 v42;
	v29 =	vadd.f32 v49, v29;
	v33 =	vld.idx.msk [tilespmem:v25+s15+$0x0], $0xffff  }
0x229: {  	v43 =	vcvt.f32.s32 v43;
	v39 =	vcvt.f32.s32 v39;
	v30 =	vadd.f32 v50, v34;
	v34 =	vld.idx.msk [tilespmem:v46+s2+$0x0], $0xffff  }
0x22a: {  	v50 =	vmul.f32 $1.562500000e-02, v23;
	v32 =	vmax.f32 v29, $0.0e+00;
	v31 =	vadd.f32 v51, v31;
	v49 =	vld.idx.msk [tilespmem:v48+s14+$0x0], $0xffff  }
0x22b: {  	v51 =	vmin.f32 v32, $6.300000000e+01;
	v32 =	vmax.f32 v30, $0.0e+00;
	v23 =	vadd.f32 v47, v37;
	v37 =	vld.idx.msk [tilespmem:v46+s15+$0x0], $0xffff  }
0x22c: {  	v46 =	vmin.f32 v32, $6.300000000e+01;
	v32 =	vmax.f32 v31, $0.0e+00;
	v24 =	vadd.f32 v24, v45;
	v45 =	vld.idx.msk [tilespmem:v48+s16+$0x0], $0xffff;
	[tilespmem:s6+$0x10] =	vst v50;
	s6 =	smov.u32 s17;
	s17 =	smov.u32 s0  }
0x22d: {  	v47 =	vmin.f32 v32, $6.300000000e+01;
	v48 =	vmax.f32 v23, $0.0e+00;
	v32 =	vadd.f32 v52, v44;
	v25 =	vld.idx.msk [tilespmem:v25+s16+$0x0], $0xffff  }
0x22e: {  	v44 =	vmin.f32 v48, $6.300000000e+01;
	v48 =	vmax.f32 v24, $0.0e+00;
	v33 =	vadd.f32 v33, v40;
	v28 =	vld.idx.msk [tilespmem:v28+s16+$0x0], $0xffff  }
0x22f: {  	v40 =	vmin.f32 v48, $6.300000000e+01;
	v48 =	vmax.f32 v32, $0.0e+00;
	v34 =	vmul.f32 v34, v36;
	v26 =	vld.idx.msk [tilespmem:v26+s15+$0x0], $0xffff  }
0x230: {  	v36 =	vmin.f32 v48, $6.300000000e+01;
	v48 =	vmax.f32 v33, $0.0e+00;
	v38 =	vmul.f32 v49, v38;
	v27 =	vld.idx.msk [tilespmem:v27+s16+$0x0], $0xffff  }
0x231: {  	v49 =	vtrunc.f32 v51;
	v48 =	vmin.f32 v48, $6.300000000e+01;
	v34 =	vadd.f32 v37, v34;
	v37 =	vld.idx.msk [tilespmem:v53+s2+$0x0], $0xffff  }
0x232: {  	v46 =	vtrunc.f32 v46;
	v47 =	vtrunc.f32 v47;
	v38 =	vadd.f32 v45, v38;
	v45 =	vld.idx.msk [tilespmem:v41+s14+$0x0], $0xffff  }
0x233: {  	v44 =	vtrunc.f32 v44;
	v35 =	vadd.f32 v25, v35;
	v25 =	vmax.f32 v34, $0.0e+00;
	v50 =	vld.idx.msk [tilespmem:v42+s2+$0x0], $0xffff  }
0x234: {  	v40 =	vtrunc.f32 v40;
	v25 =	vmin.f32 v25, $6.300000000e+01;
	v51 =	vmax.f32 v38, $0.0e+00;
	v52 =	vld.idx.msk [tilespmem:v43+s14+$0x0], $0xffff  }
0x235: {  	v54 =	vmax.f32 v35, $0.0e+00;
	v25 =	vtrunc.f32 v25;
	v51 =	vmin.f32 v51, $6.300000000e+01;
	v55 =	vld.idx.msk [tilespmem:v39+s2+$0x0], $0xffff  }
0x236: {  	v54 =	vmin.f32 v54, $6.300000000e+01;
	v56 =	vcvt.f32.s32 v25;
	v25 =	vtrunc.f32 v51;
	v51 =	vld.idx.msk [tilespmem:v53+s15+$0x0], $0xffff  }
0x237: {  	v36 =	vtrunc.f32 v36;
	v53 =	vcvt.f32.s32 v25;
	v25 =	vadd.f32 v28, v22;
	v41 =	vld.idx.msk [tilespmem:v41+s16+$0x0], $0xffff  }
0x238: {  	v26 =	vadd.f32 v26, v21;
	v22 =	vtrunc.f32 v48;
	v28 =	vtrunc.f32 v54;
	v42 =	vld.idx.msk [tilespmem:v42+s15+$0x0], $0xffff  }
0x239: {  	v46 =	vcvt.f32.s32 v46;
	v27 =	vadd.f32 v27, v18;
	v48 =	vcvt.f32.s32 v49;
	v21 =	vld.idx.msk [tilespmem:v43+s16+$0x0], $0xffff  }
0x23a: {  	v44 =	vcvt.f32.s32 v44;
	v43 =	vcvt.f32.s32 v47;
	v47 =	vmax.f32 v25, $0.0e+00;
	v39 =	vld.idx.msk [tilespmem:v39+s15+$0x0], $0xffff  }
0x23b: {  	v40 =	vcvt.f32.s32 v40;
	v36 =	vcvt.f32.s32 v36;
	v49 =	vmax.f32 v26, $0.0e+00;
	v18 =	vld.idx.msk [tilespmem:v15+s14+$0x0], $0xffff  }
0x23c: {  	v54 =	vcvt.f32.s32 v22;
	v28 =	vcvt.f32.s32 v28;
	v57 =	vmax.f32 v27, $0.0e+00;
	v22 =	vld.idx.msk [tilespmem:v56+s2+$0x0], $0xffff  }
0x23d: {  	v49 =	vmin.f32 v49, $6.300000000e+01;
	v57 =	vmin.f32 v57, $6.300000000e+01;
	v47 =	vmin.f32 v47, $6.300000000e+01;
	v58 =	vld.idx.msk [tilespmem:v53+s14+$0x0], $0xffff  }
0x23e: {  	v49 =	vtrunc.f32 v49;
	v47 =	vtrunc.f32 v47;
	v56 =	vld.idx.msk [tilespmem:v56+s15+$0x0], $0xffff  }
0x23f: {  	v57 =	vtrunc.f32 v57;
	v47 =	vcvt.f32.s32 v47;
	v53 =	vld.idx.msk [tilespmem:v53+s16+$0x0], $0xffff  }
0x240: {  	v49 =	vcvt.f32.s32 v49;
	v57 =	vcvt.f32.s32 v57;
	v59 =	vld.idx.msk [tilespmem:v48+s2+$0x0], $0xffff  }
0x241: {  	v12 =	vmul.f32 v37, v12;
	v13 =	vmul.f32 v45, v13;
	v60 =	vld.idx.msk [tilespmem:v46+s14+$0x0], $0xffff  }
0x242: {  	v22 =	vmul.f32 v22, v34;
	v34 =	vmul.f32 v50, v17;
	v37 =	vld.idx.msk [tilespmem:v43+s2+$0x0], $0xffff  }
0x243: {  	v17 =	vadd.f32 v51, v12;
	v12 =	vmul.f32 v52, v19;
	v38 =	vmul.f32 v58, v38;
	v45 =	vld.idx.msk [tilespmem:v44+s14+$0x0], $0xffff  }
0x244: {  	v19 =	vadd.f32 v41, v13;
	v13 =	vmul.f32 v55, v20;
	v51 =	vadd.f32 v56, v22;
	v50 =	vld.idx.msk [tilespmem:v40+s2+$0x0], $0xffff  }
0x245: {  	v52 =	vmax.f32 v17, $0.0e+00;
	v20 =	vadd.f32 v42, v34;
	v38 =	vadd.f32 v53, v38;
	v41 =	vld.idx.msk [tilespmem:v36+s14+$0x0], $0xffff  }
0x246: {  	v21 =	vadd.f32 v21, v12;
	v29 =	vmul.f32 v59, v29;
	v22 =	vmax.f32 v51, $0.0e+00;
	v34 =	vld.idx.msk [tilespmem:v54+s2+$0x0], $0xffff  }
0x247: {  	v12 =	vmul.f32 v60, v30;
	v22 =	vmin.f32 v22, $6.300000000e+01;
	v42 =	vmax.f32 v38, $0.0e+00;
	v30 =	vld.idx.msk [tilespmem:v28+s14+$0x0], $0xffff  }
0x248: {  	v31 =	vmul.f32 v37, v31;
	v22 =	vtrunc.f32 v22;
	v37 =	vmin.f32 v42, $6.300000000e+01;
	v48 =	vld.idx.msk [tilespmem:v48+s15+$0x0], $0xffff  }
0x249: {  	v37 =	vtrunc.f32 v37;
	v42 =	vld.idx.msk [tilespmem:v46+s16+$0x0], $0xffff;
	v46 =	vcvt.f32.s32 v22;
	v22 =	vadd.f32 v39, v13  }
0x24a: {  	v23 =	vmul.f32 v45, v23;
	v37 =	vcvt.f32.s32 v37;
	v39 =	vmax.f32 v19, $0.0e+00;
	v13 =	vld.idx.msk [tilespmem:v43+s15+$0x0], $0xffff  }
0x24b: {  	v24 =	vmul.f32 v50, v24;
	v41 =	vmul.f32 v41, v32;
	v32 =	vmax.f32 v20, $0.0e+00;
	v43 =	vld.idx.msk [tilespmem:v44+s16+$0x0], $0xffff  }
0x24c: {  	v44 =	vmul.f32 v34, v33;
	v34 =	vmax.f32 v21, $0.0e+00;
	v45 =	vmax.f32 v22, $0.0e+00;
	v40 =	vld.idx.msk [tilespmem:v40+s15+$0x0], $0xffff  }
0x24d: {  	v39 =	vmin.f32 v39, $6.300000000e+01;
	v30 =	vmul.f32 v30, v35;
	v35 =	vmin.f32 v52, $6.300000000e+01;
	v36 =	vld.idx.msk [tilespmem:v36+s16+$0x0], $0xffff  }
0x24e: {  	v50 =	vmin.f32 v34, $6.300000000e+01;
	v33 =	vadd.f32 v48, v29;
	v48 =	vmin.f32 v32, $6.300000000e+01;
	v29 =	vld.idx.msk [tilespmem:v54+s15+$0x0], $0xffff  }
0x24f: {  	v45 =	vmin.f32 v45, $6.300000000e+01;
	v34 =	vadd.f32 v42, v12;
	v42 =	vtrunc.f32 v35;
	v12 =	vld.idx.msk [tilespmem:v46+s2+$0x0], $0xffff  }
0x250: {  	v39 =	vtrunc.f32 v39;
	v32 =	vmax.f32 v33, $0.0e+00;
	v35 =	vadd.f32 v13, v31;
	v13 =	vld.idx.msk [tilespmem:v37+s14+$0x0], $0xffff  }
0x251: {  	v52 =	vmin.f32 v32, $6.300000000e+01;
	v32 =	vmax.f32 v34, $0.0e+00;
	v31 =	vadd.f32 v43, v23;
	v23 =	vld.idx.msk [tilespmem:v46+s15+$0x0], $0xffff  }
0x252: {  	v43 =	vmin.f32 v32, $6.300000000e+01;
	v46 =	vmax.f32 v35, $0.0e+00;
	v32 =	vadd.f32 v40, v24;
	v24 =	vld.idx.msk [tilespmem:v37+s16+$0x0], $0xffff  }
0x253: {  	v40 =	vmin.f32 v46, $6.300000000e+01;
	v37 =	vmax.f32 v31, $0.0e+00;
	v36 =	vadd.f32 v36, v41;
	v28 =	vld.idx.msk [tilespmem:v28+s16+$0x0], $0xffff  }
0x254: {  	v41 =	vmin.f32 v37, $6.300000000e+01;
	v46 =	vmax.f32 v32, $0.0e+00;
	v37 =	vadd.f32 v29, v44;
	v44 =	vld.idx.msk [tilespmem:v47+s14+$0x0], $0xffff  }
0x255: {  	v29 =	vmin.f32 v46, $6.300000000e+01;
	v46 =	vmax.f32 v36, $0.0e+00;
	v12 =	vmul.f32 v12, v51;
	v51 =	vld.idx.msk [tilespmem:v49+s2+$0x0], $0xffff  }
0x256: {  	v46 =	vmin.f32 v46, $6.300000000e+01;
	v53 =	vmax.f32 v37, $0.0e+00;
	v13 =	vmul.f32 v13, v38;
	v38 =	vld.idx.msk [tilespmem:v57+s14+$0x0], $0xffff  }
0x257: {  	v52 =	vtrunc.f32 v52;
	v53 =	vmin.f32 v53, $6.300000000e+01;
	v54 =	vadd.f32 v23, v12;
	v47 =	vld.idx.msk [tilespmem:v47+s16+$0x0], $0xffff  }
0x258: {  	v43 =	vtrunc.f32 v43;
	v40 =	vtrunc.f32 v40;
	v55 =	vadd.f32 v24, v13;
	v49 =	vld.idx.msk [tilespmem:v49+s15+$0x0], $0xffff  }
0x259: {  	v41 =	vtrunc.f32 v41;
	v56 =	vadd.f32 v28, v30;
	v12 =	vmax.f32 v54, $0.0e+00;
	v28 =	vld.idx.msk [tilespmem:v57+s16+$0x0], $0xffff  }
0x25a: {  	v30 =	vtrunc.f32 v29;
	v12 =	vmin.f32 v12, $6.300000000e+01;
	v13 =	vmax.f32 v55, $0.0e+00;
	v57 =	vld.idx.msk [tilespmem:v14+s2+$0x0], $0xffff  }
0x25b: {  	v23 =	vmax.f32 v56, $0.0e+00;
	v12 =	vtrunc.f32 v12;
	v13 =	vmin.f32 v13, $6.300000000e+01;
	v58 =	vld.idx.msk [tilespmem:v11+s14+$0x0], $0xffff  }
0x25c: {  	v23 =	vmin.f32 v23, $6.300000000e+01;
	v59 =	vcvt.f32.s32 v12;
	v13 =	vtrunc.f32 v13;
	v12 =	vld.idx.msk [tilespmem:v10+s2+$0x0], $0xffff  }
0x25d: {  	v46 =	vtrunc.f32 v46;
	v60 =	vcvt.f32.s32 v13;
	v13 =	vld.idx.msk [tilespmem:v9+s14+$0x0], $0xffff  }
0x25e: {  	v53 =	vtrunc.f32 v53;
	v61 =	vtrunc.f32 v23;
	v23 =	vld.idx.msk [tilespmem:v4+s2+$0x0], $0xffff  }
0x25f: {  	v52 =	vcvt.f32.s32 v52;
	v43 =	vcvt.f32.s32 v43;
	v24 =	vld.idx.msk [tilespmem:v5+s14+$0x0], $0xffff  }
0x260: {  	v40 =	vcvt.f32.s32 v40;
	v41 =	vcvt.f32.s32 v41;
	v29 =	vld.idx.msk [tilespmem:v15+s16+$0x0], $0xffff;
	[tilespmem:s5+$0xFFFFFFE0] =	vst v16  }
0x261: {  	v15 =	vcvt.f32.s32 v30;
	v16 =	vcvt.f32.s32 v46;
	v30 =	vld.idx.msk [tilespmem:v14+s15+$0x0], $0xffff  }
0x262: {  	v46 =	vcvt.f32.s32 v61;
	v14 =	vcvt.f32.s32 v53;
	v53 =	vld.idx.msk [tilespmem:v59+s2+$0x0], $0xffff  }
0x263: {  	v25 =	vmul.f32 v44, v25;
	v26 =	vmul.f32 v51, v26;
	v61 =	vld.idx.msk [tilespmem:v60+s14+$0x0], $0xffff  }
0x264: {  	v48 =	vtrunc.f32 v48;
	v38 =	vmul.f32 v38, v27;
	v44 =	vld.idx.msk [tilespmem:v59+s15+$0x0], $0xffff  }
0x265: {  	v50 =	vtrunc.f32 v50;
	v27 =	vadd.f32 v47, v25;
	v26 =	vadd.f32 v49, v26;
	v51 =	vld.idx.msk [tilespmem:v60+s16+$0x0], $0xffff  }
0x266: {  	v25 =	vcvt.f32.s32 v42;
	v42 =	vtrunc.f32 v45;
	v28 =	vadd.f32 v28, v38;
	v47 =	vld.idx.msk [tilespmem:v52+s2+$0x0], $0xffff  }
0x267: {  	v39 =	vcvt.f32.s32 v39;
	v45 =	vmax.f32 v27, $0.0e+00;
	v49 =	vmax.f32 v26, $0.0e+00;
	v38 =	vld.idx.msk [tilespmem:v43+s14+$0x0], $0xffff  }
0x268: {  	v45 =	vmin.f32 v45, $6.300000000e+01;
	v53 =	vmul.f32 v53, v54;
	v54 =	vmax.f32 v28, $0.0e+00;
	v59 =	vld.idx.msk [tilespmem:v40+s2+$0x0], $0xffff  }
0x269: {  	v49 =	vmin.f32 v49, $6.300000000e+01;
	v55 =	vmul.f32 v61, v55;
	v54 =	vmin.f32 v54, $6.300000000e+01;
	v60 =	vld.idx.msk [tilespmem:v41+s14+$0x0], $0xffff  }
0x26a: {  	v45 =	vtrunc.f32 v45;
	v49 =	vtrunc.f32 v49;
	v44 =	vadd.f32 v44, v53;
	v61 =	vld.idx.msk [tilespmem:v15+s2+$0x0], $0xffff  }
0x26b: {  	v48 =	vcvt.f32.s32 v48;
	v54 =	vtrunc.f32 v54;
	v51 =	vadd.f32 v51, v55;
	v53 =	vld.idx.msk [tilespmem:v16+s14+$0x0], $0xffff  }
0x26c: {  	v50 =	vcvt.f32.s32 v50;
	v33 =	vmul.f32 v47, v33;
	v55 =	vmax.f32 v44, $0.0e+00;
	v47 =	vld.idx.msk [tilespmem:v14+s2+$0x0], $0xffff  }
0x26d: {  	v34 =	vmul.f32 v38, v34;
	v55 =	vmin.f32 v55, $6.300000000e+01;
	v62 =	vmax.f32 v51, $0.0e+00;
	v38 =	vld.idx.msk [tilespmem:v46+s14+$0x0], $0xffff  }
0x26e: {  	v35 =	vmul.f32 v59, v35;
	v55 =	vtrunc.f32 v55;
	v59 =	vmin.f32 v62, $6.300000000e+01;
	v52 =	vld.idx.msk [tilespmem:v52+s15+$0x0], $0xffff  }
0x26f: {  	v55 =	vcvt.f32.s32 v55;
	v59 =	vtrunc.f32 v59;
	v43 =	vld.idx.msk [tilespmem:v43+s16+$0x0], $0xffff  }
0x270: {  	v31 =	vmul.f32 v60, v31;
	v59 =	vcvt.f32.s32 v59;
	v40 =	vld.idx.msk [tilespmem:v40+s15+$0x0], $0xffff  }
0x271: {  	v32 =	vmul.f32 v61, v32;
	v36 =	vmul.f32 v53, v36;
	v41 =	vld.idx.msk [tilespmem:v41+s16+$0x0], $0xffff  }
0x272: {  	v42 =	vcvt.f32.s32 v42;
	v37 =	vmul.f32 v47, v37;
	v53 =	vld.idx.msk [tilespmem:v15+s15+$0x0], $0xffff  }
0x273: {  	v45 =	vcvt.f32.s32 v45;
	v56 =	vmul.f32 v38, v56;
	v47 =	vld.idx.msk [tilespmem:v16+s16+$0x0], $0xffff  }
0x274: {  	v15 =	vcvt.f32.s32 v54;
	v33 =	vadd.f32 v52, v33;
	v16 =	vcvt.f32.s32 v49;
	v38 =	vld.idx.msk [tilespmem:v14+s15+$0x0], $0xffff  }
0x275: {  	v6 =	vmul.f32 v18, v6;
	v8 =	vmul.f32 v57, v8;
	v34 =	vadd.f32 v43, v34;
	v43 =	vld.idx.msk [tilespmem:v55+s2+$0x0], $0xffff  }
0x276: {  	v14 =	vmul.f32 v58, v7;
	v18 =	vmax.f32 v33, $0.0e+00;
	v35 =	vadd.f32 v40, v35;
	v40 =	vld.idx.msk [tilespmem:v59+s14+$0x0], $0xffff  }
0x277: {  	v7 =	vmin.f32 v18, $6.300000000e+01;
	v18 =	vmax.f32 v34, $0.0e+00;
	v31 =	vadd.f32 v41, v31;
	v41 =	vld.idx.msk [tilespmem:v55+s15+$0x0], $0xffff  }
0x278: {  	v18 =	vmin.f32 v18, $6.300000000e+01;
	v49 =	vmax.f32 v35, $0.0e+00;
	v32 =	vadd.f32 v53, v32;
	v52 =	vld.idx.msk [tilespmem:v59+s16+$0x0], $0xffff  }
0x279: {  	v49 =	vmin.f32 v49, $6.300000000e+01;
	v53 =	vmax.f32 v31, $0.0e+00;
	v36 =	vadd.f32 v47, v36;
	v46 =	vld.idx.msk [tilespmem:v46+s16+$0x0], $0xffff  }
0x27a: {  	v47 =	vmin.f32 v53, $6.300000000e+01;
	v53 =	vmax.f32 v32, $0.0e+00;
	v38 =	vadd.f32 v38, v37;
	v37 =	vld.idx.msk [tilespmem:v25+s2+$0x0], $0xffff  }
0x27b: {  	v53 =	vmin.f32 v53, $6.300000000e+01;
	v54 =	vmax.f32 v36, $0.0e+00;
	v43 =	vmul.f32 v43, v44;
	v44 =	vld.idx.msk [tilespmem:v39+s14+$0x0], $0xffff  }
0x27c: {  	v54 =	vmin.f32 v54, $6.300000000e+01;
	v55 =	vmax.f32 v38, $0.0e+00;
	v40 =	vmul.f32 v40, v51;
	v51 =	vld.idx.msk [tilespmem:v48+s2+$0x0], $0xffff  }
0x27d: {  	v7 =	vtrunc.f32 v7;
	v55 =	vmin.f32 v55, $6.300000000e+01;
	v41 =	vadd.f32 v41, v43;
	v43 =	vld.idx.msk [tilespmem:v50+s14+$0x0], $0xffff  }
0x27e: {  	v57 =	vtrunc.f32 v18;
	v49 =	vtrunc.f32 v49;
	v40 =	vadd.f32 v52, v40;
	v52 =	vld.idx.msk [tilespmem:v42+s2+$0x0], $0xffff  }
0x27f: {  	v47 =	vtrunc.f32 v47;
	v46 =	vadd.f32 v46, v56;
	v18 =	vmax.f32 v41, $0.0e+00;
	v56 =	vld.idx.msk [tilespmem:v45+s14+$0x0], $0xffff  }
0x280: {  	v53 =	vtrunc.f32 v53;
	v18 =	vmin.f32 v18, $6.300000000e+01;
	v58 =	vmax.f32 v40, $0.0e+00;
	v59 =	vld.idx.msk [tilespmem:v16+s2+$0x0], $0xffff  }
0x281: {  	v60 =	vmax.f32 v46, $0.0e+00;
	v18 =	vtrunc.f32 v18;
	v58 =	vmin.f32 v58, $6.300000000e+01;
	v61 =	vld.idx.msk [tilespmem:v15+s14+$0x0], $0xffff  }
0x282: {  	v60 =	vmin.f32 v60, $6.300000000e+01;
	v62 =	vcvt.f32.s32 v18;
	v18 =	vtrunc.f32 v58;
	v58 =	vld.idx.msk [tilespmem:v25+s15+$0x0], $0xffff  }
0x283: {  	v54 =	vtrunc.f32 v54;
	v63 =	vcvt.f32.s32 v18;
	v18 =	vadd.f32 v29, v6;
	v39 =	vld.idx.msk [tilespmem:v39+s16+$0x0], $0xffff  }
0x284: {  	v6 =	vtrunc.f32 v55;
	v29 =	vtrunc.f32 v60;
	v25 =	vadd.f32 v30, v8;
	v48 =	vld.idx.msk [tilespmem:v48+s15+$0x0], $0xffff  }
0x285: {  	v30 =	vcvt.f32.s32 v7;
	v55 =	vcvt.f32.s32 v57;
	v7 =	vld.idx.msk [tilespmem:v50+s16+$0x0], $0xffff  }
0x286: {  	v49 =	vcvt.f32.s32 v49;
	v47 =	vcvt.f32.s32 v47;
	v42 =	vld.idx.msk [tilespmem:v42+s15+$0x0], $0xffff  }
0x287: {  	v50 =	vcvt.f32.s32 v53;
	v53 =	vcvt.f32.s32 v54;
	v45 =	vld.idx.msk [tilespmem:v45+s16+$0x0], $0xffff  }
0x288: {  	v57 =	vcvt.f32.s32 v29;
	v54 =	vcvt.f32.s32 v6;
	v29 =	vld.idx.msk [tilespmem:v62+s2+$0x0], $0xffff  }
0x289: {  	v8 =	vmul.f32 v44, v19;
	v6 =	vmul.f32 v37, v17;
	v60 =	vld.idx.msk [tilespmem:v63+s14+$0x0], $0xffff  }
0x28a: {  	v19 =	vmul.f32 v51, v20;
	v20 =	vmul.f32 v43, v21;
	v44 =	vld.idx.msk [tilespmem:v62+s15+$0x0], $0xffff  }
0x28b: {  	v22 =	vmul.f32 v52, v22;
	v27 =	vmul.f32 v56, v27;
	v37 =	vadd.f32 v58, v6;
	v43 =	vld.idx.msk [tilespmem:v63+s16+$0x0], $0xffff  }
0x28c: {  	v21 =	vmul.f32 v59, v26;
	v17 =	vmul.f32 v61, v28;
	v6 =	vadd.f32 v39, v8;
	v51 =	vld.idx.msk [tilespmem:v30+s2+$0x0], $0xffff  }
0x28d: {  	v28 =	vmax.f32 v37, $0.0e+00;
	v8 =	vadd.f32 v48, v19;
	v7 =	vadd.f32 v7, v20;
	v26 =	vld.idx.msk [tilespmem:v55+s14+$0x0], $0xffff  }
0x28e: {  	v20 =	vadd.f32 v42, v22;
	v19 =	vadd.f32 v45, v27;
	v29 =	vmul.f32 v29, v41;
	v39 =	vld.idx.msk [tilespmem:v49+s2+$0x0], $0xffff  }
0x28f: {  	v41 =	vmax.f32 v8, $0.0e+00;
	v27 =	vmul.f32 v60, v40;
	v40 =	vmax.f32 v6, $0.0e+00;
	v22 =	vld.idx.msk [tilespmem:v47+s14+$0x0], $0xffff  }
0x290: {  	v45 =	vmax.f32 v20, $0.0e+00;
	v44 =	vadd.f32 v44, v29;
	v29 =	vmax.f32 v7, $0.0e+00;
	v42 =	vld.idx.msk [tilespmem:v50+s2+$0x0], $0xffff  }
0x291: {  	v28 =	vmin.f32 v28, $6.300000000e+01;
	v27 =	vadd.f32 v43, v27;
	v43 =	vmax.f32 v19, $0.0e+00;
	v48 =	vld.idx.msk [tilespmem:v53+s14+$0x0], $0xffff  }
0x292: {  	v40 =	vmin.f32 v40, $6.300000000e+01;
	v33 =	vmul.f32 v51, v33;
	v52 =	vmax.f32 v44, $0.0e+00;
	v51 =	vld.idx.msk [tilespmem:v54+s2+$0x0], $0xffff  }
0x293: {  	v26 =	vmul.f32 v26, v34;
	v52 =	vmin.f32 v52, $6.300000000e+01;
	v56 =	vmax.f32 v27, $0.0e+00;
	v34 =	vld.idx.msk [tilespmem:v57+s14+$0x0], $0xffff  }
0x294: {  	v35 =	vmul.f32 v39, v35;
	v39 =	vtrunc.f32 v52;
	v52 =	vmin.f32 v56, $6.300000000e+01;
	v30 =	vld.idx.msk [tilespmem:v30+s15+$0x0], $0xffff  }
0x295: {  	v41 =	vmin.f32 v41, $6.300000000e+01;
	v39 =	vcvt.f32.s32 v39;
	v52 =	vtrunc.f32 v52;
	v55 =	vld.idx.msk [tilespmem:v55+s16+$0x0], $0xffff  }
0x296: {  	v29 =	vmin.f32 v29, $6.300000000e+01;
	v22 =	vmul.f32 v22, v31;
	v52 =	vcvt.f32.s32 v52;
	v49 =	vld.idx.msk [tilespmem:v49+s15+$0x0], $0xffff  }
0x297: {  	v32 =	vmul.f32 v42, v32;
	v42 =	vmul.f32 v48, v36;
	v36 =	vmin.f32 v45, $6.300000000e+01;
	v31 =	vld.idx.msk [tilespmem:v47+s16+$0x0], $0xffff  }
0x298: {  	v28 =	vtrunc.f32 v28;
	v43 =	vmin.f32 v43, $6.300000000e+01;
	v38 =	vmul.f32 v51, v38;
	v45 =	vld.idx.msk [tilespmem:v50+s15+$0x0], $0xffff  }
0x299: {  	v46 =	vmul.f32 v34, v46;
	v50 =	vtrunc.f32 v40;
	v47 =	vld.idx.msk [tilespmem:v53+s16+$0x0], $0xffff  }
0x29a: {  	v51 =	vtrunc.f32 v41;
	v33 =	vadd.f32 v30, v33;
	v53 =	vtrunc.f32 v29;
	v30 =	vld.idx.msk [tilespmem:v54+s15+$0x0], $0xffff  }
0x29b: {  	v43 =	vtrunc.f32 v43;
	v34 =	vadd.f32 v55, v26;
	v54 =	vtrunc.f32 v36;
	v26 =	vld.idx.msk [tilespmem:v39+s2+$0x0], $0xffff  }
0x29c: {  	v28 =	vcvt.f32.s32 v28;
	v29 =	vmax.f32 v33, $0.0e+00;
	v35 =	vadd.f32 v49, v35;
	v40 =	vld.idx.msk [tilespmem:v52+s14+$0x0], $0xffff  }
0x29d: {  	v41 =	vmin.f32 v29, $6.300000000e+01;
	v29 =	vmax.f32 v34, $0.0e+00;
	v36 =	vadd.f32 v31, v22;
	v22 =	vld.idx.msk [tilespmem:v39+s15+$0x0], $0xffff  }
0x29e: {  	v39 =	vmin.f32 v29, $6.300000000e+01;
	v29 =	vmax.f32 v35, $0.0e+00;
	v31 =	vadd.f32 v45, v32;
	v32 =	vld.idx.msk [tilespmem:v52+s16+$0x0], $0xffff  }
0x29f: {  	v45 =	vmin.f32 v29, $6.300000000e+01;
	v48 =	vmax.f32 v36, $0.0e+00;
	v29 =	vadd.f32 v47, v42;
	v42 =	vld.idx.msk [tilespmem:v57+s16+$0x0], $0xffff  }
0x2a0: {  	v47 =	vmin.f32 v48, $6.300000000e+01;
	v48 =	vmax.f32 v31, $0.0e+00;
	v30 =	vadd.f32 v30, v38;
	v16 =	vld.idx.msk [tilespmem:v16+s15+$0x0], $0xffff  }
0x2a1: {  	v38 =	vmin.f32 v48, $6.300000000e+01;
	v48 =	vmax.f32 v29, $0.0e+00;
	v26 =	vmul.f32 v26, v44;
	v15 =	vld.idx.msk [tilespmem:v15+s16+$0x0], $0xffff  }
0x2a2: {  	v44 =	vmin.f32 v48, $6.300000000e+01;
	v48 =	vmax.f32 v30, $0.0e+00;
	v27 =	vmul.f32 v40, v27;
	v55 =	vld.idx.msk [tilespmem:v28+s2+$0x0], $0xffff  }
0x2a3: {  	v41 =	vtrunc.f32 v41;
	v40 =	vmin.f32 v48, $6.300000000e+01;
	v26 =	vadd.f32 v22, v26;
	v22 =	vld.idx.msk [tilespmem:v28+s15+$0x0], $0xffff  }
0x2a4: {  	v45 =	vtrunc.f32 v45;
	v28 =	vtrunc.f32 v39;
	v27 =	vadd.f32 v32, v27;
	v11 =	vld.idx.msk [tilespmem:v11+s16+$0x0], $0xffff  }
0x2a5: {  	v48 =	vtrunc.f32 v47;
	v32 =	vadd.f32 v42, v46;
	v26 =	vmul.f32 $1.562500000e-02, v26;
	v42 =	vld.idx.msk [tilespmem:v10+s15+$0x0], $0xffff  }
0x2a6: {  	s31 =	sadd.s32 $0x50, s31;
	v10 =	vtrunc.f32 v38;
	v27 =	vmul.f32 $1.562500000e-02, v27;
	v21 =	vadd.f32 v16, v21;
	v39 =	vld.idx.msk [tilespmem:v9+s16+$0x0], $0xffff  }
0x2a7: {  	s0 =	sadd.s32 $0x50, s0;
	v16 =	vtrunc.f32 v40;
	v9 =	vtrunc.f32 v44;
	v38 =	vmax.f32 v32, $0.0e+00;
	[tilespmem:s31+$0x20] =	vst v26;
	v40 =	vld.idx.msk [tilespmem:v4+s15+$0x0], $0xffff  }
0x2a8: {  	v47 =	vcvt.f32.s32 v41;
	v44 =	vcvt.f32.s32 v28;
	v4 =	vmin.f32 v38, $6.300000000e+01;
	[tilespmem:s0+$0x20] =	vst v27;
	v41 =	vld.idx.msk [tilespmem:v5+s16+$0x0], $0xffff  }
0x2a9: {  	v46 =	vcvt.f32.s32 v45;
	v17 =	vadd.f32 v15, v17;
	v4 =	vtrunc.f32 v4  }
0x2aa: {  	v48 =	vcvt.f32.s32 v48;
	v45 =	vcvt.f32.s32 v10;
	v5 =	vmax.f32 v21, $0.0e+00  }
0x2ab: {  	v28 =	vcvt.f32.s32 v9;
	v26 =	vcvt.f32.s32 v16;
	v9 =	vmax.f32 v17, $0.0e+00  }
0x2ac: {  	v27 =	vcvt.f32.s32 v4;
	v4 =	vmin.f32 v5, $6.300000000e+01;
	v5 =	vmin.f32 v9, $6.300000000e+01  }
.Ltmp2:
0x2ad: {  	v38 =	vadd.f32 v11, v14;
	v4 =	vtrunc.f32 v4;
	v5 =	vtrunc.f32 v5;
	(pc) =	sbr.rel @p1 .LBB2_3-.Ltmp2, $4  }
0x2ae: {  	v15 =	vcvt.f32.s32 v50;
	v14 =	vcvt.f32.s32 v51;
	v49 =	vld.idx.msk [tilespmem:v47+s2+$0x0], $0xffff  }
0x2af: {  	v10 =	vcvt.f32.s32 v54;
	v11 =	vcvt.f32.s32 v53;
	v50 =	vld.idx.msk [tilespmem:v44+s14+$0x0], $0xffff  }
0x2b0: {  	v9 =	vcvt.f32.s32 v43;
	v4 =	vcvt.f32.s32 v4;
	v51 =	vld.idx.msk [tilespmem:v46+s2+$0x0], $0xffff  }
0x2b1: {  	s8 =	sadd.s32 $0x50, s8;
	v16 =	vmul.f32 v55, v37;
	v5 =	vcvt.f32.s32 v5;
	v52 =	vld.idx.msk [tilespmem:v48+s14+$0x0], $0xffff  }
0x2b2: {  	_ =	sdelay $0x3  }
0x2b3: {  	v37 =	vld.idx.msk [tilespmem:v45+s2+$0x0], $0xffff  }
0x2b4: {  	v43 =	vld.idx.msk [tilespmem:v47+s15+$0x0], $0xffff  }
0x2b5: {  	v44 =	vld.idx.msk [tilespmem:v44+s16+$0x0], $0xffff  }
0x2b6: {  	v46 =	vld.idx.msk [tilespmem:v46+s15+$0x0], $0xffff  }
0x2b7: {  	v60 =	vld.idx.msk [tilespmem:v28+s14+$0x0], $0xffff;
	v1 =	vmul.f32 v12, v1;
	v0 =	vmul.f32 v13, v0  }
0x2b8: {  	v62 =	vld.idx.msk [tilespmem:v26+s2+$0x0], $0xffff;
	v2 =	vmul.f32 v23, v2;
	v3 =	vmul.f32 v24, v3  }
0x2b9: {  	v63 =	vld.idx.msk [tilespmem:v27+s14+$0x0], $0xffff;
	v18 =	vmul.f32 $1.562500000e-02, v18;
	v25 =	vmul.f32 $1.562500000e-02, v25  }
0x2ba: {  	v55 =	vld.idx.msk [tilespmem:v48+s16+$0x0], $0xffff;
	v33 =	vmul.f32 v49, v33;
	v34 =	vmul.f32 v50, v34;
	v0 =	vadd.f32 v39, v0  }
0x2bb: {  	v35 =	vmul.f32 v51, v35;
	v36 =	vmul.f32 v52, v36  }
0x2bc: {  	v56 =	vld.idx.msk [tilespmem:v45+s15+$0x0], $0xffff;
	[tilespmem:s5+$0xFFFFFFF0] =	vst v25;
	v25 =	vmul.f32 $1.562500000e-02, v0;
	v33 =	vadd.f32 v43, v33;
	v34 =	vadd.f32 v44, v34  }
0x2bd: {  	v26 =	vld.idx.msk [tilespmem:v26+s15+$0x0], $0xffff;
	v31 =	vmul.f32 v37, v31;
	v35 =	vadd.f32 v46, v35;
	v12 =	vmul.f32 v60, v29  }
0x2be: {  	v28 =	vld.idx.msk [tilespmem:v28+s16+$0x0], $0xffff;
	v13 =	vmul.f32 v62, v30;
	v23 =	vmul.f32 v63, v32;
	v57 =	vmax.f32 v33, $0.0e+00  }
0x2bf: {  	v36 =	vadd.f32 v55, v36;
	v59 =	vmax.f32 v35, $0.0e+00;
	v37 =	vmin.f32 v57, $6.300000000e+01  }
0x2c0: {  	v58 =	vmax.f32 v34, $0.0e+00;
	v44 =	vmin.f32 v59, $6.300000000e+01;
	v37 =	vtrunc.f32 v37  }
0x2c1: {  	v31 =	vadd.f32 v56, v31;
	v44 =	vtrunc.f32 v44;
	v37 =	vcvt.f32.s32 v37  }
0x2c2: {  	v13 =	vadd.f32 v26, v13;
	v61 =	vmax.f32 v36, $0.0e+00;
	v44 =	vcvt.f32.s32 v44  }
0x2c3: {  	v27 =	vld.idx.msk [tilespmem:v27+s16+$0x0], $0xffff;
	v12 =	vadd.f32 v28, v12;
	v46 =	vmin.f32 v61, $6.300000000e+01;
	v52 =	vmax.f32 v31, $0.0e+00  }
0x2c4: {  	v53 =	vmax.f32 v13, $0.0e+00;
	v49 =	vmin.f32 v52, $6.300000000e+01;
	v46 =	vtrunc.f32 v46  }
0x2c5: {  	v32 =	vmin.f32 v53, $6.300000000e+01;
	v49 =	vtrunc.f32 v49;
	v46 =	vcvt.f32.s32 v46  }
0x2c6: {  	v0 =	vld.idx.msk [tilespmem:v15+s14+$0x0], $0xffff;
	v43 =	vmin.f32 v58, $6.300000000e+01;
	v32 =	vtrunc.f32 v32;
	v49 =	vcvt.f32.s32 v49  }
0x2c7: {  	v1 =	vadd.f32 v42, v1;
	v43 =	vtrunc.f32 v43;
	v32 =	vcvt.f32.s32 v32;
	v29 =	vld.idx.msk [tilespmem:v37+s2+$0x0], $0xffff  }
0x2c8: {  	v23 =	vadd.f32 v27, v23;
	v27 =	vmax.f32 v12, $0.0e+00;
	v43 =	vcvt.f32.s32 v43;
	v24 =	vld.idx.msk [tilespmem:v44+s2+$0x0], $0xffff  }
0x2c9: {  	[tilespmem:s6+$0xFFFFFFE0] =	vst v18;
	v18 =	vmul.f32 $1.562500000e-02, v38;
	v27 =	vmin.f32 v27, $6.300000000e+01;
	v37 =	vld.idx.msk [tilespmem:v37+s15+$0x0], $0xffff  }
0x2ca: {  	v1 =	vmul.f32 $1.562500000e-02, v1;
	v27 =	vtrunc.f32 v27;
	v55 =	vld.idx.msk [tilespmem:v44+s15+$0x0], $0xffff  }
0x2cb: {  	v2 =	vadd.f32 v40, v2;
	[tilespmem:s6+$0xFFFFFFF0] =	vst v18;
	v27 =	vcvt.f32.s32 v27;
	v26 =	vld.idx.msk [tilespmem:v46+s14+$0x0], $0xffff  }
0x2cc: {  	v3 =	vadd.f32 v41, v3;
	[tilespmem:s5+$0x0] =	vst v1;
	v54 =	vmax.f32 v23, $0.0e+00;
	v28 =	vld.idx.msk [tilespmem:v49+s2+$0x0], $0xffff;
	v18 =	vmul.f32 v29, v33  }
0x2cd: {  	v2 =	vmul.f32 $1.562500000e-02, v2;
	[tilespmem:s6+$0x0] =	vst v25;
	v42 =	vmin.f32 v54, $6.300000000e+01;
	v25 =	vld.idx.msk [tilespmem:v32+s2+$0x0], $0xffff;
	v24 =	vmul.f32 v24, v35  }
0x2ce: {  	v3 =	vmul.f32 $1.562500000e-02, v3;
	v42 =	vtrunc.f32 v42;
	v30 =	vld.idx.msk [tilespmem:v43+s14+$0x0], $0xffff;
	v18 =	vadd.f32 v37, v18  }
0x2cf: {  	[tilespmem:s5+$0x10] =	vst v2;
	v57 =	vcvt.f32.s32 v42;
	v56 =	vld.idx.msk [tilespmem:v46+s16+$0x0], $0xffff;
	v24 =	vadd.f32 v55, v24  }
0x2d0: {  	[tilespmem:s6+$0x10] =	vst v3;
	v58 =	vld.idx.msk [tilespmem:v49+s15+$0x0], $0xffff;
	v26 =	vmul.f32 v26, v36;
	v3 =	vmax.f32 v18, $0.0e+00  }
0x2d1: {  	v29 =	vld.idx.msk [tilespmem:v27+s14+$0x0], $0xffff;
	v28 =	vmul.f32 v28, v31;
	v31 =	vmax.f32 v24, $0.0e+00;
	v3 =	vmin.f32 v3, $6.300000000e+01  }
0x2d2: {  	v43 =	vld.idx.msk [tilespmem:v43+s16+$0x0], $0xffff;
	v13 =	vmul.f32 v25, v13;
	v31 =	vmin.f32 v31, $6.300000000e+01;
	v3 =	vtrunc.f32 v3  }
0x2d3: {  	v27 =	vld.idx.msk [tilespmem:v27+s16+$0x0], $0xffff;
	v25 =	vtrunc.f32 v31;
	v3 =	vcvt.f32.s32 v3  }
0x2d4: {  	v32 =	vld.idx.msk [tilespmem:v32+s15+$0x0], $0xffff;
	v2 =	vadd.f32 v56, v26;
	v25 =	vcvt.f32.s32 v25  }
0x2d5: {  	v61 =	vld.idx.msk [tilespmem:v57+s16+$0x0], $0xffff  }
0x2d6: {  	v26 =	vadd.f32 v58, v28;
	v28 =	vld.idx.msk [tilespmem:v57+s14+$0x0], $0xffff;
	v59 =	vmax.f32 v2, $0.0e+00;
	v12 =	vmul.f32 v29, v12  }
0x2d7: {  	v1 =	vmul.f32 v30, v34;
	v33 =	vmin.f32 v59, $6.300000000e+01;
	v31 =	vld.idx.msk [tilespmem:v14+s2+$0x0], $0xffff  }
0x2d8: {  	v12 =	vadd.f32 v27, v12;
	v27 =	vtrunc.f32 v33;
	v33 =	vld.idx.msk [tilespmem:v11+s14+$0x0], $0xffff  }
0x2d9: {  	v1 =	vadd.f32 v43, v1;
	v63 =	vld.idx.msk [tilespmem:v3+s2+$0x0], $0xffff  }
0x2da: {  	v46 =	vld.idx.msk [tilespmem:v25+s2+$0x0], $0xffff  }
0x2db: {  	v30 =	vmax.f32 v1, $0.0e+00;
	v13 =	vadd.f32 v32, v13;
	v60 =	vmax.f32 v26, $0.0e+00;
	v3 =	vld.idx.msk [tilespmem:v3+s15+$0x0], $0xffff  }
0x2dc: {  	v30 =	vmin.f32 v30, $6.300000000e+01;
	v29 =	vmin.f32 v60, $6.300000000e+01;
	v27 =	vcvt.f32.s32 v27;
	v25 =	vld.idx.msk [tilespmem:v25+s15+$0x0], $0xffff  }
0x2dd: {  	v30 =	vtrunc.f32 v30;
	v32 =	vmax.f32 v13, $0.0e+00;
	v29 =	vtrunc.f32 v29;
	v52 =	vld.idx.msk [tilespmem:v10+s2+$0x0], $0xffff  }
0x2de: {  	v32 =	vmin.f32 v32, $6.300000000e+01;
	v23 =	vmul.f32 v28, v23;
	v28 =	vcvt.f32.s32 v30;
	v53 =	vld.idx.msk [tilespmem:v9+s14+$0x0], $0xffff  }
0x2df: {  	v32 =	vtrunc.f32 v32;
	v30 =	vmax.f32 v12, $0.0e+00;
	v29 =	vcvt.f32.s32 v29;
	v54 =	vld.idx.msk [tilespmem:v4+s2+$0x0], $0xffff  }
0x2e0: {  	v32 =	vcvt.f32.s32 v32;
	v30 =	vmin.f32 v30, $6.300000000e+01;
	v15 =	vld.idx.msk [tilespmem:v15+s16+$0x0], $0xffff  }
0x2e1: {  	v30 =	vtrunc.f32 v30;
	v14 =	vld.idx.msk [tilespmem:v14+s15+$0x0], $0xffff  }
0x2e2: {  	v30 =	vcvt.f32.s32 v30;
	v47 =	vld.idx.msk [tilespmem:v27+s14+$0x0], $0xffff  }
0x2e3: {  	v16 =	vadd.f32 v22, v16;
	v23 =	vadd.f32 v61, v23;
	v27 =	vld.idx.msk [tilespmem:v27+s16+$0x0], $0xffff  }
0x2e4: {  	v45 =	vld.idx.msk [tilespmem:v28+s14+$0x0], $0xffff  }
0x2e5: {  	v16 =	vmul.f32 $1.562500000e-02, v16;
	v0 =	vmul.f32 v0, v6;
	v62 =	vmax.f32 v23, $0.0e+00;
	v48 =	vld.idx.msk [tilespmem:v29+s2+$0x0], $0xffff  }
0x2e6: {  	v8 =	vmul.f32 v31, v8;
	v7 =	vmul.f32 v33, v7;
	v34 =	vmin.f32 v62, $6.300000000e+01;
	v50 =	vld.idx.msk [tilespmem:v32+s2+$0x0], $0xffff  }
0x2e7: {  	v34 =	vtrunc.f32 v34;
	v28 =	vld.idx.msk [tilespmem:v28+s16+$0x0], $0xffff;
	v18 =	vmul.f32 v63, v18  }
0x2e8: {  	v34 =	vcvt.f32.s32 v34;
	v49 =	vld.idx.msk [tilespmem:v30+s14+$0x0], $0xffff;
	v24 =	vmul.f32 v46, v24;
	v8 =	vadd.f32 v14, v8  }
0x2e9: {  	v14 =	vmul.f32 v52, v20;
	v2 =	vmul.f32 v47, v2;
	v3 =	vadd.f32 v3, v18;
	v18 =	vld.idx.msk [tilespmem:v29+s15+$0x0], $0xffff  }
0x2ea: {  	v29 =	vld.idx.msk [tilespmem:v30+s16+$0x0], $0xffff;
	v1 =	vmul.f32 v45, v1;
	v26 =	vmul.f32 v48, v26;
	v24 =	vadd.f32 v25, v24  }
0x2eb: {  	v11 =	vld.idx.msk [tilespmem:v11+s16+$0x0], $0xffff;
	v13 =	vmul.f32 v50, v13;
	v2 =	vadd.f32 v27, v2;
	v30 =	vmax.f32 v3, $0.0e+00  }
0x2ec: {  	v10 =	vld.idx.msk [tilespmem:v10+s15+$0x0], $0xffff;
	v1 =	vadd.f32 v28, v1;
	v27 =	vmax.f32 v24, $0.0e+00;
	v30 =	vmin.f32 v30, $6.300000000e+01  }
0x2ed: {  	v25 =	vld.idx.msk [tilespmem:v32+s15+$0x0], $0xffff;
	v12 =	vmul.f32 v49, v12;
	v27 =	vmin.f32 v27, $6.300000000e+01;
	v30 =	vtrunc.f32 v30  }
0x2ee: {  	v9 =	vld.idx.msk [tilespmem:v9+s16+$0x0], $0xffff;
	v0 =	vadd.f32 v15, v0;
	v27 =	vtrunc.f32 v27;
	v28 =	vcvt.f32.s32 v30  }
0x2ef: {  	v51 =	vld.idx.msk [tilespmem:v34+s14+$0x0], $0xffff;
	v18 =	vadd.f32 v18, v26;
	v12 =	vadd.f32 v29, v12;
	v26 =	vmax.f32 v1, $0.0e+00  }
0x2f0: {  	v4 =	vld.idx.msk [tilespmem:v4+s15+$0x0], $0xffff;
	v29 =	vmax.f32 v2, $0.0e+00;
	v27 =	vcvt.f32.s32 v27;
	v26 =	vmin.f32 v26, $6.300000000e+01  }
0x2f1: {  	v7 =	vadd.f32 v11, v7;
	v55 =	vld.idx.msk [tilespmem:v34+s16+$0x0], $0xffff;
	v29 =	vmin.f32 v29, $6.300000000e+01;
	v26 =	vtrunc.f32 v26  }
0x2f2: {  	v30 =	vld.idx.msk [tilespmem:v5+s14+$0x0], $0xffff;
	v13 =	vadd.f32 v25, v13;
	v29 =	vtrunc.f32 v29;
	v25 =	vcvt.f32.s32 v26  }
0x2f3: {  	v0 =	vmul.f32 $1.562500000e-02, v0;
	v5 =	vld.idx.msk [tilespmem:v5+s16+$0x0], $0xffff;
	v56 =	vmax.f32 v18, $0.0e+00;
	v29 =	vcvt.f32.s32 v29  }
0x2f4: {  	v23 =	vmul.f32 v51, v23;
	v57 =	vmax.f32 v12, $0.0e+00;
	v34 =	vmin.f32 v56, $6.300000000e+01;
	v58 =	vld.idx.msk [tilespmem:v28+s2+$0x0], $0xffff  }
0x2f5: {  	v60 =	vmax.f32 v13, $0.0e+00;
	v38 =	vmin.f32 v57, $6.300000000e+01;
	v26 =	vtrunc.f32 v34;
	v28 =	vld.idx.msk [tilespmem:v28+s15+$0x0], $0xffff  }
0x2f6: {  	[tilespmem:s1+$0xFFFFFFE0] =	vst v16;
	v23 =	vadd.f32 v55, v23;
	v59 =	vtrunc.f32 v38;
	v26 =	vcvt.f32.s32 v26;
	v63 =	vld.idx.msk [tilespmem:v27+s2+$0x0], $0xffff  }
0x2f7: {  	[tilespmem:s17+$0xFFFFFFE0] =	vst v0;
	v0 =	vmul.f32 $1.562500000e-02, v7;
	v34 =	vmin.f32 v60, $6.300000000e+01;
	v32 =	vcvt.f32.s32 v59;
	v7 =	vld.idx.msk [tilespmem:v27+s15+$0x0], $0xffff  }
0x2f8: {  	v10 =	vadd.f32 v10, v14;
	v34 =	vtrunc.f32 v34;
	v61 =	vmax.f32 v23, $0.0e+00;
	v62 =	vld.idx.msk [tilespmem:v25+s14+$0x0], $0xffff  }
0x2f9: {  	v8 =	vmul.f32 $1.562500000e-02, v8;
	v34 =	vcvt.f32.s32 v34;
	v38 =	vmin.f32 v61, $6.300000000e+01;
	v6 =	vld.idx.msk [tilespmem:v29+s14+$0x0], $0xffff  }
0x2fa: {  	v38 =	vtrunc.f32 v38;
	v14 =	vld.idx.msk [tilespmem:v25+s16+$0x0], $0xffff  }
0x2fb: {  	[tilespmem:s1+$0xFFFFFFF0] =	vst v8;
	v8 =	vmul.f32 $1.562500000e-02, v10;
	v38 =	vcvt.f32.s32 v38;
	v10 =	vld.idx.msk [tilespmem:v29+s16+$0x0], $0xffff  }
0x2fc: {  	v11 =	vmul.f32 v53, v19;
	v22 =	vld.idx.msk [tilespmem:v26+s2+$0x0], $0xffff  }
0x2fd: {  	v16 =	vmul.f32 v54, v21;
	v15 =	vld.idx.msk [tilespmem:v32+s14+$0x0], $0xffff  }
0x2fe: {  	v9 =	vadd.f32 v9, v11;
	v17 =	vmul.f32 v30, v17;
	v11 =	vld.idx.msk [tilespmem:v32+s16+$0x0], $0xffff  }
0x2ff: {  	v4 =	vadd.f32 v4, v16;
	v3 =	vmul.f32 v58, v3;
	v20 =	vld.idx.msk [tilespmem:v34+s2+$0x0], $0xffff  }
0x300: {  	v9 =	vmul.f32 $1.562500000e-02, v9;
	[tilespmem:s17+$0xFFFFFFF0] =	vst v0;
	v5 =	vadd.f32 v5, v17;
	v0 =	vmul.f32 v62, v1;
	v1 =	vld.idx.msk [tilespmem:v26+s15+$0x0], $0xffff  }
0x301: {  	v4 =	vmul.f32 $1.562500000e-02, v4;
	[tilespmem:s1+$0x0] =	vst v8;
	v8 =	vmul.f32 v63, v24;
	v3 =	vadd.f32 v28, v3;
	v19 =	vld.idx.msk [tilespmem:v38+s14+$0x0], $0xffff  }
0x302: {  	[tilespmem:s17+$0x0] =	vst v9;
	v5 =	vmul.f32 $1.562500000e-02, v5;
	v2 =	vmul.f32 v6, v2;
	v6 =	vld.idx.msk [tilespmem:v34+s15+$0x0], $0xffff;
	v0 =	vadd.f32 v14, v0  }
0x303: {  	[tilespmem:s1+$0x10] =	vst v4;
	v4 =	vadd.f32 v7, v8;
	v3 =	vmul.f32 $1.562500000e-02, v3;
	v7 =	vld.idx.msk [tilespmem:v38+s16+$0x0], $0xffff;
	v8 =	vmul.f32 v22, v18  }
0x304: {  	[tilespmem:s17+$0x10] =	vst v5;
	v2 =	vadd.f32 v10, v2;
	v5 =	vmul.f32 v15, v12;
	v0 =	vmul.f32 $1.562500000e-02, v0  }
0x305: {  	v4 =	vmul.f32 $1.562500000e-02, v4;
	[tilespmem:s31+$0xFFFFFFE0] =	vst v3;
	v3 =	vmul.f32 v20, v13;
	v1 =	vadd.f32 v1, v8  }
0x306: {  	v5 =	vadd.f32 v11, v5;
	v8 =	vmul.f32 v19, v23;
	[tilespmem:s0+$0xFFFFFFE0] =	vst v0;
	v0 =	vmul.f32 $1.562500000e-02, v2  }
0x307: {  	[tilespmem:s31+$0xFFFFFFF0] =	vst v4;
	v2 =	vadd.f32 v6, v3;
	v1 =	vmul.f32 $1.562500000e-02, v1  }
0x308: {  	v4 =	vmul.f32 $1.562500000e-02, v5;
	v3 =	vadd.f32 v7, v8;
	[tilespmem:s0+$0xFFFFFFF0] =	vst v0  }
0x309: {  	v0 =	vmul.f32 $1.562500000e-02, v2;
	[tilespmem:s31+$0x0] =	vst v1  }
0x30a: {  	s5 =	sadd.s32 s9, s30;
	[tilespmem:s0+$0x0] =	vst v4;
	v1 =	vmul.f32 $1.562500000e-02, v3  }
0x30b: {  	s7 =	sadd.s32 s11, s30;
	s1 =	sshrl.u32 s5, $0x3;
	[tilespmem:s31+$0x10] =	vst v0  }
0x30c: {  	s6 =	sadd.s32 s4, s1;
	[tilespmem:s0+$0x10] =	vst v1;
	s0 =	sshrl.u32 s7, $0x3  }
0x30d: {  	[hbm4b:s6+s2] =	stream.linear.scatter [tilespmem:s20], [sflag:$0x3], $0x2710, $0x38;
	[tilespmem:$0xEF00] =	vst v63  }
0x30e: {  	p1 =	seq.s32 s29, $0x4;
	s0 =	sadd.s32 s4, s0  }
0x30f: {  	[hbm4b:s0+s2] =	stream.linear.scatter [tilespmem:s21], [sflag:$0x3], $0x2710, $0x38;
	[tilespmem:$0xEF00] =	vst v63  }
0x310: {  	s0 =	sshrl.u32 @!p1 s30, $0x3  }
0x311: {  	s0 =	sadd.s32 @!p1 s3, s0  }
0x312: {  	s5 =	simm.s32 @!p1 $0x200;
	s1 =	simm.s32 @!p1 $0x0;
	s0 =	sadd.s32 @!p1 $0x9C4, s0  }
0x313: {  	[tilespmem:s5], [sflag:$0x1] =	stream.linear.gather @!p1 [hbm4b:s0+s1], $0x2710, $0x38;
	[tilespmem:$0xEF00] =	vst v63  }
0x314: {  	_ =	swait.ge [sflag:s22], $0x2710  }
0x315: {  	[sflag:s22] =	ssyncset.done $0x0  }
0x316: {  	s0 =	simm.s32 @!p0 $0x4;
	[sflag:s22] =	ssyncadd.s32 $0xFFFFD8F0  }
0x317: {  	_ =	swait.ge @!p0 [sflag:s0], $0x2710  }
0x318: {  	[sflag:s0] =	ssyncset.done @!p0 $0x0  }
0x319: {  	[sflag:s0] =	ssyncadd.s32 @!p0 $0xFFFFD8F0  }
0x31a: {  	_ =	swait.ge @!p0 [sflag:s0], $0x2710  }
0x31b: {  	[sflag:s0] =	ssyncset.done @!p0 $0x0  }
0x31c: {  	s8 =	simm.s32 $0x29A0;
	[sflag:s0] =	ssyncadd.s32 @!p0 $0xFFFFD8F0  }
0x31d: {  	v0 =	vld [tilespmem:s8+$0x20];
	_ =	sdelay $0x4  }
0x31e: {  	v1 =	vmax.f32 v0, $0.0e+00  }
0x31f: {  	v1 =	vmin.f32 v1, $6.300000000e+01  }
0x320: {  	v1 =	vtrunc.f32 v1  }
0x321: {  	v1 =	vcvt.f32.s32 v1;
	_ =	sdelay $0x5  }
0x322: {  	v2 =	vld.idx.msk [tilespmem:v1+s2+$0x0], $0xffff  }
0x323: {  	v3 =	vld.idx.msk [tilespmem:v1+s14+$0x0], $0xffff  }
0x324: {  	v4 =	vld.idx.msk [tilespmem:v1+s15+$0x0], $0xffff  }
0x325: {  	v1 =	vld.idx.msk [tilespmem:v1+s16+$0x0], $0xffff;
	_ =	sdelay $0x1  }
0x326: {  	v2 =	vmul.f32 v2, v0  }
0x327: {  	v0 =	vmul.f32 v3, v0  }
0x328: {  	v2 =	vadd.f32 v4, v2  }
0x329: {  	v0 =	vadd.f32 v1, v0  }
0x32a: {  	v1 =	vmax.f32 v2, $0.0e+00  }
0x32b: {  	v3 =	vmax.f32 v0, $0.0e+00;
	v1 =	vmin.f32 v1, $6.300000000e+01  }
0x32c: {  	v3 =	vmin.f32 v3, $6.300000000e+01;
	v1 =	vtrunc.f32 v1  }
0x32d: {  	v3 =	vtrunc.f32 v3;
	v1 =	vcvt.f32.s32 v1  }
0x32e: {  	v5 =	vld [tilespmem:s8+$0xFFFFFFF0];
	v3 =	vcvt.f32.s32 v3  }
0x32f: {  	v4 =	vld [tilespmem:s8+$0xFFFFFFE0];
	_ =	sdelay $0x2  }
0x330: {  	v6 =	vld [tilespmem:s8+$0x0]  }
0x331: {  	v10 =	vmax.f32 v5, $0.0e+00;
	v7 =	vld.idx.msk [tilespmem:v1+s2+$0x0], $0xffff  }
0x332: {  	v10 =	vmin.f32 v10, $6.300000000e+01;
	v8 =	vmax.f32 v4, $0.0e+00;
	v9 =	vld.idx.msk [tilespmem:v3+s14+$0x0], $0xffff  }
0x333: {  	v10 =	vtrunc.f32 v10;
	v8 =	vmin.f32 v8, $6.300000000e+01;
	v1 =	vld.idx.msk [tilespmem:v1+s15+$0x0], $0xffff  }
0x334: {  	v10 =	vcvt.f32.s32 v10;
	v8 =	vtrunc.f32 v8;
	v3 =	vld.idx.msk [tilespmem:v3+s16+$0x0], $0xffff  }
0x335: {  	v8 =	vcvt.f32.s32 v8  }
0x336: {  	v2 =	vmul.f32 v7, v2  }
0x337: {  	v11 =	vmax.f32 v6, $0.0e+00;
	v0 =	vmul.f32 v9, v0  }
0x338: {  	v7 =	vmin.f32 v11, $6.300000000e+01;
	v1 =	vadd.f32 v1, v2  }
0x339: {  	v7 =	vtrunc.f32 v7;
	v0 =	vadd.f32 v3, v0  }
0x33a: {  	v13 =	vld.idx.msk [tilespmem:v10+s2+$0x0], $0xffff;
	v2 =	vcvt.f32.s32 v7;
	v7 =	vmax.f32 v1, $0.0e+00  }
0x33b: {  	v12 =	vld.idx.msk [tilespmem:v8+s14+$0x0], $0xffff;
	v11 =	vmax.f32 v0, $0.0e+00;
	v7 =	vmin.f32 v7, $6.300000000e+01  }
0x33c: {  	v9 =	vld.idx.msk [tilespmem:v8+s2+$0x0], $0xffff;
	v11 =	vmin.f32 v11, $6.300000000e+01;
	v7 =	vtrunc.f32 v7  }
0x33d: {  	v14 =	vld.idx.msk [tilespmem:v10+s14+$0x0], $0xffff;
	v11 =	vtrunc.f32 v11;
	v7 =	vcvt.f32.s32 v7  }
0x33e: {  	v3 =	vld [tilespmem:s8+$0x10];
	v11 =	vcvt.f32.s32 v11  }
0x33f: {  	v17 =	vld.idx.msk [tilespmem:v8+s15+$0x0], $0xffff  }
0x340: {  	v8 =	vld.idx.msk [tilespmem:v8+s16+$0x0], $0xffff  }
0x341: {  	v9 =	vmul.f32 v9, v4;
	v4 =	vmul.f32 v12, v4;
	v12 =	vld.idx.msk [tilespmem:v10+s15+$0x0], $0xffff  }
0x342: {  	v15 =	vld.idx.msk [tilespmem:v2+s2+$0x0], $0xffff  }
0x343: {  	v18 =	vmax.f32 v3, $0.0e+00;
	v19 =	vld.idx.msk [tilespmem:v7+s2+$0x0], $0xffff  }
0x344: {  	v18 =	vmin.f32 v18, $6.300000000e+01;
	v20 =	vld.idx.msk [tilespmem:v11+s14+$0x0], $0xffff  }
0x345: {  	v18 =	vtrunc.f32 v18;
	v7 =	vld.idx.msk [tilespmem:v7+s15+$0x0], $0xffff  }
0x346: {  	v9 =	vadd.f32 v17, v9;
	v18 =	vcvt.f32.s32 v18;
	v11 =	vld.idx.msk [tilespmem:v11+s16+$0x0], $0xffff  }
0x347: {  	v16 =	vld.idx.msk [tilespmem:v2+s14+$0x0], $0xffff  }
0x348: {  	v4 =	vadd.f32 v8, v4;
	v8 =	vmax.f32 v9, $0.0e+00;
	v1 =	vmul.f32 v19, v1  }
0x349: {  	v13 =	vmul.f32 v13, v5;
	v8 =	vmin.f32 v8, $6.300000000e+01;
	v0 =	vmul.f32 v20, v0  }
0x34a: {  	v5 =	vmul.f32 v14, v5;
	v10 =	vld.idx.msk [tilespmem:v10+s16+$0x0], $0xffff;
	v8 =	vtrunc.f32 v8;
	v1 =	vadd.f32 v7, v1  }
0x34b: {  	v8 =	vcvt.f32.s32 v8;
	v14 =	vmul.f32 v15, v6;
	v0 =	vadd.f32 v11, v0  }
0x34c: {  	v6 =	vmul.f32 v16, v6;
	v16 =	vld.idx.msk [tilespmem:v18+s2+$0x0], $0xffff;
	v11 =	vadd.f32 v12, v13;
	v12 =	vmax.f32 v1, $0.0e+00  }
0x34d: {  	v17 =	vld.idx.msk [tilespmem:v18+s14+$0x0], $0xffff;
	v13 =	vmax.f32 v0, $0.0e+00;
	v12 =	vmin.f32 v12, $6.300000000e+01  }
0x34e: {  	v7 =	vld.idx.msk [tilespmem:v2+s15+$0x0], $0xffff;
	v13 =	vmin.f32 v13, $6.300000000e+01;
	v12 =	vtrunc.f32 v12  }
0x34f: {  	v5 =	vadd.f32 v10, v5;
	v2 =	vld.idx.msk [tilespmem:v2+s16+$0x0], $0xffff;
	v10 =	vcvt.f32.s32 v12;
	v12 =	vtrunc.f32 v13  }
0x350: {  	v12 =	vcvt.f32.s32 v12  }
0x351: {  	v15 =	vmax.f32 v4, $0.0e+00;
	v16 =	vmul.f32 v16, v3  }
0x352: {  	v3 =	vmul.f32 v17, v3;
	v17 =	vld.idx.msk [tilespmem:v8+s2+$0x0], $0xffff;
	v13 =	vmin.f32 v15, $6.300000000e+01;
	v15 =	vmax.f32 v11, $0.0e+00  }
0x353: {  	v8 =	vld.idx.msk [tilespmem:v8+s15+$0x0], $0xffff;
	v7 =	vadd.f32 v7, v14;
	v14 =	vmin.f32 v15, $6.300000000e+01;
	v15 =	vmax.f32 v5, $0.0e+00  }
0x354: {  	v2 =	vadd.f32 v2, v6;
	v6 =	vmin.f32 v15, $6.300000000e+01;
	v15 =	vld.idx.msk [tilespmem:v18+s15+$0x0], $0xffff  }
0x355: {  	v13 =	vtrunc.f32 v13;
	v21 =	vld.idx.msk [tilespmem:v10+s2+$0x0], $0xffff  }
0x356: {  	v13 =	vcvt.f32.s32 v13;
	v22 =	vld.idx.msk [tilespmem:v12+s14+$0x0], $0xffff  }
0x357: {  	v9 =	vmul.f32 v17, v9;
	v19 =	vmax.f32 v7, $0.0e+00;
	v14 =	vtrunc.f32 v14;
	v10 =	vld.idx.msk [tilespmem:v10+s15+$0x0], $0xffff  }
0x358: {  	v20 =	vmax.f32 v2, $0.0e+00;
	v19 =	vmin.f32 v19, $6.300000000e+01;
	v14 =	vcvt.f32.s32 v14;
	v12 =	vld.idx.msk [tilespmem:v12+s16+$0x0], $0xffff  }
0x359: {  	v18 =	vld.idx.msk [tilespmem:v18+s16+$0x0], $0xffff;
	v6 =	vtrunc.f32 v6;
	v20 =	vmin.f32 v20, $6.300000000e+01;
	v19 =	vtrunc.f32 v19  }
0x35a: {  	v8 =	vadd.f32 v8, v9;
	v6 =	vcvt.f32.s32 v6;
	v1 =	vmul.f32 v21, v1  }
0x35b: {  	v20 =	vtrunc.f32 v20;
	v0 =	vmul.f32 v22, v0  }
0x35c: {  	v20 =	vcvt.f32.s32 v20;
	v9 =	vmax.f32 v8, $0.0e+00;
	v23 =	vld.idx.msk [tilespmem:v13+s14+$0x0], $0xffff;
	v1 =	vadd.f32 v10, v1  }
0x35d: {  	v19 =	vcvt.f32.s32 v19;
	v9 =	vmin.f32 v9, $6.300000000e+01;
	v13 =	vld.idx.msk [tilespmem:v13+s16+$0x0], $0xffff;
	v0 =	vadd.f32 v12, v0  }
0x35e: {  	v15 =	vadd.f32 v15, v16;
	v3 =	vadd.f32 v18, v3;
	v16 =	vld.idx.msk [tilespmem:v14+s2+$0x0], $0xffff;
	v24 =	vmax.f32 v1, $0.0e+00  }
0x35f: {  	v9 =	vtrunc.f32 v9;
	v14 =	vld.idx.msk [tilespmem:v14+s15+$0x0], $0xffff;
	v24 =	vmin.f32 v24, $6.300000000e+01;
	v25 =	vmax.f32 v0, $0.0e+00  }
0x360: {  	v18 =	vld.idx.msk [tilespmem:v6+s14+$0x0], $0xffff;
	v21 =	vmax.f32 v3, $0.0e+00;
	v24 =	vtrunc.f32 v24;
	v25 =	vmin.f32 v25, $6.300000000e+01  }
0x361: {  	v6 =	vld.idx.msk [tilespmem:v6+s16+$0x0], $0xffff;
	v10 =	vmax.f32 v15, $0.0e+00;
	v24 =	vcvt.f32.s32 v24;
	v25 =	vtrunc.f32 v25  }
0x362: {  	v4 =	vmul.f32 v23, v4;
	v12 =	vmin.f32 v21, $6.300000000e+01;
	v21 =	vld.idx.msk [tilespmem:v20+s14+$0x0], $0xffff;
	v17 =	vcvt.f32.s32 v25  }
0x363: {  	v9 =	vcvt.f32.s32 v9;
	v22 =	vld.idx.msk [tilespmem:v19+s2+$0x0], $0xffff;
	v10 =	vmin.f32 v10, $6.300000000e+01  }
0x364: {  	v11 =	vmul.f32 v16, v11;
	v16 =	vld.idx.msk [tilespmem:v20+s16+$0x0], $0xffff;
	v10 =	vtrunc.f32 v10;
	v4 =	vadd.f32 v13, v4  }
0x365: {  	v19 =	vld.idx.msk [tilespmem:v19+s15+$0x0], $0xffff;
	v12 =	vtrunc.f32 v12;
	v5 =	vmul.f32 v18, v5  }
0x366: {  	v10 =	vcvt.f32.s32 v10;
	v11 =	vadd.f32 v14, v11;
	v13 =	vmax.f32 v4, $0.0e+00  }
0x367: {  	v5 =	vadd.f32 v6, v5;
	v13 =	vmin.f32 v13, $6.300000000e+01;
	v2 =	vmul.f32 v21, v2;
	v6 =	vld.idx.msk [tilespmem:v24+s2+$0x0], $0xffff  }
0x368: {  	v7 =	vmul.f32 v22, v7;
	v13 =	vtrunc.f32 v13;
	v18 =	vld.idx.msk [tilespmem:v17+s14+$0x0], $0xffff  }
0x369: {  	v14 =	vmax.f32 v11, $0.0e+00;
	v13 =	vcvt.f32.s32 v13;
	v2 =	vadd.f32 v16, v2;
	v16 =	vld.idx.msk [tilespmem:v24+s15+$0x0], $0xffff  }
0x36a: {  	v7 =	vadd.f32 v19, v7;
	v14 =	vmin.f32 v14, $6.300000000e+01;
	v19 =	vmax.f32 v5, $0.0e+00;
	v17 =	vld.idx.msk [tilespmem:v17+s16+$0x0], $0xffff  }
0x36b: {  	v12 =	vcvt.f32.s32 v12;
	v19 =	vmin.f32 v19, $6.300000000e+01;
	v14 =	vtrunc.f32 v14  }
0x36c: {  	v20 =	vmax.f32 v7, $0.0e+00;
	v19 =	vtrunc.f32 v19;
	v1 =	vmul.f32 v6, v1  }
0x36d: {  	v22 =	vld.idx.msk [tilespmem:v9+s2+$0x0], $0xffff;
	v14 =	vcvt.f32.s32 v14;
	v20 =	vmin.f32 v20, $6.300000000e+01;
	v0 =	vmul.f32 v18, v0  }
0x36e: {  	v9 =	vld.idx.msk [tilespmem:v9+s15+$0x0], $0xffff;
	v19 =	vcvt.f32.s32 v19;
	v21 =	vmax.f32 v2, $0.0e+00;
	v1 =	vadd.f32 v16, v1  }
0x36f: {  	v20 =	vtrunc.f32 v20;
	v23 =	vld.idx.msk [tilespmem:v13+s14+$0x0], $0xffff;
	v6 =	vmin.f32 v21, $6.300000000e+01;
	v0 =	vadd.f32 v17, v0  }
0x370: {  	v13 =	vld.idx.msk [tilespmem:v13+s16+$0x0], $0xffff;
	v6 =	vtrunc.f32 v6;
	v17 =	vcvt.f32.s32 v20;
	v20 =	vmax.f32 v1, $0.0e+00  }
0x371: {  	v16 =	vld.idx.msk [tilespmem:v12+s14+$0x0], $0xffff;
	v6 =	vcvt.f32.s32 v6;
	v20 =	vmin.f32 v20, $6.300000000e+01;
	v21 =	vmax.f32 v0, $0.0e+00  }
0x372: {  	v18 =	vld.idx.msk [tilespmem:v10+s2+$0x0], $0xffff;
	v20 =	vtrunc.f32 v20;
	v21 =	vmin.f32 v21, $6.300000000e+01  }
0x373: {  	v12 =	vld.idx.msk [tilespmem:v12+s16+$0x0], $0xffff;
	v20 =	vcvt.f32.s32 v20;
	v21 =	vtrunc.f32 v21  }
0x374: {  	v10 =	vld.idx.msk [tilespmem:v10+s15+$0x0], $0xffff;
	v21 =	vcvt.f32.s32 v21  }
0x375: {  	v24 =	vld.idx.msk [tilespmem:v14+s2+$0x0], $0xffff  }
0x376: {  	v25 =	vld.idx.msk [tilespmem:v19+s14+$0x0], $0xffff;
	v3 =	vmul.f32 v16, v3  }
0x377: {  	v15 =	vmul.f32 v18, v15;
	v18 =	vld.idx.msk [tilespmem:v6+s14+$0x0], $0xffff  }
0x378: {  	v16 =	vld.idx.msk [tilespmem:v17+s2+$0x0], $0xffff;
	v3 =	vadd.f32 v12, v3  }
0x379: {  	v10 =	vadd.f32 v10, v15;
	v12 =	vld.idx.msk [tilespmem:v20+s2+$0x0], $0xffff  }
0x37a: {  	v8 =	vmul.f32 v22, v8;
	v4 =	vmul.f32 v23, v4;
	v26 =	vmax.f32 v3, $0.0e+00;
	v27 =	vld.idx.msk [tilespmem:v21+s14+$0x0], $0xffff  }
0x37b: {  	v11 =	vmul.f32 v24, v11;
	v15 =	vmax.f32 v10, $0.0e+00;
	v26 =	vmin.f32 v26, $6.300000000e+01;
	v20 =	vld.idx.msk [tilespmem:v20+s15+$0x0], $0xffff  }
0x37c: {  	v5 =	vmul.f32 v25, v5;
	v15 =	vmin.f32 v15, $6.300000000e+01;
	v26 =	vtrunc.f32 v26;
	v21 =	vld.idx.msk [tilespmem:v21+s16+$0x0], $0xffff  }
0x37d: {  	v8 =	vadd.f32 v9, v8;
	v9 =	vld.idx.msk [tilespmem:v17+s15+$0x0], $0xffff;
	v15 =	vtrunc.f32 v15;
	v26 =	vcvt.f32.s32 v26  }
0x37e: {  	v15 =	vcvt.f32.s32 v15;
	v1 =	vmul.f32 v12, v1  }
0x37f: {  	v4 =	vadd.f32 v13, v4;
	v2 =	vmul.f32 v18, v2;
	v12 =	vld.idx.msk [tilespmem:v14+s15+$0x0], $0xffff;
	v0 =	vmul.f32 v27, v0  }
0x380: {  	v7 =	vmul.f32 v16, v7;
	v16 =	vmax.f32 v8, $0.0e+00;
	v14 =	vld.idx.msk [tilespmem:v19+s16+$0x0], $0xffff;
	v1 =	vadd.f32 v20, v1  }
0x381: {  	v6 =	vld.idx.msk [tilespmem:v6+s16+$0x0], $0xffff;
	v18 =	vmax.f32 v4, $0.0e+00;
	v16 =	vmin.f32 v16, $6.300000000e+01;
	v0 =	vadd.f32 v21, v0  }
0x382: {  	v7 =	vadd.f32 v9, v7;
	v16 =	vtrunc.f32 v16;
	v13 =	vmax.f32 v1, $0.0e+00  }
0x383: {  	v16 =	vcvt.f32.s32 v16;
	v9 =	vld.idx.msk [tilespmem:v26+s14+$0x0], $0xffff;
	v13 =	vmin.f32 v13, $6.300000000e+01;
	v17 =	vmax.f32 v0, $0.0e+00  }
0x384: {  	v11 =	vadd.f32 v12, v11;
	v12 =	vtrunc.f32 v13;
	v13 =	vmin.f32 v17, $6.300000000e+01;
	v17 =	vld.idx.msk [tilespmem:v15+s2+$0x0], $0xffff  }
0x385: {  	v5 =	vadd.f32 v14, v5;
	v14 =	vmin.f32 v18, $6.300000000e+01;
	v12 =	vcvt.f32.s32 v12  }
0x386: {  	v2 =	vadd.f32 v6, v2;
	v14 =	vtrunc.f32 v14;
	v13 =	vtrunc.f32 v13  }
0x387: {  	v18 =	vmax.f32 v11, $0.0e+00;
	v19 =	vmax.f32 v5, $0.0e+00;
	v14 =	vcvt.f32.s32 v14  }
0x388: {  	v15 =	vld.idx.msk [tilespmem:v15+s15+$0x0], $0xffff;
	v3 =	vmul.f32 v9, v3;
	v13 =	vcvt.f32.s32 v13;
	v18 =	vmin.f32 v18, $6.300000000e+01  }
0x389: {  	v20 =	vld.idx.msk [tilespmem:v26+s16+$0x0], $0xffff;
	v18 =	vtrunc.f32 v18;
	v10 =	vmul.f32 v17, v10;
	v17 =	vmax.f32 v2, $0.0e+00  }
0x38a: {  	v19 =	vmin.f32 v19, $6.300000000e+01;
	v18 =	vcvt.f32.s32 v18;
	v9 =	vmin.f32 v17, $6.300000000e+01;
	v17 =	vld.idx.msk [tilespmem:v16+s2+$0x0], $0xffff  }
0x38b: {  	v21 =	vmax.f32 v7, $0.0e+00;
	v19 =	vtrunc.f32 v19;
	v22 =	vld.idx.msk [tilespmem:v12+s2+$0x0], $0xffff  }
0x38c: {  	v21 =	vmin.f32 v21, $6.300000000e+01;
	v19 =	vcvt.f32.s32 v19;
	v12 =	vld.idx.msk [tilespmem:v12+s15+$0x0], $0xffff  }
0x38d: {  	v6 =	vtrunc.f32 v21;
	v10 =	vadd.f32 v15, v10;
	v15 =	vld.idx.msk [tilespmem:v14+s14+$0x0], $0xffff  }
0x38e: {  	v6 =	vcvt.f32.s32 v6;
	v21 =	vld.idx.msk [tilespmem:v13+s14+$0x0], $0xffff  }
0x38f: {  	v9 =	vtrunc.f32 v9;
	v13 =	vld.idx.msk [tilespmem:v13+s16+$0x0], $0xffff  }
0x390: {  	v3 =	vadd.f32 v20, v3;
	v9 =	vcvt.f32.s32 v9;
	v20 =	vld.idx.msk [tilespmem:v18+s2+$0x0], $0xffff  }
0x391: {  	v8 =	vmul.f32 v17, v8;
	v17 =	vld.idx.msk [tilespmem:v18+s15+$0x0], $0xffff  }
0x392: {  	v1 =	vmul.f32 v22, v1;
	v22 =	vld.idx.msk [tilespmem:v19+s14+$0x0], $0xffff  }
0x393: {  	v23 =	vmax.f32 v10, $0.0e+00;
	v19 =	vld.idx.msk [tilespmem:v19+s16+$0x0], $0xffff  }
0x394: {  	v24 =	vmax.f32 v3, $0.0e+00;
	v23 =	vmin.f32 v23, $6.300000000e+01;
	v0 =	vmul.f32 v21, v0;
	v21 =	vld.idx.msk [tilespmem:v6+s2+$0x0], $0xffff  }
0x395: {  	v24 =	vmin.f32 v24, $6.300000000e+01;
	v23 =	vtrunc.f32 v23;
	v1 =	vadd.f32 v12, v1;
	v12 =	vld.idx.msk [tilespmem:v16+s15+$0x0], $0xffff  }
0x396: {  	v23 =	vcvt.f32.s32 v23;
	v16 =	vtrunc.f32 v24;
	v18 =	vld.idx.msk [tilespmem:v9+s14+$0x0], $0xffff;
	v0 =	vadd.f32 v13, v0  }
0x397: {  	v13 =	vld.idx.msk [tilespmem:v14+s16+$0x0], $0xffff;
	v14 =	vcvt.f32.s32 v16;
	v11 =	vmul.f32 v20, v11;
	v16 =	vmax.f32 v1, $0.0e+00  }
0x398: {  	s10 =	simm.s32 $0x29F0;
	v4 =	vmul.f32 v15, v4;
	v6 =	vld.idx.msk [tilespmem:v6+s15+$0x0], $0xffff;
	v15 =	vmin.f32 v16, $6.300000000e+01;
	v16 =	vmax.f32 v0, $0.0e+00  }
0x399: {  	v28 =	vld [tilespmem:s10+$0xFFFFFFF0];
	v5 =	vmul.f32 v22, v5;
	v11 =	vadd.f32 v17, v11;
	v15 =	vtrunc.f32 v15  }
0x39a: {  	v29 =	vld [tilespmem:s10+$0x10];
	v16 =	vmin.f32 v16, $6.300000000e+01;
	v7 =	vmul.f32 v21, v7;
	v15 =	vcvt.f32.s32 v15  }
0x39b: {  	v30 =	vld [tilespmem:s10+$0xFFFFFFE0];
	v16 =	vtrunc.f32 v16;
	v12 =	vadd.f32 v12, v8;
	v2 =	vmul.f32 v18, v2  }
0x39c: {  	v27 =	vld [tilespmem:s10+$0x20];
	v19 =	vadd.f32 v19, v5;
	v5 =	vmax.f32 v11, $0.0e+00;
	v8 =	vcvt.f32.s32 v16  }
0x39d: {  	v9 =	vld.idx.msk [tilespmem:v9+s16+$0x0], $0xffff;
	v13 =	vadd.f32 v13, v4;
	v5 =	vmin.f32 v5, $6.300000000e+01;
	v6 =	vadd.f32 v6, v7  }
0x39e: {  	v16 =	vld.idx.msk [tilespmem:v23+s2+$0x0], $0xffff;
	v4 =	vmax.f32 v12, $0.0e+00;
	v21 =	vmax.f32 v19, $0.0e+00;
	v5 =	vtrunc.f32 v5  }
0x39f: {  	v17 =	vld.idx.msk [tilespmem:v14+s14+$0x0], $0xffff;
	v4 =	vmin.f32 v4, $6.300000000e+01;
	v18 =	vmax.f32 v13, $0.0e+00;
	v21 =	vmin.f32 v21, $6.300000000e+01  }
0x3a0: {  	v20 =	vld.idx.msk [tilespmem:v23+s15+$0x0], $0xffff;
	v5 =	vcvt.f32.s32 v5;
	v7 =	vmax.f32 v6, $0.0e+00;
	v4 =	vtrunc.f32 v4  }
0x3a1: {  	v14 =	vld.idx.msk [tilespmem:v14+s16+$0x0], $0xffff;
	v18 =	vmin.f32 v18, $6.300000000e+01;
	v21 =	vtrunc.f32 v21;
	v4 =	vcvt.f32.s32 v4  }
0x3a2: {  	v7 =	vmin.f32 v7, $6.300000000e+01;
	v18 =	vtrunc.f32 v18;
	v21 =	vcvt.f32.s32 v21;
	v22 =	vld.idx.msk [tilespmem:v15+s2+$0x0], $0xffff  }
0x3a3: {  	v2 =	vadd.f32 v9, v2;
	v7 =	vtrunc.f32 v7;
	v10 =	vmul.f32 v16, v10;
	v15 =	vld.idx.msk [tilespmem:v15+s15+$0x0], $0xffff  }
0x3a4: {  	v18 =	vcvt.f32.s32 v18;
	v16 =	vld.idx.msk [tilespmem:v8+s14+$0x0], $0xffff;
	v3 =	vmul.f32 v17, v3  }
0x3a5: {  	v25 =	vcvt.f32.s32 v7;
	v17 =	vld.idx.msk [tilespmem:v8+s16+$0x0], $0xffff;
	v8 =	vmax.f32 v2, $0.0e+00;
	v9 =	vadd.f32 v20, v10  }
0x3a6: {  	v8 =	vmin.f32 v8, $6.300000000e+01;
	v3 =	vadd.f32 v14, v3;
	v23 =	vld.idx.msk [tilespmem:v5+s2+$0x0], $0xffff  }
0x3a7: {  	v8 =	vtrunc.f32 v8;
	v20 =	vmax.f32 v9, $0.0e+00;
	v10 =	vld.idx.msk [tilespmem:v4+s2+$0x0], $0xffff  }
0x3a8: {  	v20 =	vmin.f32 v20, $6.300000000e+01;
	v24 =	vmax.f32 v3, $0.0e+00;
	v26 =	vld.idx.msk [tilespmem:v21+s14+$0x0], $0xffff;
	v1 =	vmul.f32 v22, v1  }
0x3a9: {  	v47 =	vld.idx.msk [tilespmem:v4+s15+$0x0], $0xffff;
	v7 =	vtrunc.f32 v20;
	v20 =	vmin.f32 v24, $6.300000000e+01;
	v24 =	vcvt.f32.s32 v8  }
0x3aa: {  	v14 =	vld.idx.msk [tilespmem:v18+s14+$0x0], $0xffff;
	v20 =	vtrunc.f32 v20;
	v8 =	vcvt.f32.s32 v7  }
0x3ab: {  	v31 =	vmax.f32 v27, $0.0e+00;
	v44 =	vld.idx.msk [tilespmem:v25+s2+$0x0], $0xffff;
	v7 =	vcvt.f32.s32 v20  }
0x3ac: {  	v31 =	vmin.f32 v31, $6.300000000e+01;
	v0 =	vmul.f32 v16, v0;
	v1 =	vadd.f32 v15, v1;
	v15 =	vld.idx.msk [tilespmem:v18+s16+$0x0], $0xffff  }
0x3ad: {  	v31 =	vtrunc.f32 v31;
	v20 =	vld [tilespmem:s10+$0x0]  }
0x3ae: {  	v22 =	vcvt.f32.s32 v31;
	v0 =	vadd.f32 v17, v0;
	v17 =	vld.idx.msk [tilespmem:v5+s15+$0x0], $0xffff  }
0x3af: {  	v1 =	vmul.f32 $1.562500000e-02, v1;
	v45 =	vld.idx.msk [tilespmem:v24+s14+$0x0], $0xffff  }
0x3b0: {  	v16 =	vmax.f32 v30, $0.0e+00;
	v0 =	vmul.f32 $1.562500000e-02, v0;
	v46 =	vld.idx.msk [tilespmem:v8+s2+$0x0], $0xffff  }
0x3b1: {  	v4 =	vmin.f32 v16, $6.300000000e+01;
	v16 =	vmax.f32 v28, $0.0e+00;
	v31 =	vld.idx.msk [tilespmem:v7+s14+$0x0], $0xffff;
	[tilespmem:$0x1FFD0] =	vst v1  }
0x3b2: {  	v1 =	vmin.f32 v16, $6.300000000e+01;
	v18 =	vld.idx.msk [tilespmem:v21+s16+$0x0], $0xffff;
	[tilespmem:$0x1FFE0] =	vst v0  }
0x3b3: {  	v4 =	vtrunc.f32 v4;
	v1 =	vtrunc.f32 v1;
	v21 =	vld.idx.msk [tilespmem:v25+s15+$0x0], $0xffff  }
0x3b4: {  	v10 =	vmul.f32 v10, v12;
	v12 =	vcvt.f32.s32 v1;
	v1 =	vld.idx.msk [tilespmem:v22+s2+$0x0], $0xffff  }
0x3b5: {  	v16 =	vcvt.f32.s32 v4;
	v25 =	vld.idx.msk [tilespmem:v22+s14+$0x0], $0xffff  }
0x3b6: {  	v48 =	vld.idx.msk [tilespmem:v22+s15+$0x0], $0xffff  }
0x3b7: {  	v11 =	vmul.f32 v23, v11;
	v19 =	vmul.f32 v26, v19;
	v0 =	vmax.f32 v20, $0.0e+00;
	v24 =	vld.idx.msk [tilespmem:v24+s16+$0x0], $0xffff  }
0x3b8: {  	v13 =	vmul.f32 v14, v13;
	v14 =	vmax.f32 v29, $0.0e+00;
	v0 =	vmin.f32 v0, $6.300000000e+01;
	v8 =	vld.idx.msk [tilespmem:v8+s15+$0x0], $0xffff  }
0x3b9: {  	v6 =	vmul.f32 v44, v6;
	v14 =	vmin.f32 v14, $6.300000000e+01;
	v63 =	vld.idx.msk [tilespmem:v7+s16+$0x0], $0xffff;
	v0 =	vtrunc.f32 v0  }
0x3ba: {  	v23 =	vcvt.f32.s32 v0;
	v0 =	vtrunc.f32 v14;
	v14 =	vld.idx.msk [tilespmem:v22+s16+$0x0], $0xffff  }
0x3bb: {  	v32 =	vmul.f32 v45, v2;
	v9 =	vmul.f32 v46, v9;
	v26 =	vld.idx.msk [tilespmem:v16+s2+$0x0], $0xffff  }
0x3bc: {  	v2 =	vadd.f32 v47, v10;
	v22 =	vcvt.f32.s32 v0;
	v49 =	vld.idx.msk [tilespmem:v16+s14+$0x0], $0xffff;
	v1 =	vmul.f32 v1, v27  }
0x3bd: {  	v0 =	vadd.f32 v15, v13;
	v54 =	vld.idx.msk [tilespmem:v16+s15+$0x0], $0xffff;
	v25 =	vmul.f32 v25, v27;
	v6 =	vadd.f32 v21, v6  }
0x3be: {  	v16 =	vld.idx.msk [tilespmem:v16+s16+$0x0], $0xffff;
	v27 =	vmul.f32 v31, v3;
	v9 =	vadd.f32 v8, v9;
	v15 =	vadd.f32 v48, v1  }
0x3bf: {  	v3 =	vmax.f32 v2, $0.0e+00;
	v10 =	vld.idx.msk [tilespmem:v12+s2+$0x0], $0xffff;
	v1 =	vadd.f32 v17, v11;
	v14 =	vadd.f32 v14, v25  }
0x3c0: {  	v13 =	vld.idx.msk [tilespmem:v12+s14+$0x0], $0xffff;
	v17 =	vmin.f32 v3, $6.300000000e+01;
	v25 =	vmax.f32 v0, $0.0e+00;
	v3 =	vadd.f32 v18, v19  }
0x3c1: {  	v56 =	vld.idx.msk [tilespmem:v12+s15+$0x0], $0xffff;
	v58 =	vmax.f32 v6, $0.0e+00;
	v8 =	vadd.f32 v63, v27;
	v25 =	vmin.f32 v25, $6.300000000e+01  }
0x3c2: {  	v12 =	vld.idx.msk [tilespmem:v12+s16+$0x0], $0xffff;
	v17 =	vtrunc.f32 v17;
	v50 =	vmax.f32 v15, $0.0e+00;
	v51 =	vmax.f32 v14, $0.0e+00  }
0x3c3: {  	v11 =	vld.idx.msk [tilespmem:v23+s2+$0x0], $0xffff;
	v25 =	vtrunc.f32 v25;
	v26 =	vmul.f32 v26, v30;
	v19 =	vmin.f32 v50, $6.300000000e+01  }
0x3c4: {  	v31 =	vld.idx.msk [tilespmem:v23+s14+$0x0], $0xffff;
	v30 =	vmul.f32 v49, v30;
	v34 =	vmin.f32 v51, $6.300000000e+01;
	v19 =	vtrunc.f32 v19  }
0x3c5: {  	v57 =	vld.idx.msk [tilespmem:v23+s15+$0x0], $0xffff;
	v53 =	vmax.f32 v1, $0.0e+00;
	v34 =	vtrunc.f32 v34;
	v19 =	vcvt.f32.s32 v19  }
0x3c6: {  	v23 =	vld.idx.msk [tilespmem:v23+s16+$0x0], $0xffff;
	v55 =	vmax.f32 v3, $0.0e+00;
	v17 =	vcvt.f32.s32 v17;
	v34 =	vcvt.f32.s32 v34  }
0x3c7: {  	v18 =	vld.idx.msk [tilespmem:v22+s2+$0x0], $0xffff;
	v21 =	vmin.f32 v53, $6.300000000e+01;
	v36 =	vmin.f32 v55, $6.300000000e+01;
	v25 =	vcvt.f32.s32 v25  }
0x3c8: {  	v52 =	vld.idx.msk [tilespmem:v22+s14+$0x0], $0xffff;
	v53 =	vmax.f32 v9, $0.0e+00;
	v21 =	vtrunc.f32 v21;
	v36 =	vtrunc.f32 v36  }
0x3c9: {  	v60 =	vld.idx.msk [tilespmem:v22+s15+$0x0], $0xffff;
	v10 =	vmul.f32 v10, v28;
	v13 =	vmul.f32 v13, v28;
	v28 =	vmin.f32 v58, $6.300000000e+01  }
0x3ca: {  	v22 =	vld.idx.msk [tilespmem:v22+s16+$0x0], $0xffff;
	v26 =	vadd.f32 v54, v26;
	v28 =	vtrunc.f32 v28;
	v21 =	vcvt.f32.s32 v21  }
0x3cb: {  	v16 =	vadd.f32 v16, v30;
	v11 =	vmul.f32 v11, v20;
	v20 =	vmul.f32 v31, v20;
	v31 =	vld.idx.msk [tilespmem:v19+s2+$0x0], $0xffff  }
0x3cc: {  	v54 =	vmax.f32 v8, $0.0e+00;
	v30 =	vcvt.f32.s32 v36;
	v28 =	vcvt.f32.s32 v28;
	v59 =	vld.idx.msk [tilespmem:v34+s14+$0x0], $0xffff  }
0x3cd: {  	v61 =	vmax.f32 v26, $0.0e+00;
	v10 =	vadd.f32 v56, v10;
	v62 =	vmax.f32 v16, $0.0e+00;
	v19 =	vld.idx.msk [tilespmem:v19+s15+$0x0], $0xffff  }
0x3ce: {  	v12 =	vadd.f32 v12, v13;
	v18 =	vmul.f32 v18, v29;
	v29 =	vmul.f32 v52, v29;
	v34 =	vld.idx.msk [tilespmem:v34+s16+$0x0], $0xffff  }
0x3cf: {  	v13 =	vmin.f32 v62, $6.300000000e+01;
	v11 =	vadd.f32 v57, v11;
	v20 =	vadd.f32 v23, v20;
	v23 =	vld.idx.msk [tilespmem:v25+s14+$0x0], $0xffff  }
0x3d0: {  	v13 =	vtrunc.f32 v13;
	v18 =	vadd.f32 v60, v18;
	v25 =	vld.idx.msk [tilespmem:v25+s16+$0x0], $0xffff;
	v15 =	vmul.f32 v31, v15  }
0x3d1: {  	v22 =	vadd.f32 v22, v29;
	v13 =	vcvt.f32.s32 v13;
	v38 =	vld.idx.msk [tilespmem:v21+s2+$0x0], $0xffff;
	v14 =	vmul.f32 v59, v14  }
0x3d2: {  	v45 =	vmax.f32 v11, $0.0e+00;
	v46 =	vmax.f32 v20, $0.0e+00;
	v35 =	vld.idx.msk [tilespmem:v30+s14+$0x0], $0xffff;
	v15 =	vadd.f32 v19, v15  }
0x3d3: {  	v39 =	vmin.f32 v45, $6.300000000e+01;
	v40 =	vmin.f32 v46, $6.300000000e+01;
	v21 =	vld.idx.msk [tilespmem:v21+s15+$0x0], $0xffff;
	v14 =	vadd.f32 v34, v14  }
0x3d4: {  	v30 =	vld.idx.msk [tilespmem:v30+s16+$0x0], $0xffff;
	v39 =	vtrunc.f32 v39;
	v40 =	vtrunc.f32 v40;
	v43 =	vmax.f32 v15, $0.0e+00  }
0x3d5: {  	v41 =	vld.idx.msk [tilespmem:v28+s2+$0x0], $0xffff;
	v33 =	vcvt.f32.s32 v39;
	v44 =	vmax.f32 v14, $0.0e+00;
	v36 =	vmin.f32 v43, $6.300000000e+01  }
0x3d6: {  	v28 =	vld.idx.msk [tilespmem:v28+s15+$0x0], $0xffff;
	v39 =	vcvt.f32.s32 v40;
	v37 =	vmin.f32 v44, $6.300000000e+01;
	v36 =	vtrunc.f32 v36  }
0x3d7: {  	v47 =	vmax.f32 v18, $0.0e+00;
	v56 =	vld.idx.msk [tilespmem:v13+s14+$0x0], $0xffff;
	v37 =	vtrunc.f32 v37;
	v36 =	vcvt.f32.s32 v36  }
0x3d8: {  	v29 =	vmin.f32 v47, $6.300000000e+01;
	v13 =	vld.idx.msk [tilespmem:v13+s16+$0x0], $0xffff;
	v31 =	vmin.f32 v61, $6.300000000e+01;
	v37 =	vcvt.f32.s32 v37  }
0x3d9: {  	v40 =	vmin.f32 v53, $6.300000000e+01;
	v31 =	vtrunc.f32 v31;
	v19 =	vmax.f32 v10, $0.0e+00;
	v34 =	vld.idx.msk [tilespmem:v17+s2+$0x0], $0xffff  }
0x3da: {  	v23 =	vmul.f32 v23, v0;
	v17 =	vld.idx.msk [tilespmem:v17+s15+$0x0], $0xffff;
	v31 =	vcvt.f32.s32 v31;
	v7 =	vmin.f32 v19, $6.300000000e+01  }
0x3db: {  	v19 =	vmax.f32 v12, $0.0e+00;
	v61 =	vld.idx.msk [tilespmem:v33+s2+$0x0], $0xffff;
	v48 =	vtrunc.f32 v7;
	v7 =	vmax.f32 v22, $0.0e+00  }
0x3dc: {  	v59 =	vtrunc.f32 v40;
	v63 =	vld.idx.msk [tilespmem:v39+s14+$0x0], $0xffff;
	v19 =	vmin.f32 v19, $6.300000000e+01;
	v49 =	vmin.f32 v7, $6.300000000e+01  }
0x3dd: {  	v7 =	vadd.f32 v24, v32;
	v24 =	vtrunc.f32 v29;
	v29 =	vcvt.f32.s32 v48;
	v50 =	vld.idx.msk [tilespmem:v36+s2+$0x0], $0xffff  }
0x3de: {  	v57 =	vmin.f32 v54, $6.300000000e+01;
	v3 =	vmul.f32 v35, v3;
	v19 =	vtrunc.f32 v19;
	v51 =	vld.idx.msk [tilespmem:v37+s14+$0x0], $0xffff  }
0x3df: {  	v32 =	vtrunc.f32 v57;
	v19 =	vcvt.f32.s32 v19;
	v36 =	vld.idx.msk [tilespmem:v36+s15+$0x0], $0xffff  }
0x3e0: {  	v24 =	vcvt.f32.s32 v24;
	v2 =	vmul.f32 v34, v2;
	v37 =	vld.idx.msk [tilespmem:v37+s16+$0x0], $0xffff  }
0x3e1: {  	v6 =	vmul.f32 v41, v6;
	v32 =	vcvt.f32.s32 v32;
	v27 =	vmax.f32 v7, $0.0e+00;
	v55 =	vld.idx.msk [tilespmem:v31+s2+$0x0], $0xffff  }
0x3e2: {  	v27 =	vmin.f32 v27, $6.300000000e+01;
	v0 =	vadd.f32 v17, v2;
	v17 =	vld.idx.msk [tilespmem:v31+s15+$0x0], $0xffff;
	v15 =	vmul.f32 v50, v15  }
0x3e3: {  	v3 =	vadd.f32 v30, v3;
	v27 =	vtrunc.f32 v27;
	v58 =	vld.idx.msk [tilespmem:v29+s2+$0x0], $0xffff;
	v14 =	vmul.f32 v51, v14  }
0x3e4: {  	v2 =	vmul.f32 v38, v1;
	v1 =	vadd.f32 v25, v23;
	v25 =	vld.idx.msk [tilespmem:v29+s15+$0x0], $0xffff;
	v15 =	vadd.f32 v36, v15  }
0x3e5: {  	v52 =	vtrunc.f32 v49;
	v27 =	vcvt.f32.s32 v27;
	v60 =	vld.idx.msk [tilespmem:v19+s14+$0x0], $0xffff;
	v14 =	vadd.f32 v37, v14  }
0x3e6: {  	v16 =	vmul.f32 v56, v16;
	v42 =	vcvt.f32.s32 v52;
	v53 =	vld.idx.msk [tilespmem:v24+s2+$0x0], $0xffff;
	v62 =	vmax.f32 v15, $0.0e+00  }
0x3e7: {  	v19 =	vld.idx.msk [tilespmem:v19+s16+$0x0], $0xffff;
	v36 =	vcvt.f32.s32 v59;
	v52 =	vmax.f32 v14, $0.0e+00;
	v46 =	vmin.f32 v62, $6.300000000e+01  }
0x3e8: {  	v20 =	vmul.f32 v63, v20;
	v24 =	vld.idx.msk [tilespmem:v24+s15+$0x0], $0xffff;
	v48 =	vmin.f32 v52, $6.300000000e+01;
	v46 =	vtrunc.f32 v46  }
0x3e9: {  	v13 =	vadd.f32 v13, v16;
	v63 =	vld.idx.msk [tilespmem:v32+s14+$0x0], $0xffff;
	v48 =	vtrunc.f32 v48;
	v46 =	vcvt.f32.s32 v46  }
0x3ea: {  	v2 =	vadd.f32 v21, v2;
	v21 =	vmul.f32 v55, v26;
	v26 =	vld.idx.msk [tilespmem:v33+s15+$0x0], $0xffff;
	v31 =	vcvt.f32.s32 v48  }
0x3eb: {  	v6 =	vadd.f32 v28, v6;
	v11 =	vmul.f32 v61, v11;
	v23 =	vmax.f32 v0, $0.0e+00;
	v59 =	vld.idx.msk [tilespmem:v27+s14+$0x0], $0xffff  }
0x3ec: {  	v57 =	vmax.f32 v13, $0.0e+00;
	v23 =	vmin.f32 v23, $6.300000000e+01;
	v30 =	vmax.f32 v2, $0.0e+00;
	v27 =	vld.idx.msk [tilespmem:v27+s16+$0x0], $0xffff  }
0x3ed: {  	v28 =	vmax.f32 v1, $0.0e+00;
	v16 =	vtrunc.f32 v23;
	v30 =	vmin.f32 v30, $6.300000000e+01;
	v61 =	vld.idx.msk [tilespmem:v36+s2+$0x0], $0xffff  }
0x3ee: {  	v16 =	vcvt.f32.s32 v16;
	v17 =	vadd.f32 v17, v21;
	v30 =	vtrunc.f32 v30;
	v36 =	vld.idx.msk [tilespmem:v36+s15+$0x0], $0xffff  }
0x3ef: {  	v28 =	vmin.f32 v28, $6.300000000e+01;
	v10 =	vmul.f32 v58, v10;
	v12 =	vmul.f32 v60, v12;
	v29 =	vld.idx.msk [tilespmem:v46+s2+$0x0], $0xffff  }
0x3f0: {  	v18 =	vmul.f32 v53, v18;
	v56 =	vmax.f32 v17, $0.0e+00;
	v38 =	vmul.f32 v63, v8;
	v55 =	vld.idx.msk [tilespmem:v31+s14+$0x0], $0xffff  }
0x3f1: {  	v10 =	vadd.f32 v25, v10;
	v25 =	vtrunc.f32 v28;
	v7 =	vmul.f32 v59, v7;
	v21 =	vld.idx.msk [tilespmem:v46+s15+$0x0], $0xffff  }
0x3f2: {  	v28 =	vmin.f32 v56, $6.300000000e+01;
	v12 =	vadd.f32 v19, v12;
	v19 =	vmin.f32 v57, $6.300000000e+01;
	v23 =	vld.idx.msk [tilespmem:v31+s16+$0x0], $0xffff  }
0x3f3: {  	v28 =	vtrunc.f32 v28;
	v19 =	vtrunc.f32 v19;
	v7 =	vadd.f32 v27, v7;
	v31 =	vld.idx.msk [tilespmem:v39+s16+$0x0], $0xffff  }
0x3f4: {  	v26 =	vadd.f32 v26, v11;
	v28 =	vcvt.f32.s32 v28;
	v9 =	vmul.f32 v61, v9  }
0x3f5: {  	v19 =	vcvt.f32.s32 v19;
	v53 =	vmax.f32 v7, $0.0e+00;
	v15 =	vmul.f32 v29, v15  }
0x3f6: {  	v8 =	vadd.f32 v36, v9;
	v36 =	vmin.f32 v53, $6.300000000e+01;
	v14 =	vmul.f32 v55, v14  }
0x3f7: {  	v18 =	vadd.f32 v24, v18;
	v36 =	vtrunc.f32 v36;
	v11 =	vadd.f32 v21, v15  }
0x3f8: {  	v32 =	vld.idx.msk [tilespmem:v32+s16+$0x0], $0xffff;
	v20 =	vadd.f32 v31, v20;
	v31 =	vmax.f32 v26, $0.0e+00;
	v14 =	vadd.f32 v23, v14  }
0x3f9: {  	v54 =	vld.idx.msk [tilespmem:v42+s14+$0x0], $0xffff;
	v36 =	vcvt.f32.s32 v36;
	v31 =	vmin.f32 v31, $6.300000000e+01;
	v23 =	vmax.f32 v11, $0.0e+00  }
0x3fa: {  	v49 =	vld.idx.msk [tilespmem:v28+s2+$0x0], $0xffff;
	v31 =	vtrunc.f32 v31;
	v58 =	vmax.f32 v14, $0.0e+00;
	v23 =	vmin.f32 v23, $6.300000000e+01  }
0x3fb: {  	v28 =	vld.idx.msk [tilespmem:v28+s15+$0x0], $0xffff;
	v31 =	vcvt.f32.s32 v31;
	v24 =	vmin.f32 v58, $6.300000000e+01;
	v23 =	vtrunc.f32 v23  }
0x3fc: {  	v51 =	vld.idx.msk [tilespmem:v19+s14+$0x0], $0xffff;
	v24 =	vtrunc.f32 v24;
	v23 =	vcvt.f32.s32 v23  }
0x3fd: {  	v30 =	vcvt.f32.s32 v30;
	v19 =	vld.idx.msk [tilespmem:v19+s16+$0x0], $0xffff;
	v29 =	vmax.f32 v10, $0.0e+00;
	v24 =	vcvt.f32.s32 v24  }
0x3fe: {  	v22 =	vmul.f32 v54, v22;
	v48 =	vmax.f32 v6, $0.0e+00;
	v15 =	vmin.f32 v29, $6.300000000e+01;
	v29 =	vld.idx.msk [tilespmem:v42+s16+$0x0], $0xffff  }
0x3ff: {  	v25 =	vcvt.f32.s32 v25;
	v62 =	vmax.f32 v18, $0.0e+00;
	v50 =	vmin.f32 v48, $6.300000000e+01;
	v53 =	vld.idx.msk [tilespmem:v36+s14+$0x0], $0xffff  }
0x400: {  	v35 =	vtrunc.f32 v50;
	v21 =	vmax.f32 v12, $0.0e+00;
	v15 =	vtrunc.f32 v15;
	v36 =	vld.idx.msk [tilespmem:v36+s16+$0x0], $0xffff  }
0x401: {  	v60 =	vmax.f32 v20, $0.0e+00;
	v21 =	vmin.f32 v21, $6.300000000e+01;
	v15 =	vcvt.f32.s32 v15;
	v52 =	vld.idx.msk [tilespmem:v31+s2+$0x0], $0xffff  }
0x402: {  	v35 =	vcvt.f32.s32 v35;
	v34 =	vmin.f32 v60, $6.300000000e+01;
	v21 =	vtrunc.f32 v21;
	v45 =	vld.idx.msk [tilespmem:v23+s2+$0x0], $0xffff  }
0x403: {  	v46 =	vmax.f32 v3, $0.0e+00;
	v34 =	vtrunc.f32 v34;
	v21 =	vcvt.f32.s32 v21;
	v47 =	vld.idx.msk [tilespmem:v24+s14+$0x0], $0xffff  }
0x404: {  	v17 =	vmul.f32 v49, v17;
	v40 =	vmin.f32 v46, $6.300000000e+01;
	v34 =	vcvt.f32.s32 v34;
	v23 =	vld.idx.msk [tilespmem:v23+s15+$0x0], $0xffff  }
0x405: {  	v13 =	vmul.f32 v51, v13;
	v22 =	vadd.f32 v29, v22;
	v29 =	vmin.f32 v62, $6.300000000e+01;
	v24 =	vld.idx.msk [tilespmem:v24+s16+$0x0], $0xffff  }
0x406: {  	v40 =	vtrunc.f32 v40;
	v29 =	vtrunc.f32 v29;
	v31 =	vld.idx.msk [tilespmem:v31+s15+$0x0], $0xffff  }
0x407: {  	v17 =	vadd.f32 v28, v17;
	v29 =	vcvt.f32.s32 v29;
	v27 =	vld.idx.msk [tilespmem:v15+s2+$0x0], $0xffff;
	v39 =	vmul.f32 v45, v11  }
0x408: {  	v33 =	vcvt.f32.s32 v40;
	v44 =	vmax.f32 v22, $0.0e+00;
	v15 =	vld.idx.msk [tilespmem:v15+s15+$0x0], $0xffff;
	v14 =	vmul.f32 v47, v14  }
0x409: {  	v28 =	vmax.f32 v17, $0.0e+00;
	v37 =	vmin.f32 v44, $6.300000000e+01;
	v9 =	vld.idx.msk [tilespmem:v21+s14+$0x0], $0xffff;
	v23 =	vadd.f32 v23, v39  }
0x40a: {  	v28 =	vmin.f32 v28, $6.300000000e+01;
	v37 =	vtrunc.f32 v37;
	v54 =	vld.idx.msk [tilespmem:v34+s14+$0x0], $0xffff;
	v14 =	vadd.f32 v24, v14  }
0x40b: {  	v28 =	vtrunc.f32 v28;
	v21 =	vld.idx.msk [tilespmem:v21+s16+$0x0], $0xffff;
	v37 =	vcvt.f32.s32 v37;
	v56 =	vmax.f32 v23, $0.0e+00  }
0x40c: {  	v28 =	vcvt.f32.s32 v28;
	v34 =	vld.idx.msk [tilespmem:v34+s16+$0x0], $0xffff;
	v59 =	vmax.f32 v14, $0.0e+00;
	v41 =	vmin.f32 v56, $6.300000000e+01  }
0x40d: {  	v26 =	vmul.f32 v52, v26;
	v55 =	vld.idx.msk [tilespmem:v29+s2+$0x0], $0xffff;
	v45 =	vmin.f32 v59, $6.300000000e+01;
	v41 =	vtrunc.f32 v41  }
0x40e: {  	v13 =	vadd.f32 v19, v13;
	v29 =	vld.idx.msk [tilespmem:v29+s15+$0x0], $0xffff;
	v45 =	vtrunc.f32 v45;
	v41 =	vcvt.f32.s32 v41  }
0x40f: {  	v27 =	vmul.f32 v27, v10;
	v26 =	vadd.f32 v31, v26;
	v31 =	vld.idx.msk [tilespmem:v25+s14+$0x0], $0xffff;
	v45 =	vcvt.f32.s32 v45  }
0x410: {  	v12 =	vmul.f32 v9, v12;
	v20 =	vmul.f32 v54, v20;
	v25 =	vld.idx.msk [tilespmem:v25+s16+$0x0], $0xffff  }
0x411: {  	v15 =	vadd.f32 v15, v27;
	v27 =	vmax.f32 v13, $0.0e+00;
	v11 =	vadd.f32 v32, v38;
	v58 =	vld.idx.msk [tilespmem:v37+s14+$0x0], $0xffff  }
0x412: {  	v37 =	vld.idx.msk [tilespmem:v37+s16+$0x0], $0xffff;
	v21 =	vadd.f32 v21, v12;
	v12 =	vmin.f32 v27, $6.300000000e+01;
	v24 =	vmax.f32 v8, $0.0e+00  }
0x413: {  	v27 =	vld.idx.msk [tilespmem:v16+s2+$0x0], $0xffff;
	v20 =	vadd.f32 v34, v20;
	v57 =	vmax.f32 v11, $0.0e+00;
	v24 =	vmin.f32 v24, $6.300000000e+01  }
0x414: {  	v12 =	vtrunc.f32 v12;
	v43 =	vmin.f32 v57, $6.300000000e+01;
	v24 =	vtrunc.f32 v24;
	v60 =	vld.idx.msk [tilespmem:v41+s2+$0x0], $0xffff  }
0x415: {  	v50 =	vmax.f32 v26, $0.0e+00;
	v43 =	vtrunc.f32 v43;
	v10 =	vcvt.f32.s32 v24;
	v61 =	vld.idx.msk [tilespmem:v45+s14+$0x0], $0xffff  }
0x416: {  	v62 =	vmax.f32 v15, $0.0e+00;
	v18 =	vmul.f32 v55, v18;
	v9 =	vcvt.f32.s32 v43;
	v19 =	vld.idx.msk [tilespmem:v41+s15+$0x0], $0xffff  }
0x417: {  	v63 =	vmin.f32 v62, $6.300000000e+01;
	v48 =	vmax.f32 v21, $0.0e+00;
	v51 =	vmax.f32 v20, $0.0e+00;
	v24 =	vld.idx.msk [tilespmem:v45+s16+$0x0], $0xffff  }
0x418: {  	v38 =	vld.idx.msk [tilespmem:v30+s2+$0x0], $0xffff;
	v49 =	vmin.f32 v48, $6.300000000e+01;
	v39 =	vmin.f32 v51, $6.300000000e+01;
	v32 =	vtrunc.f32 v63  }
0x419: {  	v16 =	vld.idx.msk [tilespmem:v16+s15+$0x0], $0xffff;
	v1 =	vmul.f32 v31, v1;
	v18 =	vadd.f32 v29, v18;
	v23 =	vmul.f32 v60, v23  }
0x41a: {  	v30 =	vld.idx.msk [tilespmem:v30+s15+$0x0], $0xffff;
	v29 =	vmin.f32 v50, $6.300000000e+01;
	v34 =	vtrunc.f32 v49;
	v14 =	vmul.f32 v61, v14  }
0x41b: {  	v39 =	vtrunc.f32 v39;
	v32 =	vcvt.f32.s32 v32;
	v55 =	vld.idx.msk [tilespmem:v10+s2+$0x0], $0xffff;
	v19 =	vadd.f32 v19, v23  }
0x41c: {  	v22 =	vmul.f32 v58, v22;
	v29 =	vtrunc.f32 v29;
	v56 =	vld.idx.msk [tilespmem:v9+s14+$0x0], $0xffff;
	v14 =	vadd.f32 v24, v14  }
0x41d: {  	v0 =	vmul.f32 v27, v0;
	v61 =	vcvt.f32.s32 v12;
	v23 =	vld.idx.msk [tilespmem:v33+s14+$0x0], $0xffff;
	v52 =	vmax.f32 v19, $0.0e+00  }
0x41e: {  	v34 =	vcvt.f32.s32 v34;
	v24 =	vld.idx.msk [tilespmem:v35+s2+$0x0], $0xffff;
	v54 =	vmax.f32 v14, $0.0e+00;
	v40 =	vmin.f32 v52, $6.300000000e+01  }
0x41f: {  	v12 =	vadd.f32 v16, v0;
	v16 =	vld.idx.msk [tilespmem:v28+s2+$0x0], $0xffff;
	v42 =	vmin.f32 v54, $6.300000000e+01;
	v40 =	vtrunc.f32 v40  }
0x420: {  	v33 =	vld.idx.msk [tilespmem:v33+s16+$0x0], $0xffff;
	v42 =	vtrunc.f32 v42;
	v40 =	vcvt.f32.s32 v40  }
0x421: {  	v39 =	vcvt.f32.s32 v39;
	v22 =	vadd.f32 v37, v22;
	v28 =	vld.idx.msk [tilespmem:v28+s15+$0x0], $0xffff;
	v58 =	vcvt.f32.s32 v42  }
0x422: {  	v2 =	vmul.f32 v38, v2;
	v57 =	vmax.f32 v18, $0.0e+00;
	v29 =	vcvt.f32.s32 v29;
	v35 =	vld.idx.msk [tilespmem:v35+s15+$0x0], $0xffff  }
0x423: {  	v60 =	vmax.f32 v22, $0.0e+00;
	v3 =	vmul.f32 v23, v3;
	v0 =	vmul.f32 v24, v6;
	v24 =	vld.idx.msk [tilespmem:v61+s14+$0x0], $0xffff  }
0x424: {  	v59 =	vmin.f32 v57, $6.300000000e+01;
	v45 =	vmin.f32 v60, $6.300000000e+01;
	v23 =	vmul.f32 v53, v7;
	v53 =	vld.idx.msk [tilespmem:v32+s2+$0x0], $0xffff  }
0x425: {  	v11 =	vmul.f32 v56, v11;
	v45 =	vtrunc.f32 v45;
	v7 =	vadd.f32 v33, v3;
	v3 =	vld.idx.msk [tilespmem:v34+s14+$0x0], $0xffff  }
0x426: {  	v51 =	vcvt.f32.s32 v45;
	v52 =	vmax.f32 v12, $0.0e+00;
	v16 =	vmul.f32 v16, v17;
	v62 =	vld.idx.msk [tilespmem:v40+s2+$0x0], $0xffff  }
0x427: {  	v54 =	vmin.f32 v52, $6.300000000e+01;
	v42 =	vtrunc.f32 v59;
	v6 =	vadd.f32 v25, v1;
	v63 =	vld.idx.msk [tilespmem:v58+s14+$0x0], $0xffff  }
0x428: {  	v25 =	vmul.f32 v55, v8;
	v8 =	vadd.f32 v30, v2;
	v16 =	vadd.f32 v28, v16;
	v27 =	vld.idx.msk [tilespmem:v40+s15+$0x0], $0xffff  }
0x429: {  	v1 =	vadd.f32 v35, v0;
	v0 =	vadd.f32 v36, v23;
	v23 =	vmax.f32 v6, $0.0e+00;
	v31 =	vld.idx.msk [tilespmem:v58+s16+$0x0], $0xffff  }
0x42a: {  	v56 =	vld.idx.msk [tilespmem:v61+s16+$0x0], $0xffff;
	v42 =	vcvt.f32.s32 v42;
	v30 =	vmax.f32 v8, $0.0e+00;
	v23 =	vmin.f32 v23, $6.300000000e+01  }
0x42b: {  	v33 =	vmax.f32 v7, $0.0e+00;
	v23 =	vtrunc.f32 v23;
	v2 =	vmul.f32 v62, v19  }
0x42c: {  	v35 =	vmax.f32 v1, $0.0e+00;
	v13 =	vmul.f32 v24, v13;
	v14 =	vmul.f32 v63, v14;
	v19 =	vld.idx.msk [tilespmem:v29+s2+$0x0], $0xffff  }
0x42d: {  	v32 =	vld.idx.msk [tilespmem:v32+s15+$0x0], $0xffff;
	v15 =	vmul.f32 v53, v15;
	v28 =	vmin.f32 v33, $6.300000000e+01;
	v2 =	vadd.f32 v27, v2  }
0x42e: {  	v55 =	vld.idx.msk [tilespmem:v51+s14+$0x0], $0xffff;
	v58 =	vmax.f32 v16, $0.0e+00;
	v3 =	vmul.f32 v3, v21;
	v14 =	vadd.f32 v31, v14  }
0x42f: {  	v13 =	vadd.f32 v56, v13;
	v33 =	vmin.f32 v58, $6.300000000e+01;
	v62 =	vld.idx.msk [tilespmem:v51+s16+$0x0], $0xffff;
	v17 =	vmax.f32 v2, $0.0e+00  }
0x430: {  	v33 =	vtrunc.f32 v33;
	v31 =	vld.idx.msk [tilespmem:v42+s2+$0x0], $0xffff;
	v24 =	vmax.f32 v14, $0.0e+00;
	v17 =	vmin.f32 v17, $6.300000000e+01  }
0x431: {  	v27 =	vld.idx.msk [tilespmem:v39+s14+$0x0], $0xffff;
	v24 =	vmin.f32 v24, $6.300000000e+01;
	v19 =	vmul.f32 v19, v26;
	v17 =	vtrunc.f32 v17  }
0x432: {  	v57 =	vmax.f32 v0, $0.0e+00;
	v26 =	vld.idx.msk [tilespmem:v29+s15+$0x0], $0xffff;
	v24 =	vtrunc.f32 v24;
	v17 =	vcvt.f32.s32 v17  }
0x433: {  	v60 =	vmax.f32 v13, $0.0e+00;
	v21 =	vcvt.f32.s32 v24;
	v24 =	vmin.f32 v30, $6.300000000e+01;
	v30 =	vld.idx.msk [tilespmem:v34+s16+$0x0], $0xffff  }
0x434: {  	v22 =	vmul.f32 v55, v22;
	v33 =	vcvt.f32.s32 v33;
	v36 =	vmin.f32 v60, $6.300000000e+01;
	v29 =	vld.idx.msk [tilespmem:v39+s16+$0x0], $0xffff  }
0x435: {  	v35 =	vmin.f32 v35, $6.300000000e+01;
	v36 =	vtrunc.f32 v36;
	v18 =	vmul.f32 v31, v18;
	v31 =	vld.idx.msk [tilespmem:v42+s15+$0x0], $0xffff  }
0x436: {  	v32 =	vadd.f32 v32, v15;
	v20 =	vmul.f32 v27, v20;
	v27 =	vtrunc.f32 v54  }
0x437: {  	v36 =	vcvt.f32.s32 v36;
	v34 =	vadd.f32 v62, v22;
	v27 =	vcvt.f32.s32 v27  }
0x438: {  	v15 =	vtrunc.f32 v24;
	v26 =	vadd.f32 v26, v19;
	v30 =	vadd.f32 v30, v3;
	v24 =	vld.idx.msk [tilespmem:v17+s2+$0x0], $0xffff  }
0x439: {  	v29 =	vadd.f32 v29, v20;
	v19 =	vtrunc.f32 v28;
	v3 =	vmax.f32 v32, $0.0e+00;
	v59 =	vld.idx.msk [tilespmem:v21+s14+$0x0], $0xffff  }
0x43a: {  	v31 =	vadd.f32 v31, v18;
	v3 =	vmin.f32 v3, $6.300000000e+01;
	v61 =	vld.idx.msk [tilespmem:v21+s16+$0x0], $0xffff;
	v21 =	vmax.f32 v30, $0.0e+00  }
0x43b: {  	v18 =	vmax.f32 v29, $0.0e+00;
	v17 =	vld.idx.msk [tilespmem:v17+s15+$0x0], $0xffff;
	v3 =	vtrunc.f32 v3;
	v21 =	vmin.f32 v21, $6.300000000e+01  }
0x43c: {  	v18 =	vmin.f32 v18, $6.300000000e+01;
	v63 =	vcvt.f32.s32 v3;
	v3 =	vld.idx.msk [tilespmem:v9+s16+$0x0], $0xffff;
	v21 =	vtrunc.f32 v21  }
0x43d: {  	s17 =	simm.s32 $0x2A40;
	v9 =	vmin.f32 v57, $6.300000000e+01;
	v57 =	vld.idx.msk [tilespmem:v27+s2+$0x0], $0xffff;
	v20 =	vcvt.f32.s32 v21;
	v21 =	vmax.f32 v26, $0.0e+00  }
0x43e: {  	v46 =	vld [tilespmem:s17+$0x10];
	v28 =	vtrunc.f32 v35;
	v18 =	vtrunc.f32 v18;
	v21 =	vmin.f32 v21, $6.300000000e+01  }
0x43f: {  	v44 =	vld [tilespmem:s17+$0x20];
	v2 =	vmul.f32 v24, v2;
	v24 =	vmax.f32 v31, $0.0e+00;
	v14 =	vmul.f32 v59, v14  }
0x440: {  	v47 =	vld [tilespmem:s17+$0xFFFFFFE0];
	v22 =	vmin.f32 v24, $6.300000000e+01;
	v24 =	vcvt.f32.s32 v23;
	v23 =	vcvt.f32.s32 v15  }
0x441: {  	v10 =	vld.idx.msk [tilespmem:v10+s15+$0x0], $0xffff;
	v17 =	vadd.f32 v17, v2;
	v2 =	vtrunc.f32 v21;
	v21 =	vmax.f32 v34, $0.0e+00  }
0x442: {  	v27 =	vld.idx.msk [tilespmem:v27+s15+$0x0], $0xffff;
	v3 =	vadd.f32 v3, v11;
	v11 =	vtrunc.f32 v9;
	v12 =	vmul.f32 v57, v12  }
0x443: {  	v45 =	vld [tilespmem:s17+$0x0];
	v14 =	vadd.f32 v61, v14;
	v58 =	vcvt.f32.s32 v2;
	v2 =	vtrunc.f32 v22  }
0x444: {  	v37 =	vld [tilespmem:s17+$0xFFFFFFF0];
	v22 =	vmin.f32 v21, $6.300000000e+01;
	v21 =	vcvt.f32.s32 v18;
	v15 =	vcvt.f32.s32 v11  }
0x445: {  	v40 =	vld.idx.msk [tilespmem:v33+s2+$0x0], $0xffff;
	v18 =	vtrunc.f32 v22;
	v22 =	vcvt.f32.s32 v2  }
0x446: {  	v41 =	vld.idx.msk [tilespmem:v63+s2+$0x0], $0xffff;
	v2 =	vadd.f32 v10, v25;
	v10 =	vmul.f32 $1.562500000e-02, v17;
	v9 =	vmul.f32 $1.562500000e-02, v14  }
0x447: {  	v17 =	vmax.f32 v3, $0.0e+00;
	v12 =	vadd.f32 v27, v12;
	v43 =	vld.idx.msk [tilespmem:v20+s14+$0x0], $0xffff;
	v25 =	vcvt.f32.s32 v18  }
0x448: {  	v17 =	vmin.f32 v17, $6.300000000e+01;
	v18 =	vmax.f32 v44, $0.0e+00;
	v57 =	vld.idx.msk [tilespmem:v20+s16+$0x0], $0xffff;
	v20 =	vmax.f32 v45, $0.0e+00  }
0x449: {  	v33 =	vld.idx.msk [tilespmem:v33+s15+$0x0], $0xffff;
	v14 =	vmax.f32 v2, $0.0e+00;
	v17 =	vtrunc.f32 v17;
	v18 =	vmin.f32 v18, $6.300000000e+01  }
0x44a: {  	v38 =	vld.idx.msk [tilespmem:v36+s14+$0x0], $0xffff;
	v20 =	vmin.f32 v20, $6.300000000e+01;
	v14 =	vmin.f32 v14, $6.300000000e+01;
	v18 =	vtrunc.f32 v18  }
0x44b: {  	v39 =	vld.idx.msk [tilespmem:v63+s15+$0x0], $0xffff;
	v27 =	vmax.f32 v46, $0.0e+00;
	v20 =	vtrunc.f32 v20;
	v14 =	vtrunc.f32 v14  }
0x44c: {  	v27 =	vmin.f32 v27, $6.300000000e+01;
	v59 =	vcvt.f32.s32 v18;
	v18 =	vcvt.f32.s32 v28;
	v48 =	vld.idx.msk [tilespmem:v58+s2+$0x0], $0xffff  }
0x44d: {  	v28 =	vmax.f32 v47, $0.0e+00;
	v32 =	vmul.f32 v41, v32;
	v41 =	vcvt.f32.s32 v20;
	v56 =	vld.idx.msk [tilespmem:v21+s14+$0x0], $0xffff  }
0x44e: {  	v20 =	vmul.f32 $1.562500000e-02, v12;
	v11 =	vcvt.f32.s32 v14;
	v14 =	vmin.f32 v28, $6.300000000e+01;
	v28 =	vld.idx.msk [tilespmem:v36+s16+$0x0], $0xffff  }
0x44f: {  	v61 =	vmax.f32 v37, $0.0e+00;
	v12 =	vtrunc.f32 v27;
	v42 =	vld.idx.msk [tilespmem:v58+s15+$0x0], $0xffff;
	v62 =	vtrunc.f32 v14  }
0x450: {  	v50 =	vld.idx.msk [tilespmem:v22+s2+$0x0], $0xffff;
	v14 =	vcvt.f32.s32 v17;
	v17 =	vmin.f32 v61, $6.300000000e+01;
	v30 =	vmul.f32 v43, v30  }
0x451: {  	v43 =	vcvt.f32.s32 v12;
	v60 =	vld.idx.msk [tilespmem:v25+s14+$0x0], $0xffff;
	v17 =	vtrunc.f32 v17  }
0x452: {  	v16 =	vmul.f32 v40, v16;
	v40 =	vcvt.f32.s32 v17;
	v17 =	vld.idx.msk [tilespmem:v59+s2+$0x0], $0xffff  }
0x453: {  	v58 =	vld.idx.msk [tilespmem:v59+s14+$0x0], $0xffff  }
0x454: {  	v13 =	vmul.f32 v38, v13;
	v53 =	vld.idx.msk [tilespmem:v59+s15+$0x0], $0xffff  }
0x455: {  	v63 =	vcvt.f32.s32 v62;
	v27 =	vld.idx.msk [tilespmem:v59+s16+$0x0], $0xffff  }
0x456: {  	v12 =	vadd.f32 v33, v16;
	v16 =	vadd.f32 v28, v13;
	v13 =	vld.idx.msk [tilespmem:v41+s2+$0x0], $0xffff  }
0x457: {  	v26 =	vmul.f32 v48, v26;
	v49 =	vmul.f32 v56, v29;
	v52 =	vld.idx.msk [tilespmem:v43+s14+$0x0], $0xffff  }
0x458: {  	v31 =	vmul.f32 v50, v31;
	v33 =	vld.idx.msk [tilespmem:v40+s14+$0x0], $0xffff;
	v29 =	vmul.f32 v58, v44  }
0x459: {  	v34 =	vmul.f32 v60, v34;
	v17 =	vmul.f32 v17, v44;
	v44 =	vld.idx.msk [tilespmem:v43+s2+$0x0], $0xffff  }
0x45a: {  	v60 =	vmax.f32 v16, $0.0e+00;
	v28 =	vadd.f32 v27, v29;
	v27 =	vmax.f32 v12, $0.0e+00  }
0x45b: {  	v51 =	vld.idx.msk [tilespmem:v63+s2+$0x0], $0xffff;
	v50 =	vmin.f32 v60, $6.300000000e+01;
	v38 =	vadd.f32 v53, v17;
	v59 =	vmin.f32 v27, $6.300000000e+01  }
0x45c: {  	v50 =	vtrunc.f32 v50;
	v17 =	vadd.f32 v39, v32;
	v32 =	vld.idx.msk [tilespmem:v41+s14+$0x0], $0xffff;
	v39 =	vtrunc.f32 v59  }
0x45d: {  	v48 =	vld.idx.msk [tilespmem:v63+s14+$0x0], $0xffff;
	v29 =	vmax.f32 v38, $0.0e+00;
	v33 =	vmul.f32 v33, v37;
	v59 =	vmul.f32 v13, v45  }
0x45e: {  	v35 =	vld.idx.msk [tilespmem:v63+s16+$0x0], $0xffff;
	v27 =	vmin.f32 v29, $6.300000000e+01;
	v44 =	vmul.f32 v44, v46;
	v46 =	vmul.f32 v52, v46  }
0x45f: {  	v54 =	vld.idx.msk [tilespmem:v40+s2+$0x0], $0xffff;
	v29 =	vmax.f32 v28, $0.0e+00;
	v39 =	vcvt.f32.s32 v39;
	v61 =	vtrunc.f32 v27  }
0x460: {  	v56 =	vld.idx.msk [tilespmem:v40+s15+$0x0], $0xffff;
	v29 =	vmin.f32 v29, $6.300000000e+01;
	v27 =	vadd.f32 v57, v30;
	v36 =	vcvt.f32.s32 v61  }
0x461: {  	v62 =	vmax.f32 v17, $0.0e+00;
	v30 =	vld.idx.msk [tilespmem:v63+s15+$0x0], $0xffff;
	v29 =	vtrunc.f32 v29;
	v32 =	vmul.f32 v32, v45  }
0x462: {  	v40 =	vld.idx.msk [tilespmem:v40+s16+$0x0], $0xffff;
	v55 =	vcvt.f32.s32 v29;
	v29 =	vmin.f32 v62, $6.300000000e+01;
	v63 =	vmax.f32 v27, $0.0e+00  }
0x463: {  	v57 =	vtrunc.f32 v29;
	v29 =	vadd.f32 v42, v26;
	v26 =	vmul.f32 v51, v47;
	v51 =	vld.idx.msk [tilespmem:v41+s15+$0x0], $0xffff  }
0x464: {  	v53 =	vmin.f32 v63, $6.300000000e+01;
	v47 =	vmul.f32 v48, v47;
	v48 =	vmul.f32 v54, v37;
	v41 =	vld.idx.msk [tilespmem:v41+s16+$0x0], $0xffff  }
0x465: {  	v63 =	vld.idx.msk [tilespmem:v43+s15+$0x0], $0xffff;
	v42 =	vtrunc.f32 v53;
	v53 =	vcvt.f32.s32 v57  }
0x466: {  	v43 =	vld.idx.msk [tilespmem:v43+s16+$0x0], $0xffff;
	v58 =	vmax.f32 v29, $0.0e+00;
	v30 =	vadd.f32 v30, v26;
	v26 =	vcvt.f32.s32 v50  }
0x467: {  	v35 =	vadd.f32 v35, v47;
	v48 =	vadd.f32 v56, v48;
	v13 =	vmin.f32 v58, $6.300000000e+01;
	v60 =	vld.idx.msk [tilespmem:v36+s2+$0x0], $0xffff  }
0x468: {  	v33 =	vadd.f32 v40, v33;
	v42 =	vcvt.f32.s32 v42;
	v13 =	vtrunc.f32 v13;
	v61 =	vld.idx.msk [tilespmem:v55+s14+$0x0], $0xffff  }
0x469: {  	v36 =	vld.idx.msk [tilespmem:v36+s15+$0x0], $0xffff;
	v57 =	vmax.f32 v35, $0.0e+00;
	v58 =	vmax.f32 v48, $0.0e+00;
	v32 =	vadd.f32 v41, v32  }
0x46a: {  	v62 =	vld.idx.msk [tilespmem:v55+s16+$0x0], $0xffff;
	v13 =	vcvt.f32.s32 v13;
	v55 =	vmax.f32 v30, $0.0e+00;
	v37 =	vadd.f32 v51, v59  }
0x46b: {  	v21 =	vld.idx.msk [tilespmem:v21+s16+$0x0], $0xffff;
	v44 =	vadd.f32 v63, v44;
	v47 =	vmin.f32 v55, $6.300000000e+01;
	v63 =	vmax.f32 v32, $0.0e+00  }
0x46c: {  	v22 =	vld.idx.msk [tilespmem:v22+s15+$0x0], $0xffff;
	v43 =	vadd.f32 v43, v46;
	v47 =	vtrunc.f32 v47;
	v52 =	vmin.f32 v63, $6.300000000e+01  }
0x46d: {  	v25 =	vld.idx.msk [tilespmem:v25+s16+$0x0], $0xffff;
	v38 =	vmul.f32 v60, v38;
	v60 =	vmax.f32 v33, $0.0e+00;
	v28 =	vmul.f32 v61, v28  }
0x46e: {  	v40 =	vld.idx.msk [tilespmem:v39+s2+$0x0], $0xffff;
	v47 =	vcvt.f32.s32 v47;
	v52 =	vtrunc.f32 v52;
	v51 =	vmin.f32 v60, $6.300000000e+01  }
0x46f: {  	v39 =	vld.idx.msk [tilespmem:v39+s15+$0x0], $0xffff;
	v36 =	vadd.f32 v36, v38;
	v38 =	vmin.f32 v57, $6.300000000e+01;
	v45 =	vadd.f32 v62, v28  }
0x470: {  	v54 =	vld.idx.msk [tilespmem:v26+s14+$0x0], $0xffff;
	v28 =	vmin.f32 v58, $6.300000000e+01;
	v62 =	vmax.f32 v37, $0.0e+00;
	v38 =	vtrunc.f32 v38  }
0x471: {  	v60 =	vld.idx.msk [tilespmem:v26+s16+$0x0], $0xffff;
	v59 =	vmax.f32 v36, $0.0e+00;
	v56 =	vmin.f32 v62, $6.300000000e+01;
	v26 =	vtrunc.f32 v28  }
0x472: {  	v41 =	vld.idx.msk [tilespmem:v53+s2+$0x0], $0xffff;
	v28 =	vtrunc.f32 v51;
	v50 =	vmin.f32 v59, $6.300000000e+01;
	v59 =	vmax.f32 v44, $0.0e+00  }
0x473: {  	v46 =	vld.idx.msk [tilespmem:v53+s15+$0x0], $0xffff;
	v38 =	vcvt.f32.s32 v38;
	v61 =	vmax.f32 v45, $0.0e+00;
	v53 =	vmin.f32 v59, $6.300000000e+01  }
0x474: {  	v57 =	vld.idx.msk [tilespmem:v42+s14+$0x0], $0xffff;
	v59 =	vcvt.f32.s32 v26;
	v26 =	vadd.f32 v22, v31;
	v31 =	vcvt.f32.s32 v52  }
0x475: {  	v42 =	vld.idx.msk [tilespmem:v42+s16+$0x0], $0xffff;
	v51 =	vtrunc.f32 v56;
	v56 =	vmax.f32 v43, $0.0e+00;
	v62 =	vcvt.f32.s32 v28  }
0x476: {  	v28 =	vadd.f32 v21, v49;
	v50 =	vtrunc.f32 v50;
	v21 =	vtrunc.f32 v53;
	v53 =	vld.idx.msk [tilespmem:v47+s2+$0x0], $0xffff  }
0x477: {  	v58 =	vld.idx.msk [tilespmem:v13+s2+$0x0], $0xffff;
	v55 =	vmin.f32 v61, $6.300000000e+01;
	v56 =	vmin.f32 v56, $6.300000000e+01;
	v50 =	vcvt.f32.s32 v50  }
0x478: {  	v55 =	vtrunc.f32 v55;
	v56 =	vtrunc.f32 v56;
	v47 =	vld.idx.msk [tilespmem:v47+s15+$0x0], $0xffff  }
0x479: {  	v25 =	vadd.f32 v25, v34;
	v55 =	vcvt.f32.s32 v55;
	v34 =	vcvt.f32.s32 v56;
	v56 =	vld.idx.msk [tilespmem:v38+s14+$0x0], $0xffff  }
0x47a: {  	v12 =	vmul.f32 v40, v12;
	v52 =	vcvt.f32.s32 v21;
	v40 =	vld.idx.msk [tilespmem:v31+s14+$0x0], $0xffff  }
0x47b: {  	v30 =	vmul.f32 v53, v30;
	v53 =	vld.idx.msk [tilespmem:v62+s16+$0x0], $0xffff  }
0x47c: {  	v31 =	vld.idx.msk [tilespmem:v31+s16+$0x0], $0xffff  }
0x47d: {  	v61 =	vld.idx.msk [tilespmem:v50+s2+$0x0], $0xffff  }
0x47e: {  	v17 =	vmul.f32 v41, v17;
	v49 =	vcvt.f32.s32 v51;
	v51 =	vmax.f32 v28, $0.0e+00;
	v50 =	vld.idx.msk [tilespmem:v50+s15+$0x0], $0xffff  }
0x47f: {  	v16 =	vmul.f32 v54, v16;
	v21 =	vmax.f32 v26, $0.0e+00;
	v51 =	vmin.f32 v51, $6.300000000e+01;
	v63 =	vld.idx.msk [tilespmem:v55+s14+$0x0], $0xffff  }
0x480: {  	v27 =	vmul.f32 v57, v27;
	v21 =	vmin.f32 v21, $6.300000000e+01;
	v51 =	vtrunc.f32 v51;
	v41 =	vld.idx.msk [tilespmem:v52+s2+$0x0], $0xffff  }
0x481: {  	v21 =	vtrunc.f32 v21;
	v51 =	vcvt.f32.s32 v51;
	v22 =	vld.idx.msk [tilespmem:v55+s16+$0x0], $0xffff;
	v55 =	vmax.f32 v25, $0.0e+00  }
0x482: {  	v4 =	vcvt.f32.s32 v21;
	v52 =	vld.idx.msk [tilespmem:v52+s15+$0x0], $0xffff;
	v55 =	vmin.f32 v55, $6.300000000e+01;
	v35 =	vmul.f32 v56, v35  }
0x483: {  	v54 =	vld.idx.msk [tilespmem:v34+s14+$0x0], $0xffff;
	v55 =	vtrunc.f32 v55;
	v36 =	vmul.f32 v61, v36  }
0x484: {  	v32 =	vmul.f32 v40, v32;
	v61 =	vld.idx.msk [tilespmem:v59+s2+$0x0], $0xffff;
	v45 =	vmul.f32 v63, v45  }
0x485: {  	v56 =	vld.idx.msk [tilespmem:v49+s15+$0x0], $0xffff;
	v40 =	vmul.f32 v41, v44;
	v44 =	vadd.f32 v47, v30;
	v36 =	vadd.f32 v50, v36  }
0x486: {  	v29 =	vmul.f32 v58, v29;
	v55 =	vcvt.f32.s32 v55;
	v63 =	vld.idx.msk [tilespmem:v62+s14+$0x0], $0xffff;
	v45 =	vadd.f32 v22, v45  }
0x487: {  	v50 =	vld.idx.msk [tilespmem:v49+s2+$0x0], $0xffff;
	v47 =	vmax.f32 v44, $0.0e+00;
	v40 =	vadd.f32 v52, v40;
	v22 =	vmax.f32 v36, $0.0e+00  }
0x488: {  	v49 =	vld.idx.msk [tilespmem:v51+s14+$0x0], $0xffff;
	v47 =	vmin.f32 v47, $6.300000000e+01;
	v22 =	vmin.f32 v22, $6.300000000e+01;
	v57 =	vmax.f32 v45, $0.0e+00  }
0x489: {  	v52 =	vld.idx.msk [tilespmem:v4+s2+$0x0], $0xffff;
	v62 =	vmul.f32 v61, v48;
	v21 =	vtrunc.f32 v22;
	v57 =	vmin.f32 v57, $6.300000000e+01  }
0x48a: {  	v22 =	vadd.f32 v39, v12;
	v12 =	vld.idx.msk [tilespmem:v38+s16+$0x0], $0xffff;
	v38 =	vcvt.f32.s32 v21;
	v39 =	vtrunc.f32 v57  }
0x48b: {  	v47 =	vtrunc.f32 v47;
	v39 =	vcvt.f32.s32 v39  }
0x48c: {  	v47 =	vcvt.f32.s32 v47;
	v21 =	vadd.f32 v60, v16;
	v57 =	vld.idx.msk [tilespmem:v59+s15+$0x0], $0xffff;
	v16 =	vadd.f32 v46, v17  }
0x48d: {  	v17 =	vadd.f32 v42, v27;
	v27 =	vmul.f32 v63, v33;
	v42 =	vmul.f32 v54, v43;
	v54 =	vld.idx.msk [tilespmem:v55+s14+$0x0], $0xffff  }
0x48e: {  	v32 =	vadd.f32 v31, v32;
	v63 =	vmul.f32 v50, v37;
	v28 =	vmul.f32 v49, v28  }
0x48f: {  	v34 =	vld.idx.msk [tilespmem:v34+s16+$0x0], $0xffff;
	v60 =	vmax.f32 v22, $0.0e+00;
	v26 =	vmul.f32 v52, v26;
	v50 =	vmax.f32 v21, $0.0e+00  }
0x490: {  	v33 =	vadd.f32 v56, v63;
	v37 =	vmin.f32 v50, $6.300000000e+01;
	v50 =	vadd.f32 v53, v27;
	v30 =	vld.idx.msk [tilespmem:v38+s2+$0x0], $0xffff  }
0x491: {  	v59 =	vmin.f32 v60, $6.300000000e+01;
	v35 =	vadd.f32 v12, v35;
	v46 =	vadd.f32 v57, v62;
	v12 =	vld.idx.msk [tilespmem:v39+s14+$0x0], $0xffff  }
0x492: {  	v43 =	vtrunc.f32 v59;
	v56 =	vmax.f32 v50, $0.0e+00;
	v25 =	vmul.f32 v54, v25;
	v38 =	vld.idx.msk [tilespmem:v38+s15+$0x0], $0xffff  }
0x493: {  	v60 =	vmax.f32 v35, $0.0e+00;
	v31 =	vmin.f32 v56, $6.300000000e+01;
	v27 =	vld.idx.msk [tilespmem:v39+s16+$0x0], $0xffff;
	v62 =	vmax.f32 v46, $0.0e+00  }
0x494: {  	v61 =	vmin.f32 v60, $6.300000000e+01;
	v31 =	vtrunc.f32 v31;
	v63 =	vmin.f32 v62, $6.300000000e+01  }
0x495: {  	v58 =	vmax.f32 v32, $0.0e+00;
	v39 =	vtrunc.f32 v61;
	v48 =	vtrunc.f32 v63  }
0x496: {  	v13 =	vld.idx.msk [tilespmem:v13+s15+$0x0], $0xffff;
	v34 =	vadd.f32 v34, v42;
	v30 =	vmul.f32 v30, v36;
	v12 =	vmul.f32 v12, v45  }
0x497: {  	v41 =	vld.idx.msk [tilespmem:v24+s14+$0x0], $0xffff;
	v57 =	vmax.f32 v33, $0.0e+00;
	v39 =	vcvt.f32.s32 v39;
	v48 =	vcvt.f32.s32 v48  }
0x498: {  	v51 =	vld.idx.msk [tilespmem:v51+s16+$0x0], $0xffff;
	v38 =	vadd.f32 v38, v30;
	v30 =	vmin.f32 v57, $6.300000000e+01;
	v45 =	vadd.f32 v27, v12  }
0x499: {  	v4 =	vld.idx.msk [tilespmem:v4+s15+$0x0], $0xffff;
	v12 =	vmin.f32 v58, $6.300000000e+01;
	v27 =	vmax.f32 v40, $0.0e+00;
	v30 =	vtrunc.f32 v30  }
0x49a: {  	v54 =	vld.idx.msk [tilespmem:v47+s2+$0x0], $0xffff;
	v59 =	vmax.f32 v38, $0.0e+00;
	v27 =	vmin.f32 v27, $6.300000000e+01;
	v57 =	vtrunc.f32 v12  }
0x49b: {  	v47 =	vld.idx.msk [tilespmem:v47+s15+$0x0], $0xffff;
	v36 =	vmin.f32 v59, $6.300000000e+01;
	v60 =	vmax.f32 v45, $0.0e+00;
	v58 =	vtrunc.f32 v27  }
0x49c: {  	v56 =	vld.idx.msk [tilespmem:v23+s2+$0x0], $0xffff;
	v36 =	vtrunc.f32 v36;
	v53 =	vmin.f32 v60, $6.300000000e+01;
	v60 =	vcvt.f32.s32 v31  }
0x49d: {  	v12 =	vld.idx.msk [tilespmem:v18+s2+$0x0], $0xffff;
	v27 =	vadd.f32 v13, v29;
	v29 =	vmax.f32 v16, $0.0e+00;
	v36 =	vcvt.f32.s32 v36  }
0x49e: {  	v29 =	vmin.f32 v29, $6.300000000e+01;
	v58 =	vcvt.f32.s32 v58;
	v61 =	vtrunc.f32 v53;
	v53 =	vld.idx.msk [tilespmem:v55+s16+$0x0], $0xffff  }
0x49f: {  	v52 =	vtrunc.f32 v29;
	v29 =	vadd.f32 v4, v26;
	v26 =	vld.idx.msk [tilespmem:v39+s14+$0x0], $0xffff;
	v42 =	vcvt.f32.s32 v61  }
0x4a0: {  	v4 =	vcvt.f32.s32 v43;
	v43 =	vld.idx.msk [tilespmem:v48+s2+$0x0], $0xffff;
	v61 =	vcvt.f32.s32 v30;
	v30 =	vmax.f32 v27, $0.0e+00  }
0x4a1: {  	v19 =	vcvt.f32.s32 v19;
	v62 =	vmax.f32 v34, $0.0e+00;
	v39 =	vld.idx.msk [tilespmem:v39+s16+$0x0], $0xffff;
	v63 =	vmin.f32 v30, $6.300000000e+01  }
0x4a2: {  	v55 =	vmin.f32 v62, $6.300000000e+01;
	v30 =	vadd.f32 v51, v28;
	v28 =	vtrunc.f32 v63;
	v63 =	vld.idx.msk [tilespmem:v60+s14+$0x0], $0xffff  }
0x4a3: {  	v13 =	vtrunc.f32 v55;
	v31 =	vld.idx.msk [tilespmem:v36+s2+$0x0], $0xffff  }
0x4a4: {  	v62 =	vcvt.f32.s32 v13;
	v13 =	vld.idx.msk [tilespmem:v36+s15+$0x0], $0xffff  }
0x4a5: {  	v37 =	vtrunc.f32 v37;
	v49 =	vld.idx.msk [tilespmem:v42+s14+$0x0], $0xffff  }
0x4a6: {  	v37 =	vcvt.f32.s32 v37;
	v44 =	vmul.f32 v54, v44;
	v51 =	vmax.f32 v29, $0.0e+00;
	v54 =	vld.idx.msk [tilespmem:v58+s2+$0x0], $0xffff  }
0x4a7: {  	v57 =	vcvt.f32.s32 v57;
	v52 =	vcvt.f32.s32 v52;
	v51 =	vmin.f32 v51, $6.300000000e+01;
	v42 =	vld.idx.msk [tilespmem:v42+s16+$0x0], $0xffff  }
0x4a8: {  	v47 =	vadd.f32 v47, v44;
	v59 =	vld.idx.msk [tilespmem:v19+s14+$0x0], $0xffff;
	v51 =	vtrunc.f32 v51;
	v38 =	vmul.f32 v31, v38  }
0x4a9: {  	v48 =	vld.idx.msk [tilespmem:v48+s15+$0x0], $0xffff;
	v55 =	vmax.f32 v17, $0.0e+00;
	v35 =	vmul.f32 v26, v35;
	v46 =	vmul.f32 v43, v46  }
0x4aa: {  	v60 =	vld.idx.msk [tilespmem:v60+s16+$0x0], $0xffff;
	v36 =	vmin.f32 v55, $6.300000000e+01;
	v45 =	vmul.f32 v49, v45;
	v38 =	vadd.f32 v13, v38  }
0x4ab: {  	v36 =	vtrunc.f32 v36;
	v35 =	vadd.f32 v39, v35;
	v50 =	vmul.f32 v63, v50;
	v49 =	vld.idx.msk [tilespmem:v61+s2+$0x0], $0xffff  }
0x4ac: {  	v44 =	vld.idx.msk [tilespmem:v58+s15+$0x0], $0xffff;
	v40 =	vmul.f32 v54, v40;
	v45 =	vadd.f32 v42, v45;
	v26 =	vmax.f32 v38, $0.0e+00  }
0x4ad: {  	v54 =	vcvt.f32.s32 v28;
	v28 =	vmul.f32 v59, v7;
	v61 =	vld.idx.msk [tilespmem:v61+s15+$0x0], $0xffff;
	v26 =	vmin.f32 v26, $6.300000000e+01  }
0x4ae: {  	v31 =	vadd.f32 v53, v25;
	v42 =	vld.idx.msk [tilespmem:v57+s14+$0x0], $0xffff;
	v63 =	vmax.f32 v45, $0.0e+00;
	v26 =	vtrunc.f32 v26  }
0x4af: {  	v43 =	vld.idx.msk [tilespmem:v62+s14+$0x0], $0xffff;
	v25 =	vmax.f32 v30, $0.0e+00;
	v53 =	vmin.f32 v63, $6.300000000e+01;
	v55 =	vcvt.f32.s32 v26  }
0x4b0: {  	v25 =	vmin.f32 v25, $6.300000000e+01;
	v13 =	vld.idx.msk [tilespmem:v15+s14+$0x0], $0xffff;
	v33 =	vmul.f32 v49, v33;
	v26 =	vtrunc.f32 v53  }
0x4b1: {  	v25 =	vtrunc.f32 v25;
	v57 =	vld.idx.msk [tilespmem:v57+s16+$0x0], $0xffff;
	v63 =	vmax.f32 v31, $0.0e+00;
	v53 =	vcvt.f32.s32 v26  }
0x4b2: {  	v49 =	vmin.f32 v63, $6.300000000e+01;
	v63 =	vcvt.f32.s32 v25;
	v33 =	vadd.f32 v61, v33;
	v61 =	vld.idx.msk [tilespmem:v62+s16+$0x0], $0xffff  }
0x4b3: {  	v7 =	vmax.f32 v35, $0.0e+00;
	v32 =	vmul.f32 v42, v32;
	v42 =	vmul.f32 v56, v8;
	v56 =	vld.idx.msk [tilespmem:v4+s2+$0x0], $0xffff  }
0x4b4: {  	v36 =	vcvt.f32.s32 v36;
	v7 =	vmin.f32 v7, $6.300000000e+01;
	v26 =	vcvt.f32.s32 v51;
	v4 =	vld.idx.msk [tilespmem:v4+s15+$0x0], $0xffff  }
0x4b5: {  	v40 =	vadd.f32 v44, v40;
	v34 =	vmul.f32 v43, v34;
	v43 =	vmul.f32 v41, v6;
	v39 =	vld.idx.msk [tilespmem:v55+s2+$0x0], $0xffff  }
0x4b6: {  	v6 =	vmax.f32 v47, $0.0e+00;
	v41 =	vadd.f32 v48, v46;
	v46 =	vadd.f32 v60, v50;
	v48 =	vld.idx.msk [tilespmem:v55+s15+$0x0], $0xffff  }
0x4b7: {  	v7 =	vtrunc.f32 v7;
	v6 =	vmin.f32 v6, $6.300000000e+01;
	v32 =	vadd.f32 v57, v32;
	v8 =	vld.idx.msk [tilespmem:v53+s14+$0x0], $0xffff  }
0x4b8: {  	v59 =	vmax.f32 v41, $0.0e+00;
	v60 =	vmax.f32 v46, $0.0e+00;
	v49 =	vtrunc.f32 v49;
	v58 =	vld.idx.msk [tilespmem:v63+s14+$0x0], $0xffff  }
0x4b9: {  	v51 =	vmin.f32 v60, $6.300000000e+01;
	v25 =	vcvt.f32.s32 v49;
	v60 =	vmax.f32 v32, $0.0e+00;
	v49 =	vld.idx.msk [tilespmem:v53+s16+$0x0], $0xffff  }
0x4ba: {  	v6 =	vtrunc.f32 v6;
	v50 =	vmin.f32 v59, $6.300000000e+01;
	v44 =	vmin.f32 v60, $6.300000000e+01;
	v60 =	vld.idx.msk [tilespmem:v26+s2+$0x0], $0xffff  }
0x4bb: {  	v50 =	vtrunc.f32 v50;
	v38 =	vmul.f32 v39, v38;
	v39 =	vld.idx.msk [tilespmem:v37+s14+$0x0], $0xffff  }
0x4bc: {  	v50 =	vcvt.f32.s32 v50;
	v8 =	vmul.f32 v8, v45;
	v45 =	vld.idx.msk [tilespmem:v52+s2+$0x0], $0xffff  }
0x4bd: {  	v62 =	vmax.f32 v33, $0.0e+00;
	v34 =	vadd.f32 v61, v34;
	v52 =	vld.idx.msk [tilespmem:v52+s15+$0x0], $0xffff;
	v38 =	vadd.f32 v48, v38  }
0x4be: {  	v55 =	vmin.f32 v62, $6.300000000e+01;
	v22 =	vmul.f32 v56, v22;
	v49 =	vadd.f32 v49, v8;
	v8 =	vld.idx.msk [tilespmem:v54+s2+$0x0], $0xffff  }
0x4bf: {  	v44 =	vtrunc.f32 v44;
	v62 =	vmax.f32 v34, $0.0e+00;
	v48 =	vld.idx.msk [tilespmem:v36+s14+$0x0], $0xffff;
	v61 =	vmax.f32 v38, $0.0e+00  }
0x4c0: {  	v54 =	vld.idx.msk [tilespmem:v54+s15+$0x0], $0xffff;
	v53 =	vmin.f32 v61, $6.300000000e+01;
	v21 =	vmul.f32 v39, v21;
	v61 =	vcvt.f32.s32 v6  }
0x4c1: {  	v59 =	vmax.f32 v49, $0.0e+00;
	v6 =	vld.idx.msk [tilespmem:v36+s16+$0x0], $0xffff;
	v36 =	vcvt.f32.s32 v7;
	v53 =	vtrunc.f32 v53  }
0x4c2: {  	v39 =	vmin.f32 v62, $6.300000000e+01;
	v62 =	vld.idx.msk [tilespmem:v63+s16+$0x0], $0xffff;
	v63 =	vcvt.f32.s32 v44;
	v53 =	vcvt.f32.s32 v53  }
0x4c3: {  	v56 =	vld.idx.msk [tilespmem:v25+s14+$0x0], $0xffff;
	v44 =	vadd.f32 v4, v22;
	v59 =	vmin.f32 v59, $6.300000000e+01;
	v4 =	vmul.f32 v8, v27  }
0x4c4: {  	v37 =	vld.idx.msk [tilespmem:v37+s16+$0x0], $0xffff;
	v59 =	vtrunc.f32 v59  }
0x4c5: {  	v16 =	vmul.f32 v45, v16;
	v59 =	vcvt.f32.s32 v59;
	v22 =	vadd.f32 v54, v4;
	v4 =	vld.idx.msk [tilespmem:v50+s2+$0x0], $0xffff  }
0x4c6: {  	v51 =	vtrunc.f32 v51;
	v57 =	vmax.f32 v40, $0.0e+00;
	v30 =	vmul.f32 v58, v30;
	v58 =	vld.idx.msk [tilespmem:v61+s2+$0x0], $0xffff  }
0x4c7: {  	v57 =	vmin.f32 v57, $6.300000000e+01;
	v39 =	vtrunc.f32 v39;
	v8 =	vadd.f32 v52, v16;
	v16 =	vld.idx.msk [tilespmem:v36+s14+$0x0], $0xffff  }
0x4c8: {  	v57 =	vtrunc.f32 v57;
	v5 =	vcvt.f32.s32 v39;
	v45 =	vld.idx.msk [tilespmem:v53+s2+$0x0], $0xffff  }
0x4c9: {  	v57 =	vcvt.f32.s32 v57;
	v55 =	vtrunc.f32 v55;
	v39 =	vld.idx.msk [tilespmem:v53+s15+$0x0], $0xffff  }
0x4ca: {  	v51 =	vcvt.f32.s32 v51;
	v55 =	vcvt.f32.s32 v55;
	v53 =	vld.idx.msk [tilespmem:v63+s14+$0x0], $0xffff  }
0x4cb: {  	v17 =	vmul.f32 v48, v17;
	v7 =	vadd.f32 v37, v21;
	v21 =	vadd.f32 v62, v30;
	v48 =	vld.idx.msk [tilespmem:v59+s14+$0x0], $0xffff  }
0x4cc: {  	v26 =	vld.idx.msk [tilespmem:v26+s15+$0x0], $0xffff;
	v29 =	vmul.f32 v60, v29;
	v31 =	vmul.f32 v56, v31  }
0x4cd: {  	v6 =	vadd.f32 v6, v17;
	v52 =	vmax.f32 v22, $0.0e+00;
	v54 =	vmax.f32 v21, $0.0e+00;
	v27 =	vld.idx.msk [tilespmem:v59+s16+$0x0], $0xffff  }
0x4ce: {  	v59 =	vmax.f32 v44, $0.0e+00;
	v4 =	vmul.f32 v4, v41;
	v37 =	vmul.f32 v58, v47;
	v58 =	vld.idx.msk [tilespmem:v5+s14+$0x0], $0xffff  }
0x4cf: {  	v56 =	vld.idx.msk [tilespmem:v57+s2+$0x0], $0xffff;
	v16 =	vmul.f32 v16, v35;
	v17 =	vmul.f32 v45, v38;
	v38 =	vmax.f32 v7, $0.0e+00  }
0x4d0: {  	v32 =	vmul.f32 v53, v32;
	v30 =	vmul.f32 v48, v49;
	v48 =	vmax.f32 v8, $0.0e+00;
	v49 =	vld.idx.msk [tilespmem:v55+s2+$0x0], $0xffff  }
0x4d1: {  	v45 =	vld.idx.msk [tilespmem:v51+s14+$0x0], $0xffff;
	v38 =	vmin.f32 v38, $6.300000000e+01;
	v17 =	vadd.f32 v39, v17;
	v39 =	vmax.f32 v6, $0.0e+00  }
0x4d2: {  	v36 =	vld.idx.msk [tilespmem:v36+s16+$0x0], $0xffff;
	v48 =	vmin.f32 v48, $6.300000000e+01;
	v27 =	vadd.f32 v27, v30;
	v30 =	vmin.f32 v59, $6.300000000e+01  }
0x4d3: {  	v59 =	vld.idx.msk [tilespmem:v61+s15+$0x0], $0xffff;
	v61 =	vmin.f32 v54, $6.300000000e+01;
	v53 =	vmul.f32 v58, v34;
	v60 =	vmax.f32 v17, $0.0e+00  }
0x4d4: {  	v5 =	vld.idx.msk [tilespmem:v5+s16+$0x0], $0xffff;
	v54 =	vtrunc.f32 v38;
	v30 =	vtrunc.f32 v30;
	v62 =	vmin.f32 v60, $6.300000000e+01  }
0x4d5: {  	v60 =	vmax.f32 v27, $0.0e+00;
	v35 =	vtrunc.f32 v62;
	v33 =	vmul.f32 v49, v33;
	v49 =	vld.idx.msk [tilespmem:v51+s16+$0x0], $0xffff  }
0x4d6: {  	v45 =	vmul.f32 v45, v46;
	v62 =	vmin.f32 v60, $6.300000000e+01;
	v60 =	vld.idx.msk [tilespmem:v55+s15+$0x0], $0xffff;
	v35 =	vcvt.f32.s32 v35  }
0x4d7: {  	v39 =	vmin.f32 v39, $6.300000000e+01;
	v51 =	vmul.f32 v56, v40;
	v41 =	vtrunc.f32 v62;
	v62 =	vld.idx.msk [tilespmem:v63+s16+$0x0], $0xffff  }
0x4d8: {  	v56 =	vtrunc.f32 v39;
	v39 =	vadd.f32 v36, v16;
	v46 =	vcvt.f32.s32 v41;
	v41 =	vld.idx.msk [tilespmem:v50+s15+$0x0], $0xffff  }
0x4d9: {  	v58 =	vtrunc.f32 v61;
	v55 =	vtrunc.f32 v48;
	v63 =	vld.idx.msk [tilespmem:v57+s15+$0x0], $0xffff;
	v50 =	vmin.f32 v52, $6.300000000e+01  }
0x4da: {  	v25 =	vld.idx.msk [tilespmem:v25+s16+$0x0], $0xffff;
	v38 =	vadd.f32 v59, v37;
	v48 =	vmax.f32 v39, $0.0e+00;
	v37 =	vadd.f32 v5, v53  }
0x4db: {  	v53 =	vld.idx.msk [tilespmem:v23+s15+$0x0], $0xffff;
	v23 =	vadd.f32 v26, v29;
	v57 =	vtrunc.f32 v50;
	v48 =	vmin.f32 v48, $6.300000000e+01  }
0x4dc: {  	v47 =	vmax.f32 v38, $0.0e+00;
	v36 =	vadd.f32 v60, v33;
	v34 =	vadd.f32 v62, v32;
	v16 =	vld.idx.msk [tilespmem:v35+s2+$0x0], $0xffff  }
0x4dd: {  	v26 =	vmax.f32 v37, $0.0e+00;
	v40 =	vadd.f32 v41, v4;
	v41 =	vadd.f32 v49, v45;
	v45 =	vld.idx.msk [tilespmem:v35+s15+$0x0], $0xffff  }
0x4de: {  	v47 =	vmin.f32 v47, $6.300000000e+01;
	v4 =	vcvt.f32.s32 v30;
	v35 =	vadd.f32 v63, v51;
	v30 =	vld.idx.msk [tilespmem:v46+s14+$0x0], $0xffff  }
0x4df: {  	v60 =	vmax.f32 v36, $0.0e+00;
	v33 =	vld.idx.msk [tilespmem:v46+s16+$0x0], $0xffff;
	v61 =	vmax.f32 v34, $0.0e+00;
	v50 =	vmax.f32 v40, $0.0e+00  }
0x4e0: {  	v52 =	vmax.f32 v41, $0.0e+00;
	v51 =	vmin.f32 v61, $6.300000000e+01;
	v63 =	vmax.f32 v35, $0.0e+00;
	v61 =	vld.idx.msk [tilespmem:v19+s16+$0x0], $0xffff  }
0x4e1: {  	v19 =	vld [tilespmem:$0x1FFD0];
	v46 =	vmin.f32 v50, $6.300000000e+01;
	v50 =	vtrunc.f32 v48;
	v29 =	vtrunc.f32 v51  }
0x4e2: {  	v59 =	vmin.f32 v52, $6.300000000e+01;
	v52 =	vld.idx.msk [tilespmem:v24+s16+$0x0], $0xffff;
	v46 =	vtrunc.f32 v46;
	v62 =	vmul.f32 v16, v17  }
0x4e3: {  	v17 =	vld.idx.msk [tilespmem:v14+s14+$0x0], $0xffff;
	v27 =	vmul.f32 v30, v27;
	v30 =	vtrunc.f32 v47;
	v47 =	vmin.f32 v63, $6.300000000e+01  }
0x4e4: {  	v49 =	vmin.f32 v60, $6.300000000e+01;
	v32 =	vtrunc.f32 v59;
	v60 =	vld.idx.msk [tilespmem:v4+s2+$0x0], $0xffff;
	v51 =	vtrunc.f32 v47  }
0x4e5: {  	v24 =	vld.idx.msk [tilespmem:v4+s15+$0x0], $0xffff;
	v4 =	vmin.f32 v26, $6.300000000e+01;
	v48 =	vcvt.f32.s32 v30;
	v47 =	vcvt.f32.s32 v46  }
0x4e6: {  	v45 =	vadd.f32 v45, v62;
	v4 =	vtrunc.f32 v4;
	v30 =	vld.idx.msk [tilespmem:v14+s16+$0x0], $0xffff;
	v14 =	vcvt.f32.s32 v55  }
0x4e7: {  	s6 =	simm.s32 $0x78A0;
	v16 =	vld.idx.msk [tilespmem:v11+s2+$0x0], $0xffff;
	v27 =	vadd.f32 v33, v27;
	v33 =	vtrunc.f32 v49;
	v49 =	vcvt.f32.s32 v32  }
0x4e8: {  	v25 =	vadd.f32 v25, v31;
	v26 =	vld.idx.msk [tilespmem:v18+s15+$0x0], $0xffff;
	[tilespmem:s6+$0x20] =	vst v19;
	v5 =	vmul.f32 $1.562500000e-02, v45;
	v45 =	vcvt.f32.s32 v50  }
0x4e9: {  	s17 =	simm.s32 $0x78F0;
	v18 =	vmax.f32 v23, $0.0e+00;
	v31 =	vcvt.f32.s32 v51;
	v19 =	vld [tilespmem:$0x1FFE0];
	v32 =	vcvt.f32.s32 v4  }
0x4ea: {  	v28 =	vadd.f32 v61, v28;
	[tilespmem:s17+$0x20] =	vst v10;
	v46 =	vcvt.f32.s32 v33;
	v33 =	vcvt.f32.s32 v29;
	v29 =	vld.idx.msk [tilespmem:v11+s15+$0x0], $0xffff  }
0x4eb: {  	s5 =	simm.s32 $0xC7F0;
	v4 =	vmin.f32 v18, $6.300000000e+01;
	[tilespmem:s6+$0xFFFFFFE0] =	vst v20;
	v10 =	vcvt.f32.s32 v57;
	v59 =	vmul.f32 $1.562500000e-02, v27;
	v27 =	vld.idx.msk [tilespmem:v15+s16+$0x0], $0xffff  }
0x4ec: {  	s31 =	simm.s32 $0x7940;
	v4 =	vtrunc.f32 v4;
	[tilespmem:s5+$0x20] =	vst v9;
	v9 =	vcvt.f32.s32 v58;
	v15 =	vmax.f32 v25, $0.0e+00;
	v50 =	vld.idx.msk [tilespmem:v48+s2+$0x0], $0xffff  }
0x4ed: {  	s0 =	simm.s32 $0xC840;
	v4 =	vcvt.f32.s32 v4;
	v11 =	vmin.f32 v15, $6.300000000e+01;
	v15 =	vcvt.f32.s32 v54;
	[tilespmem:s31+$0x20] =	vst v5;
	v51 =	vld.idx.msk [tilespmem:v47+s2+$0x0], $0xffff  }
0x4ee: {  	s7 =	simm.s32 $0xC7A0;
	v18 =	vadd.f32 v52, v43;
	v20 =	vmul.f32 v60, v44;
	v62 =	vtrunc.f32 v11;
	[tilespmem:s0+$0x20] =	vst v59;
	v43 =	vld.idx.msk [tilespmem:v45+s14+$0x0], $0xffff  }
0x4ef: {  	s1 =	sadd.s32 $0x2710, s30;
	s8 =	simm.s32 $0xA;
	s10 =	simm.s32 $0x2A90;
	v11 =	vcvt.f32.s32 v56;
	[tilespmem:s7+$0x20] =	vst v19;
	v19 =	vadd.f32 v53, v42;
	v5 =	vcvt.f32.s32 v62;
	v52 =	vld.idx.msk [tilespmem:v49+s14+$0x0], $0xffff  }
.LBB2_5:
0x4f0: {  	v44 =	vld [tilespmem:s10+$0x20];
	v12 =	vmul.f32 v12, v1;
	v13 =	vmul.f32 v13, v0;
	v1 =	vmovc v22;
	v0 =	vmov v21  }
0x4f1: {  	s8 =	sadd.s32 $0x5, s8;
	v16 =	vmul.f32 v16, v2;
	v17 =	vmul.f32 v17, v3;
	v2 =	vmovc v23;
	v42 =	vld [tilespmem:s10+$0xFFFFFFF0];
	v20 =	vadd.f32 v24, v20  }
0x4f2: {  	v3 =	vmovc v25;
	p0 =	slt.u32 s8, $0x26C;
	v23 =	vmul.f32 v50, v38;
	v24 =	vld [tilespmem:s10+$0x0];
	v26 =	vadd.f32 v26, v12;
	v27 =	vadd.f32 v27, v13  }
0x4f3: {  	v13 =	vmul.f32 v43, v39;
	v29 =	vadd.f32 v29, v16;
	v22 =	vadd.f32 v30, v17;
	v25 =	vld [tilespmem:s10+$0x10]  }
0x4f4: {  	v16 =	vmul.f32 v51, v40;
	v20 =	vmul.f32 $1.562500000e-02, v20;
	v30 =	vld [tilespmem:s10+$0xFFFFFFE0]  }
0x4f5: {  	v18 =	vmul.f32 $1.562500000e-02, v18;
	v17 =	vmul.f32 v52, v41;
	v12 =	vmax.f32 v44, $0.0e+00;
	v21 =	vld.idx.msk [tilespmem:v46+s2+$0x0], $0xffff  }
0x4f6: {  	v19 =	vmul.f32 $1.562500000e-02, v19;
	v38 =	vmax.f32 v42, $0.0e+00;
	v12 =	vmin.f32 v12, $6.300000000e+01;
	v39 =	vld.idx.msk [tilespmem:v33+s14+$0x0], $0xffff  }
0x4f7: {  	v38 =	vmin.f32 v38, $6.300000000e+01;
	v40 =	vmax.f32 v24, $0.0e+00;
	v12 =	vtrunc.f32 v12;
	v41 =	vld.idx.msk [tilespmem:v31+s2+$0x0], $0xffff;
	[tilespmem:s7+$0xFFFFFFE0] =	vst v18  }
0x4f8: {  	v18 =	vmin.f32 v40, $6.300000000e+01;
	v40 =	vmax.f32 v25, $0.0e+00;
	v43 =	vcvt.f32.s32 v12;
	v50 =	vld.idx.msk [tilespmem:v32+s14+$0x0], $0xffff;
	[tilespmem:s6+$0xFFFFFFF0] =	vst v19  }
0x4f9: {  	v19 =	vtrunc.f32 v38;
	v12 =	vmax.f32 v30, $0.0e+00;
	v38 =	vmin.f32 v40, $6.300000000e+01;
	v40 =	vld.idx.msk [tilespmem:v48+s15+$0x0], $0xffff  }
0x4fa: {  	v18 =	vtrunc.f32 v18;
	v12 =	vmin.f32 v12, $6.300000000e+01;
	v38 =	vtrunc.f32 v38;
	v45 =	vld.idx.msk [tilespmem:v45+s16+$0x0], $0xffff  }
0x4fb: {  	v48 =	vcvt.f32.s32 v19;
	v12 =	vtrunc.f32 v12;
	v47 =	vld.idx.msk [tilespmem:v47+s15+$0x0], $0xffff  }
0x4fc: {  	v52 =	vcvt.f32.s32 v18;
	v51 =	vcvt.f32.s32 v12;
	v49 =	vld.idx.msk [tilespmem:v49+s16+$0x0], $0xffff  }
0x4fd: {  	v36 =	vmul.f32 v21, v36;
	v38 =	vcvt.f32.s32 v38;
	v46 =	vld.idx.msk [tilespmem:v46+s15+$0x0], $0xffff  }
0x4fe: {  	v19 =	vmul.f32 v39, v34;
	v21 =	vmul.f32 v41, v35;
	v53 =	vld.idx.msk [tilespmem:v43+s2+$0x0], $0xffff  }
0x4ff: {  	v18 =	vmul.f32 v50, v37;
	v12 =	vadd.f32 v40, v23;
	v23 =	vmul.f32 $1.562500000e-02, v28;
	v34 =	vld.idx.msk [tilespmem:v43+s14+$0x0], $0xffff  }
0x500: {  	v26 =	vmul.f32 $1.562500000e-02, v26;
	v27 =	vmul.f32 $1.562500000e-02, v27;
	v13 =	vadd.f32 v45, v13;
	v28 =	vld.idx.msk [tilespmem:v43+s15+$0x0], $0xffff  }
0x501: {  	v29 =	vmul.f32 $1.562500000e-02, v29;
	v37 =	vmax.f32 v12, $0.0e+00;
	v16 =	vadd.f32 v47, v16;
	v35 =	vld.idx.msk [tilespmem:v43+s16+$0x0], $0xffff;
	[tilespmem:s7+$0xFFFFFFF0] =	vst v23  }
0x502: {  	v37 =	vmin.f32 v37, $6.300000000e+01;
	v23 =	vmax.f32 v13, $0.0e+00;
	v17 =	vadd.f32 v49, v17;
	v39 =	vld.idx.msk [tilespmem:v51+s2+$0x0], $0xffff;
	[tilespmem:s6+$0x0] =	vst v26  }
0x503: {  	v40 =	vmin.f32 v23, $6.300000000e+01;
	v41 =	vmax.f32 v16, $0.0e+00;
	v23 =	vadd.f32 v46, v36;
	v26 =	vld.idx.msk [tilespmem:v51+s14+$0x0], $0xffff;
	[tilespmem:s7+$0x0] =	vst v27  }
0x504: {  	v36 =	vmul.f32 v53, v44;
	v41 =	vmin.f32 v41, $6.300000000e+01;
	v43 =	vmax.f32 v17, $0.0e+00;
	v27 =	vld.idx.msk [tilespmem:v48+s2+$0x0], $0xffff;
	[tilespmem:s6+$0x10] =	vst v29;
	s6 =	smov.u32 s17;
	s17 =	smov.u32 s31  }
0x505: {  	v34 =	vmul.f32 v34, v44;
	v43 =	vmin.f32 v43, $6.300000000e+01;
	v44 =	vmax.f32 v23, $0.0e+00;
	v29 =	vld.idx.msk [tilespmem:v48+s14+$0x0], $0xffff  }
0x506: {  	v36 =	vadd.f32 v28, v36;
	v28 =	vtrunc.f32 v37;
	v37 =	vmin.f32 v44, $6.300000000e+01;
	v45 =	vld.idx.msk [tilespmem:v52+s2+$0x0], $0xffff  }
0x507: {  	v46 =	vadd.f32 v35, v34;
	v34 =	vtrunc.f32 v40;
	v35 =	vtrunc.f32 v41;
	v44 =	vld.idx.msk [tilespmem:v52+s14+$0x0], $0xffff  }
0x508: {  	v43 =	vtrunc.f32 v43;
	v39 =	vmul.f32 v39, v30;
	v41 =	vmax.f32 v36, $0.0e+00;
	v40 =	vld.idx.msk [tilespmem:v38+s2+$0x0], $0xffff  }
0x509: {  	v26 =	vmul.f32 v26, v30;
	v41 =	vmin.f32 v41, $6.300000000e+01;
	v47 =	vmax.f32 v46, $0.0e+00;
	v30 =	vld.idx.msk [tilespmem:v38+s14+$0x0], $0xffff  }
0x50a: {  	v27 =	vmul.f32 v27, v42;
	v41 =	vtrunc.f32 v41;
	v47 =	vmin.f32 v47, $6.300000000e+01;
	v49 =	vld.idx.msk [tilespmem:v51+s15+$0x0], $0xffff  }
0x50b: {  	v41 =	vcvt.f32.s32 v41;
	v47 =	vtrunc.f32 v47;
	v50 =	vld.idx.msk [tilespmem:v51+s16+$0x0], $0xffff  }
0x50c: {  	v29 =	vmul.f32 v29, v42;
	v42 =	vcvt.f32.s32 v47;
	v51 =	vld.idx.msk [tilespmem:v48+s15+$0x0], $0xffff  }
0x50d: {  	v45 =	vmul.f32 v45, v24;
	v44 =	vmul.f32 v44, v24;
	v47 =	vld.idx.msk [tilespmem:v48+s16+$0x0], $0xffff  }
0x50e: {  	v37 =	vtrunc.f32 v37;
	v40 =	vmul.f32 v40, v25;
	v48 =	vld.idx.msk [tilespmem:v52+s15+$0x0], $0xffff  }
0x50f: {  	v54 =	vcvt.f32.s32 v28;
	v53 =	vmul.f32 v30, v25;
	v52 =	vld.idx.msk [tilespmem:v52+s16+$0x0], $0xffff  }
0x510: {  	v55 =	vcvt.f32.s32 v35;
	v24 =	vadd.f32 v49, v39;
	v49 =	vcvt.f32.s32 v34;
	v39 =	vld.idx.msk [tilespmem:v38+s15+$0x0], $0xffff  }
0x511: {  	v43 =	vcvt.f32.s32 v43;
	v37 =	vcvt.f32.s32 v37;
	v25 =	vadd.f32 v50, v26;
	v26 =	vld.idx.msk [tilespmem:v41+s2+$0x0], $0xffff  }
0x512: {  	v22 =	vmul.f32 $1.562500000e-02, v22;
	v28 =	vmax.f32 v24, $0.0e+00;
	v30 =	vadd.f32 v51, v27;
	v27 =	vld.idx.msk [tilespmem:v42+s14+$0x0], $0xffff  }
0x513: {  	v50 =	vmin.f32 v28, $6.300000000e+01;
	v34 =	vmax.f32 v25, $0.0e+00;
	v28 =	vadd.f32 v47, v29;
	v41 =	vld.idx.msk [tilespmem:v41+s15+$0x0], $0xffff  }
0x514: {  	v47 =	vmin.f32 v34, $6.300000000e+01;
	v34 =	vmax.f32 v30, $0.0e+00;
	v29 =	vadd.f32 v48, v45;
	v42 =	vld.idx.msk [tilespmem:v42+s16+$0x0], $0xffff;
	[tilespmem:s7+$0x10] =	vst v22;
	s7 =	smov.u32 s5;
	s5 =	smov.u32 s0  }
0x515: {  	v22 =	vmin.f32 v34, $6.300000000e+01;
	v35 =	vmax.f32 v28, $0.0e+00;
	v34 =	vadd.f32 v52, v44;
	v38 =	vld.idx.msk [tilespmem:v38+s16+$0x0], $0xffff  }
0x516: {  	v44 =	vmin.f32 v35, $6.300000000e+01;
	v45 =	vmax.f32 v29, $0.0e+00;
	v35 =	vadd.f32 v39, v40;
	v33 =	vld.idx.msk [tilespmem:v33+s16+$0x0], $0xffff  }
0x517: {  	v39 =	vmin.f32 v45, $6.300000000e+01;
	v40 =	vmax.f32 v34, $0.0e+00;
	v26 =	vmul.f32 v26, v36;
	v31 =	vld.idx.msk [tilespmem:v31+s15+$0x0], $0xffff  }
0x518: {  	v36 =	vmin.f32 v40, $6.300000000e+01;
	v40 =	vmax.f32 v35, $0.0e+00;
	v27 =	vmul.f32 v27, v46;
	v32 =	vld.idx.msk [tilespmem:v32+s16+$0x0], $0xffff  }
0x519: {  	v45 =	vtrunc.f32 v50;
	v40 =	vmin.f32 v40, $6.300000000e+01;
	v41 =	vadd.f32 v41, v26;
	v46 =	vld.idx.msk [tilespmem:v54+s2+$0x0], $0xffff  }
0x51a: {  	v47 =	vtrunc.f32 v47;
	v22 =	vtrunc.f32 v22;
	v42 =	vadd.f32 v42, v27;
	v48 =	vld.idx.msk [tilespmem:v49+s14+$0x0], $0xffff  }
0x51b: {  	v44 =	vtrunc.f32 v44;
	v38 =	vadd.f32 v38, v53;
	v26 =	vmax.f32 v41, $0.0e+00;
	v50 =	vld.idx.msk [tilespmem:v55+s2+$0x0], $0xffff  }
0x51c: {  	v39 =	vtrunc.f32 v39;
	v26 =	vmin.f32 v26, $6.300000000e+01;
	v27 =	vmax.f32 v42, $0.0e+00;
	v51 =	vld.idx.msk [tilespmem:v43+s14+$0x0], $0xffff  }
0x51d: {  	v52 =	vmax.f32 v38, $0.0e+00;
	v26 =	vtrunc.f32 v26;
	v27 =	vmin.f32 v27, $6.300000000e+01;
	v53 =	vld.idx.msk [tilespmem:v37+s2+$0x0], $0xffff  }
0x51e: {  	v52 =	vmin.f32 v52, $6.300000000e+01;
	v56 =	vcvt.f32.s32 v26;
	v26 =	vtrunc.f32 v27;
	v54 =	vld.idx.msk [tilespmem:v54+s15+$0x0], $0xffff  }
0x51f: {  	v36 =	vtrunc.f32 v36;
	v19 =	vadd.f32 v33, v19;
	v57 =	vcvt.f32.s32 v26;
	v49 =	vld.idx.msk [tilespmem:v49+s16+$0x0], $0xffff  }
0x520: {  	v33 =	vtrunc.f32 v40;
	v40 =	vtrunc.f32 v52;
	v26 =	vadd.f32 v31, v21;
	v52 =	vld.idx.msk [tilespmem:v55+s15+$0x0], $0xffff  }
0x521: {  	v27 =	vadd.f32 v32, v18;
	v31 =	vcvt.f32.s32 v45;
	v45 =	vcvt.f32.s32 v47;
	v43 =	vld.idx.msk [tilespmem:v43+s16+$0x0], $0xffff  }
0x522: {  	v44 =	vcvt.f32.s32 v44;
	v32 =	vcvt.f32.s32 v22;
	v21 =	vmax.f32 v19, $0.0e+00;
	v37 =	vld.idx.msk [tilespmem:v37+s15+$0x0], $0xffff  }
0x523: {  	v39 =	vcvt.f32.s32 v39;
	v36 =	vcvt.f32.s32 v36;
	v22 =	vmax.f32 v26, $0.0e+00;
	v18 =	vld.idx.msk [tilespmem:v15+s14+$0x0], $0xffff  }
0x524: {  	v47 =	vcvt.f32.s32 v33;
	v40 =	vcvt.f32.s32 v40;
	v55 =	vmax.f32 v27, $0.0e+00;
	v33 =	vld.idx.msk [tilespmem:v56+s2+$0x0], $0xffff  }
0x525: {  	v21 =	vmin.f32 v21, $6.300000000e+01;
	v22 =	vmin.f32 v22, $6.300000000e+01;
	v55 =	vmin.f32 v55, $6.300000000e+01;
	v58 =	vld.idx.msk [tilespmem:v57+s14+$0x0], $0xffff  }
0x526: {  	v21 =	vtrunc.f32 v21;
	v22 =	vtrunc.f32 v22;
	v56 =	vld.idx.msk [tilespmem:v56+s15+$0x0], $0xffff  }
0x527: {  	v59 =	vcvt.f32.s32 v21;
	v21 =	vtrunc.f32 v55;
	v57 =	vld.idx.msk [tilespmem:v57+s16+$0x0], $0xffff  }
0x528: {  	v60 =	vcvt.f32.s32 v22;
	v61 =	vcvt.f32.s32 v21;
	v55 =	vld.idx.msk [tilespmem:v31+s2+$0x0], $0xffff  }
0x529: {  	v12 =	vmul.f32 v46, v12;
	v13 =	vmul.f32 v48, v13;
	v62 =	vld.idx.msk [tilespmem:v45+s14+$0x0], $0xffff  }
0x52a: {  	v16 =	vmul.f32 v50, v16;
	v22 =	vmul.f32 v33, v41;
	v46 =	vld.idx.msk [tilespmem:v32+s2+$0x0], $0xffff  }
0x52b: {  	v21 =	vadd.f32 v54, v12;
	v12 =	vmul.f32 v51, v17;
	v41 =	vmul.f32 v58, v42;
	v33 =	vld.idx.msk [tilespmem:v44+s14+$0x0], $0xffff  }
0x52c: {  	v42 =	vadd.f32 v56, v22;
	v22 =	vadd.f32 v49, v13;
	v13 =	vmul.f32 v53, v23;
	v17 =	vld.idx.msk [tilespmem:v39+s2+$0x0], $0xffff  }
0x52d: {  	v49 =	vmax.f32 v21, $0.0e+00;
	v23 =	vadd.f32 v52, v16;
	v41 =	vadd.f32 v57, v41;
	v48 =	vld.idx.msk [tilespmem:v36+s14+$0x0], $0xffff  }
0x52e: {  	v16 =	vmul.f32 v55, v24;
	v51 =	vmax.f32 v42, $0.0e+00;
	v24 =	vadd.f32 v43, v12;
	v50 =	vld.idx.msk [tilespmem:v47+s2+$0x0], $0xffff  }
0x52f: {  	v12 =	vmul.f32 v62, v25;
	v25 =	vmin.f32 v51, $6.300000000e+01;
	v51 =	vmax.f32 v41, $0.0e+00;
	v43 =	vld.idx.msk [tilespmem:v40+s14+$0x0], $0xffff  }
0x530: {  	v30 =	vmul.f32 v46, v30;
	v25 =	vtrunc.f32 v25;
	v46 =	vmin.f32 v51, $6.300000000e+01;
	v31 =	vld.idx.msk [tilespmem:v31+s15+$0x0], $0xffff  }
0x531: {  	v51 =	vcvt.f32.s32 v25;
	v46 =	vtrunc.f32 v46;
	v25 =	vadd.f32 v37, v13;
	v45 =	vld.idx.msk [tilespmem:v45+s16+$0x0], $0xffff  }
0x532: {  	v28 =	vmul.f32 v33, v28;
	v37 =	vcvt.f32.s32 v46;
	v13 =	vld.idx.msk [tilespmem:v32+s15+$0x0], $0xffff;
	v32 =	vmax.f32 v22, $0.0e+00  }
0x533: {  	v17 =	vmul.f32 v17, v29;
	v29 =	vmul.f32 v48, v34;
	v34 =	vmax.f32 v23, $0.0e+00;
	v44 =	vld.idx.msk [tilespmem:v44+s16+$0x0], $0xffff  }
0x534: {  	v48 =	vmax.f32 v25, $0.0e+00;
	v46 =	vmul.f32 v50, v35;
	v35 =	vmax.f32 v24, $0.0e+00;
	v39 =	vld.idx.msk [tilespmem:v39+s15+$0x0], $0xffff  }
0x535: {  	v32 =	vmin.f32 v32, $6.300000000e+01;
	v38 =	vmul.f32 v43, v38;
	v43 =	vmin.f32 v49, $6.300000000e+01;
	v36 =	vld.idx.msk [tilespmem:v36+s16+$0x0], $0xffff  }
0x536: {  	v49 =	vmin.f32 v35, $6.300000000e+01;
	v33 =	vadd.f32 v31, v16;
	v16 =	vld.idx.msk [tilespmem:v47+s15+$0x0], $0xffff;
	v47 =	vmin.f32 v34, $6.300000000e+01  }
0x537: {  	v43 =	vtrunc.f32 v43;
	v34 =	vadd.f32 v45, v12;
	v45 =	vmin.f32 v48, $6.300000000e+01;
	v12 =	vld.idx.msk [tilespmem:v51+s2+$0x0], $0xffff  }
0x538: {  	v48 =	vtrunc.f32 v32;
	v31 =	vmax.f32 v33, $0.0e+00;
	v35 =	vadd.f32 v13, v30;
	v13 =	vld.idx.msk [tilespmem:v37+s14+$0x0], $0xffff  }
0x539: {  	v30 =	vmin.f32 v31, $6.300000000e+01;
	v32 =	vmax.f32 v34, $0.0e+00;
	v31 =	vadd.f32 v44, v28;
	v28 =	vld.idx.msk [tilespmem:v51+s15+$0x0], $0xffff  }
0x53a: {  	v44 =	vmin.f32 v32, $6.300000000e+01;
	v50 =	vmax.f32 v35, $0.0e+00;
	v32 =	vadd.f32 v39, v17;
	v17 =	vld.idx.msk [tilespmem:v37+s16+$0x0], $0xffff  }
0x53b: {  	v39 =	vmin.f32 v50, $6.300000000e+01;
	v37 =	vmax.f32 v31, $0.0e+00;
	v36 =	vadd.f32 v36, v29;
	v29 =	vld.idx.msk [tilespmem:v40+s16+$0x0], $0xffff  }
0x53c: {  	v40 =	vmin.f32 v37, $6.300000000e+01;
	v50 =	vmax.f32 v32, $0.0e+00;
	v37 =	vadd.f32 v16, v46;
	v46 =	vld.idx.msk [tilespmem:v59+s14+$0x0], $0xffff  }
0x53d: {  	v16 =	vmin.f32 v50, $6.300000000e+01;
	v50 =	vmax.f32 v36, $0.0e+00;
	v12 =	vmul.f32 v12, v42;
	v42 =	vld.idx.msk [tilespmem:v60+s2+$0x0], $0xffff  }
0x53e: {  	v50 =	vmin.f32 v50, $6.300000000e+01;
	v51 =	vmax.f32 v37, $0.0e+00;
	v13 =	vmul.f32 v13, v41;
	v41 =	vld.idx.msk [tilespmem:v61+s14+$0x0], $0xffff  }
0x53f: {  	v30 =	vtrunc.f32 v30;
	v51 =	vmin.f32 v51, $6.300000000e+01;
	v52 =	vadd.f32 v28, v12;
	v28 =	vld.idx.msk [tilespmem:v59+s16+$0x0], $0xffff  }
0x540: {  	v44 =	vtrunc.f32 v44;
	v39 =	vtrunc.f32 v39;
	v53 =	vadd.f32 v17, v13;
	v54 =	vld.idx.msk [tilespmem:v60+s15+$0x0], $0xffff  }
0x541: {  	v40 =	vtrunc.f32 v40;
	v55 =	vadd.f32 v29, v38;
	v12 =	vmax.f32 v52, $0.0e+00;
	v38 =	vld.idx.msk [tilespmem:v61+s16+$0x0], $0xffff  }
0x542: {  	v56 =	vtrunc.f32 v16;
	v12 =	vmin.f32 v12, $6.300000000e+01;
	v13 =	vmax.f32 v53, $0.0e+00;
	v57 =	vld.idx.msk [tilespmem:v14+s2+$0x0], $0xffff  }
0x543: {  	v16 =	vmax.f32 v55, $0.0e+00;
	v12 =	vtrunc.f32 v12;
	v13 =	vmin.f32 v13, $6.300000000e+01;
	v58 =	vld.idx.msk [tilespmem:v11+s14+$0x0], $0xffff  }
0x544: {  	v16 =	vmin.f32 v16, $6.300000000e+01;
	v59 =	vcvt.f32.s32 v12;
	v13 =	vtrunc.f32 v13;
	v12 =	vld.idx.msk [tilespmem:v10+s2+$0x0], $0xffff  }
0x545: {  	v50 =	vtrunc.f32 v50;
	v60 =	vcvt.f32.s32 v13;
	v13 =	vld.idx.msk [tilespmem:v9+s14+$0x0], $0xffff  }
0x546: {  	v51 =	vtrunc.f32 v51;
	v61 =	vtrunc.f32 v16;
	v16 =	vld.idx.msk [tilespmem:v4+s2+$0x0], $0xffff  }
0x547: {  	v62 =	vcvt.f32.s32 v30;
	v44 =	vcvt.f32.s32 v44;
	v17 =	vld.idx.msk [tilespmem:v5+s14+$0x0], $0xffff  }
0x548: {  	v39 =	vcvt.f32.s32 v39;
	v40 =	vcvt.f32.s32 v40;
	v29 =	vld.idx.msk [tilespmem:v15+s16+$0x0], $0xffff;
	[tilespmem:s6+$0xFFFFFFE0] =	vst v20  }
0x549: {  	v15 =	vcvt.f32.s32 v56;
	v20 =	vcvt.f32.s32 v50;
	v30 =	vld.idx.msk [tilespmem:v14+s15+$0x0], $0xffff  }
0x54a: {  	v50 =	vcvt.f32.s32 v61;
	v14 =	vcvt.f32.s32 v51;
	v51 =	vld.idx.msk [tilespmem:v59+s2+$0x0], $0xffff  }
0x54b: {  	v19 =	vmul.f32 v46, v19;
	v26 =	vmul.f32 v42, v26;
	v56 =	vld.idx.msk [tilespmem:v60+s14+$0x0], $0xffff  }
0x54c: {  	v46 =	vtrunc.f32 v47;
	v41 =	vmul.f32 v41, v27;
	v42 =	vld.idx.msk [tilespmem:v59+s15+$0x0], $0xffff  }
0x54d: {  	v49 =	vtrunc.f32 v49;
	v27 =	vadd.f32 v28, v19;
	v26 =	vadd.f32 v54, v26;
	v47 =	vld.idx.msk [tilespmem:v60+s16+$0x0], $0xffff  }
0x54e: {  	v19 =	vcvt.f32.s32 v43;
	v43 =	vtrunc.f32 v45;
	v28 =	vadd.f32 v38, v41;
	v54 =	vld.idx.msk [tilespmem:v62+s2+$0x0], $0xffff  }
0x54f: {  	v38 =	vcvt.f32.s32 v48;
	v45 =	vmax.f32 v27, $0.0e+00;
	v48 =	vmax.f32 v26, $0.0e+00;
	v41 =	vld.idx.msk [tilespmem:v44+s14+$0x0], $0xffff  }
0x550: {  	v45 =	vmin.f32 v45, $6.300000000e+01;
	v51 =	vmul.f32 v51, v52;
	v52 =	vmax.f32 v28, $0.0e+00;
	v59 =	vld.idx.msk [tilespmem:v39+s2+$0x0], $0xffff  }
0x551: {  	v48 =	vmin.f32 v48, $6.300000000e+01;
	v53 =	vmul.f32 v56, v53;
	v52 =	vmin.f32 v52, $6.300000000e+01;
	v60 =	vld.idx.msk [tilespmem:v40+s14+$0x0], $0xffff  }
0x552: {  	v45 =	vtrunc.f32 v45;
	v48 =	vtrunc.f32 v48;
	v42 =	vadd.f32 v42, v51;
	v56 =	vld.idx.msk [tilespmem:v15+s2+$0x0], $0xffff  }
0x553: {  	v46 =	vcvt.f32.s32 v46;
	v52 =	vtrunc.f32 v52;
	v47 =	vadd.f32 v47, v53;
	v51 =	vld.idx.msk [tilespmem:v20+s14+$0x0], $0xffff  }
0x554: {  	v49 =	vcvt.f32.s32 v49;
	v33 =	vmul.f32 v54, v33;
	v54 =	vmax.f32 v42, $0.0e+00;
	v53 =	vld.idx.msk [tilespmem:v14+s2+$0x0], $0xffff  }
0x555: {  	v34 =	vmul.f32 v41, v34;
	v54 =	vmin.f32 v54, $6.300000000e+01;
	v61 =	vmax.f32 v47, $0.0e+00;
	v41 =	vld.idx.msk [tilespmem:v50+s14+$0x0], $0xffff  }
0x556: {  	v35 =	vmul.f32 v59, v35;
	v54 =	vtrunc.f32 v54;
	v59 =	vmin.f32 v61, $6.300000000e+01;
	v62 =	vld.idx.msk [tilespmem:v62+s15+$0x0], $0xffff  }
0x557: {  	v54 =	vcvt.f32.s32 v54;
	v59 =	vtrunc.f32 v59;
	v44 =	vld.idx.msk [tilespmem:v44+s16+$0x0], $0xffff  }
0x558: {  	v31 =	vmul.f32 v60, v31;
	v59 =	vcvt.f32.s32 v59;
	v39 =	vld.idx.msk [tilespmem:v39+s15+$0x0], $0xffff  }
0x559: {  	v32 =	vmul.f32 v56, v32;
	v36 =	vmul.f32 v51, v36;
	v40 =	vld.idx.msk [tilespmem:v40+s16+$0x0], $0xffff  }
0x55a: {  	v43 =	vcvt.f32.s32 v43;
	v37 =	vmul.f32 v53, v37;
	v51 =	vld.idx.msk [tilespmem:v15+s15+$0x0], $0xffff  }
0x55b: {  	v45 =	vcvt.f32.s32 v45;
	v41 =	vmul.f32 v41, v55;
	v53 =	vld.idx.msk [tilespmem:v20+s16+$0x0], $0xffff  }
0x55c: {  	v15 =	vcvt.f32.s32 v52;
	v33 =	vadd.f32 v62, v33;
	v20 =	vcvt.f32.s32 v48;
	v55 =	vld.idx.msk [tilespmem:v14+s15+$0x0], $0xffff  }
0x55d: {  	v7 =	vmul.f32 v18, v7;
	v8 =	vmul.f32 v57, v8;
	v34 =	vadd.f32 v44, v34;
	v44 =	vld.idx.msk [tilespmem:v54+s2+$0x0], $0xffff  }
0x55e: {  	v14 =	vmul.f32 v58, v6;
	v18 =	vmax.f32 v33, $0.0e+00;
	v35 =	vadd.f32 v39, v35;
	v39 =	vld.idx.msk [tilespmem:v59+s14+$0x0], $0xffff  }
0x55f: {  	v6 =	vmin.f32 v18, $6.300000000e+01;
	v18 =	vmax.f32 v34, $0.0e+00;
	v31 =	vadd.f32 v40, v31;
	v40 =	vld.idx.msk [tilespmem:v54+s15+$0x0], $0xffff  }
0x560: {  	v18 =	vmin.f32 v18, $6.300000000e+01;
	v48 =	vmax.f32 v35, $0.0e+00;
	v32 =	vadd.f32 v51, v32;
	v51 =	vld.idx.msk [tilespmem:v59+s16+$0x0], $0xffff  }
0x561: {  	v48 =	vmin.f32 v48, $6.300000000e+01;
	v52 =	vmax.f32 v31, $0.0e+00;
	v36 =	vadd.f32 v53, v36;
	v50 =	vld.idx.msk [tilespmem:v50+s16+$0x0], $0xffff  }
0x562: {  	v52 =	vmin.f32 v52, $6.300000000e+01;
	v53 =	vmax.f32 v32, $0.0e+00;
	v37 =	vadd.f32 v55, v37;
	v54 =	vld.idx.msk [tilespmem:v19+s2+$0x0], $0xffff  }
0x563: {  	v53 =	vmin.f32 v53, $6.300000000e+01;
	v55 =	vmax.f32 v36, $0.0e+00;
	v42 =	vmul.f32 v44, v42;
	v44 =	vld.idx.msk [tilespmem:v38+s14+$0x0], $0xffff  }
0x564: {  	v55 =	vmin.f32 v55, $6.300000000e+01;
	v56 =	vmax.f32 v37, $0.0e+00;
	v39 =	vmul.f32 v39, v47;
	v47 =	vld.idx.msk [tilespmem:v46+s2+$0x0], $0xffff  }
0x565: {  	v6 =	vtrunc.f32 v6;
	v56 =	vmin.f32 v56, $6.300000000e+01;
	v40 =	vadd.f32 v40, v42;
	v42 =	vld.idx.msk [tilespmem:v49+s14+$0x0], $0xffff  }
0x566: {  	v57 =	vtrunc.f32 v18;
	v48 =	vtrunc.f32 v48;
	v39 =	vadd.f32 v51, v39;
	v51 =	vld.idx.msk [tilespmem:v43+s2+$0x0], $0xffff  }
0x567: {  	v52 =	vtrunc.f32 v52;
	v41 =	vadd.f32 v50, v41;
	v18 =	vmax.f32 v40, $0.0e+00;
	v50 =	vld.idx.msk [tilespmem:v45+s14+$0x0], $0xffff  }
0x568: {  	v53 =	vtrunc.f32 v53;
	v18 =	vmin.f32 v18, $6.300000000e+01;
	v58 =	vmax.f32 v39, $0.0e+00;
	v59 =	vld.idx.msk [tilespmem:v20+s2+$0x0], $0xffff  }
0x569: {  	v60 =	vmax.f32 v41, $0.0e+00;
	v18 =	vtrunc.f32 v18;
	v58 =	vmin.f32 v58, $6.300000000e+01;
	v61 =	vld.idx.msk [tilespmem:v15+s14+$0x0], $0xffff  }
0x56a: {  	v60 =	vmin.f32 v60, $6.300000000e+01;
	v62 =	vcvt.f32.s32 v18;
	v18 =	vtrunc.f32 v58;
	v58 =	vld.idx.msk [tilespmem:v19+s15+$0x0], $0xffff  }
0x56b: {  	v55 =	vtrunc.f32 v55;
	v63 =	vcvt.f32.s32 v18;
	v18 =	vadd.f32 v29, v7;
	v38 =	vld.idx.msk [tilespmem:v38+s16+$0x0], $0xffff  }
0x56c: {  	v7 =	vtrunc.f32 v56;
	v29 =	vtrunc.f32 v60;
	v19 =	vadd.f32 v30, v8;
	v46 =	vld.idx.msk [tilespmem:v46+s15+$0x0], $0xffff  }
0x56d: {  	v30 =	vcvt.f32.s32 v6;
	v56 =	vcvt.f32.s32 v57;
	v6 =	vld.idx.msk [tilespmem:v49+s16+$0x0], $0xffff  }
0x56e: {  	v48 =	vcvt.f32.s32 v48;
	v49 =	vcvt.f32.s32 v52;
	v43 =	vld.idx.msk [tilespmem:v43+s15+$0x0], $0xffff  }
0x56f: {  	v52 =	vcvt.f32.s32 v53;
	v53 =	vcvt.f32.s32 v55;
	v45 =	vld.idx.msk [tilespmem:v45+s16+$0x0], $0xffff  }
0x570: {  	v29 =	vcvt.f32.s32 v29;
	v55 =	vcvt.f32.s32 v7;
	v57 =	vld.idx.msk [tilespmem:v62+s2+$0x0], $0xffff  }
0x571: {  	v8 =	vmul.f32 v44, v22;
	v7 =	vmul.f32 v54, v21;
	v60 =	vld.idx.msk [tilespmem:v63+s14+$0x0], $0xffff  }
0x572: {  	v22 =	vmul.f32 v42, v24;
	v21 =	vmul.f32 v47, v23;
	v44 =	vld.idx.msk [tilespmem:v62+s15+$0x0], $0xffff  }
0x573: {  	v27 =	vmul.f32 v50, v27;
	v47 =	vmul.f32 v51, v25;
	v42 =	vadd.f32 v58, v7;
	v24 =	vld.idx.msk [tilespmem:v63+s16+$0x0], $0xffff  }
0x574: {  	v23 =	vmul.f32 v59, v26;
	v25 =	vmul.f32 v61, v28;
	v7 =	vadd.f32 v38, v8;
	v50 =	vld.idx.msk [tilespmem:v30+s2+$0x0], $0xffff  }
0x575: {  	v28 =	vmax.f32 v42, $0.0e+00;
	v8 =	vadd.f32 v46, v21;
	v6 =	vadd.f32 v6, v22;
	v26 =	vld.idx.msk [tilespmem:v56+s14+$0x0], $0xffff  }
0x576: {  	v22 =	vadd.f32 v43, v47;
	v21 =	vadd.f32 v45, v27;
	v40 =	vmul.f32 v57, v40;
	v38 =	vld.idx.msk [tilespmem:v48+s2+$0x0], $0xffff  }
0x577: {  	v43 =	vmax.f32 v7, $0.0e+00;
	v45 =	vmax.f32 v8, $0.0e+00;
	v39 =	vmul.f32 v60, v39;
	v27 =	vld.idx.msk [tilespmem:v49+s14+$0x0], $0xffff  }
0x578: {  	v47 =	vmax.f32 v22, $0.0e+00;
	v44 =	vadd.f32 v44, v40;
	v40 =	vmax.f32 v6, $0.0e+00;
	v46 =	vld.idx.msk [tilespmem:v52+s2+$0x0], $0xffff  }
0x579: {  	v28 =	vmin.f32 v28, $6.300000000e+01;
	v24 =	vadd.f32 v24, v39;
	v39 =	vmax.f32 v21, $0.0e+00;
	v51 =	vld.idx.msk [tilespmem:v53+s14+$0x0], $0xffff  }
0x57a: {  	v43 =	vmin.f32 v43, $6.300000000e+01;
	v33 =	vmul.f32 v50, v33;
	v54 =	vmax.f32 v44, $0.0e+00;
	v50 =	vld.idx.msk [tilespmem:v55+s2+$0x0], $0xffff  }
0x57b: {  	v26 =	vmul.f32 v26, v34;
	v54 =	vmin.f32 v54, $6.300000000e+01;
	v57 =	vmax.f32 v24, $0.0e+00;
	v34 =	vld.idx.msk [tilespmem:v29+s14+$0x0], $0xffff  }
0x57c: {  	v35 =	vmul.f32 v38, v35;
	v38 =	vtrunc.f32 v54;
	v54 =	vmin.f32 v57, $6.300000000e+01;
	v30 =	vld.idx.msk [tilespmem:v30+s15+$0x0], $0xffff  }
0x57d: {  	v45 =	vmin.f32 v45, $6.300000000e+01;
	v57 =	vcvt.f32.s32 v38;
	v38 =	vtrunc.f32 v54;
	v56 =	vld.idx.msk [tilespmem:v56+s16+$0x0], $0xffff  }
0x57e: {  	v40 =	vmin.f32 v40, $6.300000000e+01;
	v27 =	vmul.f32 v27, v31;
	v31 =	vcvt.f32.s32 v38;
	v48 =	vld.idx.msk [tilespmem:v48+s15+$0x0], $0xffff  }
0x57f: {  	v32 =	vmul.f32 v46, v32;
	v46 =	vmul.f32 v51, v36;
	v36 =	vmin.f32 v47, $6.300000000e+01;
	v49 =	vld.idx.msk [tilespmem:v49+s16+$0x0], $0xffff  }
0x580: {  	v28 =	vtrunc.f32 v28;
	v37 =	vmul.f32 v50, v37;
	v50 =	vmin.f32 v39, $6.300000000e+01;
	v47 =	vld.idx.msk [tilespmem:v52+s15+$0x0], $0xffff  }
0x581: {  	v43 =	vtrunc.f32 v43;
	v52 =	vmul.f32 v34, v41;
	v51 =	vld.idx.msk [tilespmem:v53+s16+$0x0], $0xffff  }
0x582: {  	v54 =	vtrunc.f32 v40;
	v38 =	vadd.f32 v30, v33;
	v53 =	vtrunc.f32 v45;
	v30 =	vld.idx.msk [tilespmem:v55+s15+$0x0], $0xffff  }
0x583: {  	v39 =	vadd.f32 v56, v26;
	v55 =	vtrunc.f32 v36;
	v56 =	vtrunc.f32 v50;
	v26 =	vld.idx.msk [tilespmem:v57+s2+$0x0], $0xffff  }
0x584: {  	v28 =	vcvt.f32.s32 v28;
	v33 =	vmax.f32 v38, $0.0e+00;
	v40 =	vadd.f32 v48, v35;
	v45 =	vld.idx.msk [tilespmem:v31+s14+$0x0], $0xffff  }
0x585: {  	v33 =	vmin.f32 v33, $6.300000000e+01;
	v34 =	vmax.f32 v39, $0.0e+00;
	v41 =	vadd.f32 v49, v27;
	v27 =	vld.idx.msk [tilespmem:v57+s15+$0x0], $0xffff  }
0x586: {  	v48 =	vmin.f32 v34, $6.300000000e+01;
	v34 =	vmax.f32 v40, $0.0e+00;
	v36 =	vadd.f32 v47, v32;
	v31 =	vld.idx.msk [tilespmem:v31+s16+$0x0], $0xffff  }
0x587: {  	v32 =	vmin.f32 v34, $6.300000000e+01;
	v35 =	vmax.f32 v41, $0.0e+00;
	v34 =	vadd.f32 v51, v46;
	v29 =	vld.idx.msk [tilespmem:v29+s16+$0x0], $0xffff  }
0x588: {  	v46 =	vmin.f32 v35, $6.300000000e+01;
	v47 =	vmax.f32 v36, $0.0e+00;
	v35 =	vadd.f32 v30, v37;
	v20 =	vld.idx.msk [tilespmem:v20+s15+$0x0], $0xffff  }
0x589: {  	v30 =	vmin.f32 v47, $6.300000000e+01;
	v37 =	vmax.f32 v34, $0.0e+00;
	v26 =	vmul.f32 v26, v44;
	v15 =	vld.idx.msk [tilespmem:v15+s16+$0x0], $0xffff  }
0x58a: {  	v44 =	vmin.f32 v37, $6.300000000e+01;
	v37 =	vmax.f32 v35, $0.0e+00;
	v45 =	vmul.f32 v45, v24;
	v57 =	vld.idx.msk [tilespmem:v28+s2+$0x0], $0xffff  }
0x58b: {  	v33 =	vtrunc.f32 v33;
	v47 =	vmin.f32 v37, $6.300000000e+01;
	v26 =	vadd.f32 v27, v26;
	v24 =	vld.idx.msk [tilespmem:v28+s15+$0x0], $0xffff  }
0x58c: {  	v32 =	vtrunc.f32 v32;
	v28 =	vtrunc.f32 v48;
	v27 =	vadd.f32 v31, v45;
	v11 =	vld.idx.msk [tilespmem:v11+s16+$0x0], $0xffff  }
0x58d: {  	v31 =	vtrunc.f32 v46;
	v37 =	vadd.f32 v29, v52;
	v29 =	vmul.f32 $1.562500000e-02, v26;
	v26 =	vld.idx.msk [tilespmem:v10+s15+$0x0], $0xffff  }
0x58e: {  	s31 =	sadd.s32 $0x50, s31;
	v10 =	vtrunc.f32 v30;
	v30 =	vmul.f32 $1.562500000e-02, v27;
	v23 =	vadd.f32 v20, v23;
	v27 =	vld.idx.msk [tilespmem:v9+s16+$0x0], $0xffff  }
0x58f: {  	s0 =	sadd.s32 $0x50, s0;
	v20 =	vtrunc.f32 v47;
	v9 =	vtrunc.f32 v44;
	v44 =	vmax.f32 v37, $0.0e+00;
	[tilespmem:s31+$0x20] =	vst v29;
	v29 =	vld.idx.msk [tilespmem:v4+s15+$0x0], $0xffff  }
0x590: {  	v48 =	vcvt.f32.s32 v33;
	v45 =	vcvt.f32.s32 v28;
	v4 =	vmin.f32 v44, $6.300000000e+01;
	[tilespmem:s0+$0x20] =	vst v30;
	v30 =	vld.idx.msk [tilespmem:v5+s16+$0x0], $0xffff  }
0x591: {  	v47 =	vcvt.f32.s32 v32;
	v25 =	vadd.f32 v15, v25;
	v4 =	vtrunc.f32 v4  }
0x592: {  	v49 =	vcvt.f32.s32 v31;
	v46 =	vcvt.f32.s32 v10;
	v5 =	vmax.f32 v23, $0.0e+00  }
0x593: {  	v31 =	vcvt.f32.s32 v20;
	v33 =	vcvt.f32.s32 v9;
	v9 =	vmax.f32 v25, $0.0e+00  }
0x594: {  	v32 =	vcvt.f32.s32 v4;
	v4 =	vmin.f32 v5, $6.300000000e+01;
	v5 =	vmin.f32 v9, $6.300000000e+01  }
.Ltmp3:
0x595: {  	v28 =	vadd.f32 v11, v14;
	v4 =	vtrunc.f32 v4;
	v5 =	vtrunc.f32 v5;
	(pc) =	sbr.rel @p0 .LBB2_5-.Ltmp3, $4  }
0x596: {  	v15 =	vcvt.f32.s32 v43;
	v14 =	vcvt.f32.s32 v53;
	v50 =	vld.idx.msk [tilespmem:v48+s2+$0x0], $0xffff  }
0x597: {  	v10 =	vcvt.f32.s32 v55;
	v11 =	vcvt.f32.s32 v54;
	v43 =	vld.idx.msk [tilespmem:v45+s14+$0x0], $0xffff  }
0x598: {  	v9 =	vcvt.f32.s32 v56;
	v4 =	vcvt.f32.s32 v4;
	v51 =	vld.idx.msk [tilespmem:v47+s2+$0x0], $0xffff  }
0x599: {  	s10 =	sadd.s32 $0x50, s10;
	v20 =	vmul.f32 v57, v42;
	v5 =	vcvt.f32.s32 v5;
	v52 =	vld.idx.msk [tilespmem:v49+s14+$0x0], $0xffff  }
0x59a: {  	_ =	sdelay $0x3  }
0x59b: {  	v44 =	vld.idx.msk [tilespmem:v48+s15+$0x0], $0xffff  }
0x59c: {  	v45 =	vld.idx.msk [tilespmem:v45+s16+$0x0], $0xffff  }
0x59d: {  	v47 =	vld.idx.msk [tilespmem:v47+s15+$0x0], $0xffff  }
0x59e: {  	v42 =	vld.idx.msk [tilespmem:v46+s2+$0x0], $0xffff;
	v38 =	vmul.f32 v50, v38  }
0x59f: {  	v39 =	vmul.f32 v43, v39  }
0x5a0: {  	v40 =	vmul.f32 v51, v40;
	v38 =	vadd.f32 v44, v38  }
0x5a1: {  	v63 =	vld.idx.msk [tilespmem:v49+s16+$0x0], $0xffff;
	v39 =	vadd.f32 v45, v39  }
0x5a2: {  	v50 =	vld.idx.msk [tilespmem:v46+s15+$0x0], $0xffff;
	v41 =	vmul.f32 v52, v41;
	v40 =	vadd.f32 v47, v40;
	v52 =	vmax.f32 v38, $0.0e+00  }
0x5a3: {  	v36 =	vmul.f32 v42, v36;
	v53 =	vmax.f32 v39, $0.0e+00;
	v42 =	vmin.f32 v52, $6.300000000e+01  }
0x5a4: {  	v55 =	vld.idx.msk [tilespmem:v33+s14+$0x0], $0xffff;
	v54 =	vmax.f32 v40, $0.0e+00;
	v44 =	vmin.f32 v53, $6.300000000e+01;
	v42 =	vtrunc.f32 v42  }
0x5a5: {  	v57 =	vld.idx.msk [tilespmem:v31+s2+$0x0], $0xffff;
	v45 =	vmin.f32 v54, $6.300000000e+01;
	v44 =	vtrunc.f32 v44;
	v42 =	vcvt.f32.s32 v42  }
0x5a6: {  	v60 =	vld.idx.msk [tilespmem:v33+s16+$0x0], $0xffff;
	v41 =	vadd.f32 v63, v41;
	v45 =	vtrunc.f32 v45;
	v44 =	vcvt.f32.s32 v44  }
0x5a7: {  	v58 =	vld.idx.msk [tilespmem:v32+s14+$0x0], $0xffff;
	v36 =	vadd.f32 v50, v36;
	v45 =	vcvt.f32.s32 v45  }
0x5a8: {  	v61 =	vld.idx.msk [tilespmem:v31+s15+$0x0], $0xffff;
	v56 =	vmax.f32 v41, $0.0e+00  }
0x5a9: {  	v62 =	vld.idx.msk [tilespmem:v32+s16+$0x0], $0xffff;
	v34 =	vmul.f32 v55, v34;
	v46 =	vmin.f32 v56, $6.300000000e+01;
	v59 =	vmax.f32 v36, $0.0e+00  }
0x5aa: {  	v48 =	vld.idx.msk [tilespmem:v11+s14+$0x0], $0xffff;
	v35 =	vmul.f32 v57, v35;
	v49 =	vmin.f32 v59, $6.300000000e+01;
	v46 =	vtrunc.f32 v46  }
0x5ab: {  	v33 =	vadd.f32 v60, v34;
	v49 =	vtrunc.f32 v49;
	v46 =	vcvt.f32.s32 v46;
	v63 =	vld.idx.msk [tilespmem:v42+s2+$0x0], $0xffff  }
0x5ac: {  	v37 =	vmul.f32 v58, v37;
	v49 =	vcvt.f32.s32 v49;
	v54 =	vld.idx.msk [tilespmem:v44+s14+$0x0], $0xffff  }
0x5ad: {  	v31 =	vadd.f32 v61, v35;
	v57 =	vmax.f32 v33, $0.0e+00;
	v55 =	vld.idx.msk [tilespmem:v45+s2+$0x0], $0xffff  }
0x5ae: {  	v32 =	vadd.f32 v62, v37;
	v37 =	vmin.f32 v57, $6.300000000e+01;
	v42 =	vld.idx.msk [tilespmem:v42+s15+$0x0], $0xffff  }
0x5af: {  	v59 =	vmax.f32 v31, $0.0e+00;
	v37 =	vtrunc.f32 v37;
	v44 =	vld.idx.msk [tilespmem:v44+s16+$0x0], $0xffff  }
0x5b0: {  	v60 =	vmax.f32 v32, $0.0e+00;
	v50 =	vmin.f32 v59, $6.300000000e+01;
	v37 =	vcvt.f32.s32 v37;
	v45 =	vld.idx.msk [tilespmem:v45+s15+$0x0], $0xffff  }
0x5b1: {  	v51 =	vmin.f32 v60, $6.300000000e+01;
	v50 =	vtrunc.f32 v50;
	v56 =	vld.idx.msk [tilespmem:v46+s14+$0x0], $0xffff  }
0x5b2: {  	v51 =	vtrunc.f32 v51;
	v50 =	vcvt.f32.s32 v50;
	v58 =	vld.idx.msk [tilespmem:v49+s2+$0x0], $0xffff  }
0x5b3: {  	v51 =	vcvt.f32.s32 v51;
	v46 =	vld.idx.msk [tilespmem:v46+s16+$0x0], $0xffff;
	v38 =	vmul.f32 v63, v38  }
0x5b4: {  	v11 =	vld.idx.msk [tilespmem:v11+s16+$0x0], $0xffff;
	v39 =	vmul.f32 v54, v39  }
0x5b5: {  	v49 =	vld.idx.msk [tilespmem:v49+s15+$0x0], $0xffff;
	v34 =	vmul.f32 v55, v40;
	v38 =	vadd.f32 v42, v38  }
0x5b6: {  	v61 =	vld.idx.msk [tilespmem:v37+s14+$0x0], $0xffff;
	v35 =	vmul.f32 v56, v41;
	v39 =	vadd.f32 v44, v39  }
0x5b7: {  	v37 =	vld.idx.msk [tilespmem:v37+s16+$0x0], $0xffff;
	v36 =	vmul.f32 v58, v36;
	v34 =	vadd.f32 v45, v34;
	v52 =	vmax.f32 v38, $0.0e+00  }
0x5b8: {  	v62 =	vld.idx.msk [tilespmem:v50+s2+$0x0], $0xffff;
	v35 =	vadd.f32 v46, v35;
	v44 =	vmax.f32 v39, $0.0e+00;
	v43 =	vmin.f32 v52, $6.300000000e+01  }
0x5b9: {  	v63 =	vld.idx.msk [tilespmem:v51+s14+$0x0], $0xffff;
	v45 =	vmax.f32 v34, $0.0e+00;
	v44 =	vmin.f32 v44, $6.300000000e+01;
	v43 =	vtrunc.f32 v43  }
0x5ba: {  	v54 =	vld.idx.msk [tilespmem:v50+s15+$0x0], $0xffff;
	v45 =	vmin.f32 v45, $6.300000000e+01;
	v44 =	vtrunc.f32 v44;
	v58 =	vcvt.f32.s32 v43  }
0x5bb: {  	v55 =	vld.idx.msk [tilespmem:v51+s16+$0x0], $0xffff;
	v57 =	vtrunc.f32 v45;
	v43 =	vcvt.f32.s32 v44  }
0x5bc: {  	v33 =	vmul.f32 v61, v33;
	v46 =	vmax.f32 v35, $0.0e+00;
	v45 =	vld.idx.msk [tilespmem:v15+s14+$0x0], $0xffff;
	v41 =	vcvt.f32.s32 v57  }
0x5bd: {  	v36 =	vadd.f32 v49, v36;
	v46 =	vmin.f32 v46, $6.300000000e+01;
	v15 =	vld.idx.msk [tilespmem:v15+s16+$0x0], $0xffff  }
0x5be: {  	v31 =	vmul.f32 v62, v31;
	v33 =	vadd.f32 v37, v33;
	v59 =	vtrunc.f32 v46;
	v46 =	vld.idx.msk [tilespmem:v14+s2+$0x0], $0xffff  }
0x5bf: {  	v32 =	vmul.f32 v63, v32;
	v53 =	vmax.f32 v36, $0.0e+00;
	v14 =	vld.idx.msk [tilespmem:v14+s15+$0x0], $0xffff  }
0x5c0: {  	v31 =	vadd.f32 v54, v31;
	v60 =	vmax.f32 v33, $0.0e+00;
	v56 =	vmin.f32 v53, $6.300000000e+01;
	v62 =	vld.idx.msk [tilespmem:v58+s2+$0x0], $0xffff  }
0x5c1: {  	v44 =	vmin.f32 v60, $6.300000000e+01;
	v40 =	vtrunc.f32 v56;
	v42 =	vcvt.f32.s32 v59;
	v63 =	vld.idx.msk [tilespmem:v43+s14+$0x0], $0xffff  }
0x5c2: {  	v61 =	vmax.f32 v31, $0.0e+00;
	v44 =	vtrunc.f32 v44;
	v40 =	vcvt.f32.s32 v40;
	v60 =	vld.idx.msk [tilespmem:v41+s2+$0x0], $0xffff  }
0x5c3: {  	v47 =	vmin.f32 v61, $6.300000000e+01;
	v44 =	vcvt.f32.s32 v44;
	v37 =	vld.idx.msk [tilespmem:v58+s15+$0x0], $0xffff  }
0x5c4: {  	v1 =	vmul.f32 v12, v1;
	v47 =	vtrunc.f32 v47;
	v43 =	vld.idx.msk [tilespmem:v43+s16+$0x0], $0xffff  }
0x5c5: {  	v0 =	vmul.f32 v13, v0;
	v32 =	vadd.f32 v55, v32;
	v47 =	vcvt.f32.s32 v47;
	v61 =	vld.idx.msk [tilespmem:v41+s15+$0x0], $0xffff  }
0x5c6: {  	v2 =	vmul.f32 v16, v2;
	v3 =	vmul.f32 v17, v3;
	v41 =	vld.idx.msk [tilespmem:v9+s14+$0x0], $0xffff  }
0x5c7: {  	v18 =	vmul.f32 $1.562500000e-02, v18;
	v1 =	vadd.f32 v26, v1;
	v49 =	vmax.f32 v32, $0.0e+00;
	v53 =	vld.idx.msk [tilespmem:v42+s14+$0x0], $0xffff  }
0x5c8: {  	v19 =	vmul.f32 $1.562500000e-02, v19;
	v0 =	vadd.f32 v27, v0;
	v49 =	vmin.f32 v49, $6.300000000e+01;
	v54 =	vld.idx.msk [tilespmem:v40+s2+$0x0], $0xffff  }
0x5c9: {  	v2 =	vadd.f32 v29, v2;
	v1 =	vmul.f32 $1.562500000e-02, v1;
	v49 =	vtrunc.f32 v49;
	v55 =	vld.idx.msk [tilespmem:v44+s14+$0x0], $0xffff  }
0x5ca: {  	v0 =	vmul.f32 $1.562500000e-02, v0;
	v49 =	vcvt.f32.s32 v49;
	v50 =	vld.idx.msk [tilespmem:v40+s15+$0x0], $0xffff  }
0x5cb: {  	v2 =	vmul.f32 $1.562500000e-02, v2;
	v56 =	vld.idx.msk [tilespmem:v47+s2+$0x0], $0xffff;
	v38 =	vmul.f32 v62, v38  }
0x5cc: {  	v20 =	vadd.f32 v24, v20;
	v7 =	vmul.f32 v45, v7;
	v51 =	vld.idx.msk [tilespmem:v44+s16+$0x0], $0xffff;
	v63 =	vmul.f32 v63, v39  }
0x5cd: {  	v9 =	vld.idx.msk [tilespmem:v9+s16+$0x0], $0xffff;
	v34 =	vmul.f32 v60, v34;
	v35 =	vmul.f32 v53, v35;
	v13 =	vadd.f32 v37, v38  }
0x5ce: {  	v3 =	vadd.f32 v30, v3;
	v40 =	vld.idx.msk [tilespmem:v10+s2+$0x0], $0xffff;
	v36 =	vmul.f32 v54, v36;
	v33 =	vmul.f32 v55, v33  }
0x5cf: {  	v62 =	vld.idx.msk [tilespmem:v42+s16+$0x0], $0xffff;
	v17 =	vadd.f32 v43, v63;
	v12 =	vadd.f32 v61, v34;
	v52 =	vmax.f32 v13, $0.0e+00  }
0x5d0: {  	v57 =	vld.idx.msk [tilespmem:v49+s14+$0x0], $0xffff;
	v31 =	vmul.f32 v56, v31;
	v34 =	vadd.f32 v50, v36;
	v39 =	vmin.f32 v52, $6.300000000e+01  }
0x5d1: {  	v10 =	vld.idx.msk [tilespmem:v10+s15+$0x0], $0xffff;
	v33 =	vadd.f32 v51, v33;
	v54 =	vmax.f32 v17, $0.0e+00;
	v39 =	vtrunc.f32 v39  }
0x5d2: {  	v53 =	vld.idx.msk [tilespmem:v47+s15+$0x0], $0xffff;
	v55 =	vmax.f32 v12, $0.0e+00;
	v36 =	vmin.f32 v54, $6.300000000e+01;
	v39 =	vcvt.f32.s32 v39  }
0x5d3: {  	v42 =	vld.idx.msk [tilespmem:v4+s2+$0x0], $0xffff;
	v51 =	vmul.f32 $1.562500000e-02, v28;
	v37 =	vmin.f32 v55, $6.300000000e+01;
	v36 =	vtrunc.f32 v36  }
0x5d4: {  	v4 =	vld.idx.msk [tilespmem:v4+s15+$0x0], $0xffff;
	v16 =	vadd.f32 v62, v35;
	v37 =	vtrunc.f32 v37;
	v35 =	vcvt.f32.s32 v36  }
0x5d5: {  	v32 =	vmul.f32 v57, v32;
	v57 =	vld.idx.msk [tilespmem:v49+s16+$0x0], $0xffff;
	v58 =	vmax.f32 v34, $0.0e+00;
	v37 =	vcvt.f32.s32 v37  }
0x5d6: {  	v43 =	vld.idx.msk [tilespmem:v5+s14+$0x0], $0xffff;
	v28 =	vmul.f32 v41, v21;
	v59 =	vmax.f32 v33, $0.0e+00;
	v47 =	vmin.f32 v58, $6.300000000e+01  }
0x5d7: {  	v5 =	vld.idx.msk [tilespmem:v5+s16+$0x0], $0xffff;
	v31 =	vadd.f32 v53, v31;
	v49 =	vmin.f32 v59, $6.300000000e+01;
	v60 =	vtrunc.f32 v47  }
0x5d8: {  	v56 =	vmax.f32 v16, $0.0e+00;
	v61 =	vtrunc.f32 v49;
	v36 =	vcvt.f32.s32 v60;
	v50 =	vld.idx.msk [tilespmem:v39+s2+$0x0], $0xffff  }
0x5d9: {  	v55 =	vmul.f32 v46, v8;
	v38 =	vmin.f32 v56, $6.300000000e+01;
	v44 =	vcvt.f32.s32 v61;
	v39 =	vld.idx.msk [tilespmem:v39+s15+$0x0], $0xffff  }
0x5da: {  	[tilespmem:s7+$0xFFFFFFE0] =	vst v18;
	v62 =	vmax.f32 v31, $0.0e+00;
	v38 =	vtrunc.f32 v38;
	v32 =	vadd.f32 v57, v32;
	v52 =	vld.idx.msk [tilespmem:v35+s14+$0x0], $0xffff  }
0x5db: {  	[tilespmem:s6+$0xFFFFFFF0] =	vst v19;
	v30 =	vmul.f32 v42, v23;
	v47 =	vmin.f32 v62, $6.300000000e+01;
	v38 =	vcvt.f32.s32 v38;
	v53 =	vld.idx.msk [tilespmem:v37+s2+$0x0], $0xffff  }
0x5dc: {  	[tilespmem:s6+$0x0] =	vst v1;
	v58 =	vmul.f32 v48, v6;
	v47 =	vtrunc.f32 v47;
	v63 =	vmax.f32 v32, $0.0e+00;
	v35 =	vld.idx.msk [tilespmem:v35+s16+$0x0], $0xffff  }
0x5dd: {  	[tilespmem:s6+$0x10] =	vst v2;
	v1 =	vadd.f32 v14, v55;
	v47 =	vcvt.f32.s32 v47;
	v49 =	vmin.f32 v63, $6.300000000e+01;
	v41 =	vld.idx.msk [tilespmem:v37+s15+$0x0], $0xffff  }
0x5de: {  	[tilespmem:s7+$0x0] =	vst v0;
	v4 =	vadd.f32 v4, v30;
	v61 =	vmul.f32 $1.562500000e-02, v20;
	v49 =	vtrunc.f32 v49;
	v56 =	vld.idx.msk [tilespmem:v36+s2+$0x0], $0xffff  }
0x5df: {  	[tilespmem:s7+$0xFFFFFFF0] =	vst v51;
	v1 =	vmul.f32 $1.562500000e-02, v1;
	v26 =	vcvt.f32.s32 v49;
	v60 =	vld.idx.msk [tilespmem:v44+s14+$0x0], $0xffff  }
0x5e0: {  	v59 =	vadd.f32 v15, v7;
	v62 =	vmul.f32 v40, v22;
	v4 =	vmul.f32 $1.562500000e-02, v4;
	[tilespmem:s17+$0xFFFFFFE0] =	vst v61;
	v48 =	vld.idx.msk [tilespmem:v36+s15+$0x0], $0xffff  }
0x5e1: {  	v24 =	vadd.f32 v11, v58;
	v40 =	vmul.f32 v43, v25;
	v57 =	vmul.f32 $1.562500000e-02, v3;
	[tilespmem:s17+$0xFFFFFFF0] =	vst v1;
	v54 =	vld.idx.msk [tilespmem:v38+s14+$0x0], $0xffff  }
0x5e2: {  	v6 =	vmul.f32 $1.562500000e-02, v59;
	v2 =	vadd.f32 v10, v62;
	[tilespmem:s17+$0x10] =	vst v4;
	v45 =	vld.idx.msk [tilespmem:v38+s16+$0x0], $0xffff  }
0x5e3: {  	v0 =	vmul.f32 $1.562500000e-02, v24;
	v5 =	vadd.f32 v5, v40;
	[tilespmem:s7+$0x10] =	vst v57;
	v63 =	vld.idx.msk [tilespmem:v47+s2+$0x0], $0xffff;
	v42 =	vmul.f32 v50, v13  }
0x5e4: {  	v3 =	vadd.f32 v9, v28;
	[tilespmem:s5+$0xFFFFFFE0] =	vst v6;
	v43 =	vmul.f32 $1.562500000e-02, v2;
	v49 =	vmul.f32 v53, v12;
	v50 =	vld.idx.msk [tilespmem:v44+s16+$0x0], $0xffff  }
0x5e5: {  	[tilespmem:s5+$0xFFFFFFF0] =	vst v0;
	v51 =	vmul.f32 $1.562500000e-02, v5;
	v46 =	vmul.f32 v52, v17;
	v9 =	vadd.f32 v39, v42;
	v29 =	vld.idx.msk [tilespmem:v26+s14+$0x0], $0xffff  }
0x5e6: {  	v3 =	vmul.f32 $1.562500000e-02, v3;
	[tilespmem:s17+$0x0] =	vst v43;
	v53 =	vld.idx.msk [tilespmem:v47+s15+$0x0], $0xffff;
	v1 =	vadd.f32 v41, v49;
	v55 =	vmul.f32 v56, v34  }
0x5e7: {  	[tilespmem:s5+$0x10] =	vst v51;
	v0 =	vadd.f32 v35, v46;
	v52 =	vmul.f32 v54, v16;
	v54 =	vld.idx.msk [tilespmem:v26+s16+$0x0], $0xffff;
	v9 =	vmul.f32 $1.562500000e-02, v9  }
0x5e8: {  	[tilespmem:s5+$0x0] =	vst v3;
	v56 =	vmul.f32 v60, v33;
	v6 =	vadd.f32 v48, v55;
	v1 =	vmul.f32 $1.562500000e-02, v1  }
0x5e9: {  	v0 =	vmul.f32 $1.562500000e-02, v0;
	v57 =	vmul.f32 v63, v31;
	v2 =	vadd.f32 v45, v52;
	[tilespmem:s31+$0xFFFFFFE0] =	vst v9  }
0x5ea: {  	v3 =	vadd.f32 v50, v56;
	[tilespmem:s31+$0xFFFFFFF0] =	vst v1;
	v61 =	vmul.f32 $1.562500000e-02, v6;
	v58 =	vmul.f32 v29, v32  }
0x5eb: {  	v60 =	vadd.f32 v53, v57;
	[tilespmem:s0+$0xFFFFFFE0] =	vst v0;
	v59 =	vmul.f32 $1.562500000e-02, v2  }
0x5ec: {  	v3 =	vmul.f32 $1.562500000e-02, v3;
	[tilespmem:s31+$0x0] =	vst v61;
	v4 =	vadd.f32 v54, v58  }
0x5ed: {  	v62 =	vmul.f32 $1.562500000e-02, v60;
	[tilespmem:s0+$0xFFFFFFF0] =	vst v59  }
0x5ee: {  	s10 =	sadd.s32 s9, s1;
	[tilespmem:s0+$0x0] =	vst v3;
	v63 =	vmul.f32 $1.562500000e-02, v4  }
.Ltmp4:
0x5ef: {  	s5 =	sshrl.u32 s10, $0x3;
	[tilespmem:s31+$0x10] =	vst v62;
	s31 =	sadd.s32 s11, s1;
	(pc) =	sbr.rel @p1 .LBB2_8-.Ltmp4, $4  }
0x5f0: {  	s17 =	sadd.s32 s4, s5;
	[tilespmem:s0+$0x10] =	vst v63;
	s0 =	sshrl.u32 s31, $0x3  }
0x5f1: {  	[hbm4b:s17+s2] =	stream.linear.scatter [tilespmem:s23], [sflag:$0x4], $0x2710, $0x38;
	[tilespmem:$0xEF00] =	vst v63  }
0x5f2: {  	s0 =	sadd.s32 s4, s0  }
0x5f3: {  	[hbm4b:s0+s2] =	stream.linear.scatter [tilespmem:s24], [sflag:$0x4], $0x2710, $0x38;
	[tilespmem:$0xEF00] =	vst v63  }
.Ltmp5:
0x5f4: {  	(pc) =	sbr.rel .LBB2_2-.Ltmp5, $4  }
0x5f5: {  	s0 =	sshrl.u32 s30, $0x3  }
0x5f6: {  	s0 =	sadd.s32 s3, s0  }
0x5f7: {  	s29 =	sadd.s32 $0x1, s29;
	s0 =	sadd.s32 $0xEA6, s0  }
0x5f8: {  	[tilespmem:s18], [sflag:$0x2] =	stream.linear.gather [hbm4b:s0+s2], $0x2710, $0x38;
	[tilespmem:$0xEF00] =	vst v63  }
.LBB2_9:
0x5f9: {  	_ =	sfence.sel $0x180000  }
0x5fa: {  	[bflag:$0x0] =	sbarrier.arrive $0xFFFF  }
0x5fb: {  	_ =	strace $0x90000047  }
0x5fc: {  	s0 =	stileid.u32;
	[bflag:$0x2] =	sbarrier.arrive $0xFFFF  }
0x5fd: {  	p0 =	sne.s32 s0, $0x0;
	s0 =	rddreg [dreg:$0x2]  }
0x5fe: {  	s0 =	sadd.s32 @!p0 $0x100000, s0  }
0x5ff: {  	[sflag:s0] =	ssyncadd.tile.s32 @!p0 $0x1;
	_ =	shalt  }
.Lfunc_end2:
_tile_overlayer_lowered:
.L_overlay_start_2:
0x600: {  	(tag) =	ssettag $0x2  }
0x601: {  	s0 =	rddreg [dreg:$0x0];
	s2 =	stileid.u32  }
0x602: {  	s1 =	rddreg [dreg:$0x1];
	p0 =	sne.s32 s2, $0x0  }
0x603: {  	s3 =	rddreg [dreg:$0x2];
	[bflag:$0x3] =	sbarrier.arrive $0xFFFF;
	s2 =	simm.s32 @!p0 $0x1C05  }
0x604: {  	[timem:s3], [sflag:s2] =	dma.local @!p0 [hbm:s0], s1  }
0x605: {  	s0 =	simm.s32 @!p0 $0x5  }
0x606: {  	_ =	swait.ge @!p0 [sflag:s0], s1  }
0x607: {  	s1 =	ssub.s32 @!p0 $0x0, s1;
	[sflag:s0] =	ssyncset.done @!p0 $0x0  }
0x608: {  	[sflag:s0] =	ssyncadd.s32 @!p0 s1  }
0x609: {  	[bflag:$0x3] =	sbarrier.arrive $0xFFFF  }
0x60a: {  	_ =	shalt  }

</sc_bundles>
